<compile_context>
chip_gen: v7x
topology: tpu7x:2x2x1
jax: 0.10.2.dev20260603
libtpu: 0.0.44.dev20260713+nightly
codegen_flags: <defaults>
</compile_context>

<pallas_src>
import functools

import jax
import jax.numpy as jnp
from jax import lax
from jax.experimental import pallas as pl
from jax.experimental.pallas import tpu as pltpu
from jax.experimental.pallas import tpu_sc as plsc

N = 10000
E = 320000
NP = 10240
PADNODE = 10200
NC = 2
NS = 16
NW = NC * NS
CH = 128
NCHUNK = 80
EP = NW * NCHUNK * CH
NCHUNK2 = EP // (NS * CH)
RPT = NP // NS


def _zero_f32_rows(ref, rows, cols):
  zv = jnp.zeros((16,), jnp.float32)
  for r in range(rows):
    for j in range(cols // 16):
      ref[r, pl.ds(j * 16, 16)] = zv


_sc_mesh = plsc.VectorSubcoreMesh(core_axis_name="c", subcore_axis_name="s")
_sc_params = pltpu.CompilerParams(use_tc_tiling_on_sc=False)


@functools.partial(
    pl.kernel,
    out_type=jax.ShapeDtypeStruct((NC, NP), jnp.float32),
    mesh=_sc_mesh,
    compiler_params=_sc_params,
    scratch_types=[
        pltpu.VMEM((CH,), jnp.float32),
        pltpu.VMEM((NCHUNK, CH), jnp.int32),
        pltpu.VMEM((RPT,), jnp.float32),
        pltpu.VMEM_SHARED((NP,), jnp.float32),
        pltpu.SemaphoreType.DMA((8,)),
    ],
)
def _sc_degree(dst_hbm, out_hbm, ones_v, didx_v, tmp_v, dacc, sems):
  c = lax.axis_index("c")
  s = lax.axis_index("s")
  w = s * NC + c

  one = jnp.full((16,), 1.0, jnp.float32)
  zero = jnp.zeros((16,), jnp.float32)
  for j in range(CH // 16):
    ones_v[pl.ds(j * 16, 16)] = one
  for j in range(RPT // 16):
    tmp_v[pl.ds(j * 16, 16)] = zero

  pltpu.sync_copy(dst_hbm.at[w], didx_v)
  pltpu.sync_copy(tmp_v, dacc.at[pl.ds(s * RPT, RPT)])
  plsc.subcore_barrier()

  @pl.loop(0, NCHUNK // 8)
  def _(k):
    base = k * 8
    descs = []
    for j in range(8):
      descs.append(
          pltpu.async_copy(ones_v, dacc.at[didx_v.at[base + j]],
                           sems.at[j], add=True))
    for d in descs:
      d.wait()

  plsc.subcore_barrier()
  pltpu.sync_copy(dacc.at[pl.ds(s * RPT, RPT)], tmp_v)
  pltpu.sync_copy(tmp_v, out_hbm.at[c, pl.ds(s * RPT, RPT)])


def _make_sc_scatter(D, edge_split, nbuf):
  nchunk = NCHUNK if edge_split else NCHUNK2

  @functools.partial(
      pl.kernel,
      out_type=jax.ShapeDtypeStruct((NC, NP, D), jnp.float32),
      mesh=_sc_mesh,
      compiler_params=_sc_params,
      scratch_types=[
          pltpu.VMEM((nchunk, CH), jnp.int32),
          pltpu.VMEM((nchunk, CH), jnp.int32),
          pltpu.VMEM((2 * nbuf, CH, D), jnp.float32),
          pltpu.VMEM((16, D), jnp.float32),
          pltpu.VMEM((RPT, D), jnp.float32),
          pltpu.VMEM_SHARED((NP, D), jnp.float32),
          pltpu.SemaphoreType.DMA((nbuf,)),
          pltpu.SemaphoreType.DMA((nbuf,)),
          pltpu.SemaphoreType.DMA((nbuf,)),
          pltpu.SemaphoreType.DMA((nbuf,)),
          pltpu.SemaphoreType.DMA,
      ],
  )
  def sc_scatter(src_hbm, dst_hbm, p_hbm, out_hbm,
                 sidx_v, didx_v, rows_v, zsrc_v, tmp_v, acc,
                 gA, gB, sA, sB, isem):
    c = lax.axis_index("c")
    s = lax.axis_index("s")
    slot = s * NC + c if edge_split else s

    i1 = pltpu.async_copy(src_hbm.at[slot], sidx_v, isem)
    i2 = pltpu.async_copy(dst_hbm.at[slot], didx_v, isem)

    _zero_f32_rows(zsrc_v, 16, D)

    @pl.loop(0, RPT // 16)
    def _(i):
      pltpu.sync_copy(zsrc_v, acc.at[pl.ds(s * RPT + i * 16, 16)])

    i1.wait()
    i2.wait()
    plsc.subcore_barrier()

    psrc = p_hbm if edge_split else p_hbm.at[c]

    def issue_gathers(base, boff, sems):
      for j in range(nbuf):
        pltpu.async_copy(psrc.at[sidx_v.at[base + j]], rows_v.at[boff + j],
                         sems.at[j])

    def drain(sems, boff):
      for j in range(nbuf):
        pltpu.make_async_copy(psrc.at[pl.ds(0, CH)], rows_v.at[boff + j],
                              sems.at[j]).wait()

    def scatter_round(base, boff, gsems, ssems):
      for j in range(nbuf):
        pltpu.make_async_copy(psrc.at[pl.ds(0, CH)], rows_v.at[boff + j],
                              gsems.at[j]).wait()
        pltpu.async_copy(rows_v.at[boff + j], acc.at[didx_v.at[base + j]],
                         ssems.at[j], add=True)

    nrounds = nchunk // nbuf

    issue_gathers(0, 0, gA)

    @pl.loop(0, nrounds // 2)
    def _(k2):
      r0 = 2 * k2
      scatter_round(r0 * nbuf, 0, gA, sA)
      @pl.when(k2 > 0)
      def _():
        drain(sB, nbuf)
      issue_gathers((r0 + 1) * nbuf, nbuf, gB)
      scatter_round((r0 + 1) * nbuf, nbuf, gB, sB)
      drain(sA, 0)
      @pl.when(k2 < nrounds // 2 - 1)
      def _():
        issue_gathers((r0 + 2) * nbuf, 0, gA)

    drain(sB, nbuf)

    plsc.subcore_barrier()
    pltpu.sync_copy(acc.at[pl.ds(s * RPT, RPT)], tmp_v)
    pltpu.sync_copy(tmp_v, out_hbm.at[c, pl.ds(s * RPT, RPT)])

  return sc_scatter


_sc_scatter_l1 = _make_sc_scatter(32, False, 5)
_sc_scatter_l2 = _make_sc_scatter(16, False, 5)


def _tc1_body(dega, degb, x, w1, h1p, dinv):
  deg = dega[...] + degb[...] + 1.0
  di = lax.rsqrt(deg)
  xw = jnp.dot(x[...], w1[...], preferred_element_type=jnp.float32)
  xwp = jnp.concatenate(
      [xw, jnp.zeros((NP - N, 64), jnp.float32)], axis=0)
  p = xwp * di
  dinv[...] = di
  h1p[0] = p[:, :32]
  h1p[1] = p[:, 32:]


def _tc2_body(agg, h1p, dinv, b1, w2, h2p):
  di = dinv[...]
  tot = jnp.concatenate([agg[0] + h1p[0], agg[1] + h1p[1]], axis=1)
  h = jnp.maximum(di * tot + b1[...], 0.0)
  hw = jnp.dot(h, w2[...], preferred_element_type=jnp.float32) * di
  h2p[0] = hw[:, :16]
  h2p[1] = hw[:, 16:]


def _tc3_body(agg, h2p, dinv, b2, wfc, bfc, out):
  di = dinv[...]
  tot = jnp.concatenate([agg[0] + h2p[0], agg[1] + h2p[1]], axis=1)
  z = di * tot + b2[...]
  logits = jnp.sum(z * wfc[...], axis=1, keepdims=True) + bfc[...]
  out[...] = jax.nn.sigmoid(logits)


_tc1 = pl.pallas_call(
    _tc1_body,
    out_shape=[jax.ShapeDtypeStruct((NC, NP, 32), jnp.float32),
               jax.ShapeDtypeStruct((NP, 1), jnp.float32)],
)

_tc2 = pl.pallas_call(
    _tc2_body,
    out_shape=jax.ShapeDtypeStruct((NC, NP, 16), jnp.float32),
)

_tc3 = pl.pallas_call(
    _tc3_body,
    out_shape=jax.ShapeDtypeStruct((NP, 1), jnp.float32),
)


@jax.jit
def _run(x, edge_index, W1, b1, W2, b2, W_fc, b_fc):
  ei = edge_index.astype(jnp.int32)
  pad = jnp.full((EP - E,), PADNODE, jnp.int32)
  srcf = jnp.concatenate([ei[0], pad])
  dstf = jnp.concatenate([ei[1], pad])
  src_w = srcf.reshape(NW, NCHUNK, CH)
  dst_w = dstf.reshape(NW, NCHUNK, CH)
  src_t = srcf.reshape(NS, NCHUNK2, CH)
  dst_t = dstf.reshape(NS, NCHUNK2, CH)

  deg2 = _sc_degree(dst_w)
  dega = deg2[0].reshape(NP, 1)
  degb = deg2[1].reshape(NP, 1)

  h1p, dinv = _tc1(dega, degb, x, W1)
  agg1 = _sc_scatter_l1(src_t, dst_t, h1p)
  h2p = _tc2(agg1, h1p, dinv, b1.reshape(1, 64), W2)
  agg2 = _sc_scatter_l2(src_t, dst_t, h2p)
  out = _tc3(agg2, h2p, dinv, b2.reshape(1, 32),
             W_fc.reshape(1, 32), b_fc.reshape(1, 1))
  return out[:N]


def kernel(x, edge_index, W1, b1, W2, b2, W_fc, b_fc):
  return _run(x, edge_index, W1, b1, W2, b2, W_fc, b_fc)

# --- scband reference (transcript-rebuilt; emitter-appended) ---
"""Pipeline reference for scband-vgaelink-predictor-77481210020191 (READ-ONLY COPY).

The authoritative reference and input builder live on the scoring server;
editing this copy changes nothing except your own understanding.
"""

import jax, jax.numpy as jnp
import numpy as np

N = 10000
E = 320000
D_IN = 128
D_H = 64
D_OUT = 32


def _glorot(key, fan_in, fan_out):
    s = jnp.sqrt(6.0 / (fan_in + fan_out))
    return jax.random.uniform(key, (fan_in, fan_out), jnp.float32, -s, s)


def setup_inputs(seed: int = 0):
    key = jax.random.key(seed)
    ks = jax.random.split(key, 8)
    x = jax.random.normal(ks[0], (N, D_IN), jnp.float32)
    edge_index = jax.random.randint(ks[1], (2, E), 0, N, dtype=jnp.int32).astype(jnp.int64)
    W1 = _glorot(ks[2], D_IN, D_H)
    b1 = jnp.zeros((D_H,), jnp.float32)
    W2 = _glorot(ks[3], D_H, D_OUT)
    b2 = jnp.zeros((D_OUT,), jnp.float32)
    W_fc = _glorot(ks[4], D_OUT, 1)
    b_fc = jnp.zeros((1,), jnp.float32)
    return {"x": x, "edge_index": edge_index, "W1": W1, "b1": b1,
            "W2": W2, "b2": b2, "W_fc": W_fc, "b_fc": b_fc}


def gcn_conv(x, edge_index, W, b):
    # GCNConv: add self-loops, symmetric D^{-1/2} A_hat D^{-1/2} normalization
    n = x.shape[0]
    loop = jnp.arange(n, dtype=edge_index.dtype)
    src = jnp.concatenate([edge_index[0], loop])
    dst = jnp.concatenate([edge_index[1], loop])
    deg = jax.ops.segment_sum(jnp.ones(src.shape[0], x.dtype), dst, num_segments=n)
    dinv = jnp.where(deg > 0, jax.lax.rsqrt(deg), 0.0)
    norm = dinv[src] * dinv[dst]
    h = x @ W
    msg = h[src] * norm[:, None]
    out = jax.ops.segment_sum(msg, dst, num_segments=n)
    return out + b


def reference(x, edge_index, W1, b1, W2, b2, W_fc, b_fc):
    h = jax.nn.relu(gcn_conv(x, edge_index, W1, b1))
    # VGAE.encode in eval mode returns mu (the encoder stack output)
    z = gcn_conv(h, edge_index, W2, b2)
    logits = z @ W_fc + b_fc
    return jax.nn.sigmoid(logits)

if __name__ == "__main__":
    import jax
    _d = setup_inputs()
    print(jax.jit(kernel)(*tuple(_d.values())))

</pallas_src>

<mosaic_0001>
#map = affine_map<(d0, d1) -> (0, 0, 0)>
module attributes {stable_mosaic.version = 14 : i64} {
  func.func @sc_scatter(%arg0: i32, %arg1: i32, %arg2: memref<16x160x128xi32, #tpu.memory_space<hbm>>, %arg3: memref<16x160x128xi32, #tpu.memory_space<hbm>>, %arg4: memref<2x10240x16xf32, #tpu.memory_space<hbm>>, %arg5: memref<2x10240x16xf32, #tpu.memory_space<hbm>>, %arg6: memref<160x128xi32, #tpu.memory_space<vmem>>, %arg7: memref<160x128xi32, #tpu.memory_space<vmem>>, %arg8: memref<10x128x16xf32, #tpu.memory_space<vmem>>, %arg9: memref<16x16xf32, #tpu.memory_space<vmem>>, %arg10: memref<640x16xf32, #tpu.memory_space<vmem>>, %arg11: memref<10240x16xf32, #tpu.memory_space<vmem_shared>>, %arg12: memref<5x!tpu.dma_semaphore, #tpu.memory_space<semaphore_mem>>, %arg13: memref<5x!tpu.dma_semaphore, #tpu.memory_space<semaphore_mem>>, %arg14: memref<5x!tpu.dma_semaphore, #tpu.memory_space<semaphore_mem>>, %arg15: memref<5x!tpu.dma_semaphore, #tpu.memory_space<semaphore_mem>>, %arg16: memref<!tpu.dma_semaphore, #tpu.memory_space<semaphore_mem>>) attributes {dimension_semantics = [#tpu.dimension_semantics<core_parallel>, #tpu.dimension_semantics<subcore_parallel>], iteration_bounds = array<i64: 2, 16>, scalar_prefetch = 0 : i64, scratch_operands = 11 : i64, tpu.core_type = #tpu.core_type<sc_vector_subcore>, window_params = [{transform_indices = #map}, {transform_indices = #map}, {transform_indices = #map}, {transform_indices = #map}]} {
    %dma_start3A = arith.constant 0 : i32
    %dma_start3A_0 = arith.constant 0 : i32
    %dma_start3A_1 = tpu.memref_slice %arg2[%arg1, %dma_start3A, %dma_start3A_0] : memref<16x160x128xi32, #tpu.memory_space<hbm>> -> memref<1x160x128xi32, #tpu.memory_space<hbm>>
    %dma_start3A_2 = tpu.memref_squeeze %dma_start3A_1 : memref<1x160x128xi32, #tpu.memory_space<hbm>> -> memref<160x128xi32, #tpu.memory_space<hbm>>
    %dma_start3A_3 = arith.constant 0 : i32
    %dma_start3A_4 = arith.constant 0 : i32
    %dma_start3A_5 = tpu.memref_slice %arg2[%arg1, %dma_start3A_3, %dma_start3A_4] : memref<16x160x128xi32, #tpu.memory_space<hbm>> -> memref<1x160x128xi32, #tpu.memory_space<hbm>>
    %dma_start3A_6 = tpu.memref_squeeze %dma_start3A_5 : memref<1x160x128xi32, #tpu.memory_space<hbm>> -> memref<160x128xi32, #tpu.memory_space<hbm>>
    tpu.enqueue_dma source(%dma_start3A_6 : memref<160x128xi32, #tpu.memory_space<hbm>>) target(%arg6 : memref<160x128xi32, #tpu.memory_space<vmem>>) target_semaphore(%arg16 : memref<!tpu.dma_semaphore, #tpu.memory_space<semaphore_mem>>)
    %dma_start3A_7 = arith.constant 0 : i32
    %dma_start3A_8 = arith.constant 0 : i32
    %dma_start3A_9 = tpu.memref_slice %arg3[%arg1, %dma_start3A_7, %dma_start3A_8] : memref<16x160x128xi32, #tpu.memory_space<hbm>> -> memref<1x160x128xi32, #tpu.memory_space<hbm>>
    %dma_start3A_10 = tpu.memref_squeeze %dma_start3A_9 : memref<1x160x128xi32, #tpu.memory_space<hbm>> -> memref<160x128xi32, #tpu.memory_space<hbm>>
    %dma_start3A_11 = arith.constant 0 : i32
    %dma_start3A_12 = arith.constant 0 : i32
    %dma_start3A_13 = tpu.memref_slice %arg3[%arg1, %dma_start3A_11, %dma_start3A_12] : memref<16x160x128xi32, #tpu.memory_space<hbm>> -> memref<1x160x128xi32, #tpu.memory_space<hbm>>
    %dma_start3A_14 = tpu.memref_squeeze %dma_start3A_13 : memref<1x160x128xi32, #tpu.memory_space<hbm>> -> memref<160x128xi32, #tpu.memory_space<hbm>>
    tpu.enqueue_dma source(%dma_start3A_14 : memref<160x128xi32, #tpu.memory_space<hbm>>) target(%arg7 : memref<160x128xi32, #tpu.memory_space<vmem>>) target_semaphore(%arg16 : memref<!tpu.dma_semaphore, #tpu.memory_space<semaphore_mem>>)
    %broadcast_in_dim3A = arith.constant 0.000000e+00 : f32
    %broadcast_in_dim3A_15 = vector.broadcast %broadcast_in_dim3A : f32 to vector<16xf32>
    %swap3A = arith.constant 0 : i32
    %swap3A_16 = arith.index_cast %swap3A : i32 to index
    %swap3A_17 = arith.constant 0 : index
    %swap3A_18 = tpu.vector_load %arg9[%swap3A_16, %swap3A_17] {strides = array<i32>} : memref<16x16xf32, #tpu.memory_space<vmem>>, vector<1x16xf32>,
    %swap3A_19 = vector.shape_cast %swap3A_18 : vector<1x16xf32> to vector<16xf32>
    %swap3A_20 = vector.shape_cast %broadcast_in_dim3A_15 : vector<16xf32> to vector<1x16xf32>
    tpu.vector_store %arg9[%swap3A_16, %swap3A_17], %swap3A_20 {strides = array<i32>} : memref<16x16xf32, #tpu.memory_space<vmem>>, vector<1x16xf32>,
    %swap3A_21 = arith.constant 1 : i32
    %swap3A_22 = arith.index_cast %swap3A_21 : i32 to index
    %swap3A_23 = arith.constant 0 : index
    %swap3A_24 = tpu.vector_load %arg9[%swap3A_22, %swap3A_23] {strides = array<i32>} : memref<16x16xf32, #tpu.memory_space<vmem>>, vector<1x16xf32>,
    %swap3A_25 = vector.shape_cast %swap3A_24 : vector<1x16xf32> to vector<16xf32>
    %swap3A_26 = vector.shape_cast %broadcast_in_dim3A_15 : vector<16xf32> to vector<1x16xf32>
    tpu.vector_store %arg9[%swap3A_22, %swap3A_23], %swap3A_26 {strides = array<i32>} : memref<16x16xf32, #tpu.memory_space<vmem>>, vector<1x16xf32>,
    %swap3A_27 = arith.constant 2 : i32
    %swap3A_28 = arith.index_cast %swap3A_27 : i32 to index
    %swap3A_29 = arith.constant 0 : index
    %swap3A_30 = tpu.vector_load %arg9[%swap3A_28, %swap3A_29] {strides = array<i32>} : memref<16x16xf32, #tpu.memory_space<vmem>>, vector<1x16xf32>,
    %swap3A_31 = vector.shape_cast %swap3A_30 : vector<1x16xf32> to vector<16xf32>
    %swap3A_32 = vector.shape_cast %broadcast_in_dim3A_15 : vector<16xf32> to vector<1x16xf32>
    tpu.vector_store %arg9[%swap3A_28, %swap3A_29], %swap3A_32 {strides = array<i32>} : memref<16x16xf32, #tpu.memory_space<vmem>>, vector<1x16xf32>,
    %swap3A_33 = arith.constant 3 : i32
    %swap3A_34 = arith.index_cast %swap3A_33 : i32 to index
    %swap3A_35 = arith.constant 0 : index
    %swap3A_36 = tpu.vector_load %arg9[%swap3A_34, %swap3A_35] {strides = array<i32>} : memref<16x16xf32, #tpu.memory_space<vmem>>, vector<1x16xf32>,
    %swap3A_37 = vector.shape_cast %swap3A_36 : vector<1x16xf32> to vector<16xf32>
    %swap3A_38 = vector.shape_cast %broadcast_in_dim3A_15 : vector<16xf32> to vector<1x16xf32>
    tpu.vector_store %arg9[%swap3A_34, %swap3A_35], %swap3A_38 {strides = array<i32>} : memref<16x16xf32, #tpu.memory_space<vmem>>, vector<1x16xf32>,
    %swap3A_39 = arith.constant 4 : i32
    %swap3A_40 = arith.index_cast %swap3A_39 : i32 to index
    %swap3A_41 = arith.constant 0 : index
    %swap3A_42 = tpu.vector_load %arg9[%swap3A_40, %swap3A_41] {strides = array<i32>} : memref<16x16xf32, #tpu.memory_space<vmem>>, vector<1x16xf32>,
    %swap3A_43 = vector.shape_cast %swap3A_42 : vector<1x16xf32> to vector<16xf32>
    %swap3A_44 = vector.shape_cast %broadcast_in_dim3A_15 : vector<16xf32> to vector<1x16xf32>
    tpu.vector_store %arg9[%swap3A_40, %swap3A_41], %swap3A_44 {strides = array<i32>} : memref<16x16xf32, #tpu.memory_space<vmem>>, vector<1x16xf32>,
    %swap3A_45 = arith.constant 5 : i32
    %swap3A_46 = arith.index_cast %swap3A_45 : i32 to index
    %swap3A_47 = arith.constant 0 : index
    %swap3A_48 = tpu.vector_load %arg9[%swap3A_46, %swap3A_47] {strides = array<i32>} : memref<16x16xf32, #tpu.memory_space<vmem>>, vector<1x16xf32>,
    %swap3A_49 = vector.shape_cast %swap3A_48 : vector<1x16xf32> to vector<16xf32>
    %swap3A_50 = vector.shape_cast %broadcast_in_dim3A_15 : vector<16xf32> to vector<1x16xf32>
    tpu.vector_store %arg9[%swap3A_46, %swap3A_47], %swap3A_50 {strides = array<i32>} : memref<16x16xf32, #tpu.memory_space<vmem>>, vector<1x16xf32>,
    %swap3A_51 = arith.constant 6 : i32
    %swap3A_52 = arith.index_cast %swap3A_51 : i32 to index
    %swap3A_53 = arith.constant 0 : index
    %swap3A_54 = tpu.vector_load %arg9[%swap3A_52, %swap3A_53] {strides = array<i32>} : memref<16x16xf32, #tpu.memory_space<vmem>>, vector<1x16xf32>,
    %swap3A_55 = vector.shape_cast %swap3A_54 : vector<1x16xf32> to vector<16xf32>
    %swap3A_56 = vector.shape_cast %broadcast_in_dim3A_15 : vector<16xf32> to vector<1x16xf32>
    tpu.vector_store %arg9[%swap3A_52, %swap3A_53], %swap3A_56 {strides = array<i32>} : memref<16x16xf32, #tpu.memory_space<vmem>>, vector<1x16xf32>,
    %swap3A_57 = arith.constant 7 : i32
    %swap3A_58 = arith.index_cast %swap3A_57 : i32 to index
    %swap3A_59 = arith.constant 0 : index
    %swap3A_60 = tpu.vector_load %arg9[%swap3A_58, %swap3A_59] {strides = array<i32>} : memref<16x16xf32, #tpu.memory_space<vmem>>, vector<1x16xf32>,
    %swap3A_61 = vector.shape_cast %swap3A_60 : vector<1x16xf32> to vector<16xf32>
    %swap3A_62 = vector.shape_cast %broadcast_in_dim3A_15 : vector<16xf32> to vector<1x16xf32>
    tpu.vector_store %arg9[%swap3A_58, %swap3A_59], %swap3A_62 {strides = array<i32>} : memref<16x16xf32, #tpu.memory_space<vmem>>, vector<1x16xf32>,
    %swap3A_63 = arith.constant 8 : i32
    %swap3A_64 = arith.index_cast %swap3A_63 : i32 to index
    %swap3A_65 = arith.constant 0 : index
    %swap3A_66 = tpu.vector_load %arg9[%swap3A_64, %swap3A_65] {strides = array<i32>} : memref<16x16xf32, #tpu.memory_space<vmem>>, vector<1x16xf32>,
    %swap3A_67 = vector.shape_cast %swap3A_66 : vector<1x16xf32> to vector<16xf32>
    %swap3A_68 = vector.shape_cast %broadcast_in_dim3A_15 : vector<16xf32> to vector<1x16xf32>
    tpu.vector_store %arg9[%swap3A_64, %swap3A_65], %swap3A_68 {strides = array<i32>} : memref<16x16xf32, #tpu.memory_space<vmem>>, vector<1x16xf32>,
    %swap3A_69 = arith.constant 9 : i32
    %swap3A_70 = arith.index_cast %swap3A_69 : i32 to index
    %swap3A_71 = arith.constant 0 : index
    %swap3A_72 = tpu.vector_load %arg9[%swap3A_70, %swap3A_71] {strides = array<i32>} : memref<16x16xf32, #tpu.memory_space<vmem>>, vector<1x16xf32>,
    %swap3A_73 = vector.shape_cast %swap3A_72 : vector<1x16xf32> to vector<16xf32>
    %swap3A_74 = vector.shape_cast %broadcast_in_dim3A_15 : vector<16xf32> to vector<1x16xf32>
    tpu.vector_store %arg9[%swap3A_70, %swap3A_71], %swap3A_74 {strides = array<i32>} : memref<16x16xf32, #tpu.memory_space<vmem>>, vector<1x16xf32>,
    %swap3A_75 = arith.constant 10 : i32
    %swap3A_76 = arith.index_cast %swap3A_75 : i32 to index
    %swap3A_77 = arith.constant 0 : index
    %swap3A_78 = tpu.vector_load %arg9[%swap3A_76, %swap3A_77] {strides = array<i32>} : memref<16x16xf32, #tpu.memory_space<vmem>>, vector<1x16xf32>,
    %swap3A_79 = vector.shape_cast %swap3A_78 : vector<1x16xf32> to vector<16xf32>
    %swap3A_80 = vector.shape_cast %broadcast_in_dim3A_15 : vector<16xf32> to vector<1x16xf32>
    tpu.vector_store %arg9[%swap3A_76, %swap3A_77], %swap3A_80 {strides = array<i32>} : memref<16x16xf32, #tpu.memory_space<vmem>>, vector<1x16xf32>,
    %swap3A_81 = arith.constant 11 : i32
    %swap3A_82 = arith.index_cast %swap3A_81 : i32 to index
    %swap3A_83 = arith.constant 0 : index
    %swap3A_84 = tpu.vector_load %arg9[%swap3A_82, %swap3A_83] {strides = array<i32>} : memref<16x16xf32, #tpu.memory_space<vmem>>, vector<1x16xf32>,
    %swap3A_85 = vector.shape_cast %swap3A_84 : vector<1x16xf32> to vector<16xf32>
    %swap3A_86 = vector.shape_cast %broadcast_in_dim3A_15 : vector<16xf32> to vector<1x16xf32>
    tpu.vector_store %arg9[%swap3A_82, %swap3A_83], %swap3A_86 {strides = array<i32>} : memref<16x16xf32, #tpu.memory_space<vmem>>, vector<1x16xf32>,
    %swap3A_87 = arith.constant 12 : i32
    %swap3A_88 = arith.index_cast %swap3A_87 : i32 to index
    %swap3A_89 = arith.constant 0 : index
    %swap3A_90 = tpu.vector_load %arg9[%swap3A_88, %swap3A_89] {strides = array<i32>} : memref<16x16xf32, #tpu.memory_space<vmem>>, vector<1x16xf32>,
    %swap3A_91 = vector.shape_cast %swap3A_90 : vector<1x16xf32> to vector<16xf32>
    %swap3A_92 = vector.shape_cast %broadcast_in_dim3A_15 : vector<16xf32> to vector<1x16xf32>
    tpu.vector_store %arg9[%swap3A_88, %swap3A_89], %swap3A_92 {strides = array<i32>} : memref<16x16xf32, #tpu.memory_space<vmem>>, vector<1x16xf32>,
    %swap3A_93 = arith.constant 13 : i32
    %swap3A_94 = arith.index_cast %swap3A_93 : i32 to index
    %swap3A_95 = arith.constant 0 : index
    %swap3A_96 = tpu.vector_load %arg9[%swap3A_94, %swap3A_95] {strides = array<i32>} : memref<16x16xf32, #tpu.memory_space<vmem>>, vector<1x16xf32>,
    %swap3A_97 = vector.shape_cast %swap3A_96 : vector<1x16xf32> to vector<16xf32>
    %swap3A_98 = vector.shape_cast %broadcast_in_dim3A_15 : vector<16xf32> to vector<1x16xf32>
    tpu.vector_store %arg9[%swap3A_94, %swap3A_95], %swap3A_98 {strides = array<i32>} : memref<16x16xf32, #tpu.memory_space<vmem>>, vector<1x16xf32>,
    %swap3A_99 = arith.constant 14 : i32
    %swap3A_100 = arith.index_cast %swap3A_99 : i32 to index
    %swap3A_101 = arith.constant 0 : index
    %swap3A_102 = tpu.vector_load %arg9[%swap3A_100, %swap3A_101] {strides = array<i32>} : memref<16x16xf32, #tpu.memory_space<vmem>>, vector<1x16xf32>,
    %swap3A_103 = vector.shape_cast %swap3A_102 : vector<1x16xf32> to vector<16xf32>
    %swap3A_104 = vector.shape_cast %broadcast_in_dim3A_15 : vector<16xf32> to vector<1x16xf32>
    tpu.vector_store %arg9[%swap3A_100, %swap3A_101], %swap3A_104 {strides = array<i32>} : memref<16x16xf32, #tpu.memory_space<vmem>>, vector<1x16xf32>,
    %swap3A_105 = arith.constant 15 : i32
    %swap3A_106 = arith.index_cast %swap3A_105 : i32 to index
    %swap3A_107 = arith.constant 0 : index
    %swap3A_108 = tpu.vector_load %arg9[%swap3A_106, %swap3A_107] {strides = array<i32>} : memref<16x16xf32, #tpu.memory_space<vmem>>, vector<1x16xf32>,
    %swap3A_109 = vector.shape_cast %swap3A_108 : vector<1x16xf32> to vector<16xf32>
    %swap3A_110 = vector.shape_cast %broadcast_in_dim3A_15 : vector<16xf32> to vector<1x16xf32>
    tpu.vector_store %arg9[%swap3A_106, %swap3A_107], %swap3A_110 {strides = array<i32>} : memref<16x16xf32, #tpu.memory_space<vmem>>, vector<1x16xf32>,
    %scan3A = arith.constant 0 : i32
    %scan3A_111 = arith.constant 40 : i32
    %scan3A_112 = arith.addi %scan3A, %scan3A_111 : i32
    %scan3A_113 = arith.constant 1 : i32
    scf.for %scan3A_364 = %scan3A to %scan3A_112 step %scan3A_113  : i32 {
      %mul3A_365 = arith.constant 1 : i32
      %mul3A_366 = arith.muli %scan3A_364, %mul3A_365 : i32
      %add3A = arith.constant 0 : i32
      %add3A_367 = arith.addi %add3A, %mul3A_366 : i32
      %mul3A_368 = arith.constant 640 : i32
      %mul3A_369 = arith.muli %arg1, %mul3A_368 : i32
      %mul3A_370 = arith.constant 16 : i32
      %mul3A_371 = arith.muli %add3A_367, %mul3A_370 : i32
      %add3A_372 = arith.addi %mul3A_369, %mul3A_371 : i32
      "tpu.region"() ({
        %run_scoped3A = tpu.sem_alloc : memref<!tpu.dma_semaphore, #tpu.memory_space<semaphore_mem>>
        %dma_start3A_373 = arith.constant 0 : i32
        %dma_start3A_374 = tpu.memref_slice %arg11[%add3A_372, %dma_start3A_373] : memref<10240x16xf32, #tpu.memory_space<vmem_shared>> -> memref<16x16xf32, #tpu.memory_space<vmem_shared>>
        %dma_start3A_375 = arith.constant 0 : i32
        %dma_start3A_376 = tpu.memref_slice %arg11[%add3A_372, %dma_start3A_375] : memref<10240x16xf32, #tpu.memory_space<vmem_shared>> -> memref<16x16xf32, #tpu.memory_space<vmem_shared>>
        tpu.enqueue_dma source(%arg9 : memref<16x16xf32, #tpu.memory_space<vmem>>) target(%dma_start3A_376 : memref<16x16xf32, #tpu.memory_space<vmem_shared>>) target_semaphore(%run_scoped3A : memref<!tpu.dma_semaphore, #tpu.memory_space<semaphore_mem>>)
        %dma_wait3A_377 = arith.constant 0 : i32
        %dma_wait3A_378 = tpu.memref_slice %arg11[%add3A_372, %dma_wait3A_377] : memref<10240x16xf32, #tpu.memory_space<vmem_shared>> -> memref<16x16xf32, #tpu.memory_space<vmem_shared>>
        %dma_wait3A_379 = arith.constant 0 : i32
        %dma_wait3A_380 = tpu.memref_slice %arg11[%add3A_372, %dma_wait3A_379] : memref<10240x16xf32, #tpu.memory_space<vmem_shared>> -> memref<16x16xf32, #tpu.memory_space<vmem_shared>>
        tpu.wait_dma2 semaphore(%run_scoped3A : memref<!tpu.dma_semaphore, #tpu.memory_space<semaphore_mem>>) src(%arg9 : memref<16x16xf32, #tpu.memory_space<vmem>>) dst(%dma_wait3A_380 : memref<16x16xf32, #tpu.memory_space<vmem_shared>>)
        tpu.yield
      }) : () -> ()
    }
    %scan3A_114 = arith.constant 40 : i32
    %dma_wait3A = arith.constant 0 : i32
    %dma_wait3A_115 = arith.constant 0 : i32
    %dma_wait3A_116 = tpu.memref_slice %arg2[%arg1, %dma_wait3A, %dma_wait3A_115] : memref<16x160x128xi32, #tpu.memory_space<hbm>> -> memref<1x160x128xi32, #tpu.memory_space<hbm>>
    %dma_wait3A_117 = tpu.memref_squeeze %dma_wait3A_116 : memref<1x160x128xi32, #tpu.memory_space<hbm>> -> memref<160x128xi32, #tpu.memory_space<hbm>>
    %dma_wait3A_118 = arith.constant 0 : i32
    %dma_wait3A_119 = arith.constant 0 : i32
    %dma_wait3A_120 = tpu.memref_slice %arg2[%arg1, %dma_wait3A_118, %dma_wait3A_119] : memref<16x160x128xi32, #tpu.memory_space<hbm>> -> memref<1x160x128xi32, #tpu.memory_space<hbm>>
    %dma_wait3A_121 = tpu.memref_squeeze %dma_wait3A_120 : memref<1x160x128xi32, #tpu.memory_space<hbm>> -> memref<160x128xi32, #tpu.memory_space<hbm>>
    tpu.wait_dma2 semaphore(%arg16 : memref<!tpu.dma_semaphore, #tpu.memory_space<semaphore_mem>>) src(%dma_wait3A_121 : memref<160x128xi32, #tpu.memory_space<hbm>>) dst(%arg6 : memref<160x128xi32, #tpu.memory_space<vmem>>)
    %dma_wait3A_122 = arith.constant 0 : i32
    %dma_wait3A_123 = arith.constant 0 : i32
    %dma_wait3A_124 = tpu.memref_slice %arg3[%arg1, %dma_wait3A_122, %dma_wait3A_123] : memref<16x160x128xi32, #tpu.memory_space<hbm>> -> memref<1x160x128xi32, #tpu.memory_space<hbm>>
    %dma_wait3A_125 = tpu.memref_squeeze %dma_wait3A_124 : memref<1x160x128xi32, #tpu.memory_space<hbm>> -> memref<160x128xi32, #tpu.memory_space<hbm>>
    %dma_wait3A_126 = arith.constant 0 : i32
    %dma_wait3A_127 = arith.constant 0 : i32
    %dma_wait3A_128 = tpu.memref_slice %arg3[%arg1, %dma_wait3A_126, %dma_wait3A_127] : memref<16x160x128xi32, #tpu.memory_space<hbm>> -> memref<1x160x128xi32, #tpu.memory_space<hbm>>
    %dma_wait3A_129 = tpu.memref_squeeze %dma_wait3A_128 : memref<1x160x128xi32, #tpu.memory_space<hbm>> -> memref<160x128xi32, #tpu.memory_space<hbm>>
    tpu.wait_dma2 semaphore(%arg16 : memref<!tpu.dma_semaphore, #tpu.memory_space<semaphore_mem>>) src(%dma_wait3A_129 : memref<160x128xi32, #tpu.memory_space<hbm>>) dst(%arg7 : memref<160x128xi32, #tpu.memory_space<vmem>>)
    %barrier3A = arith.constant 0 : index
    tpu.barrier barrier_id(%barrier3A)
    %dma_start3A_130 = arith.constant 0 : i32
    %dma_start3A_131 = arith.constant 0 : i32
    %dma_start3A_132 = arith.constant 0 : i32
    %dma_start3A_133 = arith.constant 0 : i32
    %dma_start3A_134 = arith.constant 0 : i32
    %dma_start3A_135 = tpu.memref_slice %arg8[%dma_start3A_131, %dma_start3A_133, %dma_start3A_134] : memref<10x128x16xf32, #tpu.memory_space<vmem>> -> memref<1x128x16xf32, #tpu.memory_space<vmem>>
    %dma_start3A_136 = tpu.memref_squeeze %dma_start3A_135 : memref<1x128x16xf32, #tpu.memory_space<vmem>> -> memref<128x16xf32, #tpu.memory_space<vmem>>
    %dma_start3A_137 = arith.constant 0 : i32
    %dma_start3A_138 = tpu.memref_slice %arg6[%dma_start3A_130, %dma_start3A_137] : memref<160x128xi32, #tpu.memory_space<vmem>> -> memref<1x128xi32, #tpu.memory_space<vmem>>
    %dma_start3A_139 = tpu.memref_squeeze %dma_start3A_138 : memref<1x128xi32, #tpu.memory_space<vmem>> -> memref<128xi32, #tpu.memory_space<vmem>>
    %dma_start3A_140 = arith.constant 0 : i32
    %dma_start3A_141 = arith.constant 0 : i32
    %dma_start3A_142 = tpu.memref_slice %arg4[%arg0, %dma_start3A_140, %dma_start3A_141] : memref<2x10240x16xf32, #tpu.memory_space<hbm>> -> memref<1x10240x16xf32, #tpu.memory_space<hbm>>
    %dma_start3A_143 = tpu.memref_squeeze %dma_start3A_142 : memref<1x10240x16xf32, #tpu.memory_space<hbm>> -> memref<10240x16xf32, #tpu.memory_space<hbm>>
    %dma_start3A_144 = arith.constant 0 : i32
    %dma_start3A_145 = arith.constant 0 : i32
    %dma_start3A_146 = tpu.memref_slice %dma_start3A_143[%dma_start3A_144, %dma_start3A_145] : memref<10240x16xf32, #tpu.memory_space<hbm>> -> memref<10240x16xf32, #tpu.memory_space<hbm>>
    %dma_start3A_147 = tpu.memref_slice %arg12[%dma_start3A_132] : memref<5x!tpu.dma_semaphore, #tpu.memory_space<semaphore_mem>> -> memref<1x!tpu.dma_semaphore, #tpu.memory_space<semaphore_mem>>
    %dma_start3A_148 = tpu.memref_squeeze %dma_start3A_147 : memref<1x!tpu.dma_semaphore, #tpu.memory_space<semaphore_mem>> -> memref<!tpu.dma_semaphore, #tpu.memory_space<semaphore_mem>>
    tpu.enqueue_indirect_dma source(%dma_start3A_146 : memref<10240x16xf32, #tpu.memory_space<hbm>>) target(%dma_start3A_136 : memref<128x16xf32, #tpu.memory_space<vmem>>) offsets(%dma_start3A_139 : memref<128xi32, #tpu.memory_space<vmem>>) semaphore(%dma_start3A_148 : memref<!tpu.dma_semaphore, #tpu.memory_space<semaphore_mem>>)
    %dma_start3A_149 = arith.constant 1 : i32
    %dma_start3A_150 = arith.constant 1 : i32
    %dma_start3A_151 = arith.constant 1 : i32
    %dma_start3A_152 = arith.constant 0 : i32
    %dma_start3A_153 = arith.constant 0 : i32
    %dma_start3A_154 = tpu.memref_slice %arg8[%dma_start3A_150, %dma_start3A_152, %dma_start3A_153] : memref<10x128x16xf32, #tpu.memory_space<vmem>> -> memref<1x128x16xf32, #tpu.memory_space<vmem>>
    %dma_start3A_155 = tpu.memref_squeeze %dma_start3A_154 : memref<1x128x16xf32, #tpu.memory_space<vmem>> -> memref<128x16xf32, #tpu.memory_space<vmem>>
    %dma_start3A_156 = arith.constant 0 : i32
    %dma_start3A_157 = tpu.memref_slice %arg6[%dma_start3A_149, %dma_start3A_156] : memref<160x128xi32, #tpu.memory_space<vmem>> -> memref<1x128xi32, #tpu.memory_space<vmem>>
    %dma_start3A_158 = tpu.memref_squeeze %dma_start3A_157 : memref<1x128xi32, #tpu.memory_space<vmem>> -> memref<128xi32, #tpu.memory_space<vmem>>
    %dma_start3A_159 = arith.constant 0 : i32
    %dma_start3A_160 = arith.constant 0 : i32
    %dma_start3A_161 = tpu.memref_slice %arg4[%arg0, %dma_start3A_159, %dma_start3A_160] : memref<2x10240x16xf32, #tpu.memory_space<hbm>> -> memref<1x10240x16xf32, #tpu.memory_space<hbm>>
    %dma_start3A_162 = tpu.memref_squeeze %dma_start3A_161 : memref<1x10240x16xf32, #tpu.memory_space<hbm>> -> memref<10240x16xf32, #tpu.memory_space<hbm>>
    %dma_start3A_163 = arith.constant 0 : i32
    %dma_start3A_164 = arith.constant 0 : i32
    %dma_start3A_165 = tpu.memref_slice %dma_start3A_162[%dma_start3A_163, %dma_start3A_164] : memref<10240x16xf32, #tpu.memory_space<hbm>> -> memref<10240x16xf32, #tpu.memory_space<hbm>>
    %dma_start3A_166 = tpu.memref_slice %arg12[%dma_start3A_151] : memref<5x!tpu.dma_semaphore, #tpu.memory_space<semaphore_mem>> -> memref<1x!tpu.dma_semaphore, #tpu.memory_space<semaphore_mem>>
    %dma_start3A_167 = tpu.memref_squeeze %dma_start3A_166 : memref<1x!tpu.dma_semaphore, #tpu.memory_space<semaphore_mem>> -> memref<!tpu.dma_semaphore, #tpu.memory_space<semaphore_mem>>
    tpu.enqueue_indirect_dma source(%dma_start3A_165 : memref<10240x16xf32, #tpu.memory_space<hbm>>) target(%dma_start3A_155 : memref<128x16xf32, #tpu.memory_space<vmem>>) offsets(%dma_start3A_158 : memref<128xi32, #tpu.memory_space<vmem>>) semaphore(%dma_start3A_167 : memref<!tpu.dma_semaphore, #tpu.memory_space<semaphore_mem>>)
    %dma_start3A_168 = arith.constant 2 : i32
    %dma_start3A_169 = arith.constant 2 : i32
    %dma_start3A_170 = arith.constant 2 : i32
    %dma_start3A_171 = arith.constant 0 : i32
    %dma_start3A_172 = arith.constant 0 : i32
    %dma_start3A_173 = tpu.memref_slice %arg8[%dma_start3A_169, %dma_start3A_171, %dma_start3A_172] : memref<10x128x16xf32, #tpu.memory_space<vmem>> -> memref<1x128x16xf32, #tpu.memory_space<vmem>>
    %dma_start3A_174 = tpu.memref_squeeze %dma_start3A_173 : memref<1x128x16xf32, #tpu.memory_space<vmem>> -> memref<128x16xf32, #tpu.memory_space<vmem>>
    %dma_start3A_175 = arith.constant 0 : i32
    %dma_start3A_176 = tpu.memref_slice %arg6[%dma_start3A_168, %dma_start3A_175] : memref<160x128xi32, #tpu.memory_space<vmem>> -> memref<1x128xi32, #tpu.memory_space<vmem>>
    %dma_start3A_177 = tpu.memref_squeeze %dma_start3A_176 : memref<1x128xi32, #tpu.memory_space<vmem>> -> memref<128xi32, #tpu.memory_space<vmem>>
    %dma_start3A_178 = arith.constant 0 : i32
    %dma_start3A_179 = arith.constant 0 : i32
    %dma_start3A_180 = tpu.memref_slice %arg4[%arg0, %dma_start3A_178, %dma_start3A_179] : memref<2x10240x16xf32, #tpu.memory_space<hbm>> -> memref<1x10240x16xf32, #tpu.memory_space<hbm>>
    %dma_start3A_181 = tpu.memref_squeeze %dma_start3A_180 : memref<1x10240x16xf32, #tpu.memory_space<hbm>> -> memref<10240x16xf32, #tpu.memory_space<hbm>>
    %dma_start3A_182 = arith.constant 0 : i32
    %dma_start3A_183 = arith.constant 0 : i32
    %dma_start3A_184 = tpu.memref_slice %dma_start3A_181[%dma_start3A_182, %dma_start3A_183] : memref<10240x16xf32, #tpu.memory_space<hbm>> -> memref<10240x16xf32, #tpu.memory_space<hbm>>
    %dma_start3A_185 = tpu.memref_slice %arg12[%dma_start3A_170] : memref<5x!tpu.dma_semaphore, #tpu.memory_space<semaphore_mem>> -> memref<1x!tpu.dma_semaphore, #tpu.memory_space<semaphore_mem>>
    %dma_start3A_186 = tpu.memref_squeeze %dma_start3A_185 : memref<1x!tpu.dma_semaphore, #tpu.memory_space<semaphore_mem>> -> memref<!tpu.dma_semaphore, #tpu.memory_space<semaphore_mem>>
    tpu.enqueue_indirect_dma source(%dma_start3A_184 : memref<10240x16xf32, #tpu.memory_space<hbm>>) target(%dma_start3A_174 : memref<128x16xf32, #tpu.memory_space<vmem>>) offsets(%dma_start3A_177 : memref<128xi32, #tpu.memory_space<vmem>>) semaphore(%dma_start3A_186 : memref<!tpu.dma_semaphore, #tpu.memory_space<semaphore_mem>>)
    %dma_start3A_187 = arith.constant 3 : i32
    %dma_start3A_188 = arith.constant 3 : i32
    %dma_start3A_189 = arith.constant 3 : i32
    %dma_start3A_190 = arith.constant 0 : i32
    %dma_start3A_191 = arith.constant 0 : i32
    %dma_start3A_192 = tpu.memref_slice %arg8[%dma_start3A_188, %dma_start3A_190, %dma_start3A_191] : memref<10x128x16xf32, #tpu.memory_space<vmem>> -> memref<1x128x16xf32, #tpu.memory_space<vmem>>
    %dma_start3A_193 = tpu.memref_squeeze %dma_start3A_192 : memref<1x128x16xf32, #tpu.memory_space<vmem>> -> memref<128x16xf32, #tpu.memory_space<vmem>>
    %dma_start3A_194 = arith.constant 0 : i32
    %dma_start3A_195 = tpu.memref_slice %arg6[%dma_start3A_187, %dma_start3A_194] : memref<160x128xi32, #tpu.memory_space<vmem>> -> memref<1x128xi32, #tpu.memory_space<vmem>>
    %dma_start3A_196 = tpu.memref_squeeze %dma_start3A_195 : memref<1x128xi32, #tpu.memory_space<vmem>> -> memref<128xi32, #tpu.memory_space<vmem>>
    %dma_start3A_197 = arith.constant 0 : i32
    %dma_start3A_198 = arith.constant 0 : i32
    %dma_start3A_199 = tpu.memref_slice %arg4[%arg0, %dma_start3A_197, %dma_start3A_198] : memref<2x10240x16xf32, #tpu.memory_space<hbm>> -> memref<1x10240x16xf32, #tpu.memory_space<hbm>>
    %dma_start3A_200 = tpu.memref_squeeze %dma_start3A_199 : memref<1x10240x16xf32, #tpu.memory_space<hbm>> -> memref<10240x16xf32, #tpu.memory_space<hbm>>
    %dma_start3A_201 = arith.constant 0 : i32
    %dma_start3A_202 = arith.constant 0 : i32
    %dma_start3A_203 = tpu.memref_slice %dma_start3A_200[%dma_start3A_201, %dma_start3A_202] : memref<10240x16xf32, #tpu.memory_space<hbm>> -> memref<10240x16xf32, #tpu.memory_space<hbm>>
    %dma_start3A_204 = tpu.memref_slice %arg12[%dma_start3A_189] : memref<5x!tpu.dma_semaphore, #tpu.memory_space<semaphore_mem>> -> memref<1x!tpu.dma_semaphore, #tpu.memory_space<semaphore_mem>>
    %dma_start3A_205 = tpu.memref_squeeze %dma_start3A_204 : memref<1x!tpu.dma_semaphore, #tpu.memory_space<semaphore_mem>> -> memref<!tpu.dma_semaphore, #tpu.memory_space<semaphore_mem>>
    tpu.enqueue_indirect_dma source(%dma_start3A_203 : memref<10240x16xf32, #tpu.memory_space<hbm>>) target(%dma_start3A_193 : memref<128x16xf32, #tpu.memory_space<vmem>>) offsets(%dma_start3A_196 : memref<128xi32, #tpu.memory_space<vmem>>) semaphore(%dma_start3A_205 : memref<!tpu.dma_semaphore, #tpu.memory_space<semaphore_mem>>)
    %dma_start3A_206 = arith.constant 4 : i32
    %dma_start3A_207 = arith.constant 4 : i32
    %dma_start3A_208 = arith.constant 4 : i32
    %dma_start3A_209 = arith.constant 0 : i32
    %dma_start3A_210 = arith.constant 0 : i32
    %dma_start3A_211 = tpu.memref_slice %arg8[%dma_start3A_207, %dma_start3A_209, %dma_start3A_210] : memref<10x128x16xf32, #tpu.memory_space<vmem>> -> memref<1x128x16xf32, #tpu.memory_space<vmem>>
    %dma_start3A_212 = tpu.memref_squeeze %dma_start3A_211 : memref<1x128x16xf32, #tpu.memory_space<vmem>> -> memref<128x16xf32, #tpu.memory_space<vmem>>
    %dma_start3A_213 = arith.constant 0 : i32
    %dma_start3A_214 = tpu.memref_slice %arg6[%dma_start3A_206, %dma_start3A_213] : memref<160x128xi32, #tpu.memory_space<vmem>> -> memref<1x128xi32, #tpu.memory_space<vmem>>
    %dma_start3A_215 = tpu.memref_squeeze %dma_start3A_214 : memref<1x128xi32, #tpu.memory_space<vmem>> -> memref<128xi32, #tpu.memory_space<vmem>>
    %dma_start3A_216 = arith.constant 0 : i32
    %dma_start3A_217 = arith.constant 0 : i32
    %dma_start3A_218 = tpu.memref_slice %arg4[%arg0, %dma_start3A_216, %dma_start3A_217] : memref<2x10240x16xf32, #tpu.memory_space<hbm>> -> memref<1x10240x16xf32, #tpu.memory_space<hbm>>
    %dma_start3A_219 = tpu.memref_squeeze %dma_start3A_218 : memref<1x10240x16xf32, #tpu.memory_space<hbm>> -> memref<10240x16xf32, #tpu.memory_space<hbm>>
    %dma_start3A_220 = arith.constant 0 : i32
    %dma_start3A_221 = arith.constant 0 : i32
    %dma_start3A_222 = tpu.memref_slice %dma_start3A_219[%dma_start3A_220, %dma_start3A_221] : memref<10240x16xf32, #tpu.memory_space<hbm>> -> memref<10240x16xf32, #tpu.memory_space<hbm>>
    %dma_start3A_223 = tpu.memref_slice %arg12[%dma_start3A_208] : memref<5x!tpu.dma_semaphore, #tpu.memory_space<semaphore_mem>> -> memref<1x!tpu.dma_semaphore, #tpu.memory_space<semaphore_mem>>
    %dma_start3A_224 = tpu.memref_squeeze %dma_start3A_223 : memref<1x!tpu.dma_semaphore, #tpu.memory_space<semaphore_mem>> -> memref<!tpu.dma_semaphore, #tpu.memory_space<semaphore_mem>>
    tpu.enqueue_indirect_dma source(%dma_start3A_222 : memref<10240x16xf32, #tpu.memory_space<hbm>>) target(%dma_start3A_212 : memref<128x16xf32, #tpu.memory_space<vmem>>) offsets(%dma_start3A_215 : memref<128xi32, #tpu.memory_space<vmem>>) semaphore(%dma_start3A_224 : memref<!tpu.dma_semaphore, #tpu.memory_space<semaphore_mem>>)
    %scan3A_225 = arith.constant 0 : i32
    %scan3A_226 = arith.constant 16 : i32
    %scan3A_227 = arith.addi %scan3A_225, %scan3A_226 : i32
    %scan3A_228 = arith.constant 1 : i32
    scf.for %scan3A_364 = %scan3A_225 to %scan3A_227 step %scan3A_228  : i32 {
      %mul3A_365 = arith.constant 1 : i32
      %mul3A_366 = arith.muli %scan3A_364, %mul3A_365 : i32
      %add3A = arith.constant 0 : i32
      %add3A_367 = arith.addi %add3A, %mul3A_366 : i32
      %mul3A_368 = arith.constant 2 : i32
      %mul3A_369 = arith.muli %mul3A_368, %add3A_367 : i32
      %mul3A_370 = arith.constant 5 : i32
      %mul3A_371 = arith.muli %mul3A_369, %mul3A_370 : i32
      %dma_wait3A_372 = arith.constant 0 : i32
      %dma_wait3A_373 = arith.constant 0 : i32
      %dma_wait3A_374 = arith.constant 0 : i32
      %dma_wait3A_375 = arith.constant 0 : i32
      %dma_wait3A_376 = tpu.memref_slice %arg8[%dma_wait3A_372, %dma_wait3A_374, %dma_wait3A_375] : memref<10x128x16xf32, #tpu.memory_space<vmem>> -> memref<1x128x16xf32, #tpu.memory_space<vmem>>
      %dma_wait3A_377 = tpu.memref_squeeze %dma_wait3A_376 : memref<1x128x16xf32, #tpu.memory_space<vmem>> -> memref<128x16xf32, #tpu.memory_space<vmem>>
      %dma_wait3A_378 = arith.constant 0 : i32
      %dma_wait3A_379 = arith.constant 0 : i32
      %dma_wait3A_380 = tpu.memref_slice %arg4[%arg0, %dma_wait3A_378, %dma_wait3A_379] : memref<2x10240x16xf32, #tpu.memory_space<hbm>> -> memref<1x10240x16xf32, #tpu.memory_space<hbm>>
      %dma_wait3A_381 = tpu.memref_squeeze %dma_wait3A_380 : memref<1x10240x16xf32, #tpu.memory_space<hbm>> -> memref<10240x16xf32, #tpu.memory_space<hbm>>
      %dma_wait3A_382 = arith.constant 0 : i32
      %dma_wait3A_383 = arith.constant 0 : i32
      %dma_wait3A_384 = tpu.memref_slice %dma_wait3A_381[%dma_wait3A_382, %dma_wait3A_383] : memref<10240x16xf32, #tpu.memory_space<hbm>> -> memref<128x16xf32, #tpu.memory_space<hbm>>
      %dma_wait3A_385 = tpu.memref_slice %arg12[%dma_wait3A_373] : memref<5x!tpu.dma_semaphore, #tpu.memory_space<semaphore_mem>> -> memref<1x!tpu.dma_semaphore, #tpu.memory_space<semaphore_mem>>
      %dma_wait3A_386 = tpu.memref_squeeze %dma_wait3A_385 : memref<1x!tpu.dma_semaphore, #tpu.memory_space<semaphore_mem>> -> memref<!tpu.dma_semaphore, #tpu.memory_space<semaphore_mem>>
      %dma_wait3A_387 = arith.constant 0 : i32
      %dma_wait3A_388 = arith.constant 0 : i32
      %dma_wait3A_389 = tpu.memref_slice %arg8[%dma_wait3A_372, %dma_wait3A_387, %dma_wait3A_388] : memref<10x128x16xf32, #tpu.memory_space<vmem>> -> memref<1x128x16xf32, #tpu.memory_space<vmem>>
      %dma_wait3A_390 = tpu.memref_squeeze %dma_wait3A_389 : memref<1x128x16xf32, #tpu.memory_space<vmem>> -> memref<128x16xf32, #tpu.memory_space<vmem>>
      %dma_wait3A_391 = arith.constant 0 : i32
      %dma_wait3A_392 = arith.constant 0 : i32
      %dma_wait3A_393 = tpu.memref_slice %arg4[%arg0, %dma_wait3A_391, %dma_wait3A_392] : memref<2x10240x16xf32, #tpu.memory_space<hbm>> -> memref<1x10240x16xf32, #tpu.memory_space<hbm>>
      %dma_wait3A_394 = tpu.memref_squeeze %dma_wait3A_393 : memref<1x10240x16xf32, #tpu.memory_space<hbm>> -> memref<10240x16xf32, #tpu.memory_space<hbm>>
      %dma_wait3A_395 = arith.constant 0 : i32
      %dma_wait3A_396 = arith.constant 0 : i32
      %dma_wait3A_397 = tpu.memref_slice %dma_wait3A_394[%dma_wait3A_395, %dma_wait3A_396] : memref<10240x16xf32, #tpu.memory_space<hbm>> -> memref<128x16xf32, #tpu.memory_space<hbm>>
      tpu.wait_dma2 semaphore(%dma_wait3A_386 : memref<!tpu.dma_semaphore, #tpu.memory_space<semaphore_mem>>) src(%dma_wait3A_397 : memref<128x16xf32, #tpu.memory_space<hbm>>) dst(%dma_wait3A_390 : memref<128x16xf32, #tpu.memory_space<vmem>>)
      %add3A_398 = arith.constant 0 : i32
      %add3A_399 = arith.addi %mul3A_371, %add3A_398 : i32
      %dma_start3A_400 = arith.constant 0 : i32
      %dma_start3A_401 = arith.constant 0 : i32
      %dma_start3A_402 = arith.constant 0 : i32
      %dma_start3A_403 = arith.constant 0 : i32
      %dma_start3A_404 = tpu.memref_slice %arg8[%dma_start3A_400, %dma_start3A_402, %dma_start3A_403] : memref<10x128x16xf32, #tpu.memory_space<vmem>> -> memref<1x128x16xf32, #tpu.memory_space<vmem>>
      %dma_start3A_405 = tpu.memref_squeeze %dma_start3A_404 : memref<1x128x16xf32, #tpu.memory_space<vmem>> -> memref<128x16xf32, #tpu.memory_space<vmem>>
      %dma_start3A_406 = arith.constant 0 : i32
      %dma_start3A_407 = tpu.memref_slice %arg7[%add3A_399, %dma_start3A_406] : memref<160x128xi32, #tpu.memory_space<vmem>> -> memref<1x128xi32, #tpu.memory_space<vmem>>
      %dma_start3A_408 = tpu.memref_squeeze %dma_start3A_407 : memref<1x128xi32, #tpu.memory_space<vmem>> -> memref<128xi32, #tpu.memory_space<vmem>>
      %dma_start3A_409 = arith.constant 0 : i32
      %dma_start3A_410 = arith.constant 0 : i32
      %dma_start3A_411 = tpu.memref_slice %arg11[%dma_start3A_409, %dma_start3A_410] : memref<10240x16xf32, #tpu.memory_space<vmem_shared>> -> memref<10240x16xf32, #tpu.memory_space<vmem_shared>>
      %dma_start3A_412 = tpu.memref_slice %arg14[%dma_start3A_401] : memref<5x!tpu.dma_semaphore, #tpu.memory_space<semaphore_mem>> -> memref<1x!tpu.dma_semaphore, #tpu.memory_space<semaphore_mem>>
      %dma_start3A_413 = tpu.memref_squeeze %dma_start3A_412 : memref<1x!tpu.dma_semaphore, #tpu.memory_space<semaphore_mem>> -> memref<!tpu.dma_semaphore, #tpu.memory_space<semaphore_mem>>
      tpu.enqueue_indirect_dma source(%dma_start3A_405 : memref<128x16xf32, #tpu.memory_space<vmem>>) target(%dma_start3A_411 : memref<10240x16xf32, #tpu.memory_space<vmem_shared>>) offsets(%dma_start3A_408 : memref<128xi32, #tpu.memory_space<vmem>>) semaphore(%dma_start3A_413 : memref<!tpu.dma_semaphore, #tpu.memory_space<semaphore_mem>>) {add = true}
      %dma_wait3A_414 = arith.constant 1 : i32
      %dma_wait3A_415 = arith.constant 1 : i32
      %dma_wait3A_416 = arith.constant 0 : i32
      %dma_wait3A_417 = arith.constant 0 : i32
      %dma_wait3A_418 = tpu.memref_slice %arg8[%dma_wait3A_414, %dma_wait3A_416, %dma_wait3A_417] : memref<10x128x16xf32, #tpu.memory_space<vmem>> -> memref<1x128x16xf32, #tpu.memory_space<vmem>>
      %dma_wait3A_419 = tpu.memref_squeeze %dma_wait3A_418 : memref<1x128x16xf32, #tpu.memory_space<vmem>> -> memref<128x16xf32, #tpu.memory_space<vmem>>
      %dma_wait3A_420 = arith.constant 0 : i32
      %dma_wait3A_421 = arith.constant 0 : i32
      %dma_wait3A_422 = tpu.memref_slice %arg4[%arg0, %dma_wait3A_420, %dma_wait3A_421] : memref<2x10240x16xf32, #tpu.memory_space<hbm>> -> memref<1x10240x16xf32, #tpu.memory_space<hbm>>
      %dma_wait3A_423 = tpu.memref_squeeze %dma_wait3A_422 : memref<1x10240x16xf32, #tpu.memory_space<hbm>> -> memref<10240x16xf32, #tpu.memory_space<hbm>>
      %dma_wait3A_424 = arith.constant 0 : i32
      %dma_wait3A_425 = arith.constant 0 : i32
      %dma_wait3A_426 = tpu.memref_slice %dma_wait3A_423[%dma_wait3A_424, %dma_wait3A_425] : memref<10240x16xf32, #tpu.memory_space<hbm>> -> memref<128x16xf32, #tpu.memory_space<hbm>>
      %dma_wait3A_427 = tpu.memref_slice %arg12[%dma_wait3A_415] : memref<5x!tpu.dma_semaphore, #tpu.memory_space<semaphore_mem>> -> memref<1x!tpu.dma_semaphore, #tpu.memory_space<semaphore_mem>>
      %dma_wait3A_428 = tpu.memref_squeeze %dma_wait3A_427 : memref<1x!tpu.dma_semaphore, #tpu.memory_space<semaphore_mem>> -> memref<!tpu.dma_semaphore, #tpu.memory_space<semaphore_mem>>
      %dma_wait3A_429 = arith.constant 0 : i32
      %dma_wait3A_430 = arith.constant 0 : i32
      %dma_wait3A_431 = tpu.memref_slice %arg8[%dma_wait3A_414, %dma_wait3A_429, %dma_wait3A_430] : memref<10x128x16xf32, #tpu.memory_space<vmem>> -> memref<1x128x16xf32, #tpu.memory_space<vmem>>
      %dma_wait3A_432 = tpu.memref_squeeze %dma_wait3A_431 : memref<1x128x16xf32, #tpu.memory_space<vmem>> -> memref<128x16xf32, #tpu.memory_space<vmem>>
      %dma_wait3A_433 = arith.constant 0 : i32
      %dma_wait3A_434 = arith.constant 0 : i32
      %dma_wait3A_435 = tpu.memref_slice %arg4[%arg0, %dma_wait3A_433, %dma_wait3A_434] : memref<2x10240x16xf32, #tpu.memory_space<hbm>> -> memref<1x10240x16xf32, #tpu.memory_space<hbm>>
      %dma_wait3A_436 = tpu.memref_squeeze %dma_wait3A_435 : memref<1x10240x16xf32, #tpu.memory_space<hbm>> -> memref<10240x16xf32, #tpu.memory_space<hbm>>
      %dma_wait3A_437 = arith.constant 0 : i32
      %dma_wait3A_438 = arith.constant 0 : i32
      %dma_wait3A_439 = tpu.memref_slice %dma_wait3A_436[%dma_wait3A_437, %dma_wait3A_438] : memref<10240x16xf32, #tpu.memory_space<hbm>> -> memref<128x16xf32, #tpu.memory_space<hbm>>
      tpu.wait_dma2 semaphore(%dma_wait3A_428 : memref<!tpu.dma_semaphore, #tpu.memory_space<semaphore_mem>>) src(%dma_wait3A_439 : memref<128x16xf32, #tpu.memory_space<hbm>>) dst(%dma_wait3A_432 : memref<128x16xf32, #tpu.memory_space<vmem>>)
      %add3A_440 = arith.constant 1 : i32
      %add3A_441 = arith.addi %mul3A_371, %add3A_440 : i32
      %dma_start3A_442 = arith.constant 1 : i32
      %dma_start3A_443 = arith.constant 1 : i32
      %dma_start3A_444 = arith.constant 0 : i32
      %dma_start3A_445 = arith.constant 0 : i32
      %dma_start3A_446 = tpu.memref_slice %arg8[%dma_start3A_442, %dma_start3A_444, %dma_start3A_445] : memref<10x128x16xf32, #tpu.memory_space<vmem>> -> memref<1x128x16xf32, #tpu.memory_space<vmem>>
      %dma_start3A_447 = tpu.memref_squeeze %dma_start3A_446 : memref<1x128x16xf32, #tpu.memory_space<vmem>> -> memref<128x16xf32, #tpu.memory_space<vmem>>
      %dma_start3A_448 = arith.constant 0 : i32
      %dma_start3A_449 = tpu.memref_slice %arg7[%add3A_441, %dma_start3A_448] : memref<160x128xi32, #tpu.memory_space<vmem>> -> memref<1x128xi32, #tpu.memory_space<vmem>>
      %dma_start3A_450 = tpu.memref_squeeze %dma_start3A_449 : memref<1x128xi32, #tpu.memory_space<vmem>> -> memref<128xi32, #tpu.memory_space<vmem>>
      %dma_start3A_451 = arith.constant 0 : i32
      %dma_start3A_452 = arith.constant 0 : i32
      %dma_start3A_453 = tpu.memref_slice %arg11[%dma_start3A_451, %dma_start3A_452] : memref<10240x16xf32, #tpu.memory_space<vmem_shared>> -> memref<10240x16xf32, #tpu.memory_space<vmem_shared>>
      %dma_start3A_454 = tpu.memref_slice %arg14[%dma_start3A_443] : memref<5x!tpu.dma_semaphore, #tpu.memory_space<semaphore_mem>> -> memref<1x!tpu.dma_semaphore, #tpu.memory_space<semaphore_mem>>
      %dma_start3A_455 = tpu.memref_squeeze %dma_start3A_454 : memref<1x!tpu.dma_semaphore, #tpu.memory_space<semaphore_mem>> -> memref<!tpu.dma_semaphore, #tpu.memory_space<semaphore_mem>>
      tpu.enqueue_indirect_dma source(%dma_start3A_447 : memref<128x16xf32, #tpu.memory_space<vmem>>) target(%dma_start3A_453 : memref<10240x16xf32, #tpu.memory_space<vmem_shared>>) offsets(%dma_start3A_450 : memref<128xi32, #tpu.memory_space<vmem>>) semaphore(%dma_start3A_455 : memref<!tpu.dma_semaphore, #tpu.memory_space<semaphore_mem>>) {add = true}
      %dma_wait3A_456 = arith.constant 2 : i32
      %dma_wait3A_457 = arith.constant 2 : i32
      %dma_wait3A_458 = arith.constant 0 : i32
      %dma_wait3A_459 = arith.constant 0 : i32
      %dma_wait3A_460 = tpu.memref_slice %arg8[%dma_wait3A_456, %dma_wait3A_458, %dma_wait3A_459] : memref<10x128x16xf32, #tpu.memory_space<vmem>> -> memref<1x128x16xf32, #tpu.memory_space<vmem>>
      %dma_wait3A_461 = tpu.memref_squeeze %dma_wait3A_460 : memref<1x128x16xf32, #tpu.memory_space<vmem>> -> memref<128x16xf32, #tpu.memory_space<vmem>>
      %dma_wait3A_462 = arith.constant 0 : i32
      %dma_wait3A_463 = arith.constant 0 : i32
      %dma_wait3A_464 = tpu.memref_slice %arg4[%arg0, %dma_wait3A_462, %dma_wait3A_463] : memref<2x10240x16xf32, #tpu.memory_space<hbm>> -> memref<1x10240x16xf32, #tpu.memory_space<hbm>>
      %dma_wait3A_465 = tpu.memref_squeeze %dma_wait3A_464 : memref<1x10240x16xf32, #tpu.memory_space<hbm>> -> memref<10240x16xf32, #tpu.memory_space<hbm>>
      %dma_wait3A_466 = arith.constant 0 : i32
      %dma_wait3A_467 = arith.constant 0 : i32
      %dma_wait3A_468 = tpu.memref_slice %dma_wait3A_465[%dma_wait3A_466, %dma_wait3A_467] : memref<10240x16xf32, #tpu.memory_space<hbm>> -> memref<128x16xf32, #tpu.memory_space<hbm>>
      %dma_wait3A_469 = tpu.memref_slice %arg12[%dma_wait3A_457] : memref<5x!tpu.dma_semaphore, #tpu.memory_space<semaphore_mem>> -> memref<1x!tpu.dma_semaphore, #tpu.memory_space<semaphore_mem>>
      %dma_wait3A_470 = tpu.memref_squeeze %dma_wait3A_469 : memref<1x!tpu.dma_semaphore, #tpu.memory_space<semaphore_mem>> -> memref<!tpu.dma_semaphore, #tpu.memory_space<semaphore_mem>>
      %dma_wait3A_471 = arith.constant 0 : i32
      %dma_wait3A_472 = arith.constant 0 : i32
      %dma_wait3A_473 = tpu.memref_slice %arg8[%dma_wait3A_456, %dma_wait3A_471, %dma_wait3A_472] : memref<10x128x16xf32, #tpu.memory_space<vmem>> -> memref<1x128x16xf32, #tpu.memory_space<vmem>>
      %dma_wait3A_474 = tpu.memref_squeeze %dma_wait3A_473 : memref<1x128x16xf32, #tpu.memory_space<vmem>> -> memref<128x16xf32, #tpu.memory_space<vmem>>
      %dma_wait3A_475 = arith.constant 0 : i32
      %dma_wait3A_476 = arith.constant 0 : i32
      %dma_wait3A_477 = tpu.memref_slice %arg4[%arg0, %dma_wait3A_475, %dma_wait3A_476] : memref<2x10240x16xf32, #tpu.memory_space<hbm>> -> memref<1x10240x16xf32, #tpu.memory_space<hbm>>
      %dma_wait3A_478 = tpu.memref_squeeze %dma_wait3A_477 : memref<1x10240x16xf32, #tpu.memory_space<hbm>> -> memref<10240x16xf32, #tpu.memory_space<hbm>>
      %dma_wait3A_479 = arith.constant 0 : i32
      %dma_wait3A_480 = arith.constant 0 : i32
      %dma_wait3A_481 = tpu.memref_slice %dma_wait3A_478[%dma_wait3A_479, %dma_wait3A_480] : memref<10240x16xf32, #tpu.memory_space<hbm>> -> memref<128x16xf32, #tpu.memory_space<hbm>>
      tpu.wait_dma2 semaphore(%dma_wait3A_470 : memref<!tpu.dma_semaphore, #tpu.memory_space<semaphore_mem>>) src(%dma_wait3A_481 : memref<128x16xf32, #tpu.memory_space<hbm>>) dst(%dma_wait3A_474 : memref<128x16xf32, #tpu.memory_space<vmem>>)
      %add3A_482 = arith.constant 2 : i32
      %add3A_483 = arith.addi %mul3A_371, %add3A_482 : i32
      %dma_start3A_484 = arith.constant 2 : i32
      %dma_start3A_485 = arith.constant 2 : i32
      %dma_start3A_486 = arith.constant 0 : i32
      %dma_start3A_487 = arith.constant 0 : i32
      %dma_start3A_488 = tpu.memref_slice %arg8[%dma_start3A_484, %dma_start3A_486, %dma_start3A_487] : memref<10x128x16xf32, #tpu.memory_space<vmem>> -> memref<1x128x16xf32, #tpu.memory_space<vmem>>
      %dma_start3A_489 = tpu.memref_squeeze %dma_start3A_488 : memref<1x128x16xf32, #tpu.memory_space<vmem>> -> memref<128x16xf32, #tpu.memory_space<vmem>>
      %dma_start3A_490 = arith.constant 0 : i32
      %dma_start3A_491 = tpu.memref_slice %arg7[%add3A_483, %dma_start3A_490] : memref<160x128xi32, #tpu.memory_space<vmem>> -> memref<1x128xi32, #tpu.memory_space<vmem>>
      %dma_start3A_492 = tpu.memref_squeeze %dma_start3A_491 : memref<1x128xi32, #tpu.memory_space<vmem>> -> memref<128xi32, #tpu.memory_space<vmem>>
      %dma_start3A_493 = arith.constant 0 : i32
      %dma_start3A_494 = arith.constant 0 : i32
      %dma_start3A_495 = tpu.memref_slice %arg11[%dma_start3A_493, %dma_start3A_494] : memref<10240x16xf32, #tpu.memory_space<vmem_shared>> -> memref<10240x16xf32, #tpu.memory_space<vmem_shared>>
      %dma_start3A_496 = tpu.memref_slice %arg14[%dma_start3A_485] : memref<5x!tpu.dma_semaphore, #tpu.memory_space<semaphore_mem>> -> memref<1x!tpu.dma_semaphore, #tpu.memory_space<semaphore_mem>>
      %dma_start3A_497 = tpu.memref_squeeze %dma_start3A_496 : memref<1x!tpu.dma_semaphore, #tpu.memory_space<semaphore_mem>> -> memref<!tpu.dma_semaphore, #tpu.memory_space<semaphore_mem>>
      tpu.enqueue_indirect_dma source(%dma_start3A_489 : memref<128x16xf32, #tpu.memory_space<vmem>>) target(%dma_start3A_495 : memref<10240x16xf32, #tpu.memory_space<vmem_shared>>) offsets(%dma_start3A_492 : memref<128xi32, #tpu.memory_space<vmem>>) semaphore(%dma_start3A_497 : memref<!tpu.dma_semaphore, #tpu.memory_space<semaphore_mem>>) {add = true}
      %dma_wait3A_498 = arith.constant 3 : i32
      %dma_wait3A_499 = arith.constant 3 : i32
      %dma_wait3A_500 = arith.constant 0 : i32
      %dma_wait3A_501 = arith.constant 0 : i32
      %dma_wait3A_502 = tpu.memref_slice %arg8[%dma_wait3A_498, %dma_wait3A_500, %dma_wait3A_501] : memref<10x128x16xf32, #tpu.memory_space<vmem>> -> memref<1x128x16xf32, #tpu.memory_space<vmem>>
      %dma_wait3A_503 = tpu.memref_squeeze %dma_wait3A_502 : memref<1x128x16xf32, #tpu.memory_space<vmem>> -> memref<128x16xf32, #tpu.memory_space<vmem>>
      %dma_wait3A_504 = arith.constant 0 : i32
      %dma_wait3A_505 = arith.constant 0 : i32
      %dma_wait3A_506 = tpu.memref_slice %arg4[%arg0, %dma_wait3A_504, %dma_wait3A_505] : memref<2x10240x16xf32, #tpu.memory_space<hbm>> -> memref<1x10240x16xf32, #tpu.memory_space<hbm>>
      %dma_wait3A_507 = tpu.memref_squeeze %dma_wait3A_506 : memref<1x10240x16xf32, #tpu.memory_space<hbm>> -> memref<10240x16xf32, #tpu.memory_space<hbm>>
      %dma_wait3A_508 = arith.constant 0 : i32
      %dma_wait3A_509 = arith.constant 0 : i32
      %dma_wait3A_510 = tpu.memref_slice %dma_wait3A_507[%dma_wait3A_508, %dma_wait3A_509] : memref<10240x16xf32, #tpu.memory_space<hbm>> -> memref<128x16xf32, #tpu.memory_space<hbm>>
      %dma_wait3A_511 = tpu.memref_slice %arg12[%dma_wait3A_499] : memref<5x!tpu.dma_semaphore, #tpu.memory_space<semaphore_mem>> -> memref<1x!tpu.dma_semaphore, #tpu.memory_space<semaphore_mem>>
      %dma_wait3A_512 = tpu.memref_squeeze %dma_wait3A_511 : memref<1x!tpu.dma_semaphore, #tpu.memory_space<semaphore_mem>> -> memref<!tpu.dma_semaphore, #tpu.memory_space<semaphore_mem>>
      %dma_wait3A_513 = arith.constant 0 : i32
      %dma_wait3A_514 = arith.constant 0 : i32
      %dma_wait3A_515 = tpu.memref_slice %arg8[%dma_wait3A_498, %dma_wait3A_513, %dma_wait3A_514] : memref<10x128x16xf32, #tpu.memory_space<vmem>> -> memref<1x128x16xf32, #tpu.memory_space<vmem>>
      %dma_wait3A_516 = tpu.memref_squeeze %dma_wait3A_515 : memref<1x128x16xf32, #tpu.memory_space<vmem>> -> memref<128x16xf32, #tpu.memory_space<vmem>>
      %dma_wait3A_517 = arith.constant 0 : i32
      %dma_wait3A_518 = arith.constant 0 : i32
      %dma_wait3A_519 = tpu.memref_slice %arg4[%arg0, %dma_wait3A_517, %dma_wait3A_518] : memref<2x10240x16xf32, #tpu.memory_space<hbm>> -> memref<1x10240x16xf32, #tpu.memory_space<hbm>>
      %dma_wait3A_520 = tpu.memref_squeeze %dma_wait3A_519 : memref<1x10240x16xf32, #tpu.memory_space<hbm>> -> memref<10240x16xf32, #tpu.memory_space<hbm>>
      %dma_wait3A_521 = arith.constant 0 : i32
      %dma_wait3A_522 = arith.constant 0 : i32
      %dma_wait3A_523 = tpu.memref_slice %dma_wait3A_520[%dma_wait3A_521, %dma_wait3A_522] : memref<10240x16xf32, #tpu.memory_space<hbm>> -> memref<128x16xf32, #tpu.memory_space<hbm>>
      tpu.wait_dma2 semaphore(%dma_wait3A_512 : memref<!tpu.dma_semaphore, #tpu.memory_space<semaphore_mem>>) src(%dma_wait3A_523 : memref<128x16xf32, #tpu.memory_space<hbm>>) dst(%dma_wait3A_516 : memref<128x16xf32, #tpu.memory_space<vmem>>)
      %add3A_524 = arith.constant 3 : i32
      %add3A_525 = arith.addi %mul3A_371, %add3A_524 : i32
      %dma_start3A_526 = arith.constant 3 : i32
      %dma_start3A_527 = arith.constant 3 : i32
      %dma_start3A_528 = arith.constant 0 : i32
      %dma_start3A_529 = arith.constant 0 : i32
      %dma_start3A_530 = tpu.memref_slice %arg8[%dma_start3A_526, %dma_start3A_528, %dma_start3A_529] : memref<10x128x16xf32, #tpu.memory_space<vmem>> -> memref<1x128x16xf32, #tpu.memory_space<vmem>>
      %dma_start3A_531 = tpu.memref_squeeze %dma_start3A_530 : memref<1x128x16xf32, #tpu.memory_space<vmem>> -> memref<128x16xf32, #tpu.memory_space<vmem>>
      %dma_start3A_532 = arith.constant 0 : i32
      %dma_start3A_533 = tpu.memref_slice %arg7[%add3A_525, %dma_start3A_532] : memref<160x128xi32, #tpu.memory_space<vmem>> -> memref<1x128xi32, #tpu.memory_space<vmem>>
      %dma_start3A_534 = tpu.memref_squeeze %dma_start3A_533 : memref<1x128xi32, #tpu.memory_space<vmem>> -> memref<128xi32, #tpu.memory_space<vmem>>
      %dma_start3A_535 = arith.constant 0 : i32
      %dma_start3A_536 = arith.constant 0 : i32
      %dma_start3A_537 = tpu.memref_slice %arg11[%dma_start3A_535, %dma_start3A_536] : memref<10240x16xf32, #tpu.memory_space<vmem_shared>> -> memref<10240x16xf32, #tpu.memory_space<vmem_shared>>
      %dma_start3A_538 = tpu.memref_slice %arg14[%dma_start3A_527] : memref<5x!tpu.dma_semaphore, #tpu.memory_space<semaphore_mem>> -> memref<1x!tpu.dma_semaphore, #tpu.memory_space<semaphore_mem>>
      %dma_start3A_539 = tpu.memref_squeeze %dma_start3A_538 : memref<1x!tpu.dma_semaphore, #tpu.memory_space<semaphore_mem>> -> memref<!tpu.dma_semaphore, #tpu.memory_space<semaphore_mem>>
      tpu.enqueue_indirect_dma source(%dma_start3A_531 : memref<128x16xf32, #tpu.memory_space<vmem>>) target(%dma_start3A_537 : memref<10240x16xf32, #tpu.memory_space<vmem_shared>>) offsets(%dma_start3A_534 : memref<128xi32, #tpu.memory_space<vmem>>) semaphore(%dma_start3A_539 : memref<!tpu.dma_semaphore, #tpu.memory_space<semaphore_mem>>) {add = true}
      %dma_wait3A_540 = arith.constant 4 : i32
      %dma_wait3A_541 = arith.constant 4 : i32
      %dma_wait3A_542 = arith.constant 0 : i32
      %dma_wait3A_543 = arith.constant 0 : i32
      %dma_wait3A_544 = tpu.memref_slice %arg8[%dma_wait3A_540, %dma_wait3A_542, %dma_wait3A_543] : memref<10x128x16xf32, #tpu.memory_space<vmem>> -> memref<1x128x16xf32, #tpu.memory_space<vmem>>
      %dma_wait3A_545 = tpu.memref_squeeze %dma_wait3A_544 : memref<1x128x16xf32, #tpu.memory_space<vmem>> -> memref<128x16xf32, #tpu.memory_space<vmem>>
      %dma_wait3A_546 = arith.constant 0 : i32
      %dma_wait3A_547 = arith.constant 0 : i32
      %dma_wait3A_548 = tpu.memref_slice %arg4[%arg0, %dma_wait3A_546, %dma_wait3A_547] : memref<2x10240x16xf32, #tpu.memory_space<hbm>> -> memref<1x10240x16xf32, #tpu.memory_space<hbm>>
      %dma_wait3A_549 = tpu.memref_squeeze %dma_wait3A_548 : memref<1x10240x16xf32, #tpu.memory_space<hbm>> -> memref<10240x16xf32, #tpu.memory_space<hbm>>
      %dma_wait3A_550 = arith.constant 0 : i32
      %dma_wait3A_551 = arith.constant 0 : i32
      %dma_wait3A_552 = tpu.memref_slice %dma_wait3A_549[%dma_wait3A_550, %dma_wait3A_551] : memref<10240x16xf32, #tpu.memory_space<hbm>> -> memref<128x16xf32, #tpu.memory_space<hbm>>
      %dma_wait3A_553 = tpu.memref_slice %arg12[%dma_wait3A_541] : memref<5x!tpu.dma_semaphore, #tpu.memory_space<semaphore_mem>> -> memref<1x!tpu.dma_semaphore, #tpu.memory_space<semaphore_mem>>
      %dma_wait3A_554 = tpu.memref_squeeze %dma_wait3A_553 : memref<1x!tpu.dma_semaphore, #tpu.memory_space<semaphore_mem>> -> memref<!tpu.dma_semaphore, #tpu.memory_space<semaphore_mem>>
      %dma_wait3A_555 = arith.constant 0 : i32
      %dma_wait3A_556 = arith.constant 0 : i32
      %dma_wait3A_557 = tpu.memref_slice %arg8[%dma_wait3A_540, %dma_wait3A_555, %dma_wait3A_556] : memref<10x128x16xf32, #tpu.memory_space<vmem>> -> memref<1x128x16xf32, #tpu.memory_space<vmem>>
      %dma_wait3A_558 = tpu.memref_squeeze %dma_wait3A_557 : memref<1x128x16xf32, #tpu.memory_space<vmem>> -> memref<128x16xf32, #tpu.memory_space<vmem>>
      %dma_wait3A_559 = arith.constant 0 : i32
      %dma_wait3A_560 = arith.constant 0 : i32
      %dma_wait3A_561 = tpu.memref_slice %arg4[%arg0, %dma_wait3A_559, %dma_wait3A_560] : memref<2x10240x16xf32, #tpu.memory_space<hbm>> -> memref<1x10240x16xf32, #tpu.memory_space<hbm>>
      %dma_wait3A_562 = tpu.memref_squeeze %dma_wait3A_561 : memref<1x10240x16xf32, #tpu.memory_space<hbm>> -> memref<10240x16xf32, #tpu.memory_space<hbm>>
      %dma_wait3A_563 = arith.constant 0 : i32
      %dma_wait3A_564 = arith.constant 0 : i32
      %dma_wait3A_565 = tpu.memref_slice %dma_wait3A_562[%dma_wait3A_563, %dma_wait3A_564] : memref<10240x16xf32, #tpu.memory_space<hbm>> -> memref<128x16xf32, #tpu.memory_space<hbm>>
      tpu.wait_dma2 semaphore(%dma_wait3A_554 : memref<!tpu.dma_semaphore, #tpu.memory_space<semaphore_mem>>) src(%dma_wait3A_565 : memref<128x16xf32, #tpu.memory_space<hbm>>) dst(%dma_wait3A_558 : memref<128x16xf32, #tpu.memory_space<vmem>>)
      %add3A_566 = arith.constant 4 : i32
      %add3A_567 = arith.addi %mul3A_371, %add3A_566 : i32
      %dma_start3A_568 = arith.constant 4 : i32
      %dma_start3A_569 = arith.constant 4 : i32
      %dma_start3A_570 = arith.constant 0 : i32
      %dma_start3A_571 = arith.constant 0 : i32
      %dma_start3A_572 = tpu.memref_slice %arg8[%dma_start3A_568, %dma_start3A_570, %dma_start3A_571] : memref<10x128x16xf32, #tpu.memory_space<vmem>> -> memref<1x128x16xf32, #tpu.memory_space<vmem>>
      %dma_start3A_573 = tpu.memref_squeeze %dma_start3A_572 : memref<1x128x16xf32, #tpu.memory_space<vmem>> -> memref<128x16xf32, #tpu.memory_space<vmem>>
      %dma_start3A_574 = arith.constant 0 : i32
      %dma_start3A_575 = tpu.memref_slice %arg7[%add3A_567, %dma_start3A_574] : memref<160x128xi32, #tpu.memory_space<vmem>> -> memref<1x128xi32, #tpu.memory_space<vmem>>
      %dma_start3A_576 = tpu.memref_squeeze %dma_start3A_575 : memref<1x128xi32, #tpu.memory_space<vmem>> -> memref<128xi32, #tpu.memory_space<vmem>>
      %dma_start3A_577 = arith.constant 0 : i32
      %dma_start3A_578 = arith.constant 0 : i32
      %dma_start3A_579 = tpu.memref_slice %arg11[%dma_start3A_577, %dma_start3A_578] : memref<10240x16xf32, #tpu.memory_space<vmem_shared>> -> memref<10240x16xf32, #tpu.memory_space<vmem_shared>>
      %dma_start3A_580 = tpu.memref_slice %arg14[%dma_start3A_569] : memref<5x!tpu.dma_semaphore, #tpu.memory_space<semaphore_mem>> -> memref<1x!tpu.dma_semaphore, #tpu.memory_space<semaphore_mem>>
      %dma_start3A_581 = tpu.memref_squeeze %dma_start3A_580 : memref<1x!tpu.dma_semaphore, #tpu.memory_space<semaphore_mem>> -> memref<!tpu.dma_semaphore, #tpu.memory_space<semaphore_mem>>
      tpu.enqueue_indirect_dma source(%dma_start3A_573 : memref<128x16xf32, #tpu.memory_space<vmem>>) target(%dma_start3A_579 : memref<10240x16xf32, #tpu.memory_space<vmem_shared>>) offsets(%dma_start3A_576 : memref<128xi32, #tpu.memory_space<vmem>>) semaphore(%dma_start3A_581 : memref<!tpu.dma_semaphore, #tpu.memory_space<semaphore_mem>>) {add = true}
      %gt3A = arith.constant 0 : i32
      %gt3A_582 = arith.cmpi sgt, %add3A_367, %gt3A : i32
      %convert_element_type3A = arith.extui %gt3A_582 : i1 to i32
      %cond3A = arith.constant 0 : i32
      %cond3A_583 = arith.cmpi ne, %convert_element_type3A, %cond3A : i32
      scf.if %cond3A_583 {
        %dma_wait3A_1036 = arith.constant 5 : i32
        %dma_wait3A_1037 = arith.constant 0 : i32
        %dma_wait3A_1038 = arith.constant 0 : i32
        %dma_wait3A_1039 = arith.constant 0 : i32
        %dma_wait3A_1040 = tpu.memref_slice %arg8[%dma_wait3A_1036, %dma_wait3A_1038, %dma_wait3A_1039] : memref<10x128x16xf32, #tpu.memory_space<vmem>> -> memref<1x128x16xf32, #tpu.memory_space<vmem>>
        %dma_wait3A_1041 = tpu.memref_squeeze %dma_wait3A_1040 : memref<1x128x16xf32, #tpu.memory_space<vmem>> -> memref<128x16xf32, #tpu.memory_space<vmem>>
        %dma_wait3A_1042 = arith.constant 0 : i32
        %dma_wait3A_1043 = arith.constant 0 : i32
        %dma_wait3A_1044 = tpu.memref_slice %arg4[%arg0, %dma_wait3A_1042, %dma_wait3A_1043] : memref<2x10240x16xf32, #tpu.memory_space<hbm>> -> memref<1x10240x16xf32, #tpu.memory_space<hbm>>
        %dma_wait3A_1045 = tpu.memref_squeeze %dma_wait3A_1044 : memref<1x10240x16xf32, #tpu.memory_space<hbm>> -> memref<10240x16xf32, #tpu.memory_space<hbm>>
        %dma_wait3A_1046 = arith.constant 0 : i32
        %dma_wait3A_1047 = arith.constant 0 : i32
        %dma_wait3A_1048 = tpu.memref_slice %dma_wait3A_1045[%dma_wait3A_1046, %dma_wait3A_1047] : memref<10240x16xf32, #tpu.memory_space<hbm>> -> memref<128x16xf32, #tpu.memory_space<hbm>>
        %dma_wait3A_1049 = tpu.memref_slice %arg15[%dma_wait3A_1037] : memref<5x!tpu.dma_semaphore, #tpu.memory_space<semaphore_mem>> -> memref<1x!tpu.dma_semaphore, #tpu.memory_space<semaphore_mem>>
        %dma_wait3A_1050 = tpu.memref_squeeze %dma_wait3A_1049 : memref<1x!tpu.dma_semaphore, #tpu.memory_space<semaphore_mem>> -> memref<!tpu.dma_semaphore, #tpu.memory_space<semaphore_mem>>
        %dma_wait3A_1051 = arith.constant 0 : i32
        %dma_wait3A_1052 = arith.constant 0 : i32
        %dma_wait3A_1053 = tpu.memref_slice %arg8[%dma_wait3A_1036, %dma_wait3A_1051, %dma_wait3A_1052] : memref<10x128x16xf32, #tpu.memory_space<vmem>> -> memref<1x128x16xf32, #tpu.memory_space<vmem>>
        %dma_wait3A_1054 = tpu.memref_squeeze %dma_wait3A_1053 : memref<1x128x16xf32, #tpu.memory_space<vmem>> -> memref<128x16xf32, #tpu.memory_space<vmem>>
        %dma_wait3A_1055 = arith.constant 0 : i32
        %dma_wait3A_1056 = arith.constant 0 : i32
        %dma_wait3A_1057 = tpu.memref_slice %arg4[%arg0, %dma_wait3A_1055, %dma_wait3A_1056] : memref<2x10240x16xf32, #tpu.memory_space<hbm>> -> memref<1x10240x16xf32, #tpu.memory_space<hbm>>
        %dma_wait3A_1058 = tpu.memref_squeeze %dma_wait3A_1057 : memref<1x10240x16xf32, #tpu.memory_space<hbm>> -> memref<10240x16xf32, #tpu.memory_space<hbm>>
        %dma_wait3A_1059 = arith.constant 0 : i32
        %dma_wait3A_1060 = arith.constant 0 : i32
        %dma_wait3A_1061 = tpu.memref_slice %dma_wait3A_1058[%dma_wait3A_1059, %dma_wait3A_1060] : memref<10240x16xf32, #tpu.memory_space<hbm>> -> memref<128x16xf32, #tpu.memory_space<hbm>>
        tpu.wait_dma2 semaphore(%dma_wait3A_1050 : memref<!tpu.dma_semaphore, #tpu.memory_space<semaphore_mem>>) src(%dma_wait3A_1061 : memref<128x16xf32, #tpu.memory_space<hbm>>) dst(%dma_wait3A_1054 : memref<128x16xf32, #tpu.memory_space<vmem>>)
        %dma_wait3A_1062 = arith.constant 6 : i32
        %dma_wait3A_1063 = arith.constant 1 : i32
        %dma_wait3A_1064 = arith.constant 0 : i32
        %dma_wait3A_1065 = arith.constant 0 : i32
        %dma_wait3A_1066 = tpu.memref_slice %arg8[%dma_wait3A_1062, %dma_wait3A_1064, %dma_wait3A_1065] : memref<10x128x16xf32, #tpu.memory_space<vmem>> -> memref<1x128x16xf32, #tpu.memory_space<vmem>>
        %dma_wait3A_1067 = tpu.memref_squeeze %dma_wait3A_1066 : memref<1x128x16xf32, #tpu.memory_space<vmem>> -> memref<128x16xf32, #tpu.memory_space<vmem>>
        %dma_wait3A_1068 = arith.constant 0 : i32
        %dma_wait3A_1069 = arith.constant 0 : i32
        %dma_wait3A_1070 = tpu.memref_slice %arg4[%arg0, %dma_wait3A_1068, %dma_wait3A_1069] : memref<2x10240x16xf32, #tpu.memory_space<hbm>> -> memref<1x10240x16xf32, #tpu.memory_space<hbm>>
        %dma_wait3A_1071 = tpu.memref_squeeze %dma_wait3A_1070 : memref<1x10240x16xf32, #tpu.memory_space<hbm>> -> memref<10240x16xf32, #tpu.memory_space<hbm>>
        %dma_wait3A_1072 = arith.constant 0 : i32
        %dma_wait3A_1073 = arith.constant 0 : i32
        %dma_wait3A_1074 = tpu.memref_slice %dma_wait3A_1071[%dma_wait3A_1072, %dma_wait3A_1073] : memref<10240x16xf32, #tpu.memory_space<hbm>> -> memref<128x16xf32, #tpu.memory_space<hbm>>
        %dma_wait3A_1075 = tpu.memref_slice %arg15[%dma_wait3A_1063] : memref<5x!tpu.dma_semaphore, #tpu.memory_space<semaphore_mem>> -> memref<1x!tpu.dma_semaphore, #tpu.memory_space<semaphore_mem>>
        %dma_wait3A_1076 = tpu.memref_squeeze %dma_wait3A_1075 : memref<1x!tpu.dma_semaphore, #tpu.memory_space<semaphore_mem>> -> memref<!tpu.dma_semaphore, #tpu.memory_space<semaphore_mem>>
        %dma_wait3A_1077 = arith.constant 0 : i32
        %dma_wait3A_1078 = arith.constant 0 : i32
        %dma_wait3A_1079 = tpu.memref_slice %arg8[%dma_wait3A_1062, %dma_wait3A_1077, %dma_wait3A_1078] : memref<10x128x16xf32, #tpu.memory_space<vmem>> -> memref<1x128x16xf32, #tpu.memory_space<vmem>>
        %dma_wait3A_1080 = tpu.memref_squeeze %dma_wait3A_1079 : memref<1x128x16xf32, #tpu.memory_space<vmem>> -> memref<128x16xf32, #tpu.memory_space<vmem>>
        %dma_wait3A_1081 = arith.constant 0 : i32
        %dma_wait3A_1082 = arith.constant 0 : i32
        %dma_wait3A_1083 = tpu.memref_slice %arg4[%arg0, %dma_wait3A_1081, %dma_wait3A_1082] : memref<2x10240x16xf32, #tpu.memory_space<hbm>> -> memref<1x10240x16xf32, #tpu.memory_space<hbm>>
        %dma_wait3A_1084 = tpu.memref_squeeze %dma_wait3A_1083 : memref<1x10240x16xf32, #tpu.memory_space<hbm>> -> memref<10240x16xf32, #tpu.memory_space<hbm>>
        %dma_wait3A_1085 = arith.constant 0 : i32
        %dma_wait3A_1086 = arith.constant 0 : i32
        %dma_wait3A_1087 = tpu.memref_slice %dma_wait3A_1084[%dma_wait3A_1085, %dma_wait3A_1086] : memref<10240x16xf32, #tpu.memory_space<hbm>> -> memref<128x16xf32, #tpu.memory_space<hbm>>
        tpu.wait_dma2 semaphore(%dma_wait3A_1076 : memref<!tpu.dma_semaphore, #tpu.memory_space<semaphore_mem>>) src(%dma_wait3A_1087 : memref<128x16xf32, #tpu.memory_space<hbm>>) dst(%dma_wait3A_1080 : memref<128x16xf32, #tpu.memory_space<vmem>>)
        %dma_wait3A_1088 = arith.constant 7 : i32
        %dma_wait3A_1089 = arith.constant 2 : i32
        %dma_wait3A_1090 = arith.constant 0 : i32
        %dma_wait3A_1091 = arith.constant 0 : i32
        %dma_wait3A_1092 = tpu.memref_slice %arg8[%dma_wait3A_1088, %dma_wait3A_1090, %dma_wait3A_1091] : memref<10x128x16xf32, #tpu.memory_space<vmem>> -> memref<1x128x16xf32, #tpu.memory_space<vmem>>
        %dma_wait3A_1093 = tpu.memref_squeeze %dma_wait3A_1092 : memref<1x128x16xf32, #tpu.memory_space<vmem>> -> memref<128x16xf32, #tpu.memory_space<vmem>>
        %dma_wait3A_1094 = arith.constant 0 : i32
        %dma_wait3A_1095 = arith.constant 0 : i32
        %dma_wait3A_1096 = tpu.memref_slice %arg4[%arg0, %dma_wait3A_1094, %dma_wait3A_1095] : memref<2x10240x16xf32, #tpu.memory_space<hbm>> -> memref<1x10240x16xf32, #tpu.memory_space<hbm>>
        %dma_wait3A_1097 = tpu.memref_squeeze %dma_wait3A_1096 : memref<1x10240x16xf32, #tpu.memory_space<hbm>> -> memref<10240x16xf32, #tpu.memory_space<hbm>>
        %dma_wait3A_1098 = arith.constant 0 : i32
        %dma_wait3A_1099 = arith.constant 0 : i32
        %dma_wait3A_1100 = tpu.memref_slice %dma_wait3A_1097[%dma_wait3A_1098, %dma_wait3A_1099] : memref<10240x16xf32, #tpu.memory_space<hbm>> -> memref<128x16xf32, #tpu.memory_space<hbm>>
        %dma_wait3A_1101 = tpu.memref_slice %arg15[%dma_wait3A_1089] : memref<5x!tpu.dma_semaphore, #tpu.memory_space<semaphore_mem>> -> memref<1x!tpu.dma_semaphore, #tpu.memory_space<semaphore_mem>>
        %dma_wait3A_1102 = tpu.memref_squeeze %dma_wait3A_1101 : memref<1x!tpu.dma_semaphore, #tpu.memory_space<semaphore_mem>> -> memref<!tpu.dma_semaphore, #tpu.memory_space<semaphore_mem>>
        %dma_wait3A_1103 = arith.constant 0 : i32
        %dma_wait3A_1104 = arith.constant 0 : i32
        %dma_wait3A_1105 = tpu.memref_slice %arg8[%dma_wait3A_1088, %dma_wait3A_1103, %dma_wait3A_1104] : memref<10x128x16xf32, #tpu.memory_space<vmem>> -> memref<1x128x16xf32, #tpu.memory_space<vmem>>
        %dma_wait3A_1106 = tpu.memref_squeeze %dma_wait3A_1105 : memref<1x128x16xf32, #tpu.memory_space<vmem>> -> memref<128x16xf32, #tpu.memory_space<vmem>>
        %dma_wait3A_1107 = arith.constant 0 : i32
        %dma_wait3A_1108 = arith.constant 0 : i32
        %dma_wait3A_1109 = tpu.memref_slice %arg4[%arg0, %dma_wait3A_1107, %dma_wait3A_1108] : memref<2x10240x16xf32, #tpu.memory_space<hbm>> -> memref<1x10240x16xf32, #tpu.memory_space<hbm>>
        %dma_wait3A_1110 = tpu.memref_squeeze %dma_wait3A_1109 : memref<1x10240x16xf32, #tpu.memory_space<hbm>> -> memref<10240x16xf32, #tpu.memory_space<hbm>>
        %dma_wait3A_1111 = arith.constant 0 : i32
        %dma_wait3A_1112 = arith.constant 0 : i32
        %dma_wait3A_1113 = tpu.memref_slice %dma_wait3A_1110[%dma_wait3A_1111, %dma_wait3A_1112] : memref<10240x16xf32, #tpu.memory_space<hbm>> -> memref<128x16xf32, #tpu.memory_space<hbm>>
        tpu.wait_dma2 semaphore(%dma_wait3A_1102 : memref<!tpu.dma_semaphore, #tpu.memory_space<semaphore_mem>>) src(%dma_wait3A_1113 : memref<128x16xf32, #tpu.memory_space<hbm>>) dst(%dma_wait3A_1106 : memref<128x16xf32, #tpu.memory_space<vmem>>)
        %dma_wait3A_1114 = arith.constant 8 : i32
        %dma_wait3A_1115 = arith.constant 3 : i32
        %dma_wait3A_1116 = arith.constant 0 : i32
        %dma_wait3A_1117 = arith.constant 0 : i32
        %dma_wait3A_1118 = tpu.memref_slice %arg8[%dma_wait3A_1114, %dma_wait3A_1116, %dma_wait3A_1117] : memref<10x128x16xf32, #tpu.memory_space<vmem>> -> memref<1x128x16xf32, #tpu.memory_space<vmem>>
        %dma_wait3A_1119 = tpu.memref_squeeze %dma_wait3A_1118 : memref<1x128x16xf32, #tpu.memory_space<vmem>> -> memref<128x16xf32, #tpu.memory_space<vmem>>
        %dma_wait3A_1120 = arith.constant 0 : i32
        %dma_wait3A_1121 = arith.constant 0 : i32
        %dma_wait3A_1122 = tpu.memref_slice %arg4[%arg0, %dma_wait3A_1120, %dma_wait3A_1121] : memref<2x10240x16xf32, #tpu.memory_space<hbm>> -> memref<1x10240x16xf32, #tpu.memory_space<hbm>>
        %dma_wait3A_1123 = tpu.memref_squeeze %dma_wait3A_1122 : memref<1x10240x16xf32, #tpu.memory_space<hbm>> -> memref<10240x16xf32, #tpu.memory_space<hbm>>
        %dma_wait3A_1124 = arith.constant 0 : i32
        %dma_wait3A_1125 = arith.constant 0 : i32
        %dma_wait3A_1126 = tpu.memref_slice %dma_wait3A_1123[%dma_wait3A_1124, %dma_wait3A_1125] : memref<10240x16xf32, #tpu.memory_space<hbm>> -> memref<128x16xf32, #tpu.memory_space<hbm>>
        %dma_wait3A_1127 = tpu.memref_slice %arg15[%dma_wait3A_1115] : memref<5x!tpu.dma_semaphore, #tpu.memory_space<semaphore_mem>> -> memref<1x!tpu.dma_semaphore, #tpu.memory_space<semaphore_mem>>
        %dma_wait3A_1128 = tpu.memref_squeeze %dma_wait3A_1127 : memref<1x!tpu.dma_semaphore, #tpu.memory_space<semaphore_mem>> -> memref<!tpu.dma_semaphore, #tpu.memory_space<semaphore_mem>>
        %dma_wait3A_1129 = arith.constant 0 : i32
        %dma_wait3A_1130 = arith.constant 0 : i32
        %dma_wait3A_1131 = tpu.memref_slice %arg8[%dma_wait3A_1114, %dma_wait3A_1129, %dma_wait3A_1130] : memref<10x128x16xf32, #tpu.memory_space<vmem>> -> memref<1x128x16xf32, #tpu.memory_space<vmem>>
        %dma_wait3A_1132 = tpu.memref_squeeze %dma_wait3A_1131 : memref<1x128x16xf32, #tpu.memory_space<vmem>> -> memref<128x16xf32, #tpu.memory_space<vmem>>
        %dma_wait3A_1133 = arith.constant 0 : i32
        %dma_wait3A_1134 = arith.constant 0 : i32
        %dma_wait3A_1135 = tpu.memref_slice %arg4[%arg0, %dma_wait3A_1133, %dma_wait3A_1134] : memref<2x10240x16xf32, #tpu.memory_space<hbm>> -> memref<1x10240x16xf32, #tpu.memory_space<hbm>>
        %dma_wait3A_1136 = tpu.memref_squeeze %dma_wait3A_1135 : memref<1x10240x16xf32, #tpu.memory_space<hbm>> -> memref<10240x16xf32, #tpu.memory_space<hbm>>
        %dma_wait3A_1137 = arith.constant 0 : i32
        %dma_wait3A_1138 = arith.constant 0 : i32
        %dma_wait3A_1139 = tpu.memref_slice %dma_wait3A_1136[%dma_wait3A_1137, %dma_wait3A_1138] : memref<10240x16xf32, #tpu.memory_space<hbm>> -> memref<128x16xf32, #tpu.memory_space<hbm>>
        tpu.wait_dma2 semaphore(%dma_wait3A_1128 : memref<!tpu.dma_semaphore, #tpu.memory_space<semaphore_mem>>) src(%dma_wait3A_1139 : memref<128x16xf32, #tpu.memory_space<hbm>>) dst(%dma_wait3A_1132 : memref<128x16xf32, #tpu.memory_space<vmem>>)
        %dma_wait3A_1140 = arith.constant 9 : i32
        %dma_wait3A_1141 = arith.constant 4 : i32
        %dma_wait3A_1142 = arith.constant 0 : i32
        %dma_wait3A_1143 = arith.constant 0 : i32
        %dma_wait3A_1144 = tpu.memref_slice %arg8[%dma_wait3A_1140, %dma_wait3A_1142, %dma_wait3A_1143] : memref<10x128x16xf32, #tpu.memory_space<vmem>> -> memref<1x128x16xf32, #tpu.memory_space<vmem>>
        %dma_wait3A_1145 = tpu.memref_squeeze %dma_wait3A_1144 : memref<1x128x16xf32, #tpu.memory_space<vmem>> -> memref<128x16xf32, #tpu.memory_space<vmem>>
        %dma_wait3A_1146 = arith.constant 0 : i32
        %dma_wait3A_1147 = arith.constant 0 : i32
        %dma_wait3A_1148 = tpu.memref_slice %arg4[%arg0, %dma_wait3A_1146, %dma_wait3A_1147] : memref<2x10240x16xf32, #tpu.memory_space<hbm>> -> memref<1x10240x16xf32, #tpu.memory_space<hbm>>
        %dma_wait3A_1149 = tpu.memref_squeeze %dma_wait3A_1148 : memref<1x10240x16xf32, #tpu.memory_space<hbm>> -> memref<10240x16xf32, #tpu.memory_space<hbm>>
        %dma_wait3A_1150 = arith.constant 0 : i32
        %dma_wait3A_1151 = arith.constant 0 : i32
        %dma_wait3A_1152 = tpu.memref_slice %dma_wait3A_1149[%dma_wait3A_1150, %dma_wait3A_1151] : memref<10240x16xf32, #tpu.memory_space<hbm>> -> memref<128x16xf32, #tpu.memory_space<hbm>>
        %dma_wait3A_1153 = tpu.memref_slice %arg15[%dma_wait3A_1141] : memref<5x!tpu.dma_semaphore, #tpu.memory_space<semaphore_mem>> -> memref<1x!tpu.dma_semaphore, #tpu.memory_space<semaphore_mem>>
        %dma_wait3A_1154 = tpu.memref_squeeze %dma_wait3A_1153 : memref<1x!tpu.dma_semaphore, #tpu.memory_space<semaphore_mem>> -> memref<!tpu.dma_semaphore, #tpu.memory_space<semaphore_mem>>
        %dma_wait3A_1155 = arith.constant 0 : i32
        %dma_wait3A_1156 = arith.constant 0 : i32
        %dma_wait3A_1157 = tpu.memref_slice %arg8[%dma_wait3A_1140, %dma_wait3A_1155, %dma_wait3A_1156] : memref<10x128x16xf32, #tpu.memory_space<vmem>> -> memref<1x128x16xf32, #tpu.memory_space<vmem>>
        %dma_wait3A_1158 = tpu.memref_squeeze %dma_wait3A_1157 : memref<1x128x16xf32, #tpu.memory_space<vmem>> -> memref<128x16xf32, #tpu.memory_space<vmem>>
        %dma_wait3A_1159 = arith.constant 0 : i32
        %dma_wait3A_1160 = arith.constant 0 : i32
        %dma_wait3A_1161 = tpu.memref_slice %arg4[%arg0, %dma_wait3A_1159, %dma_wait3A_1160] : memref<2x10240x16xf32, #tpu.memory_space<hbm>> -> memref<1x10240x16xf32, #tpu.memory_space<hbm>>
        %dma_wait3A_1162 = tpu.memref_squeeze %dma_wait3A_1161 : memref<1x10240x16xf32, #tpu.memory_space<hbm>> -> memref<10240x16xf32, #tpu.memory_space<hbm>>
        %dma_wait3A_1163 = arith.constant 0 : i32
        %dma_wait3A_1164 = arith.constant 0 : i32
        %dma_wait3A_1165 = tpu.memref_slice %dma_wait3A_1162[%dma_wait3A_1163, %dma_wait3A_1164] : memref<10240x16xf32, #tpu.memory_space<hbm>> -> memref<128x16xf32, #tpu.memory_space<hbm>>
        tpu.wait_dma2 semaphore(%dma_wait3A_1154 : memref<!tpu.dma_semaphore, #tpu.memory_space<semaphore_mem>>) src(%dma_wait3A_1165 : memref<128x16xf32, #tpu.memory_space<hbm>>) dst(%dma_wait3A_1158 : memref<128x16xf32, #tpu.memory_space<vmem>>)
      } else {
      }
      %add3A_584 = arith.constant 1 : i32
      %add3A_585 = arith.addi %mul3A_369, %add3A_584 : i32
      %mul3A_586 = arith.constant 5 : i32
      %mul3A_587 = arith.muli %add3A_585, %mul3A_586 : i32
      %add3A_588 = arith.constant 0 : i32
      %add3A_589 = arith.addi %mul3A_587, %add3A_588 : i32
      %dma_start3A_590 = arith.constant 5 : i32
      %dma_start3A_591 = arith.constant 0 : i32
      %dma_start3A_592 = arith.constant 0 : i32
      %dma_start3A_593 = arith.constant 0 : i32
      %dma_start3A_594 = tpu.memref_slice %arg8[%dma_start3A_590, %dma_start3A_592, %dma_start3A_593] : memref<10x128x16xf32, #tpu.memory_space<vmem>> -> memref<1x128x16xf32, #tpu.memory_space<vmem>>
      %dma_start3A_595 = tpu.memref_squeeze %dma_start3A_594 : memref<1x128x16xf32, #tpu.memory_space<vmem>> -> memref<128x16xf32, #tpu.memory_space<vmem>>
      %dma_start3A_596 = arith.constant 0 : i32
      %dma_start3A_597 = tpu.memref_slice %arg6[%add3A_589, %dma_start3A_596] : memref<160x128xi32, #tpu.memory_space<vmem>> -> memref<1x128xi32, #tpu.memory_space<vmem>>
      %dma_start3A_598 = tpu.memref_squeeze %dma_start3A_597 : memref<1x128xi32, #tpu.memory_space<vmem>> -> memref<128xi32, #tpu.memory_space<vmem>>
      %dma_start3A_599 = arith.constant 0 : i32
      %dma_start3A_600 = arith.constant 0 : i32
      %dma_start3A_601 = tpu.memref_slice %arg4[%arg0, %dma_start3A_599, %dma_start3A_600] : memref<2x10240x16xf32, #tpu.memory_space<hbm>> -> memref<1x10240x16xf32, #tpu.memory_space<hbm>>
      %dma_start3A_602 = tpu.memref_squeeze %dma_start3A_601 : memref<1x10240x16xf32, #tpu.memory_space<hbm>> -> memref<10240x16xf32, #tpu.memory_space<hbm>>
      %dma_start3A_603 = arith.constant 0 : i32
      %dma_start3A_604 = arith.constant 0 : i32
      %dma_start3A_605 = tpu.memref_slice %dma_start3A_602[%dma_start3A_603, %dma_start3A_604] : memref<10240x16xf32, #tpu.memory_space<hbm>> -> memref<10240x16xf32, #tpu.memory_space<hbm>>
      %dma_start3A_606 = tpu.memref_slice %arg13[%dma_start3A_591] : memref<5x!tpu.dma_semaphore, #tpu.memory_space<semaphore_mem>> -> memref<1x!tpu.dma_semaphore, #tpu.memory_space<semaphore_mem>>
      %dma_start3A_607 = tpu.memref_squeeze %dma_start3A_606 : memref<1x!tpu.dma_semaphore, #tpu.memory_space<semaphore_mem>> -> memref<!tpu.dma_semaphore, #tpu.memory_space<semaphore_mem>>
      tpu.enqueue_indirect_dma source(%dma_start3A_605 : memref<10240x16xf32, #tpu.memory_space<hbm>>) target(%dma_start3A_595 : memref<128x16xf32, #tpu.memory_space<vmem>>) offsets(%dma_start3A_598 : memref<128xi32, #tpu.memory_space<vmem>>) semaphore(%dma_start3A_607 : memref<!tpu.dma_semaphore, #tpu.memory_space<semaphore_mem>>)
      %add3A_608 = arith.constant 1 : i32
      %add3A_609 = arith.addi %mul3A_587, %add3A_608 : i32
      %dma_start3A_610 = arith.constant 6 : i32
      %dma_start3A_611 = arith.constant 1 : i32
      %dma_start3A_612 = arith.constant 0 : i32
      %dma_start3A_613 = arith.constant 0 : i32
      %dma_start3A_614 = tpu.memref_slice %arg8[%dma_start3A_610, %dma_start3A_612, %dma_start3A_613] : memref<10x128x16xf32, #tpu.memory_space<vmem>> -> memref<1x128x16xf32, #tpu.memory_space<vmem>>
      %dma_start3A_615 = tpu.memref_squeeze %dma_start3A_614 : memref<1x128x16xf32, #tpu.memory_space<vmem>> -> memref<128x16xf32, #tpu.memory_space<vmem>>
      %dma_start3A_616 = arith.constant 0 : i32
      %dma_start3A_617 = tpu.memref_slice %arg6[%add3A_609, %dma_start3A_616] : memref<160x128xi32, #tpu.memory_space<vmem>> -> memref<1x128xi32, #tpu.memory_space<vmem>>
      %dma_start3A_618 = tpu.memref_squeeze %dma_start3A_617 : memref<1x128xi32, #tpu.memory_space<vmem>> -> memref<128xi32, #tpu.memory_space<vmem>>
      %dma_start3A_619 = arith.constant 0 : i32
      %dma_start3A_620 = arith.constant 0 : i32
      %dma_start3A_621 = tpu.memref_slice %arg4[%arg0, %dma_start3A_619, %dma_start3A_620] : memref<2x10240x16xf32, #tpu.memory_space<hbm>> -> memref<1x10240x16xf32, #tpu.memory_space<hbm>>
      %dma_start3A_622 = tpu.memref_squeeze %dma_start3A_621 : memref<1x10240x16xf32, #tpu.memory_space<hbm>> -> memref<10240x16xf32, #tpu.memory_space<hbm>>
      %dma_start3A_623 = arith.constant 0 : i32
      %dma_start3A_624 = arith.constant 0 : i32
      %dma_start3A_625 = tpu.memref_slice %dma_start3A_622[%dma_start3A_623, %dma_start3A_624] : memref<10240x16xf32, #tpu.memory_space<hbm>> -> memref<10240x16xf32, #tpu.memory_space<hbm>>
      %dma_start3A_626 = tpu.memref_slice %arg13[%dma_start3A_611] : memref<5x!tpu.dma_semaphore, #tpu.memory_space<semaphore_mem>> -> memref<1x!tpu.dma_semaphore, #tpu.memory_space<semaphore_mem>>
      %dma_start3A_627 = tpu.memref_squeeze %dma_start3A_626 : memref<1x!tpu.dma_semaphore, #tpu.memory_space<semaphore_mem>> -> memref<!tpu.dma_semaphore, #tpu.memory_space<semaphore_mem>>
      tpu.enqueue_indirect_dma source(%dma_start3A_625 : memref<10240x16xf32, #tpu.memory_space<hbm>>) target(%dma_start3A_615 : memref<128x16xf32, #tpu.memory_space<vmem>>) offsets(%dma_start3A_618 : memref<128xi32, #tpu.memory_space<vmem>>) semaphore(%dma_start3A_627 : memref<!tpu.dma_semaphore, #tpu.memory_space<semaphore_mem>>)
      %add3A_628 = arith.constant 2 : i32
      %add3A_629 = arith.addi %mul3A_587, %add3A_628 : i32
      %dma_start3A_630 = arith.constant 7 : i32
      %dma_start3A_631 = arith.constant 2 : i32
      %dma_start3A_632 = arith.constant 0 : i32
      %dma_start3A_633 = arith.constant 0 : i32
      %dma_start3A_634 = tpu.memref_slice %arg8[%dma_start3A_630, %dma_start3A_632, %dma_start3A_633] : memref<10x128x16xf32, #tpu.memory_space<vmem>> -> memref<1x128x16xf32, #tpu.memory_space<vmem>>
      %dma_start3A_635 = tpu.memref_squeeze %dma_start3A_634 : memref<1x128x16xf32, #tpu.memory_space<vmem>> -> memref<128x16xf32, #tpu.memory_space<vmem>>
      %dma_start3A_636 = arith.constant 0 : i32
      %dma_start3A_637 = tpu.memref_slice %arg6[%add3A_629, %dma_start3A_636] : memref<160x128xi32, #tpu.memory_space<vmem>> -> memref<1x128xi32, #tpu.memory_space<vmem>>
      %dma_start3A_638 = tpu.memref_squeeze %dma_start3A_637 : memref<1x128xi32, #tpu.memory_space<vmem>> -> memref<128xi32, #tpu.memory_space<vmem>>
      %dma_start3A_639 = arith.constant 0 : i32
      %dma_start3A_640 = arith.constant 0 : i32
      %dma_start3A_641 = tpu.memref_slice %arg4[%arg0, %dma_start3A_639, %dma_start3A_640] : memref<2x10240x16xf32, #tpu.memory_space<hbm>> -> memref<1x10240x16xf32, #tpu.memory_space<hbm>>
      %dma_start3A_642 = tpu.memref_squeeze %dma_start3A_641 : memref<1x10240x16xf32, #tpu.memory_space<hbm>> -> memref<10240x16xf32, #tpu.memory_space<hbm>>
      %dma_start3A_643 = arith.constant 0 : i32
      %dma_start3A_644 = arith.constant 0 : i32
      %dma_start3A_645 = tpu.memref_slice %dma_start3A_642[%dma_start3A_643, %dma_start3A_644] : memref<10240x16xf32, #tpu.memory_space<hbm>> -> memref<10240x16xf32, #tpu.memory_space<hbm>>
      %dma_start3A_646 = tpu.memref_slice %arg13[%dma_start3A_631] : memref<5x!tpu.dma_semaphore, #tpu.memory_space<semaphore_mem>> -> memref<1x!tpu.dma_semaphore, #tpu.memory_space<semaphore_mem>>
      %dma_start3A_647 = tpu.memref_squeeze %dma_start3A_646 : memref<1x!tpu.dma_semaphore, #tpu.memory_space<semaphore_mem>> -> memref<!tpu.dma_semaphore, #tpu.memory_space<semaphore_mem>>
      tpu.enqueue_indirect_dma source(%dma_start3A_645 : memref<10240x16xf32, #tpu.memory_space<hbm>>) target(%dma_start3A_635 : memref<128x16xf32, #tpu.memory_space<vmem>>) offsets(%dma_start3A_638 : memref<128xi32, #tpu.memory_space<vmem>>) semaphore(%dma_start3A_647 : memref<!tpu.dma_semaphore, #tpu.memory_space<semaphore_mem>>)
      %add3A_648 = arith.constant 3 : i32
      %add3A_649 = arith.addi %mul3A_587, %add3A_648 : i32
      %dma_start3A_650 = arith.constant 8 : i32
      %dma_start3A_651 = arith.constant 3 : i32
      %dma_start3A_652 = arith.constant 0 : i32
      %dma_start3A_653 = arith.constant 0 : i32
      %dma_start3A_654 = tpu.memref_slice %arg8[%dma_start3A_650, %dma_start3A_652, %dma_start3A_653] : memref<10x128x16xf32, #tpu.memory_space<vmem>> -> memref<1x128x16xf32, #tpu.memory_space<vmem>>
      %dma_start3A_655 = tpu.memref_squeeze %dma_start3A_654 : memref<1x128x16xf32, #tpu.memory_space<vmem>> -> memref<128x16xf32, #tpu.memory_space<vmem>>
      %dma_start3A_656 = arith.constant 0 : i32
      %dma_start3A_657 = tpu.memref_slice %arg6[%add3A_649, %dma_start3A_656] : memref<160x128xi32, #tpu.memory_space<vmem>> -> memref<1x128xi32, #tpu.memory_space<vmem>>
      %dma_start3A_658 = tpu.memref_squeeze %dma_start3A_657 : memref<1x128xi32, #tpu.memory_space<vmem>> -> memref<128xi32, #tpu.memory_space<vmem>>
      %dma_start3A_659 = arith.constant 0 : i32
      %dma_start3A_660 = arith.constant 0 : i32
      %dma_start3A_661 = tpu.memref_slice %arg4[%arg0, %dma_start3A_659, %dma_start3A_660] : memref<2x10240x16xf32, #tpu.memory_space<hbm>> -> memref<1x10240x16xf32, #tpu.memory_space<hbm>>
      %dma_start3A_662 = tpu.memref_squeeze %dma_start3A_661 : memref<1x10240x16xf32, #tpu.memory_space<hbm>> -> memref<10240x16xf32, #tpu.memory_space<hbm>>
      %dma_start3A_663 = arith.constant 0 : i32
      %dma_start3A_664 = arith.constant 0 : i32
      %dma_start3A_665 = tpu.memref_slice %dma_start3A_662[%dma_start3A_663, %dma_start3A_664] : memref<10240x16xf32, #tpu.memory_space<hbm>> -> memref<10240x16xf32, #tpu.memory_space<hbm>>
      %dma_start3A_666 = tpu.memref_slice %arg13[%dma_start3A_651] : memref<5x!tpu.dma_semaphore, #tpu.memory_space<semaphore_mem>> -> memref<1x!tpu.dma_semaphore, #tpu.memory_space<semaphore_mem>>
      %dma_start3A_667 = tpu.memref_squeeze %dma_start3A_666 : memref<1x!tpu.dma_semaphore, #tpu.memory_space<semaphore_mem>> -> memref<!tpu.dma_semaphore, #tpu.memory_space<semaphore_mem>>
      tpu.enqueue_indirect_dma source(%dma_start3A_665 : memref<10240x16xf32, #tpu.memory_space<hbm>>) target(%dma_start3A_655 : memref<128x16xf32, #tpu.memory_space<vmem>>) offsets(%dma_start3A_658 : memref<128xi32, #tpu.memory_space<vmem>>) semaphore(%dma_start3A_667 : memref<!tpu.dma_semaphore, #tpu.memory_space<semaphore_mem>>)
      %add3A_668 = arith.constant 4 : i32
      %add3A_669 = arith.addi %mul3A_587, %add3A_668 : i32
      %dma_start3A_670 = arith.constant 9 : i32
      %dma_start3A_671 = arith.constant 4 : i32
      %dma_start3A_672 = arith.constant 0 : i32
      %dma_start3A_673 = arith.constant 0 : i32
      %dma_start3A_674 = tpu.memref_slice %arg8[%dma_start3A_670, %dma_start3A_672, %dma_start3A_673] : memref<10x128x16xf32, #tpu.memory_space<vmem>> -> memref<1x128x16xf32, #tpu.memory_space<vmem>>
      %dma_start3A_675 = tpu.memref_squeeze %dma_start3A_674 : memref<1x128x16xf32, #tpu.memory_space<vmem>> -> memref<128x16xf32, #tpu.memory_space<vmem>>
      %dma_start3A_676 = arith.constant 0 : i32
      %dma_start3A_677 = tpu.memref_slice %arg6[%add3A_669, %dma_start3A_676] : memref<160x128xi32, #tpu.memory_space<vmem>> -> memref<1x128xi32, #tpu.memory_space<vmem>>
      %dma_start3A_678 = tpu.memref_squeeze %dma_start3A_677 : memref<1x128xi32, #tpu.memory_space<vmem>> -> memref<128xi32, #tpu.memory_space<vmem>>
      %dma_start3A_679 = arith.constant 0 : i32
      %dma_start3A_680 = arith.constant 0 : i32
      %dma_start3A_681 = tpu.memref_slice %arg4[%arg0, %dma_start3A_679, %dma_start3A_680] : memref<2x10240x16xf32, #tpu.memory_space<hbm>> -> memref<1x10240x16xf32, #tpu.memory_space<hbm>>
      %dma_start3A_682 = tpu.memref_squeeze %dma_start3A_681 : memref<1x10240x16xf32, #tpu.memory_space<hbm>> -> memref<10240x16xf32, #tpu.memory_space<hbm>>
      %dma_start3A_683 = arith.constant 0 : i32
      %dma_start3A_684 = arith.constant 0 : i32
      %dma_start3A_685 = tpu.memref_slice %dma_start3A_682[%dma_start3A_683, %dma_start3A_684] : memref<10240x16xf32, #tpu.memory_space<hbm>> -> memref<10240x16xf32, #tpu.memory_space<hbm>>
      %dma_start3A_686 = tpu.memref_slice %arg13[%dma_start3A_671] : memref<5x!tpu.dma_semaphore, #tpu.memory_space<semaphore_mem>> -> memref<1x!tpu.dma_semaphore, #tpu.memory_space<semaphore_mem>>
      %dma_start3A_687 = tpu.memref_squeeze %dma_start3A_686 : memref<1x!tpu.dma_semaphore, #tpu.memory_space<semaphore_mem>> -> memref<!tpu.dma_semaphore, #tpu.memory_space<semaphore_mem>>
      tpu.enqueue_indirect_dma source(%dma_start3A_685 : memref<10240x16xf32, #tpu.memory_space<hbm>>) target(%dma_start3A_675 : memref<128x16xf32, #tpu.memory_space<vmem>>) offsets(%dma_start3A_678 : memref<128xi32, #tpu.memory_space<vmem>>) semaphore(%dma_start3A_687 : memref<!tpu.dma_semaphore, #tpu.memory_space<semaphore_mem>>)
      %add3A_688 = arith.constant 1 : i32
      %add3A_689 = arith.addi %mul3A_369, %add3A_688 : i32
      %mul3A_690 = arith.constant 5 : i32
      %mul3A_691 = arith.muli %add3A_689, %mul3A_690 : i32
      %dma_wait3A_692 = arith.constant 5 : i32
      %dma_wait3A_693 = arith.constant 0 : i32
      %dma_wait3A_694 = arith.constant 0 : i32
      %dma_wait3A_695 = arith.constant 0 : i32
      %dma_wait3A_696 = tpu.memref_slice %arg8[%dma_wait3A_692, %dma_wait3A_694, %dma_wait3A_695] : memref<10x128x16xf32, #tpu.memory_space<vmem>> -> memref<1x128x16xf32, #tpu.memory_space<vmem>>
      %dma_wait3A_697 = tpu.memref_squeeze %dma_wait3A_696 : memref<1x128x16xf32, #tpu.memory_space<vmem>> -> memref<128x16xf32, #tpu.memory_space<vmem>>
      %dma_wait3A_698 = arith.constant 0 : i32
      %dma_wait3A_699 = arith.constant 0 : i32
      %dma_wait3A_700 = tpu.memref_slice %arg4[%arg0, %dma_wait3A_698, %dma_wait3A_699] : memref<2x10240x16xf32, #tpu.memory_space<hbm>> -> memref<1x10240x16xf32, #tpu.memory_space<hbm>>
      %dma_wait3A_701 = tpu.memref_squeeze %dma_wait3A_700 : memref<1x10240x16xf32, #tpu.memory_space<hbm>> -> memref<10240x16xf32, #tpu.memory_space<hbm>>
      %dma_wait3A_702 = arith.constant 0 : i32
      %dma_wait3A_703 = arith.constant 0 : i32
      %dma_wait3A_704 = tpu.memref_slice %dma_wait3A_701[%dma_wait3A_702, %dma_wait3A_703] : memref<10240x16xf32, #tpu.memory_space<hbm>> -> memref<128x16xf32, #tpu.memory_space<hbm>>
      %dma_wait3A_705 = tpu.memref_slice %arg13[%dma_wait3A_693] : memref<5x!tpu.dma_semaphore, #tpu.memory_space<semaphore_mem>> -> memref<1x!tpu.dma_semaphore, #tpu.memory_space<semaphore_mem>>
      %dma_wait3A_706 = tpu.memref_squeeze %dma_wait3A_705 : memref<1x!tpu.dma_semaphore, #tpu.memory_space<semaphore_mem>> -> memref<!tpu.dma_semaphore, #tpu.memory_space<semaphore_mem>>
      %dma_wait3A_707 = arith.constant 0 : i32
      %dma_wait3A_708 = arith.constant 0 : i32
      %dma_wait3A_709 = tpu.memref_slice %arg8[%dma_wait3A_692, %dma_wait3A_707, %dma_wait3A_708] : memref<10x128x16xf32, #tpu.memory_space<vmem>> -> memref<1x128x16xf32, #tpu.memory_space<vmem>>
      %dma_wait3A_710 = tpu.memref_squeeze %dma_wait3A_709 : memref<1x128x16xf32, #tpu.memory_space<vmem>> -> memref<128x16xf32, #tpu.memory_space<vmem>>
      %dma_wait3A_711 = arith.constant 0 : i32
      %dma_wait3A_712 = arith.constant 0 : i32
      %dma_wait3A_713 = tpu.memref_slice %arg4[%arg0, %dma_wait3A_711, %dma_wait3A_712] : memref<2x10240x16xf32, #tpu.memory_space<hbm>> -> memref<1x10240x16xf32, #tpu.memory_space<hbm>>
      %dma_wait3A_714 = tpu.memref_squeeze %dma_wait3A_713 : memref<1x10240x16xf32, #tpu.memory_space<hbm>> -> memref<10240x16xf32, #tpu.memory_space<hbm>>
      %dma_wait3A_715 = arith.constant 0 : i32
      %dma_wait3A_716 = arith.constant 0 : i32
      %dma_wait3A_717 = tpu.memref_slice %dma_wait3A_714[%dma_wait3A_715, %dma_wait3A_716] : memref<10240x16xf32, #tpu.memory_space<hbm>> -> memref<128x16xf32, #tpu.memory_space<hbm>>
      tpu.wait_dma2 semaphore(%dma_wait3A_706 : memref<!tpu.dma_semaphore, #tpu.memory_space<semaphore_mem>>) src(%dma_wait3A_717 : memref<128x16xf32, #tpu.memory_space<hbm>>) dst(%dma_wait3A_710 : memref<128x16xf32, #tpu.memory_space<vmem>>)
      %add3A_718 = arith.constant 0 : i32
      %add3A_719 = arith.addi %mul3A_691, %add3A_718 : i32
      %dma_start3A_720 = arith.constant 5 : i32
      %dma_start3A_721 = arith.constant 0 : i32
      %dma_start3A_722 = arith.constant 0 : i32
      %dma_start3A_723 = arith.constant 0 : i32
      %dma_start3A_724 = tpu.memref_slice %arg8[%dma_start3A_720, %dma_start3A_722, %dma_start3A_723] : memref<10x128x16xf32, #tpu.memory_space<vmem>> -> memref<1x128x16xf32, #tpu.memory_space<vmem>>
      %dma_start3A_725 = tpu.memref_squeeze %dma_start3A_724 : memref<1x128x16xf32, #tpu.memory_space<vmem>> -> memref<128x16xf32, #tpu.memory_space<vmem>>
      %dma_start3A_726 = arith.constant 0 : i32
      %dma_start3A_727 = tpu.memref_slice %arg7[%add3A_719, %dma_start3A_726] : memref<160x128xi32, #tpu.memory_space<vmem>> -> memref<1x128xi32, #tpu.memory_space<vmem>>
      %dma_start3A_728 = tpu.memref_squeeze %dma_start3A_727 : memref<1x128xi32, #tpu.memory_space<vmem>> -> memref<128xi32, #tpu.memory_space<vmem>>
      %dma_start3A_729 = arith.constant 0 : i32
      %dma_start3A_730 = arith.constant 0 : i32
      %dma_start3A_731 = tpu.memref_slice %arg11[%dma_start3A_729, %dma_start3A_730] : memref<10240x16xf32, #tpu.memory_space<vmem_shared>> -> memref<10240x16xf32, #tpu.memory_space<vmem_shared>>
      %dma_start3A_732 = tpu.memref_slice %arg15[%dma_start3A_721] : memref<5x!tpu.dma_semaphore, #tpu.memory_space<semaphore_mem>> -> memref<1x!tpu.dma_semaphore, #tpu.memory_space<semaphore_mem>>
      %dma_start3A_733 = tpu.memref_squeeze %dma_start3A_732 : memref<1x!tpu.dma_semaphore, #tpu.memory_space<semaphore_mem>> -> memref<!tpu.dma_semaphore, #tpu.memory_space<semaphore_mem>>
      tpu.enqueue_indirect_dma source(%dma_start3A_725 : memref<128x16xf32, #tpu.memory_space<vmem>>) target(%dma_start3A_731 : memref<10240x16xf32, #tpu.memory_space<vmem_shared>>) offsets(%dma_start3A_728 : memref<128xi32, #tpu.memory_space<vmem>>) semaphore(%dma_start3A_733 : memref<!tpu.dma_semaphore, #tpu.memory_space<semaphore_mem>>) {add = true}
      %dma_wait3A_734 = arith.constant 6 : i32
      %dma_wait3A_735 = arith.constant 1 : i32
      %dma_wait3A_736 = arith.constant 0 : i32
      %dma_wait3A_737 = arith.constant 0 : i32
      %dma_wait3A_738 = tpu.memref_slice %arg8[%dma_wait3A_734, %dma_wait3A_736, %dma_wait3A_737] : memref<10x128x16xf32, #tpu.memory_space<vmem>> -> memref<1x128x16xf32, #tpu.memory_space<vmem>>
      %dma_wait3A_739 = tpu.memref_squeeze %dma_wait3A_738 : memref<1x128x16xf32, #tpu.memory_space<vmem>> -> memref<128x16xf32, #tpu.memory_space<vmem>>
      %dma_wait3A_740 = arith.constant 0 : i32
      %dma_wait3A_741 = arith.constant 0 : i32
      %dma_wait3A_742 = tpu.memref_slice %arg4[%arg0, %dma_wait3A_740, %dma_wait3A_741] : memref<2x10240x16xf32, #tpu.memory_space<hbm>> -> memref<1x10240x16xf32, #tpu.memory_space<hbm>>
      %dma_wait3A_743 = tpu.memref_squeeze %dma_wait3A_742 : memref<1x10240x16xf32, #tpu.memory_space<hbm>> -> memref<10240x16xf32, #tpu.memory_space<hbm>>
      %dma_wait3A_744 = arith.constant 0 : i32
      %dma_wait3A_745 = arith.constant 0 : i32
      %dma_wait3A_746 = tpu.memref_slice %dma_wait3A_743[%dma_wait3A_744, %dma_wait3A_745] : memref<10240x16xf32, #tpu.memory_space<hbm>> -> memref<128x16xf32, #tpu.memory_space<hbm>>
      %dma_wait3A_747 = tpu.memref_slice %arg13[%dma_wait3A_735] : memref<5x!tpu.dma_semaphore, #tpu.memory_space<semaphore_mem>> -> memref<1x!tpu.dma_semaphore, #tpu.memory_space<semaphore_mem>>
      %dma_wait3A_748 = tpu.memref_squeeze %dma_wait3A_747 : memref<1x!tpu.dma_semaphore, #tpu.memory_space<semaphore_mem>> -> memref<!tpu.dma_semaphore, #tpu.memory_space<semaphore_mem>>
      %dma_wait3A_749 = arith.constant 0 : i32
      %dma_wait3A_750 = arith.constant 0 : i32
      %dma_wait3A_751 = tpu.memref_slice %arg8[%dma_wait3A_734, %dma_wait3A_749, %dma_wait3A_750] : memref<10x128x16xf32, #tpu.memory_space<vmem>> -> memref<1x128x16xf32, #tpu.memory_space<vmem>>
      %dma_wait3A_752 = tpu.memref_squeeze %dma_wait3A_751 : memref<1x128x16xf32, #tpu.memory_space<vmem>> -> memref<128x16xf32, #tpu.memory_space<vmem>>
      %dma_wait3A_753 = arith.constant 0 : i32
      %dma_wait3A_754 = arith.constant 0 : i32
      %dma_wait3A_755 = tpu.memref_slice %arg4[%arg0, %dma_wait3A_753, %dma_wait3A_754] : memref<2x10240x16xf32, #tpu.memory_space<hbm>> -> memref<1x10240x16xf32, #tpu.memory_space<hbm>>
      %dma_wait3A_756 = tpu.memref_squeeze %dma_wait3A_755 : memref<1x10240x16xf32, #tpu.memory_space<hbm>> -> memref<10240x16xf32, #tpu.memory_space<hbm>>
      %dma_wait3A_757 = arith.constant 0 : i32
      %dma_wait3A_758 = arith.constant 0 : i32
      %dma_wait3A_759 = tpu.memref_slice %dma_wait3A_756[%dma_wait3A_757, %dma_wait3A_758] : memref<10240x16xf32, #tpu.memory_space<hbm>> -> memref<128x16xf32, #tpu.memory_space<hbm>>
      tpu.wait_dma2 semaphore(%dma_wait3A_748 : memref<!tpu.dma_semaphore, #tpu.memory_space<semaphore_mem>>) src(%dma_wait3A_759 : memref<128x16xf32, #tpu.memory_space<hbm>>) dst(%dma_wait3A_752 : memref<128x16xf32, #tpu.memory_space<vmem>>)
      %add3A_760 = arith.constant 1 : i32
      %add3A_761 = arith.addi %mul3A_691, %add3A_760 : i32
      %dma_start3A_762 = arith.constant 6 : i32
      %dma_start3A_763 = arith.constant 1 : i32
      %dma_start3A_764 = arith.constant 0 : i32
      %dma_start3A_765 = arith.constant 0 : i32
      %dma_start3A_766 = tpu.memref_slice %arg8[%dma_start3A_762, %dma_start3A_764, %dma_start3A_765] : memref<10x128x16xf32, #tpu.memory_space<vmem>> -> memref<1x128x16xf32, #tpu.memory_space<vmem>>
      %dma_start3A_767 = tpu.memref_squeeze %dma_start3A_766 : memref<1x128x16xf32, #tpu.memory_space<vmem>> -> memref<128x16xf32, #tpu.memory_space<vmem>>
      %dma_start3A_768 = arith.constant 0 : i32
      %dma_start3A_769 = tpu.memref_slice %arg7[%add3A_761, %dma_start3A_768] : memref<160x128xi32, #tpu.memory_space<vmem>> -> memref<1x128xi32, #tpu.memory_space<vmem>>
      %dma_start3A_770 = tpu.memref_squeeze %dma_start3A_769 : memref<1x128xi32, #tpu.memory_space<vmem>> -> memref<128xi32, #tpu.memory_space<vmem>>
      %dma_start3A_771 = arith.constant 0 : i32
      %dma_start3A_772 = arith.constant 0 : i32
      %dma_start3A_773 = tpu.memref_slice %arg11[%dma_start3A_771, %dma_start3A_772] : memref<10240x16xf32, #tpu.memory_space<vmem_shared>> -> memref<10240x16xf32, #tpu.memory_space<vmem_shared>>
      %dma_start3A_774 = tpu.memref_slice %arg15[%dma_start3A_763] : memref<5x!tpu.dma_semaphore, #tpu.memory_space<semaphore_mem>> -> memref<1x!tpu.dma_semaphore, #tpu.memory_space<semaphore_mem>>
      %dma_start3A_775 = tpu.memref_squeeze %dma_start3A_774 : memref<1x!tpu.dma_semaphore, #tpu.memory_space<semaphore_mem>> -> memref<!tpu.dma_semaphore, #tpu.memory_space<semaphore_mem>>
      tpu.enqueue_indirect_dma source(%dma_start3A_767 : memref<128x16xf32, #tpu.memory_space<vmem>>) target(%dma_start3A_773 : memref<10240x16xf32, #tpu.memory_space<vmem_shared>>) offsets(%dma_start3A_770 : memref<128xi32, #tpu.memory_space<vmem>>) semaphore(%dma_start3A_775 : memref<!tpu.dma_semaphore, #tpu.memory_space<semaphore_mem>>) {add = true}
      %dma_wait3A_776 = arith.constant 7 : i32
      %dma_wait3A_777 = arith.constant 2 : i32
      %dma_wait3A_778 = arith.constant 0 : i32
      %dma_wait3A_779 = arith.constant 0 : i32
      %dma_wait3A_780 = tpu.memref_slice %arg8[%dma_wait3A_776, %dma_wait3A_778, %dma_wait3A_779] : memref<10x128x16xf32, #tpu.memory_space<vmem>> -> memref<1x128x16xf32, #tpu.memory_space<vmem>>
      %dma_wait3A_781 = tpu.memref_squeeze %dma_wait3A_780 : memref<1x128x16xf32, #tpu.memory_space<vmem>> -> memref<128x16xf32, #tpu.memory_space<vmem>>
      %dma_wait3A_782 = arith.constant 0 : i32
      %dma_wait3A_783 = arith.constant 0 : i32
      %dma_wait3A_784 = tpu.memref_slice %arg4[%arg0, %dma_wait3A_782, %dma_wait3A_783] : memref<2x10240x16xf32, #tpu.memory_space<hbm>> -> memref<1x10240x16xf32, #tpu.memory_space<hbm>>
      %dma_wait3A_785 = tpu.memref_squeeze %dma_wait3A_784 : memref<1x10240x16xf32, #tpu.memory_space<hbm>> -> memref<10240x16xf32, #tpu.memory_space<hbm>>
      %dma_wait3A_786 = arith.constant 0 : i32
      %dma_wait3A_787 = arith.constant 0 : i32
      %dma_wait3A_788 = tpu.memref_slice %dma_wait3A_785[%dma_wait3A_786, %dma_wait3A_787] : memref<10240x16xf32, #tpu.memory_space<hbm>> -> memref<128x16xf32, #tpu.memory_space<hbm>>
      %dma_wait3A_789 = tpu.memref_slice %arg13[%dma_wait3A_777] : memref<5x!tpu.dma_semaphore, #tpu.memory_space<semaphore_mem>> -> memref<1x!tpu.dma_semaphore, #tpu.memory_space<semaphore_mem>>
      %dma_wait3A_790 = tpu.memref_squeeze %dma_wait3A_789 : memref<1x!tpu.dma_semaphore, #tpu.memory_space<semaphore_mem>> -> memref<!tpu.dma_semaphore, #tpu.memory_space<semaphore_mem>>
      %dma_wait3A_791 = arith.constant 0 : i32
      %dma_wait3A_792 = arith.constant 0 : i32
      %dma_wait3A_793 = tpu.memref_slice %arg8[%dma_wait3A_776, %dma_wait3A_791, %dma_wait3A_792] : memref<10x128x16xf32, #tpu.memory_space<vmem>> -> memref<1x128x16xf32, #tpu.memory_space<vmem>>
      %dma_wait3A_794 = tpu.memref_squeeze %dma_wait3A_793 : memref<1x128x16xf32, #tpu.memory_space<vmem>> -> memref<128x16xf32, #tpu.memory_space<vmem>>
      %dma_wait3A_795 = arith.constant 0 : i32
      %dma_wait3A_796 = arith.constant 0 : i32
      %dma_wait3A_797 = tpu.memref_slice %arg4[%arg0, %dma_wait3A_795, %dma_wait3A_796] : memref<2x10240x16xf32, #tpu.memory_space<hbm>> -> memref<1x10240x16xf32, #tpu.memory_space<hbm>>
      %dma_wait3A_798 = tpu.memref_squeeze %dma_wait3A_797 : memref<1x10240x16xf32, #tpu.memory_space<hbm>> -> memref<10240x16xf32, #tpu.memory_space<hbm>>
      %dma_wait3A_799 = arith.constant 0 : i32
      %dma_wait3A_800 = arith.constant 0 : i32
      %dma_wait3A_801 = tpu.memref_slice %dma_wait3A_798[%dma_wait3A_799, %dma_wait3A_800] : memref<10240x16xf32, #tpu.memory_space<hbm>> -> memref<128x16xf32, #tpu.memory_space<hbm>>
      tpu.wait_dma2 semaphore(%dma_wait3A_790 : memref<!tpu.dma_semaphore, #tpu.memory_space<semaphore_mem>>) src(%dma_wait3A_801 : memref<128x16xf32, #tpu.memory_space<hbm>>) dst(%dma_wait3A_794 : memref<128x16xf32, #tpu.memory_space<vmem>>)
      %add3A_802 = arith.constant 2 : i32
      %add3A_803 = arith.addi %mul3A_691, %add3A_802 : i32
      %dma_start3A_804 = arith.constant 7 : i32
      %dma_start3A_805 = arith.constant 2 : i32
      %dma_start3A_806 = arith.constant 0 : i32
      %dma_start3A_807 = arith.constant 0 : i32
      %dma_start3A_808 = tpu.memref_slice %arg8[%dma_start3A_804, %dma_start3A_806, %dma_start3A_807] : memref<10x128x16xf32, #tpu.memory_space<vmem>> -> memref<1x128x16xf32, #tpu.memory_space<vmem>>
      %dma_start3A_809 = tpu.memref_squeeze %dma_start3A_808 : memref<1x128x16xf32, #tpu.memory_space<vmem>> -> memref<128x16xf32, #tpu.memory_space<vmem>>
      %dma_start3A_810 = arith.constant 0 : i32
      %dma_start3A_811 = tpu.memref_slice %arg7[%add3A_803, %dma_start3A_810] : memref<160x128xi32, #tpu.memory_space<vmem>> -> memref<1x128xi32, #tpu.memory_space<vmem>>
      %dma_start3A_812 = tpu.memref_squeeze %dma_start3A_811 : memref<1x128xi32, #tpu.memory_space<vmem>> -> memref<128xi32, #tpu.memory_space<vmem>>
      %dma_start3A_813 = arith.constant 0 : i32
      %dma_start3A_814 = arith.constant 0 : i32
      %dma_start3A_815 = tpu.memref_slice %arg11[%dma_start3A_813, %dma_start3A_814] : memref<10240x16xf32, #tpu.memory_space<vmem_shared>> -> memref<10240x16xf32, #tpu.memory_space<vmem_shared>>
      %dma_start3A_816 = tpu.memref_slice %arg15[%dma_start3A_805] : memref<5x!tpu.dma_semaphore, #tpu.memory_space<semaphore_mem>> -> memref<1x!tpu.dma_semaphore, #tpu.memory_space<semaphore_mem>>
      %dma_start3A_817 = tpu.memref_squeeze %dma_start3A_816 : memref<1x!tpu.dma_semaphore, #tpu.memory_space<semaphore_mem>> -> memref<!tpu.dma_semaphore, #tpu.memory_space<semaphore_mem>>
      tpu.enqueue_indirect_dma source(%dma_start3A_809 : memref<128x16xf32, #tpu.memory_space<vmem>>) target(%dma_start3A_815 : memref<10240x16xf32, #tpu.memory_space<vmem_shared>>) offsets(%dma_start3A_812 : memref<128xi32, #tpu.memory_space<vmem>>) semaphore(%dma_start3A_817 : memref<!tpu.dma_semaphore, #tpu.memory_space<semaphore_mem>>) {add = true}
      %dma_wait3A_818 = arith.constant 8 : i32
      %dma_wait3A_819 = arith.constant 3 : i32
      %dma_wait3A_820 = arith.constant 0 : i32
      %dma_wait3A_821 = arith.constant 0 : i32
      %dma_wait3A_822 = tpu.memref_slice %arg8[%dma_wait3A_818, %dma_wait3A_820, %dma_wait3A_821] : memref<10x128x16xf32, #tpu.memory_space<vmem>> -> memref<1x128x16xf32, #tpu.memory_space<vmem>>
      %dma_wait3A_823 = tpu.memref_squeeze %dma_wait3A_822 : memref<1x128x16xf32, #tpu.memory_space<vmem>> -> memref<128x16xf32, #tpu.memory_space<vmem>>
      %dma_wait3A_824 = arith.constant 0 : i32
      %dma_wait3A_825 = arith.constant 0 : i32
      %dma_wait3A_826 = tpu.memref_slice %arg4[%arg0, %dma_wait3A_824, %dma_wait3A_825] : memref<2x10240x16xf32, #tpu.memory_space<hbm>> -> memref<1x10240x16xf32, #tpu.memory_space<hbm>>
      %dma_wait3A_827 = tpu.memref_squeeze %dma_wait3A_826 : memref<1x10240x16xf32, #tpu.memory_space<hbm>> -> memref<10240x16xf32, #tpu.memory_space<hbm>>
      %dma_wait3A_828 = arith.constant 0 : i32
      %dma_wait3A_829 = arith.constant 0 : i32
      %dma_wait3A_830 = tpu.memref_slice %dma_wait3A_827[%dma_wait3A_828, %dma_wait3A_829] : memref<10240x16xf32, #tpu.memory_space<hbm>> -> memref<128x16xf32, #tpu.memory_space<hbm>>
      %dma_wait3A_831 = tpu.memref_slice %arg13[%dma_wait3A_819] : memref<5x!tpu.dma_semaphore, #tpu.memory_space<semaphore_mem>> -> memref<1x!tpu.dma_semaphore, #tpu.memory_space<semaphore_mem>>
      %dma_wait3A_832 = tpu.memref_squeeze %dma_wait3A_831 : memref<1x!tpu.dma_semaphore, #tpu.memory_space<semaphore_mem>> -> memref<!tpu.dma_semaphore, #tpu.memory_space<semaphore_mem>>
      %dma_wait3A_833 = arith.constant 0 : i32
      %dma_wait3A_834 = arith.constant 0 : i32
      %dma_wait3A_835 = tpu.memref_slice %arg8[%dma_wait3A_818, %dma_wait3A_833, %dma_wait3A_834] : memref<10x128x16xf32, #tpu.memory_space<vmem>> -> memref<1x128x16xf32, #tpu.memory_space<vmem>>
      %dma_wait3A_836 = tpu.memref_squeeze %dma_wait3A_835 : memref<1x128x16xf32, #tpu.memory_space<vmem>> -> memref<128x16xf32, #tpu.memory_space<vmem>>
      %dma_wait3A_837 = arith.constant 0 : i32
      %dma_wait3A_838 = arith.constant 0 : i32
      %dma_wait3A_839 = tpu.memref_slice %arg4[%arg0, %dma_wait3A_837, %dma_wait3A_838] : memref<2x10240x16xf32, #tpu.memory_space<hbm>> -> memref<1x10240x16xf32, #tpu.memory_space<hbm>>
      %dma_wait3A_840 = tpu.memref_squeeze %dma_wait3A_839 : memref<1x10240x16xf32, #tpu.memory_space<hbm>> -> memref<10240x16xf32, #tpu.memory_space<hbm>>
      %dma_wait3A_841 = arith.constant 0 : i32
      %dma_wait3A_842 = arith.constant 0 : i32
      %dma_wait3A_843 = tpu.memref_slice %dma_wait3A_840[%dma_wait3A_841, %dma_wait3A_842] : memref<10240x16xf32, #tpu.memory_space<hbm>> -> memref<128x16xf32, #tpu.memory_space<hbm>>
      tpu.wait_dma2 semaphore(%dma_wait3A_832 : memref<!tpu.dma_semaphore, #tpu.memory_space<semaphore_mem>>) src(%dma_wait3A_843 : memref<128x16xf32, #tpu.memory_space<hbm>>) dst(%dma_wait3A_836 : memref<128x16xf32, #tpu.memory_space<vmem>>)
      %add3A_844 = arith.constant 3 : i32
      %add3A_845 = arith.addi %mul3A_691, %add3A_844 : i32
      %dma_start3A_846 = arith.constant 8 : i32
      %dma_start3A_847 = arith.constant 3 : i32
      %dma_start3A_848 = arith.constant 0 : i32
      %dma_start3A_849 = arith.constant 0 : i32
      %dma_start3A_850 = tpu.memref_slice %arg8[%dma_start3A_846, %dma_start3A_848, %dma_start3A_849] : memref<10x128x16xf32, #tpu.memory_space<vmem>> -> memref<1x128x16xf32, #tpu.memory_space<vmem>>
      %dma_start3A_851 = tpu.memref_squeeze %dma_start3A_850 : memref<1x128x16xf32, #tpu.memory_space<vmem>> -> memref<128x16xf32, #tpu.memory_space<vmem>>
      %dma_start3A_852 = arith.constant 0 : i32
      %dma_start3A_853 = tpu.memref_slice %arg7[%add3A_845, %dma_start3A_852] : memref<160x128xi32, #tpu.memory_space<vmem>> -> memref<1x128xi32, #tpu.memory_space<vmem>>
      %dma_start3A_854 = tpu.memref_squeeze %dma_start3A_853 : memref<1x128xi32, #tpu.memory_space<vmem>> -> memref<128xi32, #tpu.memory_space<vmem>>
      %dma_start3A_855 = arith.constant 0 : i32
      %dma_start3A_856 = arith.constant 0 : i32
      %dma_start3A_857 = tpu.memref_slice %arg11[%dma_start3A_855, %dma_start3A_856] : memref<10240x16xf32, #tpu.memory_space<vmem_shared>> -> memref<10240x16xf32, #tpu.memory_space<vmem_shared>>
      %dma_start3A_858 = tpu.memref_slice %arg15[%dma_start3A_847] : memref<5x!tpu.dma_semaphore, #tpu.memory_space<semaphore_mem>> -> memref<1x!tpu.dma_semaphore, #tpu.memory_space<semaphore_mem>>
      %dma_start3A_859 = tpu.memref_squeeze %dma_start3A_858 : memref<1x!tpu.dma_semaphore, #tpu.memory_space<semaphore_mem>> -> memref<!tpu.dma_semaphore, #tpu.memory_space<semaphore_mem>>
      tpu.enqueue_indirect_dma source(%dma_start3A_851 : memref<128x16xf32, #tpu.memory_space<vmem>>) target(%dma_start3A_857 : memref<10240x16xf32, #tpu.memory_space<vmem_shared>>) offsets(%dma_start3A_854 : memref<128xi32, #tpu.memory_space<vmem>>) semaphore(%dma_start3A_859 : memref<!tpu.dma_semaphore, #tpu.memory_space<semaphore_mem>>) {add = true}
      %dma_wait3A_860 = arith.constant 9 : i32
      %dma_wait3A_861 = arith.constant 4 : i32
      %dma_wait3A_862 = arith.constant 0 : i32
      %dma_wait3A_863 = arith.constant 0 : i32
      %dma_wait3A_864 = tpu.memref_slice %arg8[%dma_wait3A_860, %dma_wait3A_862, %dma_wait3A_863] : memref<10x128x16xf32, #tpu.memory_space<vmem>> -> memref<1x128x16xf32, #tpu.memory_space<vmem>>
      %dma_wait3A_865 = tpu.memref_squeeze %dma_wait3A_864 : memref<1x128x16xf32, #tpu.memory_space<vmem>> -> memref<128x16xf32, #tpu.memory_space<vmem>>
      %dma_wait3A_866 = arith.constant 0 : i32
      %dma_wait3A_867 = arith.constant 0 : i32
      %dma_wait3A_868 = tpu.memref_slice %arg4[%arg0, %dma_wait3A_866, %dma_wait3A_867] : memref<2x10240x16xf32, #tpu.memory_space<hbm>> -> memref<1x10240x16xf32, #tpu.memory_space<hbm>>
      %dma_wait3A_869 = tpu.memref_squeeze %dma_wait3A_868 : memref<1x10240x16xf32, #tpu.memory_space<hbm>> -> memref<10240x16xf32, #tpu.memory_space<hbm>>
      %dma_wait3A_870 = arith.constant 0 : i32
      %dma_wait3A_871 = arith.constant 0 : i32
      %dma_wait3A_872 = tpu.memref_slice %dma_wait3A_869[%dma_wait3A_870, %dma_wait3A_871] : memref<10240x16xf32, #tpu.memory_space<hbm>> -> memref<128x16xf32, #tpu.memory_space<hbm>>
      %dma_wait3A_873 = tpu.memref_slice %arg13[%dma_wait3A_861] : memref<5x!tpu.dma_semaphore, #tpu.memory_space<semaphore_mem>> -> memref<1x!tpu.dma_semaphore, #tpu.memory_space<semaphore_mem>>
      %dma_wait3A_874 = tpu.memref_squeeze %dma_wait3A_873 : memref<1x!tpu.dma_semaphore, #tpu.memory_space<semaphore_mem>> -> memref<!tpu.dma_semaphore, #tpu.memory_space<semaphore_mem>>
      %dma_wait3A_875 = arith.constant 0 : i32
      %dma_wait3A_876 = arith.constant 0 : i32
      %dma_wait3A_877 = tpu.memref_slice %arg8[%dma_wait3A_860, %dma_wait3A_875, %dma_wait3A_876] : memref<10x128x16xf32, #tpu.memory_space<vmem>> -> memref<1x128x16xf32, #tpu.memory_space<vmem>>
      %dma_wait3A_878 = tpu.memref_squeeze %dma_wait3A_877 : memref<1x128x16xf32, #tpu.memory_space<vmem>> -> memref<128x16xf32, #tpu.memory_space<vmem>>
      %dma_wait3A_879 = arith.constant 0 : i32
      %dma_wait3A_880 = arith.constant 0 : i32
      %dma_wait3A_881 = tpu.memref_slice %arg4[%arg0, %dma_wait3A_879, %dma_wait3A_880] : memref<2x10240x16xf32, #tpu.memory_space<hbm>> -> memref<1x10240x16xf32, #tpu.memory_space<hbm>>
      %dma_wait3A_882 = tpu.memref_squeeze %dma_wait3A_881 : memref<1x10240x16xf32, #tpu.memory_space<hbm>> -> memref<10240x16xf32, #tpu.memory_space<hbm>>
      %dma_wait3A_883 = arith.constant 0 : i32
      %dma_wait3A_884 = arith.constant 0 : i32
      %dma_wait3A_885 = tpu.memref_slice %dma_wait3A_882[%dma_wait3A_883, %dma_wait3A_884] : memref<10240x16xf32, #tpu.memory_space<hbm>> -> memref<128x16xf32, #tpu.memory_space<hbm>>
      tpu.wait_dma2 semaphore(%dma_wait3A_874 : memref<!tpu.dma_semaphore, #tpu.memory_space<semaphore_mem>>) src(%dma_wait3A_885 : memref<128x16xf32, #tpu.memory_space<hbm>>) dst(%dma_wait3A_878 : memref<128x16xf32, #tpu.memory_space<vmem>>)
      %add3A_886 = arith.constant 4 : i32
      %add3A_887 = arith.addi %mul3A_691, %add3A_886 : i32
      %dma_start3A_888 = arith.constant 9 : i32
      %dma_start3A_889 = arith.constant 4 : i32
      %dma_start3A_890 = arith.constant 0 : i32
      %dma_start3A_891 = arith.constant 0 : i32
      %dma_start3A_892 = tpu.memref_slice %arg8[%dma_start3A_888, %dma_start3A_890, %dma_start3A_891] : memref<10x128x16xf32, #tpu.memory_space<vmem>> -> memref<1x128x16xf32, #tpu.memory_space<vmem>>
      %dma_start3A_893 = tpu.memref_squeeze %dma_start3A_892 : memref<1x128x16xf32, #tpu.memory_space<vmem>> -> memref<128x16xf32, #tpu.memory_space<vmem>>
      %dma_start3A_894 = arith.constant 0 : i32
      %dma_start3A_895 = tpu.memref_slice %arg7[%add3A_887, %dma_start3A_894] : memref<160x128xi32, #tpu.memory_space<vmem>> -> memref<1x128xi32, #tpu.memory_space<vmem>>
      %dma_start3A_896 = tpu.memref_squeeze %dma_start3A_895 : memref<1x128xi32, #tpu.memory_space<vmem>> -> memref<128xi32, #tpu.memory_space<vmem>>
      %dma_start3A_897 = arith.constant 0 : i32
      %dma_start3A_898 = arith.constant 0 : i32
      %dma_start3A_899 = tpu.memref_slice %arg11[%dma_start3A_897, %dma_start3A_898] : memref<10240x16xf32, #tpu.memory_space<vmem_shared>> -> memref<10240x16xf32, #tpu.memory_space<vmem_shared>>
      %dma_start3A_900 = tpu.memref_slice %arg15[%dma_start3A_889] : memref<5x!tpu.dma_semaphore, #tpu.memory_space<semaphore_mem>> -> memref<1x!tpu.dma_semaphore, #tpu.memory_space<semaphore_mem>>
      %dma_start3A_901 = tpu.memref_squeeze %dma_start3A_900 : memref<1x!tpu.dma_semaphore, #tpu.memory_space<semaphore_mem>> -> memref<!tpu.dma_semaphore, #tpu.memory_space<semaphore_mem>>
      tpu.enqueue_indirect_dma source(%dma_start3A_893 : memref<128x16xf32, #tpu.memory_space<vmem>>) target(%dma_start3A_899 : memref<10240x16xf32, #tpu.memory_space<vmem_shared>>) offsets(%dma_start3A_896 : memref<128xi32, #tpu.memory_space<vmem>>) semaphore(%dma_start3A_901 : memref<!tpu.dma_semaphore, #tpu.memory_space<semaphore_mem>>) {add = true}
      %dma_wait3A_902 = arith.constant 0 : i32
      %dma_wait3A_903 = arith.constant 0 : i32
      %dma_wait3A_904 = arith.constant 0 : i32
      %dma_wait3A_905 = arith.constant 0 : i32
      %dma_wait3A_906 = tpu.memref_slice %arg8[%dma_wait3A_902, %dma_wait3A_904, %dma_wait3A_905] : memref<10x128x16xf32, #tpu.memory_space<vmem>> -> memref<1x128x16xf32, #tpu.memory_space<vmem>>
      %dma_wait3A_907 = tpu.memref_squeeze %dma_wait3A_906 : memref<1x128x16xf32, #tpu.memory_space<vmem>> -> memref<128x16xf32, #tpu.memory_space<vmem>>
      %dma_wait3A_908 = arith.constant 0 : i32
      %dma_wait3A_909 = arith.constant 0 : i32
      %dma_wait3A_910 = tpu.memref_slice %arg4[%arg0, %dma_wait3A_908, %dma_wait3A_909] : memref<2x10240x16xf32, #tpu.memory_space<hbm>> -> memref<1x10240x16xf32, #tpu.memory_space<hbm>>
      %dma_wait3A_911 = tpu.memref_squeeze %dma_wait3A_910 : memref<1x10240x16xf32, #tpu.memory_space<hbm>> -> memref<10240x16xf32, #tpu.memory_space<hbm>>
      %dma_wait3A_912 = arith.constant 0 : i32
      %dma_wait3A_913 = arith.constant 0 : i32
      %dma_wait3A_914 = tpu.memref_slice %dma_wait3A_911[%dma_wait3A_912, %dma_wait3A_913] : memref<10240x16xf32, #tpu.memory_space<hbm>> -> memref<128x16xf32, #tpu.memory_space<hbm>>
      %dma_wait3A_915 = tpu.memref_slice %arg14[%dma_wait3A_903] : memref<5x!tpu.dma_semaphore, #tpu.memory_space<semaphore_mem>> -> memref<1x!tpu.dma_semaphore, #tpu.memory_space<semaphore_mem>>
      %dma_wait3A_916 = tpu.memref_squeeze %dma_wait3A_915 : memref<1x!tpu.dma_semaphore, #tpu.memory_space<semaphore_mem>> -> memref<!tpu.dma_semaphore, #tpu.memory_space<semaphore_mem>>
      %dma_wait3A_917 = arith.constant 0 : i32
      %dma_wait3A_918 = arith.constant 0 : i32
      %dma_wait3A_919 = tpu.memref_slice %arg8[%dma_wait3A_902, %dma_wait3A_917, %dma_wait3A_918] : memref<10x128x16xf32, #tpu.memory_space<vmem>> -> memref<1x128x16xf32, #tpu.memory_space<vmem>>
      %dma_wait3A_920 = tpu.memref_squeeze %dma_wait3A_919 : memref<1x128x16xf32, #tpu.memory_space<vmem>> -> memref<128x16xf32, #tpu.memory_space<vmem>>
      %dma_wait3A_921 = arith.constant 0 : i32
      %dma_wait3A_922 = arith.constant 0 : i32
      %dma_wait3A_923 = tpu.memref_slice %arg4[%arg0, %dma_wait3A_921, %dma_wait3A_922] : memref<2x10240x16xf32, #tpu.memory_space<hbm>> -> memref<1x10240x16xf32, #tpu.memory_space<hbm>>
      %dma_wait3A_924 = tpu.memref_squeeze %dma_wait3A_923 : memref<1x10240x16xf32, #tpu.memory_space<hbm>> -> memref<10240x16xf32, #tpu.memory_space<hbm>>
      %dma_wait3A_925 = arith.constant 0 : i32
      %dma_wait3A_926 = arith.constant 0 : i32
      %dma_wait3A_927 = tpu.memref_slice %dma_wait3A_924[%dma_wait3A_925, %dma_wait3A_926] : memref<10240x16xf32, #tpu.memory_space<hbm>> -> memref<128x16xf32, #tpu.memory_space<hbm>>
      tpu.wait_dma2 semaphore(%dma_wait3A_916 : memref<!tpu.dma_semaphore, #tpu.memory_space<semaphore_mem>>) src(%dma_wait3A_927 : memref<128x16xf32, #tpu.memory_space<hbm>>) dst(%dma_wait3A_920 : memref<128x16xf32, #tpu.memory_space<vmem>>)
      %dma_wait3A_928 = arith.constant 1 : i32
      %dma_wait3A_929 = arith.constant 1 : i32
      %dma_wait3A_930 = arith.constant 0 : i32
      %dma_wait3A_931 = arith.constant 0 : i32
      %dma_wait3A_932 = tpu.memref_slice %arg8[%dma_wait3A_928, %dma_wait3A_930, %dma_wait3A_931] : memref<10x128x16xf32, #tpu.memory_space<vmem>> -> memref<1x128x16xf32, #tpu.memory_space<vmem>>
      %dma_wait3A_933 = tpu.memref_squeeze %dma_wait3A_932 : memref<1x128x16xf32, #tpu.memory_space<vmem>> -> memref<128x16xf32, #tpu.memory_space<vmem>>
      %dma_wait3A_934 = arith.constant 0 : i32
      %dma_wait3A_935 = arith.constant 0 : i32
      %dma_wait3A_936 = tpu.memref_slice %arg4[%arg0, %dma_wait3A_934, %dma_wait3A_935] : memref<2x10240x16xf32, #tpu.memory_space<hbm>> -> memref<1x10240x16xf32, #tpu.memory_space<hbm>>
      %dma_wait3A_937 = tpu.memref_squeeze %dma_wait3A_936 : memref<1x10240x16xf32, #tpu.memory_space<hbm>> -> memref<10240x16xf32, #tpu.memory_space<hbm>>
      %dma_wait3A_938 = arith.constant 0 : i32
      %dma_wait3A_939 = arith.constant 0 : i32
      %dma_wait3A_940 = tpu.memref_slice %dma_wait3A_937[%dma_wait3A_938, %dma_wait3A_939] : memref<10240x16xf32, #tpu.memory_space<hbm>> -> memref<128x16xf32, #tpu.memory_space<hbm>>
      %dma_wait3A_941 = tpu.memref_slice %arg14[%dma_wait3A_929] : memref<5x!tpu.dma_semaphore, #tpu.memory_space<semaphore_mem>> -> memref<1x!tpu.dma_semaphore, #tpu.memory_space<semaphore_mem>>
      %dma_wait3A_942 = tpu.memref_squeeze %dma_wait3A_941 : memref<1x!tpu.dma_semaphore, #tpu.memory_space<semaphore_mem>> -> memref<!tpu.dma_semaphore, #tpu.memory_space<semaphore_mem>>
      %dma_wait3A_943 = arith.constant 0 : i32
      %dma_wait3A_944 = arith.constant 0 : i32
      %dma_wait3A_945 = tpu.memref_slice %arg8[%dma_wait3A_928, %dma_wait3A_943, %dma_wait3A_944] : memref<10x128x16xf32, #tpu.memory_space<vmem>> -> memref<1x128x16xf32, #tpu.memory_space<vmem>>
      %dma_wait3A_946 = tpu.memref_squeeze %dma_wait3A_945 : memref<1x128x16xf32, #tpu.memory_space<vmem>> -> memref<128x16xf32, #tpu.memory_space<vmem>>
      %dma_wait3A_947 = arith.constant 0 : i32
      %dma_wait3A_948 = arith.constant 0 : i32
      %dma_wait3A_949 = tpu.memref_slice %arg4[%arg0, %dma_wait3A_947, %dma_wait3A_948] : memref<2x10240x16xf32, #tpu.memory_space<hbm>> -> memref<1x10240x16xf32, #tpu.memory_space<hbm>>
      %dma_wait3A_950 = tpu.memref_squeeze %dma_wait3A_949 : memref<1x10240x16xf32, #tpu.memory_space<hbm>> -> memref<10240x16xf32, #tpu.memory_space<hbm>>
      %dma_wait3A_951 = arith.constant 0 : i32
      %dma_wait3A_952 = arith.constant 0 : i32
      %dma_wait3A_953 = tpu.memref_slice %dma_wait3A_950[%dma_wait3A_951, %dma_wait3A_952] : memref<10240x16xf32, #tpu.memory_space<hbm>> -> memref<128x16xf32, #tpu.memory_space<hbm>>
      tpu.wait_dma2 semaphore(%dma_wait3A_942 : memref<!tpu.dma_semaphore, #tpu.memory_space<semaphore_mem>>) src(%dma_wait3A_953 : memref<128x16xf32, #tpu.memory_space<hbm>>) dst(%dma_wait3A_946 : memref<128x16xf32, #tpu.memory_space<vmem>>)
      %dma_wait3A_954 = arith.constant 2 : i32
      %dma_wait3A_955 = arith.constant 2 : i32
      %dma_wait3A_956 = arith.constant 0 : i32
      %dma_wait3A_957 = arith.constant 0 : i32
      %dma_wait3A_958 = tpu.memref_slice %arg8[%dma_wait3A_954, %dma_wait3A_956, %dma_wait3A_957] : memref<10x128x16xf32, #tpu.memory_space<vmem>> -> memref<1x128x16xf32, #tpu.memory_space<vmem>>
      %dma_wait3A_959 = tpu.memref_squeeze %dma_wait3A_958 : memref<1x128x16xf32, #tpu.memory_space<vmem>> -> memref<128x16xf32, #tpu.memory_space<vmem>>
      %dma_wait3A_960 = arith.constant 0 : i32
      %dma_wait3A_961 = arith.constant 0 : i32
      %dma_wait3A_962 = tpu.memref_slice %arg4[%arg0, %dma_wait3A_960, %dma_wait3A_961] : memref<2x10240x16xf32, #tpu.memory_space<hbm>> -> memref<1x10240x16xf32, #tpu.memory_space<hbm>>
      %dma_wait3A_963 = tpu.memref_squeeze %dma_wait3A_962 : memref<1x10240x16xf32, #tpu.memory_space<hbm>> -> memref<10240x16xf32, #tpu.memory_space<hbm>>
      %dma_wait3A_964 = arith.constant 0 : i32
      %dma_wait3A_965 = arith.constant 0 : i32
      %dma_wait3A_966 = tpu.memref_slice %dma_wait3A_963[%dma_wait3A_964, %dma_wait3A_965] : memref<10240x16xf32, #tpu.memory_space<hbm>> -> memref<128x16xf32, #tpu.memory_space<hbm>>
      %dma_wait3A_967 = tpu.memref_slice %arg14[%dma_wait3A_955] : memref<5x!tpu.dma_semaphore, #tpu.memory_space<semaphore_mem>> -> memref<1x!tpu.dma_semaphore, #tpu.memory_space<semaphore_mem>>
      %dma_wait3A_968 = tpu.memref_squeeze %dma_wait3A_967 : memref<1x!tpu.dma_semaphore, #tpu.memory_space<semaphore_mem>> -> memref<!tpu.dma_semaphore, #tpu.memory_space<semaphore_mem>>
      %dma_wait3A_969 = arith.constant 0 : i32
      %dma_wait3A_970 = arith.constant 0 : i32
      %dma_wait3A_971 = tpu.memref_slice %arg8[%dma_wait3A_954, %dma_wait3A_969, %dma_wait3A_970] : memref<10x128x16xf32, #tpu.memory_space<vmem>> -> memref<1x128x16xf32, #tpu.memory_space<vmem>>
      %dma_wait3A_972 = tpu.memref_squeeze %dma_wait3A_971 : memref<1x128x16xf32, #tpu.memory_space<vmem>> -> memref<128x16xf32, #tpu.memory_space<vmem>>
      %dma_wait3A_973 = arith.constant 0 : i32
      %dma_wait3A_974 = arith.constant 0 : i32
      %dma_wait3A_975 = tpu.memref_slice %arg4[%arg0, %dma_wait3A_973, %dma_wait3A_974] : memref<2x10240x16xf32, #tpu.memory_space<hbm>> -> memref<1x10240x16xf32, #tpu.memory_space<hbm>>
      %dma_wait3A_976 = tpu.memref_squeeze %dma_wait3A_975 : memref<1x10240x16xf32, #tpu.memory_space<hbm>> -> memref<10240x16xf32, #tpu.memory_space<hbm>>
      %dma_wait3A_977 = arith.constant 0 : i32
      %dma_wait3A_978 = arith.constant 0 : i32
      %dma_wait3A_979 = tpu.memref_slice %dma_wait3A_976[%dma_wait3A_977, %dma_wait3A_978] : memref<10240x16xf32, #tpu.memory_space<hbm>> -> memref<128x16xf32, #tpu.memory_space<hbm>>
      tpu.wait_dma2 semaphore(%dma_wait3A_968 : memref<!tpu.dma_semaphore, #tpu.memory_space<semaphore_mem>>) src(%dma_wait3A_979 : memref<128x16xf32, #tpu.memory_space<hbm>>) dst(%dma_wait3A_972 : memref<128x16xf32, #tpu.memory_space<vmem>>)
      %dma_wait3A_980 = arith.constant 3 : i32
      %dma_wait3A_981 = arith.constant 3 : i32
      %dma_wait3A_982 = arith.constant 0 : i32
      %dma_wait3A_983 = arith.constant 0 : i32
      %dma_wait3A_984 = tpu.memref_slice %arg8[%dma_wait3A_980, %dma_wait3A_982, %dma_wait3A_983] : memref<10x128x16xf32, #tpu.memory_space<vmem>> -> memref<1x128x16xf32, #tpu.memory_space<vmem>>
      %dma_wait3A_985 = tpu.memref_squeeze %dma_wait3A_984 : memref<1x128x16xf32, #tpu.memory_space<vmem>> -> memref<128x16xf32, #tpu.memory_space<vmem>>
      %dma_wait3A_986 = arith.constant 0 : i32
      %dma_wait3A_987 = arith.constant 0 : i32
      %dma_wait3A_988 = tpu.memref_slice %arg4[%arg0, %dma_wait3A_986, %dma_wait3A_987] : memref<2x10240x16xf32, #tpu.memory_space<hbm>> -> memref<1x10240x16xf32, #tpu.memory_space<hbm>>
      %dma_wait3A_989 = tpu.memref_squeeze %dma_wait3A_988 : memref<1x10240x16xf32, #tpu.memory_space<hbm>> -> memref<10240x16xf32, #tpu.memory_space<hbm>>
      %dma_wait3A_990 = arith.constant 0 : i32
      %dma_wait3A_991 = arith.constant 0 : i32
      %dma_wait3A_992 = tpu.memref_slice %dma_wait3A_989[%dma_wait3A_990, %dma_wait3A_991] : memref<10240x16xf32, #tpu.memory_space<hbm>> -> memref<128x16xf32, #tpu.memory_space<hbm>>
      %dma_wait3A_993 = tpu.memref_slice %arg14[%dma_wait3A_981] : memref<5x!tpu.dma_semaphore, #tpu.memory_space<semaphore_mem>> -> memref<1x!tpu.dma_semaphore, #tpu.memory_space<semaphore_mem>>
      %dma_wait3A_994 = tpu.memref_squeeze %dma_wait3A_993 : memref<1x!tpu.dma_semaphore, #tpu.memory_space<semaphore_mem>> -> memref<!tpu.dma_semaphore, #tpu.memory_space<semaphore_mem>>
      %dma_wait3A_995 = arith.constant 0 : i32
      %dma_wait3A_996 = arith.constant 0 : i32
      %dma_wait3A_997 = tpu.memref_slice %arg8[%dma_wait3A_980, %dma_wait3A_995, %dma_wait3A_996] : memref<10x128x16xf32, #tpu.memory_space<vmem>> -> memref<1x128x16xf32, #tpu.memory_space<vmem>>
      %dma_wait3A_998 = tpu.memref_squeeze %dma_wait3A_997 : memref<1x128x16xf32, #tpu.memory_space<vmem>> -> memref<128x16xf32, #tpu.memory_space<vmem>>
      %dma_wait3A_999 = arith.constant 0 : i32
      %dma_wait3A_1000 = arith.constant 0 : i32
      %dma_wait3A_1001 = tpu.memref_slice %arg4[%arg0, %dma_wait3A_999, %dma_wait3A_1000] : memref<2x10240x16xf32, #tpu.memory_space<hbm>> -> memref<1x10240x16xf32, #tpu.memory_space<hbm>>
      %dma_wait3A_1002 = tpu.memref_squeeze %dma_wait3A_1001 : memref<1x10240x16xf32, #tpu.memory_space<hbm>> -> memref<10240x16xf32, #tpu.memory_space<hbm>>
      %dma_wait3A_1003 = arith.constant 0 : i32
      %dma_wait3A_1004 = arith.constant 0 : i32
      %dma_wait3A_1005 = tpu.memref_slice %dma_wait3A_1002[%dma_wait3A_1003, %dma_wait3A_1004] : memref<10240x16xf32, #tpu.memory_space<hbm>> -> memref<128x16xf32, #tpu.memory_space<hbm>>
      tpu.wait_dma2 semaphore(%dma_wait3A_994 : memref<!tpu.dma_semaphore, #tpu.memory_space<semaphore_mem>>) src(%dma_wait3A_1005 : memref<128x16xf32, #tpu.memory_space<hbm>>) dst(%dma_wait3A_998 : memref<128x16xf32, #tpu.memory_space<vmem>>)
      %dma_wait3A_1006 = arith.constant 4 : i32
      %dma_wait3A_1007 = arith.constant 4 : i32
      %dma_wait3A_1008 = arith.constant 0 : i32
      %dma_wait3A_1009 = arith.constant 0 : i32
      %dma_wait3A_1010 = tpu.memref_slice %arg8[%dma_wait3A_1006, %dma_wait3A_1008, %dma_wait3A_1009] : memref<10x128x16xf32, #tpu.memory_space<vmem>> -> memref<1x128x16xf32, #tpu.memory_space<vmem>>
      %dma_wait3A_1011 = tpu.memref_squeeze %dma_wait3A_1010 : memref<1x128x16xf32, #tpu.memory_space<vmem>> -> memref<128x16xf32, #tpu.memory_space<vmem>>
      %dma_wait3A_1012 = arith.constant 0 : i32
      %dma_wait3A_1013 = arith.constant 0 : i32
      %dma_wait3A_1014 = tpu.memref_slice %arg4[%arg0, %dma_wait3A_1012, %dma_wait3A_1013] : memref<2x10240x16xf32, #tpu.memory_space<hbm>> -> memref<1x10240x16xf32, #tpu.memory_space<hbm>>
      %dma_wait3A_1015 = tpu.memref_squeeze %dma_wait3A_1014 : memref<1x10240x16xf32, #tpu.memory_space<hbm>> -> memref<10240x16xf32, #tpu.memory_space<hbm>>
      %dma_wait3A_1016 = arith.constant 0 : i32
      %dma_wait3A_1017 = arith.constant 0 : i32
      %dma_wait3A_1018 = tpu.memref_slice %dma_wait3A_1015[%dma_wait3A_1016, %dma_wait3A_1017] : memref<10240x16xf32, #tpu.memory_space<hbm>> -> memref<128x16xf32, #tpu.memory_space<hbm>>
      %dma_wait3A_1019 = tpu.memref_slice %arg14[%dma_wait3A_1007] : memref<5x!tpu.dma_semaphore, #tpu.memory_space<semaphore_mem>> -> memref<1x!tpu.dma_semaphore, #tpu.memory_space<semaphore_mem>>
      %dma_wait3A_1020 = tpu.memref_squeeze %dma_wait3A_1019 : memref<1x!tpu.dma_semaphore, #tpu.memory_space<semaphore_mem>> -> memref<!tpu.dma_semaphore, #tpu.memory_space<semaphore_mem>>
      %dma_wait3A_1021 = arith.constant 0 : i32
      %dma_wait3A_1022 = arith.constant 0 : i32
      %dma_wait3A_1023 = tpu.memref_slice %arg8[%dma_wait3A_1006, %dma_wait3A_1021, %dma_wait3A_1022] : memref<10x128x16xf32, #tpu.memory_space<vmem>> -> memref<1x128x16xf32, #tpu.memory_space<vmem>>
      %dma_wait3A_1024 = tpu.memref_squeeze %dma_wait3A_1023 : memref<1x128x16xf32, #tpu.memory_space<vmem>> -> memref<128x16xf32, #tpu.memory_space<vmem>>
      %dma_wait3A_1025 = arith.constant 0 : i32
      %dma_wait3A_1026 = arith.constant 0 : i32
      %dma_wait3A_1027 = tpu.memref_slice %arg4[%arg0, %dma_wait3A_1025, %dma_wait3A_1026] : memref<2x10240x16xf32, #tpu.memory_space<hbm>> -> memref<1x10240x16xf32, #tpu.memory_space<hbm>>
      %dma_wait3A_1028 = tpu.memref_squeeze %dma_wait3A_1027 : memref<1x10240x16xf32, #tpu.memory_space<hbm>> -> memref<10240x16xf32, #tpu.memory_space<hbm>>
      %dma_wait3A_1029 = arith.constant 0 : i32
      %dma_wait3A_1030 = arith.constant 0 : i32
      %dma_wait3A_1031 = tpu.memref_slice %dma_wait3A_1028[%dma_wait3A_1029, %dma_wait3A_1030] : memref<10240x16xf32, #tpu.memory_space<hbm>> -> memref<128x16xf32, #tpu.memory_space<hbm>>
      tpu.wait_dma2 semaphore(%dma_wait3A_1020 : memref<!tpu.dma_semaphore, #tpu.memory_space<semaphore_mem>>) src(%dma_wait3A_1031 : memref<128x16xf32, #tpu.memory_space<hbm>>) dst(%dma_wait3A_1024 : memref<128x16xf32, #tpu.memory_space<vmem>>)
      %lt3A = arith.constant 15 : i32
      %lt3A_1032 = arith.cmpi slt, %add3A_367, %lt3A : i32
      %convert_element_type3A_1033 = arith.extui %lt3A_1032 : i1 to i32
      %cond3A_1034 = arith.constant 0 : i32
      %cond3A_1035 = arith.cmpi ne, %convert_element_type3A_1033, %cond3A_1034 : i32
      scf.if %cond3A_1035 {
        %add3A_1036 = arith.constant 2 : i32
        %add3A_1037 = arith.addi %mul3A_369, %add3A_1036 : i32
        %mul3A_1038 = arith.constant 5 : i32
        %mul3A_1039 = arith.muli %add3A_1037, %mul3A_1038 : i32
        %add3A_1040 = arith.constant 0 : i32
        %add3A_1041 = arith.addi %mul3A_1039, %add3A_1040 : i32
        %dma_start3A_1042 = arith.constant 0 : i32
        %dma_start3A_1043 = arith.constant 0 : i32
        %dma_start3A_1044 = arith.constant 0 : i32
        %dma_start3A_1045 = arith.constant 0 : i32
        %dma_start3A_1046 = tpu.memref_slice %arg8[%dma_start3A_1042, %dma_start3A_1044, %dma_start3A_1045] : memref<10x128x16xf32, #tpu.memory_space<vmem>> -> memref<1x128x16xf32, #tpu.memory_space<vmem>>
        %dma_start3A_1047 = tpu.memref_squeeze %dma_start3A_1046 : memref<1x128x16xf32, #tpu.memory_space<vmem>> -> memref<128x16xf32, #tpu.memory_space<vmem>>
        %dma_start3A_1048 = arith.constant 0 : i32
        %dma_start3A_1049 = tpu.memref_slice %arg6[%add3A_1041, %dma_start3A_1048] : memref<160x128xi32, #tpu.memory_space<vmem>> -> memref<1x128xi32, #tpu.memory_space<vmem>>
        %dma_start3A_1050 = tpu.memref_squeeze %dma_start3A_1049 : memref<1x128xi32, #tpu.memory_space<vmem>> -> memref<128xi32, #tpu.memory_space<vmem>>
        %dma_start3A_1051 = arith.constant 0 : i32
        %dma_start3A_1052 = arith.constant 0 : i32
        %dma_start3A_1053 = tpu.memref_slice %arg4[%arg0, %dma_start3A_1051, %dma_start3A_1052] : memref<2x10240x16xf32, #tpu.memory_space<hbm>> -> memref<1x10240x16xf32, #tpu.memory_space<hbm>>
        %dma_start3A_1054 = tpu.memref_squeeze %dma_start3A_1053 : memref<1x10240x16xf32, #tpu.memory_space<hbm>> -> memref<10240x16xf32, #tpu.memory_space<hbm>>
        %dma_start3A_1055 = arith.constant 0 : i32
        %dma_start3A_1056 = arith.constant 0 : i32
        %dma_start3A_1057 = tpu.memref_slice %dma_start3A_1054[%dma_start3A_1055, %dma_start3A_1056] : memref<10240x16xf32, #tpu.memory_space<hbm>> -> memref<10240x16xf32, #tpu.memory_space<hbm>>
        %dma_start3A_1058 = tpu.memref_slice %arg12[%dma_start3A_1043] : memref<5x!tpu.dma_semaphore, #tpu.memory_space<semaphore_mem>> -> memref<1x!tpu.dma_semaphore, #tpu.memory_space<semaphore_mem>>
        %dma_start3A_1059 = tpu.memref_squeeze %dma_start3A_1058 : memref<1x!tpu.dma_semaphore, #tpu.memory_space<semaphore_mem>> -> memref<!tpu.dma_semaphore, #tpu.memory_space<semaphore_mem>>
        tpu.enqueue_indirect_dma source(%dma_start3A_1057 : memref<10240x16xf32, #tpu.memory_space<hbm>>) target(%dma_start3A_1047 : memref<128x16xf32, #tpu.memory_space<vmem>>) offsets(%dma_start3A_1050 : memref<128xi32, #tpu.memory_space<vmem>>) semaphore(%dma_start3A_1059 : memref<!tpu.dma_semaphore, #tpu.memory_space<semaphore_mem>>)
        %add3A_1060 = arith.constant 1 : i32
        %add3A_1061 = arith.addi %mul3A_1039, %add3A_1060 : i32
        %dma_start3A_1062 = arith.constant 1 : i32
        %dma_start3A_1063 = arith.constant 1 : i32
        %dma_start3A_1064 = arith.constant 0 : i32
        %dma_start3A_1065 = arith.constant 0 : i32
        %dma_start3A_1066 = tpu.memref_slice %arg8[%dma_start3A_1062, %dma_start3A_1064, %dma_start3A_1065] : memref<10x128x16xf32, #tpu.memory_space<vmem>> -> memref<1x128x16xf32, #tpu.memory_space<vmem>>
        %dma_start3A_1067 = tpu.memref_squeeze %dma_start3A_1066 : memref<1x128x16xf32, #tpu.memory_space<vmem>> -> memref<128x16xf32, #tpu.memory_space<vmem>>
        %dma_start3A_1068 = arith.constant 0 : i32
        %dma_start3A_1069 = tpu.memref_slice %arg6[%add3A_1061, %dma_start3A_1068] : memref<160x128xi32, #tpu.memory_space<vmem>> -> memref<1x128xi32, #tpu.memory_space<vmem>>
        %dma_start3A_1070 = tpu.memref_squeeze %dma_start3A_1069 : memref<1x128xi32, #tpu.memory_space<vmem>> -> memref<128xi32, #tpu.memory_space<vmem>>
        %dma_start3A_1071 = arith.constant 0 : i32
        %dma_start3A_1072 = arith.constant 0 : i32
        %dma_start3A_1073 = tpu.memref_slice %arg4[%arg0, %dma_start3A_1071, %dma_start3A_1072] : memref<2x10240x16xf32, #tpu.memory_space<hbm>> -> memref<1x10240x16xf32, #tpu.memory_space<hbm>>
        %dma_start3A_1074 = tpu.memref_squeeze %dma_start3A_1073 : memref<1x10240x16xf32, #tpu.memory_space<hbm>> -> memref<10240x16xf32, #tpu.memory_space<hbm>>
        %dma_start3A_1075 = arith.constant 0 : i32
        %dma_start3A_1076 = arith.constant 0 : i32
        %dma_start3A_1077 = tpu.memref_slice %dma_start3A_1074[%dma_start3A_1075, %dma_start3A_1076] : memref<10240x16xf32, #tpu.memory_space<hbm>> -> memref<10240x16xf32, #tpu.memory_space<hbm>>
        %dma_start3A_1078 = tpu.memref_slice %arg12[%dma_start3A_1063] : memref<5x!tpu.dma_semaphore, #tpu.memory_space<semaphore_mem>> -> memref<1x!tpu.dma_semaphore, #tpu.memory_space<semaphore_mem>>
        %dma_start3A_1079 = tpu.memref_squeeze %dma_start3A_1078 : memref<1x!tpu.dma_semaphore, #tpu.memory_space<semaphore_mem>> -> memref<!tpu.dma_semaphore, #tpu.memory_space<semaphore_mem>>
        tpu.enqueue_indirect_dma source(%dma_start3A_1077 : memref<10240x16xf32, #tpu.memory_space<hbm>>) target(%dma_start3A_1067 : memref<128x16xf32, #tpu.memory_space<vmem>>) offsets(%dma_start3A_1070 : memref<128xi32, #tpu.memory_space<vmem>>) semaphore(%dma_start3A_1079 : memref<!tpu.dma_semaphore, #tpu.memory_space<semaphore_mem>>)
        %add3A_1080 = arith.constant 2 : i32
        %add3A_1081 = arith.addi %mul3A_1039, %add3A_1080 : i32
        %dma_start3A_1082 = arith.constant 2 : i32
        %dma_start3A_1083 = arith.constant 2 : i32
        %dma_start3A_1084 = arith.constant 0 : i32
        %dma_start3A_1085 = arith.constant 0 : i32
        %dma_start3A_1086 = tpu.memref_slice %arg8[%dma_start3A_1082, %dma_start3A_1084, %dma_start3A_1085] : memref<10x128x16xf32, #tpu.memory_space<vmem>> -> memref<1x128x16xf32, #tpu.memory_space<vmem>>
        %dma_start3A_1087 = tpu.memref_squeeze %dma_start3A_1086 : memref<1x128x16xf32, #tpu.memory_space<vmem>> -> memref<128x16xf32, #tpu.memory_space<vmem>>
        %dma_start3A_1088 = arith.constant 0 : i32
        %dma_start3A_1089 = tpu.memref_slice %arg6[%add3A_1081, %dma_start3A_1088] : memref<160x128xi32, #tpu.memory_space<vmem>> -> memref<1x128xi32, #tpu.memory_space<vmem>>
        %dma_start3A_1090 = tpu.memref_squeeze %dma_start3A_1089 : memref<1x128xi32, #tpu.memory_space<vmem>> -> memref<128xi32, #tpu.memory_space<vmem>>
        %dma_start3A_1091 = arith.constant 0 : i32
        %dma_start3A_1092 = arith.constant 0 : i32
        %dma_start3A_1093 = tpu.memref_slice %arg4[%arg0, %dma_start3A_1091, %dma_start3A_1092] : memref<2x10240x16xf32, #tpu.memory_space<hbm>> -> memref<1x10240x16xf32, #tpu.memory_space<hbm>>
        %dma_start3A_1094 = tpu.memref_squeeze %dma_start3A_1093 : memref<1x10240x16xf32, #tpu.memory_space<hbm>> -> memref<10240x16xf32, #tpu.memory_space<hbm>>
        %dma_start3A_1095 = arith.constant 0 : i32
        %dma_start3A_1096 = arith.constant 0 : i32
        %dma_start3A_1097 = tpu.memref_slice %dma_start3A_1094[%dma_start3A_1095, %dma_start3A_1096] : memref<10240x16xf32, #tpu.memory_space<hbm>> -> memref<10240x16xf32, #tpu.memory_space<hbm>>
        %dma_start3A_1098 = tpu.memref_slice %arg12[%dma_start3A_1083] : memref<5x!tpu.dma_semaphore, #tpu.memory_space<semaphore_mem>> -> memref<1x!tpu.dma_semaphore, #tpu.memory_space<semaphore_mem>>
        %dma_start3A_1099 = tpu.memref_squeeze %dma_start3A_1098 : memref<1x!tpu.dma_semaphore, #tpu.memory_space<semaphore_mem>> -> memref<!tpu.dma_semaphore, #tpu.memory_space<semaphore_mem>>
        tpu.enqueue_indirect_dma source(%dma_start3A_1097 : memref<10240x16xf32, #tpu.memory_space<hbm>>) target(%dma_start3A_1087 : memref<128x16xf32, #tpu.memory_space<vmem>>) offsets(%dma_start3A_1090 : memref<128xi32, #tpu.memory_space<vmem>>) semaphore(%dma_start3A_1099 : memref<!tpu.dma_semaphore, #tpu.memory_space<semaphore_mem>>)
        %add3A_1100 = arith.constant 3 : i32
        %add3A_1101 = arith.addi %mul3A_1039, %add3A_1100 : i32
        %dma_start3A_1102 = arith.constant 3 : i32
        %dma_start3A_1103 = arith.constant 3 : i32
        %dma_start3A_1104 = arith.constant 0 : i32
        %dma_start3A_1105 = arith.constant 0 : i32
        %dma_start3A_1106 = tpu.memref_slice %arg8[%dma_start3A_1102, %dma_start3A_1104, %dma_start3A_1105] : memref<10x128x16xf32, #tpu.memory_space<vmem>> -> memref<1x128x16xf32, #tpu.memory_space<vmem>>
        %dma_start3A_1107 = tpu.memref_squeeze %dma_start3A_1106 : memref<1x128x16xf32, #tpu.memory_space<vmem>> -> memref<128x16xf32, #tpu.memory_space<vmem>>
        %dma_start3A_1108 = arith.constant 0 : i32
        %dma_start3A_1109 = tpu.memref_slice %arg6[%add3A_1101, %dma_start3A_1108] : memref<160x128xi32, #tpu.memory_space<vmem>> -> memref<1x128xi32, #tpu.memory_space<vmem>>
        %dma_start3A_1110 = tpu.memref_squeeze %dma_start3A_1109 : memref<1x128xi32, #tpu.memory_space<vmem>> -> memref<128xi32, #tpu.memory_space<vmem>>
        %dma_start3A_1111 = arith.constant 0 : i32
        %dma_start3A_1112 = arith.constant 0 : i32
        %dma_start3A_1113 = tpu.memref_slice %arg4[%arg0, %dma_start3A_1111, %dma_start3A_1112] : memref<2x10240x16xf32, #tpu.memory_space<hbm>> -> memref<1x10240x16xf32, #tpu.memory_space<hbm>>
        %dma_start3A_1114 = tpu.memref_squeeze %dma_start3A_1113 : memref<1x10240x16xf32, #tpu.memory_space<hbm>> -> memref<10240x16xf32, #tpu.memory_space<hbm>>
        %dma_start3A_1115 = arith.constant 0 : i32
        %dma_start3A_1116 = arith.constant 0 : i32
        %dma_start3A_1117 = tpu.memref_slice %dma_start3A_1114[%dma_start3A_1115, %dma_start3A_1116] : memref<10240x16xf32, #tpu.memory_space<hbm>> -> memref<10240x16xf32, #tpu.memory_space<hbm>>
        %dma_start3A_1118 = tpu.memref_slice %arg12[%dma_start3A_1103] : memref<5x!tpu.dma_semaphore, #tpu.memory_space<semaphore_mem>> -> memref<1x!tpu.dma_semaphore, #tpu.memory_space<semaphore_mem>>
        %dma_start3A_1119 = tpu.memref_squeeze %dma_start3A_1118 : memref<1x!tpu.dma_semaphore, #tpu.memory_space<semaphore_mem>> -> memref<!tpu.dma_semaphore, #tpu.memory_space<semaphore_mem>>
        tpu.enqueue_indirect_dma source(%dma_start3A_1117 : memref<10240x16xf32, #tpu.memory_space<hbm>>) target(%dma_start3A_1107 : memref<128x16xf32, #tpu.memory_space<vmem>>) offsets(%dma_start3A_1110 : memref<128xi32, #tpu.memory_space<vmem>>) semaphore(%dma_start3A_1119 : memref<!tpu.dma_semaphore, #tpu.memory_space<semaphore_mem>>)
        %add3A_1120 = arith.constant 4 : i32
        %add3A_1121 = arith.addi %mul3A_1039, %add3A_1120 : i32
        %dma_start3A_1122 = arith.constant 4 : i32
        %dma_start3A_1123 = arith.constant 4 : i32
        %dma_start3A_1124 = arith.constant 0 : i32
        %dma_start3A_1125 = arith.constant 0 : i32
        %dma_start3A_1126 = tpu.memref_slice %arg8[%dma_start3A_1122, %dma_start3A_1124, %dma_start3A_1125] : memref<10x128x16xf32, #tpu.memory_space<vmem>> -> memref<1x128x16xf32, #tpu.memory_space<vmem>>
        %dma_start3A_1127 = tpu.memref_squeeze %dma_start3A_1126 : memref<1x128x16xf32, #tpu.memory_space<vmem>> -> memref<128x16xf32, #tpu.memory_space<vmem>>
        %dma_start3A_1128 = arith.constant 0 : i32
        %dma_start3A_1129 = tpu.memref_slice %arg6[%add3A_1121, %dma_start3A_1128] : memref<160x128xi32, #tpu.memory_space<vmem>> -> memref<1x128xi32, #tpu.memory_space<vmem>>
        %dma_start3A_1130 = tpu.memref_squeeze %dma_start3A_1129 : memref<1x128xi32, #tpu.memory_space<vmem>> -> memref<128xi32, #tpu.memory_space<vmem>>
        %dma_start3A_1131 = arith.constant 0 : i32
        %dma_start3A_1132 = arith.constant 0 : i32
        %dma_start3A_1133 = tpu.memref_slice %arg4[%arg0, %dma_start3A_1131, %dma_start3A_1132] : memref<2x10240x16xf32, #tpu.memory_space<hbm>> -> memref<1x10240x16xf32, #tpu.memory_space<hbm>>
        %dma_start3A_1134 = tpu.memref_squeeze %dma_start3A_1133 : memref<1x10240x16xf32, #tpu.memory_space<hbm>> -> memref<10240x16xf32, #tpu.memory_space<hbm>>
        %dma_start3A_1135 = arith.constant 0 : i32
        %dma_start3A_1136 = arith.constant 0 : i32
        %dma_start3A_1137 = tpu.memref_slice %dma_start3A_1134[%dma_start3A_1135, %dma_start3A_1136] : memref<10240x16xf32, #tpu.memory_space<hbm>> -> memref<10240x16xf32, #tpu.memory_space<hbm>>
        %dma_start3A_1138 = tpu.memref_slice %arg12[%dma_start3A_1123] : memref<5x!tpu.dma_semaphore, #tpu.memory_space<semaphore_mem>> -> memref<1x!tpu.dma_semaphore, #tpu.memory_space<semaphore_mem>>
        %dma_start3A_1139 = tpu.memref_squeeze %dma_start3A_1138 : memref<1x!tpu.dma_semaphore, #tpu.memory_space<semaphore_mem>> -> memref<!tpu.dma_semaphore, #tpu.memory_space<semaphore_mem>>
        tpu.enqueue_indirect_dma source(%dma_start3A_1137 : memref<10240x16xf32, #tpu.memory_space<hbm>>) target(%dma_start3A_1127 : memref<128x16xf32, #tpu.memory_space<vmem>>) offsets(%dma_start3A_1130 : memref<128xi32, #tpu.memory_space<vmem>>) semaphore(%dma_start3A_1139 : memref<!tpu.dma_semaphore, #tpu.memory_space<semaphore_mem>>)
      } else {
      }
    }
    %scan3A_229 = arith.constant 16 : i32
    %dma_wait3A_230 = arith.constant 5 : i32
    %dma_wait3A_231 = arith.constant 0 : i32
    %dma_wait3A_232 = arith.constant 0 : i32
    %dma_wait3A_233 = arith.constant 0 : i32
    %dma_wait3A_234 = tpu.memref_slice %arg8[%dma_wait3A_230, %dma_wait3A_232, %dma_wait3A_233] : memref<10x128x16xf32, #tpu.memory_space<vmem>> -> memref<1x128x16xf32, #tpu.memory_space<vmem>>
    %dma_wait3A_235 = tpu.memref_squeeze %dma_wait3A_234 : memref<1x128x16xf32, #tpu.memory_space<vmem>> -> memref<128x16xf32, #tpu.memory_space<vmem>>
    %dma_wait3A_236 = arith.constant 0 : i32
    %dma_wait3A_237 = arith.constant 0 : i32
    %dma_wait3A_238 = tpu.memref_slice %arg4[%arg0, %dma_wait3A_236, %dma_wait3A_237] : memref<2x10240x16xf32, #tpu.memory_space<hbm>> -> memref<1x10240x16xf32, #tpu.memory_space<hbm>>
    %dma_wait3A_239 = tpu.memref_squeeze %dma_wait3A_238 : memref<1x10240x16xf32, #tpu.memory_space<hbm>> -> memref<10240x16xf32, #tpu.memory_space<hbm>>
    %dma_wait3A_240 = arith.constant 0 : i32
    %dma_wait3A_241 = arith.constant 0 : i32
    %dma_wait3A_242 = tpu.memref_slice %dma_wait3A_239[%dma_wait3A_240, %dma_wait3A_241] : memref<10240x16xf32, #tpu.memory_space<hbm>> -> memref<128x16xf32, #tpu.memory_space<hbm>>
    %dma_wait3A_243 = tpu.memref_slice %arg15[%dma_wait3A_231] : memref<5x!tpu.dma_semaphore, #tpu.memory_space<semaphore_mem>> -> memref<1x!tpu.dma_semaphore, #tpu.memory_space<semaphore_mem>>
    %dma_wait3A_244 = tpu.memref_squeeze %dma_wait3A_243 : memref<1x!tpu.dma_semaphore, #tpu.memory_space<semaphore_mem>> -> memref<!tpu.dma_semaphore, #tpu.memory_space<semaphore_mem>>
    %dma_wait3A_245 = arith.constant 0 : i32
    %dma_wait3A_246 = arith.constant 0 : i32
    %dma_wait3A_247 = tpu.memref_slice %arg8[%dma_wait3A_230, %dma_wait3A_245, %dma_wait3A_246] : memref<10x128x16xf32, #tpu.memory_space<vmem>> -> memref<1x128x16xf32, #tpu.memory_space<vmem>>
    %dma_wait3A_248 = tpu.memref_squeeze %dma_wait3A_247 : memref<1x128x16xf32, #tpu.memory_space<vmem>> -> memref<128x16xf32, #tpu.memory_space<vmem>>
    %dma_wait3A_249 = arith.constant 0 : i32
    %dma_wait3A_250 = arith.constant 0 : i32
    %dma_wait3A_251 = tpu.memref_slice %arg4[%arg0, %dma_wait3A_249, %dma_wait3A_250] : memref<2x10240x16xf32, #tpu.memory_space<hbm>> -> memref<1x10240x16xf32, #tpu.memory_space<hbm>>
    %dma_wait3A_252 = tpu.memref_squeeze %dma_wait3A_251 : memref<1x10240x16xf32, #tpu.memory_space<hbm>> -> memref<10240x16xf32, #tpu.memory_space<hbm>>
    %dma_wait3A_253 = arith.constant 0 : i32
    %dma_wait3A_254 = arith.constant 0 : i32
    %dma_wait3A_255 = tpu.memref_slice %dma_wait3A_252[%dma_wait3A_253, %dma_wait3A_254] : memref<10240x16xf32, #tpu.memory_space<hbm>> -> memref<128x16xf32, #tpu.memory_space<hbm>>
    tpu.wait_dma2 semaphore(%dma_wait3A_244 : memref<!tpu.dma_semaphore, #tpu.memory_space<semaphore_mem>>) src(%dma_wait3A_255 : memref<128x16xf32, #tpu.memory_space<hbm>>) dst(%dma_wait3A_248 : memref<128x16xf32, #tpu.memory_space<vmem>>)
    %dma_wait3A_256 = arith.constant 6 : i32
    %dma_wait3A_257 = arith.constant 1 : i32
    %dma_wait3A_258 = arith.constant 0 : i32
    %dma_wait3A_259 = arith.constant 0 : i32
    %dma_wait3A_260 = tpu.memref_slice %arg8[%dma_wait3A_256, %dma_wait3A_258, %dma_wait3A_259] : memref<10x128x16xf32, #tpu.memory_space<vmem>> -> memref<1x128x16xf32, #tpu.memory_space<vmem>>
    %dma_wait3A_261 = tpu.memref_squeeze %dma_wait3A_260 : memref<1x128x16xf32, #tpu.memory_space<vmem>> -> memref<128x16xf32, #tpu.memory_space<vmem>>
    %dma_wait3A_262 = arith.constant 0 : i32
    %dma_wait3A_263 = arith.constant 0 : i32
    %dma_wait3A_264 = tpu.memref_slice %arg4[%arg0, %dma_wait3A_262, %dma_wait3A_263] : memref<2x10240x16xf32, #tpu.memory_space<hbm>> -> memref<1x10240x16xf32, #tpu.memory_space<hbm>>
    %dma_wait3A_265 = tpu.memref_squeeze %dma_wait3A_264 : memref<1x10240x16xf32, #tpu.memory_space<hbm>> -> memref<10240x16xf32, #tpu.memory_space<hbm>>
    %dma_wait3A_266 = arith.constant 0 : i32
    %dma_wait3A_267 = arith.constant 0 : i32
    %dma_wait3A_268 = tpu.memref_slice %dma_wait3A_265[%dma_wait3A_266, %dma_wait3A_267] : memref<10240x16xf32, #tpu.memory_space<hbm>> -> memref<128x16xf32, #tpu.memory_space<hbm>>
    %dma_wait3A_269 = tpu.memref_slice %arg15[%dma_wait3A_257] : memref<5x!tpu.dma_semaphore, #tpu.memory_space<semaphore_mem>> -> memref<1x!tpu.dma_semaphore, #tpu.memory_space<semaphore_mem>>
    %dma_wait3A_270 = tpu.memref_squeeze %dma_wait3A_269 : memref<1x!tpu.dma_semaphore, #tpu.memory_space<semaphore_mem>> -> memref<!tpu.dma_semaphore, #tpu.memory_space<semaphore_mem>>
    %dma_wait3A_271 = arith.constant 0 : i32
    %dma_wait3A_272 = arith.constant 0 : i32
    %dma_wait3A_273 = tpu.memref_slice %arg8[%dma_wait3A_256, %dma_wait3A_271, %dma_wait3A_272] : memref<10x128x16xf32, #tpu.memory_space<vmem>> -> memref<1x128x16xf32, #tpu.memory_space<vmem>>
    %dma_wait3A_274 = tpu.memref_squeeze %dma_wait3A_273 : memref<1x128x16xf32, #tpu.memory_space<vmem>> -> memref<128x16xf32, #tpu.memory_space<vmem>>
    %dma_wait3A_275 = arith.constant 0 : i32
    %dma_wait3A_276 = arith.constant 0 : i32
    %dma_wait3A_277 = tpu.memref_slice %arg4[%arg0, %dma_wait3A_275, %dma_wait3A_276] : memref<2x10240x16xf32, #tpu.memory_space<hbm>> -> memref<1x10240x16xf32, #tpu.memory_space<hbm>>
    %dma_wait3A_278 = tpu.memref_squeeze %dma_wait3A_277 : memref<1x10240x16xf32, #tpu.memory_space<hbm>> -> memref<10240x16xf32, #tpu.memory_space<hbm>>
    %dma_wait3A_279 = arith.constant 0 : i32
    %dma_wait3A_280 = arith.constant 0 : i32
    %dma_wait3A_281 = tpu.memref_slice %dma_wait3A_278[%dma_wait3A_279, %dma_wait3A_280] : memref<10240x16xf32, #tpu.memory_space<hbm>> -> memref<128x16xf32, #tpu.memory_space<hbm>>
    tpu.wait_dma2 semaphore(%dma_wait3A_270 : memref<!tpu.dma_semaphore, #tpu.memory_space<semaphore_mem>>) src(%dma_wait3A_281 : memref<128x16xf32, #tpu.memory_space<hbm>>) dst(%dma_wait3A_274 : memref<128x16xf32, #tpu.memory_space<vmem>>)
    %dma_wait3A_282 = arith.constant 7 : i32
    %dma_wait3A_283 = arith.constant 2 : i32
    %dma_wait3A_284 = arith.constant 0 : i32
    %dma_wait3A_285 = arith.constant 0 : i32
    %dma_wait3A_286 = tpu.memref_slice %arg8[%dma_wait3A_282, %dma_wait3A_284, %dma_wait3A_285] : memref<10x128x16xf32, #tpu.memory_space<vmem>> -> memref<1x128x16xf32, #tpu.memory_space<vmem>>
    %dma_wait3A_287 = tpu.memref_squeeze %dma_wait3A_286 : memref<1x128x16xf32, #tpu.memory_space<vmem>> -> memref<128x16xf32, #tpu.memory_space<vmem>>
    %dma_wait3A_288 = arith.constant 0 : i32
    %dma_wait3A_289 = arith.constant 0 : i32
    %dma_wait3A_290 = tpu.memref_slice %arg4[%arg0, %dma_wait3A_288, %dma_wait3A_289] : memref<2x10240x16xf32, #tpu.memory_space<hbm>> -> memref<1x10240x16xf32, #tpu.memory_space<hbm>>
    %dma_wait3A_291 = tpu.memref_squeeze %dma_wait3A_290 : memref<1x10240x16xf32, #tpu.memory_space<hbm>> -> memref<10240x16xf32, #tpu.memory_space<hbm>>
    %dma_wait3A_292 = arith.constant 0 : i32
    %dma_wait3A_293 = arith.constant 0 : i32
    %dma_wait3A_294 = tpu.memref_slice %dma_wait3A_291[%dma_wait3A_292, %dma_wait3A_293] : memref<10240x16xf32, #tpu.memory_space<hbm>> -> memref<128x16xf32, #tpu.memory_space<hbm>>
    %dma_wait3A_295 = tpu.memref_slice %arg15[%dma_wait3A_283] : memref<5x!tpu.dma_semaphore, #tpu.memory_space<semaphore_mem>> -> memref<1x!tpu.dma_semaphore, #tpu.memory_space<semaphore_mem>>
    %dma_wait3A_296 = tpu.memref_squeeze %dma_wait3A_295 : memref<1x!tpu.dma_semaphore, #tpu.memory_space<semaphore_mem>> -> memref<!tpu.dma_semaphore, #tpu.memory_space<semaphore_mem>>
    %dma_wait3A_297 = arith.constant 0 : i32
    %dma_wait3A_298 = arith.constant 0 : i32
    %dma_wait3A_299 = tpu.memref_slice %arg8[%dma_wait3A_282, %dma_wait3A_297, %dma_wait3A_298] : memref<10x128x16xf32, #tpu.memory_space<vmem>> -> memref<1x128x16xf32, #tpu.memory_space<vmem>>
    %dma_wait3A_300 = tpu.memref_squeeze %dma_wait3A_299 : memref<1x128x16xf32, #tpu.memory_space<vmem>> -> memref<128x16xf32, #tpu.memory_space<vmem>>
    %dma_wait3A_301 = arith.constant 0 : i32
    %dma_wait3A_302 = arith.constant 0 : i32
    %dma_wait3A_303 = tpu.memref_slice %arg4[%arg0, %dma_wait3A_301, %dma_wait3A_302] : memref<2x10240x16xf32, #tpu.memory_space<hbm>> -> memref<1x10240x16xf32, #tpu.memory_space<hbm>>
    %dma_wait3A_304 = tpu.memref_squeeze %dma_wait3A_303 : memref<1x10240x16xf32, #tpu.memory_space<hbm>> -> memref<10240x16xf32, #tpu.memory_space<hbm>>
    %dma_wait3A_305 = arith.constant 0 : i32
    %dma_wait3A_306 = arith.constant 0 : i32
    %dma_wait3A_307 = tpu.memref_slice %dma_wait3A_304[%dma_wait3A_305, %dma_wait3A_306] : memref<10240x16xf32, #tpu.memory_space<hbm>> -> memref<128x16xf32, #tpu.memory_space<hbm>>
    tpu.wait_dma2 semaphore(%dma_wait3A_296 : memref<!tpu.dma_semaphore, #tpu.memory_space<semaphore_mem>>) src(%dma_wait3A_307 : memref<128x16xf32, #tpu.memory_space<hbm>>) dst(%dma_wait3A_300 : memref<128x16xf32, #tpu.memory_space<vmem>>)
    %dma_wait3A_308 = arith.constant 8 : i32
    %dma_wait3A_309 = arith.constant 3 : i32
    %dma_wait3A_310 = arith.constant 0 : i32
    %dma_wait3A_311 = arith.constant 0 : i32
    %dma_wait3A_312 = tpu.memref_slice %arg8[%dma_wait3A_308, %dma_wait3A_310, %dma_wait3A_311] : memref<10x128x16xf32, #tpu.memory_space<vmem>> -> memref<1x128x16xf32, #tpu.memory_space<vmem>>
    %dma_wait3A_313 = tpu.memref_squeeze %dma_wait3A_312 : memref<1x128x16xf32, #tpu.memory_space<vmem>> -> memref<128x16xf32, #tpu.memory_space<vmem>>
    %dma_wait3A_314 = arith.constant 0 : i32
    %dma_wait3A_315 = arith.constant 0 : i32
    %dma_wait3A_316 = tpu.memref_slice %arg4[%arg0, %dma_wait3A_314, %dma_wait3A_315] : memref<2x10240x16xf32, #tpu.memory_space<hbm>> -> memref<1x10240x16xf32, #tpu.memory_space<hbm>>
    %dma_wait3A_317 = tpu.memref_squeeze %dma_wait3A_316 : memref<1x10240x16xf32, #tpu.memory_space<hbm>> -> memref<10240x16xf32, #tpu.memory_space<hbm>>
    %dma_wait3A_318 = arith.constant 0 : i32
    %dma_wait3A_319 = arith.constant 0 : i32
    %dma_wait3A_320 = tpu.memref_slice %dma_wait3A_317[%dma_wait3A_318, %dma_wait3A_319] : memref<10240x16xf32, #tpu.memory_space<hbm>> -> memref<128x16xf32, #tpu.memory_space<hbm>>
    %dma_wait3A_321 = tpu.memref_slice %arg15[%dma_wait3A_309] : memref<5x!tpu.dma_semaphore, #tpu.memory_space<semaphore_mem>> -> memref<1x!tpu.dma_semaphore, #tpu.memory_space<semaphore_mem>>
    %dma_wait3A_322 = tpu.memref_squeeze %dma_wait3A_321 : memref<1x!tpu.dma_semaphore, #tpu.memory_space<semaphore_mem>> -> memref<!tpu.dma_semaphore, #tpu.memory_space<semaphore_mem>>
    %dma_wait3A_323 = arith.constant 0 : i32
    %dma_wait3A_324 = arith.constant 0 : i32
    %dma_wait3A_325 = tpu.memref_slice %arg8[%dma_wait3A_308, %dma_wait3A_323, %dma_wait3A_324] : memref<10x128x16xf32, #tpu.memory_space<vmem>> -> memref<1x128x16xf32, #tpu.memory_space<vmem>>
    %dma_wait3A_326 = tpu.memref_squeeze %dma_wait3A_325 : memref<1x128x16xf32, #tpu.memory_space<vmem>> -> memref<128x16xf32, #tpu.memory_space<vmem>>
    %dma_wait3A_327 = arith.constant 0 : i32
    %dma_wait3A_328 = arith.constant 0 : i32
    %dma_wait3A_329 = tpu.memref_slice %arg4[%arg0, %dma_wait3A_327, %dma_wait3A_328] : memref<2x10240x16xf32, #tpu.memory_space<hbm>> -> memref<1x10240x16xf32, #tpu.memory_space<hbm>>
    %dma_wait3A_330 = tpu.memref_squeeze %dma_wait3A_329 : memref<1x10240x16xf32, #tpu.memory_space<hbm>> -> memref<10240x16xf32, #tpu.memory_space<hbm>>
    %dma_wait3A_331 = arith.constant 0 : i32
    %dma_wait3A_332 = arith.constant 0 : i32
    %dma_wait3A_333 = tpu.memref_slice %dma_wait3A_330[%dma_wait3A_331, %dma_wait3A_332] : memref<10240x16xf32, #tpu.memory_space<hbm>> -> memref<128x16xf32, #tpu.memory_space<hbm>>
    tpu.wait_dma2 semaphore(%dma_wait3A_322 : memref<!tpu.dma_semaphore, #tpu.memory_space<semaphore_mem>>) src(%dma_wait3A_333 : memref<128x16xf32, #tpu.memory_space<hbm>>) dst(%dma_wait3A_326 : memref<128x16xf32, #tpu.memory_space<vmem>>)
    %dma_wait3A_334 = arith.constant 9 : i32
    %dma_wait3A_335 = arith.constant 4 : i32
    %dma_wait3A_336 = arith.constant 0 : i32
    %dma_wait3A_337 = arith.constant 0 : i32
    %dma_wait3A_338 = tpu.memref_slice %arg8[%dma_wait3A_334, %dma_wait3A_336, %dma_wait3A_337] : memref<10x128x16xf32, #tpu.memory_space<vmem>> -> memref<1x128x16xf32, #tpu.memory_space<vmem>>
    %dma_wait3A_339 = tpu.memref_squeeze %dma_wait3A_338 : memref<1x128x16xf32, #tpu.memory_space<vmem>> -> memref<128x16xf32, #tpu.memory_space<vmem>>
    %dma_wait3A_340 = arith.constant 0 : i32
    %dma_wait3A_341 = arith.constant 0 : i32
    %dma_wait3A_342 = tpu.memref_slice %arg4[%arg0, %dma_wait3A_340, %dma_wait3A_341] : memref<2x10240x16xf32, #tpu.memory_space<hbm>> -> memref<1x10240x16xf32, #tpu.memory_space<hbm>>
    %dma_wait3A_343 = tpu.memref_squeeze %dma_wait3A_342 : memref<1x10240x16xf32, #tpu.memory_space<hbm>> -> memref<10240x16xf32, #tpu.memory_space<hbm>>
    %dma_wait3A_344 = arith.constant 0 : i32
    %dma_wait3A_345 = arith.constant 0 : i32
    %dma_wait3A_346 = tpu.memref_slice %dma_wait3A_343[%dma_wait3A_344, %dma_wait3A_345] : memref<10240x16xf32, #tpu.memory_space<hbm>> -> memref<128x16xf32, #tpu.memory_space<hbm>>
    %dma_wait3A_347 = tpu.memref_slice %arg15[%dma_wait3A_335] : memref<5x!tpu.dma_semaphore, #tpu.memory_space<semaphore_mem>> -> memref<1x!tpu.dma_semaphore, #tpu.memory_space<semaphore_mem>>
    %dma_wait3A_348 = tpu.memref_squeeze %dma_wait3A_347 : memref<1x!tpu.dma_semaphore, #tpu.memory_space<semaphore_mem>> -> memref<!tpu.dma_semaphore, #tpu.memory_space<semaphore_mem>>
    %dma_wait3A_349 = arith.constant 0 : i32
    %dma_wait3A_350 = arith.constant 0 : i32
    %dma_wait3A_351 = tpu.memref_slice %arg8[%dma_wait3A_334, %dma_wait3A_349, %dma_wait3A_350] : memref<10x128x16xf32, #tpu.memory_space<vmem>> -> memref<1x128x16xf32, #tpu.memory_space<vmem>>
    %dma_wait3A_352 = tpu.memref_squeeze %dma_wait3A_351 : memref<1x128x16xf32, #tpu.memory_space<vmem>> -> memref<128x16xf32, #tpu.memory_space<vmem>>
    %dma_wait3A_353 = arith.constant 0 : i32
    %dma_wait3A_354 = arith.constant 0 : i32
    %dma_wait3A_355 = tpu.memref_slice %arg4[%arg0, %dma_wait3A_353, %dma_wait3A_354] : memref<2x10240x16xf32, #tpu.memory_space<hbm>> -> memref<1x10240x16xf32, #tpu.memory_space<hbm>>
    %dma_wait3A_356 = tpu.memref_squeeze %dma_wait3A_355 : memref<1x10240x16xf32, #tpu.memory_space<hbm>> -> memref<10240x16xf32, #tpu.memory_space<hbm>>
    %dma_wait3A_357 = arith.constant 0 : i32
    %dma_wait3A_358 = arith.constant 0 : i32
    %dma_wait3A_359 = tpu.memref_slice %dma_wait3A_356[%dma_wait3A_357, %dma_wait3A_358] : memref<10240x16xf32, #tpu.memory_space<hbm>> -> memref<128x16xf32, #tpu.memory_space<hbm>>
    tpu.wait_dma2 semaphore(%dma_wait3A_348 : memref<!tpu.dma_semaphore, #tpu.memory_space<semaphore_mem>>) src(%dma_wait3A_359 : memref<128x16xf32, #tpu.memory_space<hbm>>) dst(%dma_wait3A_352 : memref<128x16xf32, #tpu.memory_space<vmem>>)
    %barrier3A_360 = arith.constant 0 : index
    tpu.barrier barrier_id(%barrier3A_360)
    %mul3A = arith.constant 640 : i32
    %mul3A_361 = arith.muli %arg1, %mul3A : i32
    "tpu.region"() ({
      %run_scoped3A = tpu.sem_alloc : memref<!tpu.dma_semaphore, #tpu.memory_space<semaphore_mem>>
      %dma_start3A_364 = arith.constant 0 : i32
      %dma_start3A_365 = tpu.memref_slice %arg11[%mul3A_361, %dma_start3A_364] : memref<10240x16xf32, #tpu.memory_space<vmem_shared>> -> memref<640x16xf32, #tpu.memory_space<vmem_shared>>
      %dma_start3A_366 = arith.constant 0 : i32
      %dma_start3A_367 = tpu.memref_slice %arg11[%mul3A_361, %dma_start3A_366] : memref<10240x16xf32, #tpu.memory_space<vmem_shared>> -> memref<640x16xf32, #tpu.memory_space<vmem_shared>>
      tpu.enqueue_dma source(%dma_start3A_367 : memref<640x16xf32, #tpu.memory_space<vmem_shared>>) target(%arg10 : memref<640x16xf32, #tpu.memory_space<vmem>>) target_semaphore(%run_scoped3A : memref<!tpu.dma_semaphore, #tpu.memory_space<semaphore_mem>>)
      %dma_wait3A_368 = arith.constant 0 : i32
      %dma_wait3A_369 = tpu.memref_slice %arg11[%mul3A_361, %dma_wait3A_368] : memref<10240x16xf32, #tpu.memory_space<vmem_shared>> -> memref<640x16xf32, #tpu.memory_space<vmem_shared>>
      %dma_wait3A_370 = arith.constant 0 : i32
      %dma_wait3A_371 = tpu.memref_slice %arg11[%mul3A_361, %dma_wait3A_370] : memref<10240x16xf32, #tpu.memory_space<vmem_shared>> -> memref<640x16xf32, #tpu.memory_space<vmem_shared>>
      tpu.wait_dma2 semaphore(%run_scoped3A : memref<!tpu.dma_semaphore, #tpu.memory_space<semaphore_mem>>) src(%dma_wait3A_371 : memref<640x16xf32, #tpu.memory_space<vmem_shared>>) dst(%arg10 : memref<640x16xf32, #tpu.memory_space<vmem>>)
      tpu.yield
    }) : () -> ()
    %mul3A_362 = arith.constant 640 : i32
    %mul3A_363 = arith.muli %arg1, %mul3A_362 : i32
    "tpu.region"() ({
      %run_scoped3A = tpu.sem_alloc : memref<!tpu.dma_semaphore, #tpu.memory_space<semaphore_mem>>
      %dma_start3A_364 = arith.constant 0 : i32
      %dma_start3A_365 = tpu.memref_slice %arg5[%arg0, %mul3A_363, %dma_start3A_364] : memref<2x10240x16xf32, #tpu.memory_space<hbm>> -> memref<1x640x16xf32, #tpu.memory_space<hbm>>
      %dma_start3A_366 = tpu.memref_squeeze %dma_start3A_365 : memref<1x640x16xf32, #tpu.memory_space<hbm>> -> memref<640x16xf32, #tpu.memory_space<hbm>>
      %dma_start3A_367 = arith.constant 0 : i32
      %dma_start3A_368 = tpu.memref_slice %arg5[%arg0, %mul3A_363, %dma_start3A_367] : memref<2x10240x16xf32, #tpu.memory_space<hbm>> -> memref<1x640x16xf32, #tpu.memory_space<hbm>>
      %dma_start3A_369 = tpu.memref_squeeze %dma_start3A_368 : memref<1x640x16xf32, #tpu.memory_space<hbm>> -> memref<640x16xf32, #tpu.memory_space<hbm>>
      tpu.enqueue_dma source(%arg10 : memref<640x16xf32, #tpu.memory_space<vmem>>) target(%dma_start3A_369 : memref<640x16xf32, #tpu.memory_space<hbm>>) target_semaphore(%run_scoped3A : memref<!tpu.dma_semaphore, #tpu.memory_space<semaphore_mem>>)
      %dma_wait3A_370 = arith.constant 0 : i32
      %dma_wait3A_371 = tpu.memref_slice %arg5[%arg0, %mul3A_363, %dma_wait3A_370] : memref<2x10240x16xf32, #tpu.memory_space<hbm>> -> memref<1x640x16xf32, #tpu.memory_space<hbm>>
      %dma_wait3A_372 = tpu.memref_squeeze %dma_wait3A_371 : memref<1x640x16xf32, #tpu.memory_space<hbm>> -> memref<640x16xf32, #tpu.memory_space<hbm>>
      %dma_wait3A_373 = arith.constant 0 : i32
      %dma_wait3A_374 = tpu.memref_slice %arg5[%arg0, %mul3A_363, %dma_wait3A_373] : memref<2x10240x16xf32, #tpu.memory_space<hbm>> -> memref<1x640x16xf32, #tpu.memory_space<hbm>>
      %dma_wait3A_375 = tpu.memref_squeeze %dma_wait3A_374 : memref<1x640x16xf32, #tpu.memory_space<hbm>> -> memref<640x16xf32, #tpu.memory_space<hbm>>
      tpu.wait_dma2 semaphore(%run_scoped3A : memref<!tpu.dma_semaphore, #tpu.memory_space<semaphore_mem>>) src(%arg10 : memref<640x16xf32, #tpu.memory_space<vmem>>) dst(%dma_wait3A_375 : memref<640x16xf32, #tpu.memory_space<hbm>>)
      tpu.yield
    }) : () -> ()
    return
  }
}

#map = affine_map<(d0, d1) -> (0, 0, 0)>
module attributes {stable_mosaic.version = 14 : i64} {
  func.func @sc_scatter(%arg0: i32, %arg1: i32, %arg2: memref<16x160x128xi32, #tpu.memory_space<hbm>>, %arg3: memref<16x160x128xi32, #tpu.memory_space<hbm>>, %arg4: memref<2x10240x32xf32, #tpu.memory_space<hbm>>, %arg5: memref<2x10240x32xf32, #tpu.memory_space<hbm>>, %arg6: memref<160x128xi32, #tpu.memory_space<vmem>>, %arg7: memref<160x128xi32, #tpu.memory_space<vmem>>, %arg8: memref<10x128x32xf32, #tpu.memory_space<vmem>>, %arg9: memref<16x32xf32, #tpu.memory_space<vmem>>, %arg10: memref<640x32xf32, #tpu.memory_space<vmem>>, %arg11: memref<10240x32xf32, #tpu.memory_space<vmem_shared>>, %arg12: memref<5x!tpu.dma_semaphore, #tpu.memory_space<semaphore_mem>>, %arg13: memref<5x!tpu.dma_semaphore, #tpu.memory_space<semaphore_mem>>, %arg14: memref<5x!tpu.dma_semaphore, #tpu.memory_space<semaphore_mem>>, %arg15: memref<5x!tpu.dma_semaphore, #tpu.memory_space<semaphore_mem>>, %arg16: memref<!tpu.dma_semaphore, #tpu.memory_space<semaphore_mem>>) attributes {dimension_semantics = [#tpu.dimension_semantics<core_parallel>, #tpu.dimension_semantics<subcore_parallel>], iteration_bounds = array<i64: 2, 16>, scalar_prefetch = 0 : i64, scratch_operands = 11 : i64, tpu.core_type = #tpu.core_type<sc_vector_subcore>, window_params = [{transform_indices = #map}, {transform_indices = #map}, {transform_indices = #map}, {transform_indices = #map}]} {
    %dma_start3A = arith.constant 0 : i32
    %dma_start3A_0 = arith.constant 0 : i32
    %dma_start3A_1 = tpu.memref_slice %arg2[%arg1, %dma_start3A, %dma_start3A_0] : memref<16x160x128xi32, #tpu.memory_space<hbm>> -> memref<1x160x128xi32, #tpu.memory_space<hbm>>
    %dma_start3A_2 = tpu.memref_squeeze %dma_start3A_1 : memref<1x160x128xi32, #tpu.memory_space<hbm>> -> memref<160x128xi32, #tpu.memory_space<hbm>>
    %dma_start3A_3 = arith.constant 0 : i32
    %dma_start3A_4 = arith.constant 0 : i32
    %dma_start3A_5 = tpu.memref_slice %arg2[%arg1, %dma_start3A_3, %dma_start3A_4] : memref<16x160x128xi32, #tpu.memory_space<hbm>> -> memref<1x160x128xi32, #tpu.memory_space<hbm>>
    %dma_start3A_6 = tpu.memref_squeeze %dma_start3A_5 : memref<1x160x128xi32, #tpu.memory_space<hbm>> -> memref<160x128xi32, #tpu.memory_space<hbm>>
    tpu.enqueue_dma source(%dma_start3A_6 : memref<160x128xi32, #tpu.memory_space<hbm>>) target(%arg6 : memref<160x128xi32, #tpu.memory_space<vmem>>) target_semaphore(%arg16 : memref<!tpu.dma_semaphore, #tpu.memory_space<semaphore_mem>>)
    %dma_start3A_7 = arith.constant 0 : i32
    %dma_start3A_8 = arith.constant 0 : i32
    %dma_start3A_9 = tpu.memref_slice %arg3[%arg1, %dma_start3A_7, %dma_start3A_8] : memref<16x160x128xi32, #tpu.memory_space<hbm>> -> memref<1x160x128xi32, #tpu.memory_space<hbm>>
    %dma_start3A_10 = tpu.memref_squeeze %dma_start3A_9 : memref<1x160x128xi32, #tpu.memory_space<hbm>> -> memref<160x128xi32, #tpu.memory_space<hbm>>
    %dma_start3A_11 = arith.constant 0 : i32
    %dma_start3A_12 = arith.constant 0 : i32
    %dma_start3A_13 = tpu.memref_slice %arg3[%arg1, %dma_start3A_11, %dma_start3A_12] : memref<16x160x128xi32, #tpu.memory_space<hbm>> -> memref<1x160x128xi32, #tpu.memory_space<hbm>>
    %dma_start3A_14 = tpu.memref_squeeze %dma_start3A_13 : memref<1x160x128xi32, #tpu.memory_space<hbm>> -> memref<160x128xi32, #tpu.memory_space<hbm>>
    tpu.enqueue_dma source(%dma_start3A_14 : memref<160x128xi32, #tpu.memory_space<hbm>>) target(%arg7 : memref<160x128xi32, #tpu.memory_space<vmem>>) target_semaphore(%arg16 : memref<!tpu.dma_semaphore, #tpu.memory_space<semaphore_mem>>)
    %broadcast_in_dim3A = arith.constant 0.000000e+00 : f32
    %broadcast_in_dim3A_15 = vector.broadcast %broadcast_in_dim3A : f32 to vector<16xf32>
    %swap3A = arith.constant 0 : i32
    %swap3A_16 = arith.index_cast %swap3A : i32 to index
    %swap3A_17 = arith.constant 0 : index
    %swap3A_18 = tpu.vector_load %arg9[%swap3A_16, %swap3A_17] {strides = array<i32>} : memref<16x32xf32, #tpu.memory_space<vmem>>, vector<1x16xf32>,
    %swap3A_19 = vector.shape_cast %swap3A_18 : vector<1x16xf32> to vector<16xf32>
    %swap3A_20 = vector.shape_cast %broadcast_in_dim3A_15 : vector<16xf32> to vector<1x16xf32>
    tpu.vector_store %arg9[%swap3A_16, %swap3A_17], %swap3A_20 {strides = array<i32>} : memref<16x32xf32, #tpu.memory_space<vmem>>, vector<1x16xf32>,
    %swap3A_21 = arith.constant 0 : i32
    %swap3A_22 = arith.index_cast %swap3A_21 : i32 to index
    %swap3A_23 = arith.constant 16 : index
    %swap3A_24 = tpu.vector_load %arg9[%swap3A_22, %swap3A_23] {strides = array<i32>} : memref<16x32xf32, #tpu.memory_space<vmem>>, vector<1x16xf32>,
    %swap3A_25 = vector.shape_cast %swap3A_24 : vector<1x16xf32> to vector<16xf32>
    %swap3A_26 = vector.shape_cast %broadcast_in_dim3A_15 : vector<16xf32> to vector<1x16xf32>
    tpu.vector_store %arg9[%swap3A_22, %swap3A_23], %swap3A_26 {strides = array<i32>} : memref<16x32xf32, #tpu.memory_space<vmem>>, vector<1x16xf32>,
    %swap3A_27 = arith.constant 1 : i32
    %swap3A_28 = arith.index_cast %swap3A_27 : i32 to index
    %swap3A_29 = arith.constant 0 : index
    %swap3A_30 = tpu.vector_load %arg9[%swap3A_28, %swap3A_29] {strides = array<i32>} : memref<16x32xf32, #tpu.memory_space<vmem>>, vector<1x16xf32>,
    %swap3A_31 = vector.shape_cast %swap3A_30 : vector<1x16xf32> to vector<16xf32>
    %swap3A_32 = vector.shape_cast %broadcast_in_dim3A_15 : vector<16xf32> to vector<1x16xf32>
    tpu.vector_store %arg9[%swap3A_28, %swap3A_29], %swap3A_32 {strides = array<i32>} : memref<16x32xf32, #tpu.memory_space<vmem>>, vector<1x16xf32>,
    %swap3A_33 = arith.constant 1 : i32
    %swap3A_34 = arith.index_cast %swap3A_33 : i32 to index
    %swap3A_35 = arith.constant 16 : index
    %swap3A_36 = tpu.vector_load %arg9[%swap3A_34, %swap3A_35] {strides = array<i32>} : memref<16x32xf32, #tpu.memory_space<vmem>>, vector<1x16xf32>,
    %swap3A_37 = vector.shape_cast %swap3A_36 : vector<1x16xf32> to vector<16xf32>
    %swap3A_38 = vector.shape_cast %broadcast_in_dim3A_15 : vector<16xf32> to vector<1x16xf32>
    tpu.vector_store %arg9[%swap3A_34, %swap3A_35], %swap3A_38 {strides = array<i32>} : memref<16x32xf32, #tpu.memory_space<vmem>>, vector<1x16xf32>,
    %swap3A_39 = arith.constant 2 : i32
    %swap3A_40 = arith.index_cast %swap3A_39 : i32 to index
    %swap3A_41 = arith.constant 0 : index
    %swap3A_42 = tpu.vector_load %arg9[%swap3A_40, %swap3A_41] {strides = array<i32>} : memref<16x32xf32, #tpu.memory_space<vmem>>, vector<1x16xf32>,
    %swap3A_43 = vector.shape_cast %swap3A_42 : vector<1x16xf32> to vector<16xf32>
    %swap3A_44 = vector.shape_cast %broadcast_in_dim3A_15 : vector<16xf32> to vector<1x16xf32>
    tpu.vector_store %arg9[%swap3A_40, %swap3A_41], %swap3A_44 {strides = array<i32>} : memref<16x32xf32, #tpu.memory_space<vmem>>, vector<1x16xf32>,
    %swap3A_45 = arith.constant 2 : i32
    %swap3A_46 = arith.index_cast %swap3A_45 : i32 to index
    %swap3A_47 = arith.constant 16 : index
    %swap3A_48 = tpu.vector_load %arg9[%swap3A_46, %swap3A_47] {strides = array<i32>} : memref<16x32xf32, #tpu.memory_space<vmem>>, vector<1x16xf32>,
    %swap3A_49 = vector.shape_cast %swap3A_48 : vector<1x16xf32> to vector<16xf32>
    %swap3A_50 = vector.shape_cast %broadcast_in_dim3A_15 : vector<16xf32> to vector<1x16xf32>
    tpu.vector_store %arg9[%swap3A_46, %swap3A_47], %swap3A_50 {strides = array<i32>} : memref<16x32xf32, #tpu.memory_space<vmem>>, vector<1x16xf32>,
    %swap3A_51 = arith.constant 3 : i32
    %swap3A_52 = arith.index_cast %swap3A_51 : i32 to index
    %swap3A_53 = arith.constant 0 : index
    %swap3A_54 = tpu.vector_load %arg9[%swap3A_52, %swap3A_53] {strides = array<i32>} : memref<16x32xf32, #tpu.memory_space<vmem>>, vector<1x16xf32>,
    %swap3A_55 = vector.shape_cast %swap3A_54 : vector<1x16xf32> to vector<16xf32>
    %swap3A_56 = vector.shape_cast %broadcast_in_dim3A_15 : vector<16xf32> to vector<1x16xf32>
    tpu.vector_store %arg9[%swap3A_52, %swap3A_53], %swap3A_56 {strides = array<i32>} : memref<16x32xf32, #tpu.memory_space<vmem>>, vector<1x16xf32>,
    %swap3A_57 = arith.constant 3 : i32
    %swap3A_58 = arith.index_cast %swap3A_57 : i32 to index
    %swap3A_59 = arith.constant 16 : index
    %swap3A_60 = tpu.vector_load %arg9[%swap3A_58, %swap3A_59] {strides = array<i32>} : memref<16x32xf32, #tpu.memory_space<vmem>>, vector<1x16xf32>,
    %swap3A_61 = vector.shape_cast %swap3A_60 : vector<1x16xf32> to vector<16xf32>
    %swap3A_62 = vector.shape_cast %broadcast_in_dim3A_15 : vector<16xf32> to vector<1x16xf32>
    tpu.vector_store %arg9[%swap3A_58, %swap3A_59], %swap3A_62 {strides = array<i32>} : memref<16x32xf32, #tpu.memory_space<vmem>>, vector<1x16xf32>,
    %swap3A_63 = arith.constant 4 : i32
    %swap3A_64 = arith.index_cast %swap3A_63 : i32 to index
    %swap3A_65 = arith.constant 0 : index
    %swap3A_66 = tpu.vector_load %arg9[%swap3A_64, %swap3A_65] {strides = array<i32>} : memref<16x32xf32, #tpu.memory_space<vmem>>, vector<1x16xf32>,
    %swap3A_67 = vector.shape_cast %swap3A_66 : vector<1x16xf32> to vector<16xf32>
    %swap3A_68 = vector.shape_cast %broadcast_in_dim3A_15 : vector<16xf32> to vector<1x16xf32>
    tpu.vector_store %arg9[%swap3A_64, %swap3A_65], %swap3A_68 {strides = array<i32>} : memref<16x32xf32, #tpu.memory_space<vmem>>, vector<1x16xf32>,
    %swap3A_69 = arith.constant 4 : i32
    %swap3A_70 = arith.index_cast %swap3A_69 : i32 to index
    %swap3A_71 = arith.constant 16 : index
    %swap3A_72 = tpu.vector_load %arg9[%swap3A_70, %swap3A_71] {strides = array<i32>} : memref<16x32xf32, #tpu.memory_space<vmem>>, vector<1x16xf32>,
    %swap3A_73 = vector.shape_cast %swap3A_72 : vector<1x16xf32> to vector<16xf32>
    %swap3A_74 = vector.shape_cast %broadcast_in_dim3A_15 : vector<16xf32> to vector<1x16xf32>
    tpu.vector_store %arg9[%swap3A_70, %swap3A_71], %swap3A_74 {strides = array<i32>} : memref<16x32xf32, #tpu.memory_space<vmem>>, vector<1x16xf32>,
    %swap3A_75 = arith.constant 5 : i32
    %swap3A_76 = arith.index_cast %swap3A_75 : i32 to index
    %swap3A_77 = arith.constant 0 : index
    %swap3A_78 = tpu.vector_load %arg9[%swap3A_76, %swap3A_77] {strides = array<i32>} : memref<16x32xf32, #tpu.memory_space<vmem>>, vector<1x16xf32>,
    %swap3A_79 = vector.shape_cast %swap3A_78 : vector<1x16xf32> to vector<16xf32>
    %swap3A_80 = vector.shape_cast %broadcast_in_dim3A_15 : vector<16xf32> to vector<1x16xf32>
    tpu.vector_store %arg9[%swap3A_76, %swap3A_77], %swap3A_80 {strides = array<i32>} : memref<16x32xf32, #tpu.memory_space<vmem>>, vector<1x16xf32>,
    %swap3A_81 = arith.constant 5 : i32
    %swap3A_82 = arith.index_cast %swap3A_81 : i32 to index
    %swap3A_83 = arith.constant 16 : index
    %swap3A_84 = tpu.vector_load %arg9[%swap3A_82, %swap3A_83] {strides = array<i32>} : memref<16x32xf32, #tpu.memory_space<vmem>>, vector<1x16xf32>,
    %swap3A_85 = vector.shape_cast %swap3A_84 : vector<1x16xf32> to vector<16xf32>
    %swap3A_86 = vector.shape_cast %broadcast_in_dim3A_15 : vector<16xf32> to vector<1x16xf32>
    tpu.vector_store %arg9[%swap3A_82, %swap3A_83], %swap3A_86 {strides = array<i32>} : memref<16x32xf32, #tpu.memory_space<vmem>>, vector<1x16xf32>,
    %swap3A_87 = arith.constant 6 : i32
    %swap3A_88 = arith.index_cast %swap3A_87 : i32 to index
    %swap3A_89 = arith.constant 0 : index
    %swap3A_90 = tpu.vector_load %arg9[%swap3A_88, %swap3A_89] {strides = array<i32>} : memref<16x32xf32, #tpu.memory_space<vmem>>, vector<1x16xf32>,
    %swap3A_91 = vector.shape_cast %swap3A_90 : vector<1x16xf32> to vector<16xf32>
    %swap3A_92 = vector.shape_cast %broadcast_in_dim3A_15 : vector<16xf32> to vector<1x16xf32>
    tpu.vector_store %arg9[%swap3A_88, %swap3A_89], %swap3A_92 {strides = array<i32>} : memref<16x32xf32, #tpu.memory_space<vmem>>, vector<1x16xf32>,
    %swap3A_93 = arith.constant 6 : i32
    %swap3A_94 = arith.index_cast %swap3A_93 : i32 to index
    %swap3A_95 = arith.constant 16 : index
    %swap3A_96 = tpu.vector_load %arg9[%swap3A_94, %swap3A_95] {strides = array<i32>} : memref<16x32xf32, #tpu.memory_space<vmem>>, vector<1x16xf32>,
    %swap3A_97 = vector.shape_cast %swap3A_96 : vector<1x16xf32> to vector<16xf32>
    %swap3A_98 = vector.shape_cast %broadcast_in_dim3A_15 : vector<16xf32> to vector<1x16xf32>
    tpu.vector_store %arg9[%swap3A_94, %swap3A_95], %swap3A_98 {strides = array<i32>} : memref<16x32xf32, #tpu.memory_space<vmem>>, vector<1x16xf32>,
    %swap3A_99 = arith.constant 7 : i32
    %swap3A_100 = arith.index_cast %swap3A_99 : i32 to index
    %swap3A_101 = arith.constant 0 : index
    %swap3A_102 = tpu.vector_load %arg9[%swap3A_100, %swap3A_101] {strides = array<i32>} : memref<16x32xf32, #tpu.memory_space<vmem>>, vector<1x16xf32>,
    %swap3A_103 = vector.shape_cast %swap3A_102 : vector<1x16xf32> to vector<16xf32>
    %swap3A_104 = vector.shape_cast %broadcast_in_dim3A_15 : vector<16xf32> to vector<1x16xf32>
    tpu.vector_store %arg9[%swap3A_100, %swap3A_101], %swap3A_104 {strides = array<i32>} : memref<16x32xf32, #tpu.memory_space<vmem>>, vector<1x16xf32>,
    %swap3A_105 = arith.constant 7 : i32
    %swap3A_106 = arith.index_cast %swap3A_105 : i32 to index
    %swap3A_107 = arith.constant 16 : index
    %swap3A_108 = tpu.vector_load %arg9[%swap3A_106, %swap3A_107] {strides = array<i32>} : memref<16x32xf32, #tpu.memory_space<vmem>>, vector<1x16xf32>,
    %swap3A_109 = vector.shape_cast %swap3A_108 : vector<1x16xf32> to vector<16xf32>
    %swap3A_110 = vector.shape_cast %broadcast_in_dim3A_15 : vector<16xf32> to vector<1x16xf32>
    tpu.vector_store %arg9[%swap3A_106, %swap3A_107], %swap3A_110 {strides = array<i32>} : memref<16x32xf32, #tpu.memory_space<vmem>>, vector<1x16xf32>,
    %swap3A_111 = arith.constant 8 : i32
    %swap3A_112 = arith.index_cast %swap3A_111 : i32 to index
    %swap3A_113 = arith.constant 0 : index
    %swap3A_114 = tpu.vector_load %arg9[%swap3A_112, %swap3A_113] {strides = array<i32>} : memref<16x32xf32, #tpu.memory_space<vmem>>, vector<1x16xf32>,
    %swap3A_115 = vector.shape_cast %swap3A_114 : vector<1x16xf32> to vector<16xf32>
    %swap3A_116 = vector.shape_cast %broadcast_in_dim3A_15 : vector<16xf32> to vector<1x16xf32>
    tpu.vector_store %arg9[%swap3A_112, %swap3A_113], %swap3A_116 {strides = array<i32>} : memref<16x32xf32, #tpu.memory_space<vmem>>, vector<1x16xf32>,
    %swap3A_117 = arith.constant 8 : i32
    %swap3A_118 = arith.index_cast %swap3A_117 : i32 to index
    %swap3A_119 = arith.constant 16 : index
    %swap3A_120 = tpu.vector_load %arg9[%swap3A_118, %swap3A_119] {strides = array<i32>} : memref<16x32xf32, #tpu.memory_space<vmem>>, vector<1x16xf32>,
    %swap3A_121 = vector.shape_cast %swap3A_120 : vector<1x16xf32> to vector<16xf32>
    %swap3A_122 = vector.shape_cast %broadcast_in_dim3A_15 : vector<16xf32> to vector<1x16xf32>
    tpu.vector_store %arg9[%swap3A_118, %swap3A_119], %swap3A_122 {strides = array<i32>} : memref<16x32xf32, #tpu.memory_space<vmem>>, vector<1x16xf32>,
    %swap3A_123 = arith.constant 9 : i32
    %swap3A_124 = arith.index_cast %swap3A_123 : i32 to index
    %swap3A_125 = arith.constant 0 : index
    %swap3A_126 = tpu.vector_load %arg9[%swap3A_124, %swap3A_125] {strides = array<i32>} : memref<16x32xf32, #tpu.memory_space<vmem>>, vector<1x16xf32>,
    %swap3A_127 = vector.shape_cast %swap3A_126 : vector<1x16xf32> to vector<16xf32>
    %swap3A_128 = vector.shape_cast %broadcast_in_dim3A_15 : vector<16xf32> to vector<1x16xf32>
    tpu.vector_store %arg9[%swap3A_124, %swap3A_125], %swap3A_128 {strides = array<i32>} : memref<16x32xf32, #tpu.memory_space<vmem>>, vector<1x16xf32>,
    %swap3A_129 = arith.constant 9 : i32
    %swap3A_130 = arith.index_cast %swap3A_129 : i32 to index
    %swap3A_131 = arith.constant 16 : index
    %swap3A_132 = tpu.vector_load %arg9[%swap3A_130, %swap3A_131] {strides = array<i32>} : memref<16x32xf32, #tpu.memory_space<vmem>>, vector<1x16xf32>,
    %swap3A_133 = vector.shape_cast %swap3A_132 : vector<1x16xf32> to vector<16xf32>
    %swap3A_134 = vector.shape_cast %broadcast_in_dim3A_15 : vector<16xf32> to vector<1x16xf32>
    tpu.vector_store %arg9[%swap3A_130, %swap3A_131], %swap3A_134 {strides = array<i32>} : memref<16x32xf32, #tpu.memory_space<vmem>>, vector<1x16xf32>,
    %swap3A_135 = arith.constant 10 : i32
    %swap3A_136 = arith.index_cast %swap3A_135 : i32 to index
    %swap3A_137 = arith.constant 0 : index
    %swap3A_138 = tpu.vector_load %arg9[%swap3A_136, %swap3A_137] {strides = array<i32>} : memref<16x32xf32, #tpu.memory_space<vmem>>, vector<1x16xf32>,
    %swap3A_139 = vector.shape_cast %swap3A_138 : vector<1x16xf32> to vector<16xf32>
    %swap3A_140 = vector.shape_cast %broadcast_in_dim3A_15 : vector<16xf32> to vector<1x16xf32>
    tpu.vector_store %arg9[%swap3A_136, %swap3A_137], %swap3A_140 {strides = array<i32>} : memref<16x32xf32, #tpu.memory_space<vmem>>, vector<1x16xf32>,
    %swap3A_141 = arith.constant 10 : i32
    %swap3A_142 = arith.index_cast %swap3A_141 : i32 to index
    %swap3A_143 = arith.constant 16 : index
    %swap3A_144 = tpu.vector_load %arg9[%swap3A_142, %swap3A_143] {strides = array<i32>} : memref<16x32xf32, #tpu.memory_space<vmem>>, vector<1x16xf32>,
    %swap3A_145 = vector.shape_cast %swap3A_144 : vector<1x16xf32> to vector<16xf32>
    %swap3A_146 = vector.shape_cast %broadcast_in_dim3A_15 : vector<16xf32> to vector<1x16xf32>
    tpu.vector_store %arg9[%swap3A_142, %swap3A_143], %swap3A_146 {strides = array<i32>} : memref<16x32xf32, #tpu.memory_space<vmem>>, vector<1x16xf32>,
    %swap3A_147 = arith.constant 11 : i32
    %swap3A_148 = arith.index_cast %swap3A_147 : i32 to index
    %swap3A_149 = arith.constant 0 : index
    %swap3A_150 = tpu.vector_load %arg9[%swap3A_148, %swap3A_149] {strides = array<i32>} : memref<16x32xf32, #tpu.memory_space<vmem>>, vector<1x16xf32>,
    %swap3A_151 = vector.shape_cast %swap3A_150 : vector<1x16xf32> to vector<16xf32>
    %swap3A_152 = vector.shape_cast %broadcast_in_dim3A_15 : vector<16xf32> to vector<1x16xf32>
    tpu.vector_store %arg9[%swap3A_148, %swap3A_149], %swap3A_152 {strides = array<i32>} : memref<16x32xf32, #tpu.memory_space<vmem>>, vector<1x16xf32>,
    %swap3A_153 = arith.constant 11 : i32
    %swap3A_154 = arith.index_cast %swap3A_153 : i32 to index
    %swap3A_155 = arith.constant 16 : index
    %swap3A_156 = tpu.vector_load %arg9[%swap3A_154, %swap3A_155] {strides = array<i32>} : memref<16x32xf32, #tpu.memory_space<vmem>>, vector<1x16xf32>,
    %swap3A_157 = vector.shape_cast %swap3A_156 : vector<1x16xf32> to vector<16xf32>
    %swap3A_158 = vector.shape_cast %broadcast_in_dim3A_15 : vector<16xf32> to vector<1x16xf32>
    tpu.vector_store %arg9[%swap3A_154, %swap3A_155], %swap3A_158 {strides = array<i32>} : memref<16x32xf32, #tpu.memory_space<vmem>>, vector<1x16xf32>,
    %swap3A_159 = arith.constant 12 : i32
    %swap3A_160 = arith.index_cast %swap3A_159 : i32 to index
    %swap3A_161 = arith.constant 0 : index
    %swap3A_162 = tpu.vector_load %arg9[%swap3A_160, %swap3A_161] {strides = array<i32>} : memref<16x32xf32, #tpu.memory_space<vmem>>, vector<1x16xf32>,
    %swap3A_163 = vector.shape_cast %swap3A_162 : vector<1x16xf32> to vector<16xf32>
    %swap3A_164 = vector.shape_cast %broadcast_in_dim3A_15 : vector<16xf32> to vector<1x16xf32>
    tpu.vector_store %arg9[%swap3A_160, %swap3A_161], %swap3A_164 {strides = array<i32>} : memref<16x32xf32, #tpu.memory_space<vmem>>, vector<1x16xf32>,
    %swap3A_165 = arith.constant 12 : i32
    %swap3A_166 = arith.index_cast %swap3A_165 : i32 to index
    %swap3A_167 = arith.constant 16 : index
    %swap3A_168 = tpu.vector_load %arg9[%swap3A_166, %swap3A_167] {strides = array<i32>} : memref<16x32xf32, #tpu.memory_space<vmem>>, vector<1x16xf32>,
    %swap3A_169 = vector.shape_cast %swap3A_168 : vector<1x16xf32> to vector<16xf32>
    %swap3A_170 = vector.shape_cast %broadcast_in_dim3A_15 : vector<16xf32> to vector<1x16xf32>
    tpu.vector_store %arg9[%swap3A_166, %swap3A_167], %swap3A_170 {strides = array<i32>} : memref<16x32xf32, #tpu.memory_space<vmem>>, vector<1x16xf32>,
    %swap3A_171 = arith.constant 13 : i32
    %swap3A_172 = arith.index_cast %swap3A_171 : i32 to index
    %swap3A_173 = arith.constant 0 : index
    %swap3A_174 = tpu.vector_load %arg9[%swap3A_172, %swap3A_173] {strides = array<i32>} : memref<16x32xf32, #tpu.memory_space<vmem>>, vector<1x16xf32>,
    %swap3A_175 = vector.shape_cast %swap3A_174 : vector<1x16xf32> to vector<16xf32>
    %swap3A_176 = vector.shape_cast %broadcast_in_dim3A_15 : vector<16xf32> to vector<1x16xf32>
    tpu.vector_store %arg9[%swap3A_172, %swap3A_173], %swap3A_176 {strides = array<i32>} : memref<16x32xf32, #tpu.memory_space<vmem>>, vector<1x16xf32>,
    %swap3A_177 = arith.constant 13 : i32
    %swap3A_178 = arith.index_cast %swap3A_177 : i32 to index
    %swap3A_179 = arith.constant 16 : index
    %swap3A_180 = tpu.vector_load %arg9[%swap3A_178, %swap3A_179] {strides = array<i32>} : memref<16x32xf32, #tpu.memory_space<vmem>>, vector<1x16xf32>,
    %swap3A_181 = vector.shape_cast %swap3A_180 : vector<1x16xf32> to vector<16xf32>
    %swap3A_182 = vector.shape_cast %broadcast_in_dim3A_15 : vector<16xf32> to vector<1x16xf32>
    tpu.vector_store %arg9[%swap3A_178, %swap3A_179], %swap3A_182 {strides = array<i32>} : memref<16x32xf32, #tpu.memory_space<vmem>>, vector<1x16xf32>,
    %swap3A_183 = arith.constant 14 : i32
    %swap3A_184 = arith.index_cast %swap3A_183 : i32 to index
    %swap3A_185 = arith.constant 0 : index
    %swap3A_186 = tpu.vector_load %arg9[%swap3A_184, %swap3A_185] {strides = array<i32>} : memref<16x32xf32, #tpu.memory_space<vmem>>, vector<1x16xf32>,
    %swap3A_187 = vector.shape_cast %swap3A_186 : vector<1x16xf32> to vector<16xf32>
    %swap3A_188 = vector.shape_cast %broadcast_in_dim3A_15 : vector<16xf32> to vector<1x16xf32>
    tpu.vector_store %arg9[%swap3A_184, %swap3A_185], %swap3A_188 {strides = array<i32>} : memref<16x32xf32, #tpu.memory_space<vmem>>, vector<1x16xf32>,
    %swap3A_189 = arith.constant 14 : i32
    %swap3A_190 = arith.index_cast %swap3A_189 : i32 to index
    %swap3A_191 = arith.constant 16 : index
    %swap3A_192 = tpu.vector_load %arg9[%swap3A_190, %swap3A_191] {strides = array<i32>} : memref<16x32xf32, #tpu.memory_space<vmem>>, vector<1x16xf32>,
    %swap3A_193 = vector.shape_cast %swap3A_192 : vector<1x16xf32> to vector<16xf32>
    %swap3A_194 = vector.shape_cast %broadcast_in_dim3A_15 : vector<16xf32> to vector<1x16xf32>
    tpu.vector_store %arg9[%swap3A_190, %swap3A_191], %swap3A_194 {strides = array<i32>} : memref<16x32xf32, #tpu.memory_space<vmem>>, vector<1x16xf32>,
    %swap3A_195 = arith.constant 15 : i32
    %swap3A_196 = arith.index_cast %swap3A_195 : i32 to index
    %swap3A_197 = arith.constant 0 : index
    %swap3A_198 = tpu.vector_load %arg9[%swap3A_196, %swap3A_197] {strides = array<i32>} : memref<16x32xf32, #tpu.memory_space<vmem>>, vector<1x16xf32>,
    %swap3A_199 = vector.shape_cast %swap3A_198 : vector<1x16xf32> to vector<16xf32>
    %swap3A_200 = vector.shape_cast %broadcast_in_dim3A_15 : vector<16xf32> to vector<1x16xf32>
    tpu.vector_store %arg9[%swap3A_196, %swap3A_197], %swap3A_200 {strides = array<i32>} : memref<16x32xf32, #tpu.memory_space<vmem>>, vector<1x16xf32>,
    %swap3A_201 = arith.constant 15 : i32
    %swap3A_202 = arith.index_cast %swap3A_201 : i32 to index
    %swap3A_203 = arith.constant 16 : index
    %swap3A_204 = tpu.vector_load %arg9[%swap3A_202, %swap3A_203] {strides = array<i32>} : memref<16x32xf32, #tpu.memory_space<vmem>>, vector<1x16xf32>,
    %swap3A_205 = vector.shape_cast %swap3A_204 : vector<1x16xf32> to vector<16xf32>
    %swap3A_206 = vector.shape_cast %broadcast_in_dim3A_15 : vector<16xf32> to vector<1x16xf32>
    tpu.vector_store %arg9[%swap3A_202, %swap3A_203], %swap3A_206 {strides = array<i32>} : memref<16x32xf32, #tpu.memory_space<vmem>>, vector<1x16xf32>,
    %scan3A = arith.constant 0 : i32
    %scan3A_207 = arith.constant 40 : i32
    %scan3A_208 = arith.addi %scan3A, %scan3A_207 : i32
    %scan3A_209 = arith.constant 1 : i32
    scf.for %scan3A_460 = %scan3A to %scan3A_208 step %scan3A_209  : i32 {
      %mul3A_461 = arith.constant 1 : i32
      %mul3A_462 = arith.muli %scan3A_460, %mul3A_461 : i32
      %add3A = arith.constant 0 : i32
      %add3A_463 = arith.addi %add3A, %mul3A_462 : i32
      %mul3A_464 = arith.constant 640 : i32
      %mul3A_465 = arith.muli %arg1, %mul3A_464 : i32
      %mul3A_466 = arith.constant 16 : i32
      %mul3A_467 = arith.muli %add3A_463, %mul3A_466 : i32
      %add3A_468 = arith.addi %mul3A_465, %mul3A_467 : i32
      "tpu.region"() ({
        %run_scoped3A = tpu.sem_alloc : memref<!tpu.dma_semaphore, #tpu.memory_space<semaphore_mem>>
        %dma_start3A_469 = arith.constant 0 : i32
        %dma_start3A_470 = tpu.memref_slice %arg11[%add3A_468, %dma_start3A_469] : memref<10240x32xf32, #tpu.memory_space<vmem_shared>> -> memref<16x32xf32, #tpu.memory_space<vmem_shared>>
        %dma_start3A_471 = arith.constant 0 : i32
        %dma_start3A_472 = tpu.memref_slice %arg11[%add3A_468, %dma_start3A_471] : memref<10240x32xf32, #tpu.memory_space<vmem_shared>> -> memref<16x32xf32, #tpu.memory_space<vmem_shared>>
        tpu.enqueue_dma source(%arg9 : memref<16x32xf32, #tpu.memory_space<vmem>>) target(%dma_start3A_472 : memref<16x32xf32, #tpu.memory_space<vmem_shared>>) target_semaphore(%run_scoped3A : memref<!tpu.dma_semaphore, #tpu.memory_space<semaphore_mem>>)
        %dma_wait3A_473 = arith.constant 0 : i32
        %dma_wait3A_474 = tpu.memref_slice %arg11[%add3A_468, %dma_wait3A_473] : memref<10240x32xf32, #tpu.memory_space<vmem_shared>> -> memref<16x32xf32, #tpu.memory_space<vmem_shared>>
        %dma_wait3A_475 = arith.constant 0 : i32
        %dma_wait3A_476 = tpu.memref_slice %arg11[%add3A_468, %dma_wait3A_475] : memref<10240x32xf32, #tpu.memory_space<vmem_shared>> -> memref<16x32xf32, #tpu.memory_space<vmem_shared>>
        tpu.wait_dma2 semaphore(%run_scoped3A : memref<!tpu.dma_semaphore, #tpu.memory_space<semaphore_mem>>) src(%arg9 : memref<16x32xf32, #tpu.memory_space<vmem>>) dst(%dma_wait3A_476 : memref<16x32xf32, #tpu.memory_space<vmem_shared>>)
        tpu.yield
      }) : () -> ()
    }
    %scan3A_210 = arith.constant 40 : i32
    %dma_wait3A = arith.constant 0 : i32
    %dma_wait3A_211 = arith.constant 0 : i32
    %dma_wait3A_212 = tpu.memref_slice %arg2[%arg1, %dma_wait3A, %dma_wait3A_211] : memref<16x160x128xi32, #tpu.memory_space<hbm>> -> memref<1x160x128xi32, #tpu.memory_space<hbm>>
    %dma_wait3A_213 = tpu.memref_squeeze %dma_wait3A_212 : memref<1x160x128xi32, #tpu.memory_space<hbm>> -> memref<160x128xi32, #tpu.memory_space<hbm>>
    %dma_wait3A_214 = arith.constant 0 : i32
    %dma_wait3A_215 = arith.constant 0 : i32
    %dma_wait3A_216 = tpu.memref_slice %arg2[%arg1, %dma_wait3A_214, %dma_wait3A_215] : memref<16x160x128xi32, #tpu.memory_space<hbm>> -> memref<1x160x128xi32, #tpu.memory_space<hbm>>
    %dma_wait3A_217 = tpu.memref_squeeze %dma_wait3A_216 : memref<1x160x128xi32, #tpu.memory_space<hbm>> -> memref<160x128xi32, #tpu.memory_space<hbm>>
    tpu.wait_dma2 semaphore(%arg16 : memref<!tpu.dma_semaphore, #tpu.memory_space<semaphore_mem>>) src(%dma_wait3A_217 : memref<160x128xi32, #tpu.memory_space<hbm>>) dst(%arg6 : memref<160x128xi32, #tpu.memory_space<vmem>>)
    %dma_wait3A_218 = arith.constant 0 : i32
    %dma_wait3A_219 = arith.constant 0 : i32
    %dma_wait3A_220 = tpu.memref_slice %arg3[%arg1, %dma_wait3A_218, %dma_wait3A_219] : memref<16x160x128xi32, #tpu.memory_space<hbm>> -> memref<1x160x128xi32, #tpu.memory_space<hbm>>
    %dma_wait3A_221 = tpu.memref_squeeze %dma_wait3A_220 : memref<1x160x128xi32, #tpu.memory_space<hbm>> -> memref<160x128xi32, #tpu.memory_space<hbm>>
    %dma_wait3A_222 = arith.constant 0 : i32
    %dma_wait3A_223 = arith.constant 0 : i32
    %dma_wait3A_224 = tpu.memref_slice %arg3[%arg1, %dma_wait3A_222, %dma_wait3A_223] : memref<16x160x128xi32, #tpu.memory_space<hbm>> -> memref<1x160x128xi32, #tpu.memory_space<hbm>>
    %dma_wait3A_225 = tpu.memref_squeeze %dma_wait3A_224 : memref<1x160x128xi32, #tpu.memory_space<hbm>> -> memref<160x128xi32, #tpu.memory_space<hbm>>
    tpu.wait_dma2 semaphore(%arg16 : memref<!tpu.dma_semaphore, #tpu.memory_space<semaphore_mem>>) src(%dma_wait3A_225 : memref<160x128xi32, #tpu.memory_space<hbm>>) dst(%arg7 : memref<160x128xi32, #tpu.memory_space<vmem>>)
    %barrier3A = arith.constant 0 : index
    tpu.barrier barrier_id(%barrier3A)
    %dma_start3A_226 = arith.constant 0 : i32
    %dma_start3A_227 = arith.constant 0 : i32
    %dma_start3A_228 = arith.constant 0 : i32
    %dma_start3A_229 = arith.constant 0 : i32
    %dma_start3A_230 = arith.constant 0 : i32
    %dma_start3A_231 = tpu.memref_slice %arg8[%dma_start3A_227, %dma_start3A_229, %dma_start3A_230] : memref<10x128x32xf32, #tpu.memory_space<vmem>> -> memref<1x128x32xf32, #tpu.memory_space<vmem>>
    %dma_start3A_232 = tpu.memref_squeeze %dma_start3A_231 : memref<1x128x32xf32, #tpu.memory_space<vmem>> -> memref<128x32xf32, #tpu.memory_space<vmem>>
    %dma_start3A_233 = arith.constant 0 : i32
    %dma_start3A_234 = tpu.memref_slice %arg6[%dma_start3A_226, %dma_start3A_233] : memref<160x128xi32, #tpu.memory_space<vmem>> -> memref<1x128xi32, #tpu.memory_space<vmem>>
    %dma_start3A_235 = tpu.memref_squeeze %dma_start3A_234 : memref<1x128xi32, #tpu.memory_space<vmem>> -> memref<128xi32, #tpu.memory_space<vmem>>
    %dma_start3A_236 = arith.constant 0 : i32
    %dma_start3A_237 = arith.constant 0 : i32
    %dma_start3A_238 = tpu.memref_slice %arg4[%arg0, %dma_start3A_236, %dma_start3A_237] : memref<2x10240x32xf32, #tpu.memory_space<hbm>> -> memref<1x10240x32xf32, #tpu.memory_space<hbm>>
    %dma_start3A_239 = tpu.memref_squeeze %dma_start3A_238 : memref<1x10240x32xf32, #tpu.memory_space<hbm>> -> memref<10240x32xf32, #tpu.memory_space<hbm>>
    %dma_start3A_240 = arith.constant 0 : i32
    %dma_start3A_241 = arith.constant 0 : i32
    %dma_start3A_242 = tpu.memref_slice %dma_start3A_239[%dma_start3A_240, %dma_start3A_241] : memref<10240x32xf32, #tpu.memory_space<hbm>> -> memref<10240x32xf32, #tpu.memory_space<hbm>>
    %dma_start3A_243 = tpu.memref_slice %arg12[%dma_start3A_228] : memref<5x!tpu.dma_semaphore, #tpu.memory_space<semaphore_mem>> -> memref<1x!tpu.dma_semaphore, #tpu.memory_space<semaphore_mem>>
    %dma_start3A_244 = tpu.memref_squeeze %dma_start3A_243 : memref<1x!tpu.dma_semaphore, #tpu.memory_space<semaphore_mem>> -> memref<!tpu.dma_semaphore, #tpu.memory_space<semaphore_mem>>
    tpu.enqueue_indirect_dma source(%dma_start3A_242 : memref<10240x32xf32, #tpu.memory_space<hbm>>) target(%dma_start3A_232 : memref<128x32xf32, #tpu.memory_space<vmem>>) offsets(%dma_start3A_235 : memref<128xi32, #tpu.memory_space<vmem>>) semaphore(%dma_start3A_244 : memref<!tpu.dma_semaphore, #tpu.memory_space<semaphore_mem>>)
    %dma_start3A_245 = arith.constant 1 : i32
    %dma_start3A_246 = arith.constant 1 : i32
    %dma_start3A_247 = arith.constant 1 : i32
    %dma_start3A_248 = arith.constant 0 : i32
    %dma_start3A_249 = arith.constant 0 : i32
    %dma_start3A_250 = tpu.memref_slice %arg8[%dma_start3A_246, %dma_start3A_248, %dma_start3A_249] : memref<10x128x32xf32, #tpu.memory_space<vmem>> -> memref<1x128x32xf32, #tpu.memory_space<vmem>>
    %dma_start3A_251 = tpu.memref_squeeze %dma_start3A_250 : memref<1x128x32xf32, #tpu.memory_space<vmem>> -> memref<128x32xf32, #tpu.memory_space<vmem>>
    %dma_start3A_252 = arith.constant 0 : i32
    %dma_start3A_253 = tpu.memref_slice %arg6[%dma_start3A_245, %dma_start3A_252] : memref<160x128xi32, #tpu.memory_space<vmem>> -> memref<1x128xi32, #tpu.memory_space<vmem>>
    %dma_start3A_254 = tpu.memref_squeeze %dma_start3A_253 : memref<1x128xi32, #tpu.memory_space<vmem>> -> memref<128xi32, #tpu.memory_space<vmem>>
    %dma_start3A_255 = arith.constant 0 : i32
    %dma_start3A_256 = arith.constant 0 : i32
    %dma_start3A_257 = tpu.memref_slice %arg4[%arg0, %dma_start3A_255, %dma_start3A_256] : memref<2x10240x32xf32, #tpu.memory_space<hbm>> -> memref<1x10240x32xf32, #tpu.memory_space<hbm>>
    %dma_start3A_258 = tpu.memref_squeeze %dma_start3A_257 : memref<1x10240x32xf32, #tpu.memory_space<hbm>> -> memref<10240x32xf32, #tpu.memory_space<hbm>>
    %dma_start3A_259 = arith.constant 0 : i32
    %dma_start3A_260 = arith.constant 0 : i32
    %dma_start3A_261 = tpu.memref_slice %dma_start3A_258[%dma_start3A_259, %dma_start3A_260] : memref<10240x32xf32, #tpu.memory_space<hbm>> -> memref<10240x32xf32, #tpu.memory_space<hbm>>
    %dma_start3A_262 = tpu.memref_slice %arg12[%dma_start3A_247] : memref<5x!tpu.dma_semaphore, #tpu.memory_space<semaphore_mem>> -> memref<1x!tpu.dma_semaphore, #tpu.memory_space<semaphore_mem>>
    %dma_start3A_263 = tpu.memref_squeeze %dma_start3A_262 : memref<1x!tpu.dma_semaphore, #tpu.memory_space<semaphore_mem>> -> memref<!tpu.dma_semaphore, #tpu.memory_space<semaphore_mem>>
    tpu.enqueue_indirect_dma source(%dma_start3A_261 : memref<10240x32xf32, #tpu.memory_space<hbm>>) target(%dma_start3A_251 : memref<128x32xf32, #tpu.memory_space<vmem>>) offsets(%dma_start3A_254 : memref<128xi32, #tpu.memory_space<vmem>>) semaphore(%dma_start3A_263 : memref<!tpu.dma_semaphore, #tpu.memory_space<semaphore_mem>>)
    %dma_start3A_264 = arith.constant 2 : i32
    %dma_start3A_265 = arith.constant 2 : i32
    %dma_start3A_266 = arith.constant 2 : i32
    %dma_start3A_267 = arith.constant 0 : i32
    %dma_start3A_268 = arith.constant 0 : i32
    %dma_start3A_269 = tpu.memref_slice %arg8[%dma_start3A_265, %dma_start3A_267, %dma_start3A_268] : memref<10x128x32xf32, #tpu.memory_space<vmem>> -> memref<1x128x32xf32, #tpu.memory_space<vmem>>
    %dma_start3A_270 = tpu.memref_squeeze %dma_start3A_269 : memref<1x128x32xf32, #tpu.memory_space<vmem>> -> memref<128x32xf32, #tpu.memory_space<vmem>>
    %dma_start3A_271 = arith.constant 0 : i32
    %dma_start3A_272 = tpu.memref_slice %arg6[%dma_start3A_264, %dma_start3A_271] : memref<160x128xi32, #tpu.memory_space<vmem>> -> memref<1x128xi32, #tpu.memory_space<vmem>>
    %dma_start3A_273 = tpu.memref_squeeze %dma_start3A_272 : memref<1x128xi32, #tpu.memory_space<vmem>> -> memref<128xi32, #tpu.memory_space<vmem>>
    %dma_start3A_274 = arith.constant 0 : i32
    %dma_start3A_275 = arith.constant 0 : i32
    %dma_start3A_276 = tpu.memref_slice %arg4[%arg0, %dma_start3A_274, %dma_start3A_275] : memref<2x10240x32xf32, #tpu.memory_space<hbm>> -> memref<1x10240x32xf32, #tpu.memory_space<hbm>>
    %dma_start3A_277 = tpu.memref_squeeze %dma_start3A_276 : memref<1x10240x32xf32, #tpu.memory_space<hbm>> -> memref<10240x32xf32, #tpu.memory_space<hbm>>
    %dma_start3A_278 = arith.constant 0 : i32
    %dma_start3A_279 = arith.constant 0 : i32
    %dma_start3A_280 = tpu.memref_slice %dma_start3A_277[%dma_start3A_278, %dma_start3A_279] : memref<10240x32xf32, #tpu.memory_space<hbm>> -> memref<10240x32xf32, #tpu.memory_space<hbm>>
    %dma_start3A_281 = tpu.memref_slice %arg12[%dma_start3A_266] : memref<5x!tpu.dma_semaphore, #tpu.memory_space<semaphore_mem>> -> memref<1x!tpu.dma_semaphore, #tpu.memory_space<semaphore_mem>>
    %dma_start3A_282 = tpu.memref_squeeze %dma_start3A_281 : memref<1x!tpu.dma_semaphore, #tpu.memory_space<semaphore_mem>> -> memref<!tpu.dma_semaphore, #tpu.memory_space<semaphore_mem>>
    tpu.enqueue_indirect_dma source(%dma_start3A_280 : memref<10240x32xf32, #tpu.memory_space<hbm>>) target(%dma_start3A_270 : memref<128x32xf32, #tpu.memory_space<vmem>>) offsets(%dma_start3A_273 : memref<128xi32, #tpu.memory_space<vmem>>) semaphore(%dma_start3A_282 : memref<!tpu.dma_semaphore, #tpu.memory_space<semaphore_mem>>)
    %dma_start3A_283 = arith.constant 3 : i32
    %dma_start3A_284 = arith.constant 3 : i32
    %dma_start3A_285 = arith.constant 3 : i32
    %dma_start3A_286 = arith.constant 0 : i32
    %dma_start3A_287 = arith.constant 0 : i32
    %dma_start3A_288 = tpu.memref_slice %arg8[%dma_start3A_284, %dma_start3A_286, %dma_start3A_287] : memref<10x128x32xf32, #tpu.memory_space<vmem>> -> memref<1x128x32xf32, #tpu.memory_space<vmem>>
    %dma_start3A_289 = tpu.memref_squeeze %dma_start3A_288 : memref<1x128x32xf32, #tpu.memory_space<vmem>> -> memref<128x32xf32, #tpu.memory_space<vmem>>
    %dma_start3A_290 = arith.constant 0 : i32
    %dma_start3A_291 = tpu.memref_slice %arg6[%dma_start3A_283, %dma_start3A_290] : memref<160x128xi32, #tpu.memory_space<vmem>> -> memref<1x128xi32, #tpu.memory_space<vmem>>
    %dma_start3A_292 = tpu.memref_squeeze %dma_start3A_291 : memref<1x128xi32, #tpu.memory_space<vmem>> -> memref<128xi32, #tpu.memory_space<vmem>>
    %dma_start3A_293 = arith.constant 0 : i32
    %dma_start3A_294 = arith.constant 0 : i32
    %dma_start3A_295 = tpu.memref_slice %arg4[%arg0, %dma_start3A_293, %dma_start3A_294] : memref<2x10240x32xf32, #tpu.memory_space<hbm>> -> memref<1x10240x32xf32, #tpu.memory_space<hbm>>
    %dma_start3A_296 = tpu.memref_squeeze %dma_start3A_295 : memref<1x10240x32xf32, #tpu.memory_space<hbm>> -> memref<10240x32xf32, #tpu.memory_space<hbm>>
    %dma_start3A_297 = arith.constant 0 : i32
    %dma_start3A_298 = arith.constant 0 : i32
    %dma_start3A_299 = tpu.memref_slice %dma_start3A_296[%dma_start3A_297, %dma_start3A_298] : memref<10240x32xf32, #tpu.memory_space<hbm>> -> memref<10240x32xf32, #tpu.memory_space<hbm>>
    %dma_start3A_300 = tpu.memref_slice %arg12[%dma_start3A_285] : memref<5x!tpu.dma_semaphore, #tpu.memory_space<semaphore_mem>> -> memref<1x!tpu.dma_semaphore, #tpu.memory_space<semaphore_mem>>
    %dma_start3A_301 = tpu.memref_squeeze %dma_start3A_300 : memref<1x!tpu.dma_semaphore, #tpu.memory_space<semaphore_mem>> -> memref<!tpu.dma_semaphore, #tpu.memory_space<semaphore_mem>>
    tpu.enqueue_indirect_dma source(%dma_start3A_299 : memref<10240x32xf32, #tpu.memory_space<hbm>>) target(%dma_start3A_289 : memref<128x32xf32, #tpu.memory_space<vmem>>) offsets(%dma_start3A_292 : memref<128xi32, #tpu.memory_space<vmem>>) semaphore(%dma_start3A_301 : memref<!tpu.dma_semaphore, #tpu.memory_space<semaphore_mem>>)
    %dma_start3A_302 = arith.constant 4 : i32
    %dma_start3A_303 = arith.constant 4 : i32
    %dma_start3A_304 = arith.constant 4 : i32
    %dma_start3A_305 = arith.constant 0 : i32
    %dma_start3A_306 = arith.constant 0 : i32
    %dma_start3A_307 = tpu.memref_slice %arg8[%dma_start3A_303, %dma_start3A_305, %dma_start3A_306] : memref<10x128x32xf32, #tpu.memory_space<vmem>> -> memref<1x128x32xf32, #tpu.memory_space<vmem>>
    %dma_start3A_308 = tpu.memref_squeeze %dma_start3A_307 : memref<1x128x32xf32, #tpu.memory_space<vmem>> -> memref<128x32xf32, #tpu.memory_space<vmem>>
    %dma_start3A_309 = arith.constant 0 : i32
    %dma_start3A_310 = tpu.memref_slice %arg6[%dma_start3A_302, %dma_start3A_309] : memref<160x128xi32, #tpu.memory_space<vmem>> -> memref<1x128xi32, #tpu.memory_space<vmem>>
    %dma_start3A_311 = tpu.memref_squeeze %dma_start3A_310 : memref<1x128xi32, #tpu.memory_space<vmem>> -> memref<128xi32, #tpu.memory_space<vmem>>
    %dma_start3A_312 = arith.constant 0 : i32
    %dma_start3A_313 = arith.constant 0 : i32
    %dma_start3A_314 = tpu.memref_slice %arg4[%arg0, %dma_start3A_312, %dma_start3A_313] : memref<2x10240x32xf32, #tpu.memory_space<hbm>> -> memref<1x10240x32xf32, #tpu.memory_space<hbm>>
    %dma_start3A_315 = tpu.memref_squeeze %dma_start3A_314 : memref<1x10240x32xf32, #tpu.memory_space<hbm>> -> memref<10240x32xf32, #tpu.memory_space<hbm>>
    %dma_start3A_316 = arith.constant 0 : i32
    %dma_start3A_317 = arith.constant 0 : i32
    %dma_start3A_318 = tpu.memref_slice %dma_start3A_315[%dma_start3A_316, %dma_start3A_317] : memref<10240x32xf32, #tpu.memory_space<hbm>> -> memref<10240x32xf32, #tpu.memory_space<hbm>>
    %dma_start3A_319 = tpu.memref_slice %arg12[%dma_start3A_304] : memref<5x!tpu.dma_semaphore, #tpu.memory_space<semaphore_mem>> -> memref<1x!tpu.dma_semaphore, #tpu.memory_space<semaphore_mem>>
    %dma_start3A_320 = tpu.memref_squeeze %dma_start3A_319 : memref<1x!tpu.dma_semaphore, #tpu.memory_space<semaphore_mem>> -> memref<!tpu.dma_semaphore, #tpu.memory_space<semaphore_mem>>
    tpu.enqueue_indirect_dma source(%dma_start3A_318 : memref<10240x32xf32, #tpu.memory_space<hbm>>) target(%dma_start3A_308 : memref<128x32xf32, #tpu.memory_space<vmem>>) offsets(%dma_start3A_311 : memref<128xi32, #tpu.memory_space<vmem>>) semaphore(%dma_start3A_320 : memref<!tpu.dma_semaphore, #tpu.memory_space<semaphore_mem>>)
    %scan3A_321 = arith.constant 0 : i32
    %scan3A_322 = arith.constant 16 : i32
    %scan3A_323 = arith.addi %scan3A_321, %scan3A_322 : i32
    %scan3A_324 = arith.constant 1 : i32
    scf.for %scan3A_460 = %scan3A_321 to %scan3A_323 step %scan3A_324  : i32 {
      %mul3A_461 = arith.constant 1 : i32
      %mul3A_462 = arith.muli %scan3A_460, %mul3A_461 : i32
      %add3A = arith.constant 0 : i32
      %add3A_463 = arith.addi %add3A, %mul3A_462 : i32
      %mul3A_464 = arith.constant 2 : i32
      %mul3A_465 = arith.muli %mul3A_464, %add3A_463 : i32
      %mul3A_466 = arith.constant 5 : i32
      %mul3A_467 = arith.muli %mul3A_465, %mul3A_466 : i32
      %dma_wait3A_468 = arith.constant 0 : i32
      %dma_wait3A_469 = arith.constant 0 : i32
      %dma_wait3A_470 = arith.constant 0 : i32
      %dma_wait3A_471 = arith.constant 0 : i32
      %dma_wait3A_472 = tpu.memref_slice %arg8[%dma_wait3A_468, %dma_wait3A_470, %dma_wait3A_471] : memref<10x128x32xf32, #tpu.memory_space<vmem>> -> memref<1x128x32xf32, #tpu.memory_space<vmem>>
      %dma_wait3A_473 = tpu.memref_squeeze %dma_wait3A_472 : memref<1x128x32xf32, #tpu.memory_space<vmem>> -> memref<128x32xf32, #tpu.memory_space<vmem>>
      %dma_wait3A_474 = arith.constant 0 : i32
      %dma_wait3A_475 = arith.constant 0 : i32
      %dma_wait3A_476 = tpu.memref_slice %arg4[%arg0, %dma_wait3A_474, %dma_wait3A_475] : memref<2x10240x32xf32, #tpu.memory_space<hbm>> -> memref<1x10240x32xf32, #tpu.memory_space<hbm>>
      %dma_wait3A_477 = tpu.memref_squeeze %dma_wait3A_476 : memref<1x10240x32xf32, #tpu.memory_space<hbm>> -> memref<10240x32xf32, #tpu.memory_space<hbm>>
      %dma_wait3A_478 = arith.constant 0 : i32
      %dma_wait3A_479 = arith.constant 0 : i32
      %dma_wait3A_480 = tpu.memref_slice %dma_wait3A_477[%dma_wait3A_478, %dma_wait3A_479] : memref<10240x32xf32, #tpu.memory_space<hbm>> -> memref<128x32xf32, #tpu.memory_space<hbm>>
      %dma_wait3A_481 = tpu.memref_slice %arg12[%dma_wait3A_469] : memref<5x!tpu.dma_semaphore, #tpu.memory_space<semaphore_mem>> -> memref<1x!tpu.dma_semaphore, #tpu.memory_space<semaphore_mem>>
      %dma_wait3A_482 = tpu.memref_squeeze %dma_wait3A_481 : memref<1x!tpu.dma_semaphore, #tpu.memory_space<semaphore_mem>> -> memref<!tpu.dma_semaphore, #tpu.memory_space<semaphore_mem>>
      %dma_wait3A_483 = arith.constant 0 : i32
      %dma_wait3A_484 = arith.constant 0 : i32
      %dma_wait3A_485 = tpu.memref_slice %arg8[%dma_wait3A_468, %dma_wait3A_483, %dma_wait3A_484] : memref<10x128x32xf32, #tpu.memory_space<vmem>> -> memref<1x128x32xf32, #tpu.memory_space<vmem>>
      %dma_wait3A_486 = tpu.memref_squeeze %dma_wait3A_485 : memref<1x128x32xf32, #tpu.memory_space<vmem>> -> memref<128x32xf32, #tpu.memory_space<vmem>>
      %dma_wait3A_487 = arith.constant 0 : i32
      %dma_wait3A_488 = arith.constant 0 : i32
      %dma_wait3A_489 = tpu.memref_slice %arg4[%arg0, %dma_wait3A_487, %dma_wait3A_488] : memref<2x10240x32xf32, #tpu.memory_space<hbm>> -> memref<1x10240x32xf32, #tpu.memory_space<hbm>>
      %dma_wait3A_490 = tpu.memref_squeeze %dma_wait3A_489 : memref<1x10240x32xf32, #tpu.memory_space<hbm>> -> memref<10240x32xf32, #tpu.memory_space<hbm>>
      %dma_wait3A_491 = arith.constant 0 : i32
      %dma_wait3A_492 = arith.constant 0 : i32
      %dma_wait3A_493 = tpu.memref_slice %dma_wait3A_490[%dma_wait3A_491, %dma_wait3A_492] : memref<10240x32xf32, #tpu.memory_space<hbm>> -> memref<128x32xf32, #tpu.memory_space<hbm>>
      tpu.wait_dma2 semaphore(%dma_wait3A_482 : memref<!tpu.dma_semaphore, #tpu.memory_space<semaphore_mem>>) src(%dma_wait3A_493 : memref<128x32xf32, #tpu.memory_space<hbm>>) dst(%dma_wait3A_486 : memref<128x32xf32, #tpu.memory_space<vmem>>)
      %add3A_494 = arith.constant 0 : i32
      %add3A_495 = arith.addi %mul3A_467, %add3A_494 : i32
      %dma_start3A_496 = arith.constant 0 : i32
      %dma_start3A_497 = arith.constant 0 : i32
      %dma_start3A_498 = arith.constant 0 : i32
      %dma_start3A_499 = arith.constant 0 : i32
      %dma_start3A_500 = tpu.memref_slice %arg8[%dma_start3A_496, %dma_start3A_498, %dma_start3A_499] : memref<10x128x32xf32, #tpu.memory_space<vmem>> -> memref<1x128x32xf32, #tpu.memory_space<vmem>>
      %dma_start3A_501 = tpu.memref_squeeze %dma_start3A_500 : memref<1x128x32xf32, #tpu.memory_space<vmem>> -> memref<128x32xf32, #tpu.memory_space<vmem>>
      %dma_start3A_502 = arith.constant 0 : i32
      %dma_start3A_503 = tpu.memref_slice %arg7[%add3A_495, %dma_start3A_502] : memref<160x128xi32, #tpu.memory_space<vmem>> -> memref<1x128xi32, #tpu.memory_space<vmem>>
      %dma_start3A_504 = tpu.memref_squeeze %dma_start3A_503 : memref<1x128xi32, #tpu.memory_space<vmem>> -> memref<128xi32, #tpu.memory_space<vmem>>
      %dma_start3A_505 = arith.constant 0 : i32
      %dma_start3A_506 = arith.constant 0 : i32
      %dma_start3A_507 = tpu.memref_slice %arg11[%dma_start3A_505, %dma_start3A_506] : memref<10240x32xf32, #tpu.memory_space<vmem_shared>> -> memref<10240x32xf32, #tpu.memory_space<vmem_shared>>
      %dma_start3A_508 = tpu.memref_slice %arg14[%dma_start3A_497] : memref<5x!tpu.dma_semaphore, #tpu.memory_space<semaphore_mem>> -> memref<1x!tpu.dma_semaphore, #tpu.memory_space<semaphore_mem>>
      %dma_start3A_509 = tpu.memref_squeeze %dma_start3A_508 : memref<1x!tpu.dma_semaphore, #tpu.memory_space<semaphore_mem>> -> memref<!tpu.dma_semaphore, #tpu.memory_space<semaphore_mem>>
      tpu.enqueue_indirect_dma source(%dma_start3A_501 : memref<128x32xf32, #tpu.memory_space<vmem>>) target(%dma_start3A_507 : memref<10240x32xf32, #tpu.memory_space<vmem_shared>>) offsets(%dma_start3A_504 : memref<128xi32, #tpu.memory_space<vmem>>) semaphore(%dma_start3A_509 : memref<!tpu.dma_semaphore, #tpu.memory_space<semaphore_mem>>) {add = true}
      %dma_wait3A_510 = arith.constant 1 : i32
      %dma_wait3A_511 = arith.constant 1 : i32
      %dma_wait3A_512 = arith.constant 0 : i32
      %dma_wait3A_513 = arith.constant 0 : i32
      %dma_wait3A_514 = tpu.memref_slice %arg8[%dma_wait3A_510, %dma_wait3A_512, %dma_wait3A_513] : memref<10x128x32xf32, #tpu.memory_space<vmem>> -> memref<1x128x32xf32, #tpu.memory_space<vmem>>
      %dma_wait3A_515 = tpu.memref_squeeze %dma_wait3A_514 : memref<1x128x32xf32, #tpu.memory_space<vmem>> -> memref<128x32xf32, #tpu.memory_space<vmem>>
      %dma_wait3A_516 = arith.constant 0 : i32
      %dma_wait3A_517 = arith.constant 0 : i32
      %dma_wait3A_518 = tpu.memref_slice %arg4[%arg0, %dma_wait3A_516, %dma_wait3A_517] : memref<2x10240x32xf32, #tpu.memory_space<hbm>> -> memref<1x10240x32xf32, #tpu.memory_space<hbm>>
      %dma_wait3A_519 = tpu.memref_squeeze %dma_wait3A_518 : memref<1x10240x32xf32, #tpu.memory_space<hbm>> -> memref<10240x32xf32, #tpu.memory_space<hbm>>
      %dma_wait3A_520 = arith.constant 0 : i32
      %dma_wait3A_521 = arith.constant 0 : i32
      %dma_wait3A_522 = tpu.memref_slice %dma_wait3A_519[%dma_wait3A_520, %dma_wait3A_521] : memref<10240x32xf32, #tpu.memory_space<hbm>> -> memref<128x32xf32, #tpu.memory_space<hbm>>
      %dma_wait3A_523 = tpu.memref_slice %arg12[%dma_wait3A_511] : memref<5x!tpu.dma_semaphore, #tpu.memory_space<semaphore_mem>> -> memref<1x!tpu.dma_semaphore, #tpu.memory_space<semaphore_mem>>
      %dma_wait3A_524 = tpu.memref_squeeze %dma_wait3A_523 : memref<1x!tpu.dma_semaphore, #tpu.memory_space<semaphore_mem>> -> memref<!tpu.dma_semaphore, #tpu.memory_space<semaphore_mem>>
      %dma_wait3A_525 = arith.constant 0 : i32
      %dma_wait3A_526 = arith.constant 0 : i32
      %dma_wait3A_527 = tpu.memref_slice %arg8[%dma_wait3A_510, %dma_wait3A_525, %dma_wait3A_526] : memref<10x128x32xf32, #tpu.memory_space<vmem>> -> memref<1x128x32xf32, #tpu.memory_space<vmem>>
      %dma_wait3A_528 = tpu.memref_squeeze %dma_wait3A_527 : memref<1x128x32xf32, #tpu.memory_space<vmem>> -> memref<128x32xf32, #tpu.memory_space<vmem>>
      %dma_wait3A_529 = arith.constant 0 : i32
      %dma_wait3A_530 = arith.constant 0 : i32
      %dma_wait3A_531 = tpu.memref_slice %arg4[%arg0, %dma_wait3A_529, %dma_wait3A_530] : memref<2x10240x32xf32, #tpu.memory_space<hbm>> -> memref<1x10240x32xf32, #tpu.memory_space<hbm>>
      %dma_wait3A_532 = tpu.memref_squeeze %dma_wait3A_531 : memref<1x10240x32xf32, #tpu.memory_space<hbm>> -> memref<10240x32xf32, #tpu.memory_space<hbm>>
      %dma_wait3A_533 = arith.constant 0 : i32
      %dma_wait3A_534 = arith.constant 0 : i32
      %dma_wait3A_535 = tpu.memref_slice %dma_wait3A_532[%dma_wait3A_533, %dma_wait3A_534] : memref<10240x32xf32, #tpu.memory_space<hbm>> -> memref<128x32xf32, #tpu.memory_space<hbm>>
      tpu.wait_dma2 semaphore(%dma_wait3A_524 : memref<!tpu.dma_semaphore, #tpu.memory_space<semaphore_mem>>) src(%dma_wait3A_535 : memref<128x32xf32, #tpu.memory_space<hbm>>) dst(%dma_wait3A_528 : memref<128x32xf32, #tpu.memory_space<vmem>>)
      %add3A_536 = arith.constant 1 : i32
      %add3A_537 = arith.addi %mul3A_467, %add3A_536 : i32
      %dma_start3A_538 = arith.constant 1 : i32
      %dma_start3A_539 = arith.constant 1 : i32
      %dma_start3A_540 = arith.constant 0 : i32
      %dma_start3A_541 = arith.constant 0 : i32
      %dma_start3A_542 = tpu.memref_slice %arg8[%dma_start3A_538, %dma_start3A_540, %dma_start3A_541] : memref<10x128x32xf32, #tpu.memory_space<vmem>> -> memref<1x128x32xf32, #tpu.memory_space<vmem>>
      %dma_start3A_543 = tpu.memref_squeeze %dma_start3A_542 : memref<1x128x32xf32, #tpu.memory_space<vmem>> -> memref<128x32xf32, #tpu.memory_space<vmem>>
      %dma_start3A_544 = arith.constant 0 : i32
      %dma_start3A_545 = tpu.memref_slice %arg7[%add3A_537, %dma_start3A_544] : memref<160x128xi32, #tpu.memory_space<vmem>> -> memref<1x128xi32, #tpu.memory_space<vmem>>
      %dma_start3A_546 = tpu.memref_squeeze %dma_start3A_545 : memref<1x128xi32, #tpu.memory_space<vmem>> -> memref<128xi32, #tpu.memory_space<vmem>>
      %dma_start3A_547 = arith.constant 0 : i32
      %dma_start3A_548 = arith.constant 0 : i32
      %dma_start3A_549 = tpu.memref_slice %arg11[%dma_start3A_547, %dma_start3A_548] : memref<10240x32xf32, #tpu.memory_space<vmem_shared>> -> memref<10240x32xf32, #tpu.memory_space<vmem_shared>>
      %dma_start3A_550 = tpu.memref_slice %arg14[%dma_start3A_539] : memref<5x!tpu.dma_semaphore, #tpu.memory_space<semaphore_mem>> -> memref<1x!tpu.dma_semaphore, #tpu.memory_space<semaphore_mem>>
      %dma_start3A_551 = tpu.memref_squeeze %dma_start3A_550 : memref<1x!tpu.dma_semaphore, #tpu.memory_space<semaphore_mem>> -> memref<!tpu.dma_semaphore, #tpu.memory_space<semaphore_mem>>
      tpu.enqueue_indirect_dma source(%dma_start3A_543 : memref<128x32xf32, #tpu.memory_space<vmem>>) target(%dma_start3A_549 : memref<10240x32xf32, #tpu.memory_space<vmem_shared>>) offsets(%dma_start3A_546 : memref<128xi32, #tpu.memory_space<vmem>>) semaphore(%dma_start3A_551 : memref<!tpu.dma_semaphore, #tpu.memory_space<semaphore_mem>>) {add = true}
      %dma_wait3A_552 = arith.constant 2 : i32
      %dma_wait3A_553 = arith.constant 2 : i32
      %dma_wait3A_554 = arith.constant 0 : i32
      %dma_wait3A_555 = arith.constant 0 : i32
      %dma_wait3A_556 = tpu.memref_slice %arg8[%dma_wait3A_552, %dma_wait3A_554, %dma_wait3A_555] : memref<10x128x32xf32, #tpu.memory_space<vmem>> -> memref<1x128x32xf32, #tpu.memory_space<vmem>>
      %dma_wait3A_557 = tpu.memref_squeeze %dma_wait3A_556 : memref<1x128x32xf32, #tpu.memory_space<vmem>> -> memref<128x32xf32, #tpu.memory_space<vmem>>
      %dma_wait3A_558 = arith.constant 0 : i32
      %dma_wait3A_559 = arith.constant 0 : i32
      %dma_wait3A_560 = tpu.memref_slice %arg4[%arg0, %dma_wait3A_558, %dma_wait3A_559] : memref<2x10240x32xf32, #tpu.memory_space<hbm>> -> memref<1x10240x32xf32, #tpu.memory_space<hbm>>
      %dma_wait3A_561 = tpu.memref_squeeze %dma_wait3A_560 : memref<1x10240x32xf32, #tpu.memory_space<hbm>> -> memref<10240x32xf32, #tpu.memory_space<hbm>>
      %dma_wait3A_562 = arith.constant 0 : i32
      %dma_wait3A_563 = arith.constant 0 : i32
      %dma_wait3A_564 = tpu.memref_slice %dma_wait3A_561[%dma_wait3A_562, %dma_wait3A_563] : memref<10240x32xf32, #tpu.memory_space<hbm>> -> memref<128x32xf32, #tpu.memory_space<hbm>>
      %dma_wait3A_565 = tpu.memref_slice %arg12[%dma_wait3A_553] : memref<5x!tpu.dma_semaphore, #tpu.memory_space<semaphore_mem>> -> memref<1x!tpu.dma_semaphore, #tpu.memory_space<semaphore_mem>>
      %dma_wait3A_566 = tpu.memref_squeeze %dma_wait3A_565 : memref<1x!tpu.dma_semaphore, #tpu.memory_space<semaphore_mem>> -> memref<!tpu.dma_semaphore, #tpu.memory_space<semaphore_mem>>
      %dma_wait3A_567 = arith.constant 0 : i32
      %dma_wait3A_568 = arith.constant 0 : i32
      %dma_wait3A_569 = tpu.memref_slice %arg8[%dma_wait3A_552, %dma_wait3A_567, %dma_wait3A_568] : memref<10x128x32xf32, #tpu.memory_space<vmem>> -> memref<1x128x32xf32, #tpu.memory_space<vmem>>
      %dma_wait3A_570 = tpu.memref_squeeze %dma_wait3A_569 : memref<1x128x32xf32, #tpu.memory_space<vmem>> -> memref<128x32xf32, #tpu.memory_space<vmem>>
      %dma_wait3A_571 = arith.constant 0 : i32
      %dma_wait3A_572 = arith.constant 0 : i32
      %dma_wait3A_573 = tpu.memref_slice %arg4[%arg0, %dma_wait3A_571, %dma_wait3A_572] : memref<2x10240x32xf32, #tpu.memory_space<hbm>> -> memref<1x10240x32xf32, #tpu.memory_space<hbm>>
      %dma_wait3A_574 = tpu.memref_squeeze %dma_wait3A_573 : memref<1x10240x32xf32, #tpu.memory_space<hbm>> -> memref<10240x32xf32, #tpu.memory_space<hbm>>
      %dma_wait3A_575 = arith.constant 0 : i32
      %dma_wait3A_576 = arith.constant 0 : i32
      %dma_wait3A_577 = tpu.memref_slice %dma_wait3A_574[%dma_wait3A_575, %dma_wait3A_576] : memref<10240x32xf32, #tpu.memory_space<hbm>> -> memref<128x32xf32, #tpu.memory_space<hbm>>
      tpu.wait_dma2 semaphore(%dma_wait3A_566 : memref<!tpu.dma_semaphore, #tpu.memory_space<semaphore_mem>>) src(%dma_wait3A_577 : memref<128x32xf32, #tpu.memory_space<hbm>>) dst(%dma_wait3A_570 : memref<128x32xf32, #tpu.memory_space<vmem>>)
      %add3A_578 = arith.constant 2 : i32
      %add3A_579 = arith.addi %mul3A_467, %add3A_578 : i32
      %dma_start3A_580 = arith.constant 2 : i32
      %dma_start3A_581 = arith.constant 2 : i32
      %dma_start3A_582 = arith.constant 0 : i32
      %dma_start3A_583 = arith.constant 0 : i32
      %dma_start3A_584 = tpu.memref_slice %arg8[%dma_start3A_580, %dma_start3A_582, %dma_start3A_583] : memref<10x128x32xf32, #tpu.memory_space<vmem>> -> memref<1x128x32xf32, #tpu.memory_space<vmem>>
      %dma_start3A_585 = tpu.memref_squeeze %dma_start3A_584 : memref<1x128x32xf32, #tpu.memory_space<vmem>> -> memref<128x32xf32, #tpu.memory_space<vmem>>
      %dma_start3A_586 = arith.constant 0 : i32
      %dma_start3A_587 = tpu.memref_slice %arg7[%add3A_579, %dma_start3A_586] : memref<160x128xi32, #tpu.memory_space<vmem>> -> memref<1x128xi32, #tpu.memory_space<vmem>>
      %dma_start3A_588 = tpu.memref_squeeze %dma_start3A_587 : memref<1x128xi32, #tpu.memory_space<vmem>> -> memref<128xi32, #tpu.memory_space<vmem>>
      %dma_start3A_589 = arith.constant 0 : i32
      %dma_start3A_590 = arith.constant 0 : i32
      %dma_start3A_591 = tpu.memref_slice %arg11[%dma_start3A_589, %dma_start3A_590] : memref<10240x32xf32, #tpu.memory_space<vmem_shared>> -> memref<10240x32xf32, #tpu.memory_space<vmem_shared>>
      %dma_start3A_592 = tpu.memref_slice %arg14[%dma_start3A_581] : memref<5x!tpu.dma_semaphore, #tpu.memory_space<semaphore_mem>> -> memref<1x!tpu.dma_semaphore, #tpu.memory_space<semaphore_mem>>
      %dma_start3A_593 = tpu.memref_squeeze %dma_start3A_592 : memref<1x!tpu.dma_semaphore, #tpu.memory_space<semaphore_mem>> -> memref<!tpu.dma_semaphore, #tpu.memory_space<semaphore_mem>>
      tpu.enqueue_indirect_dma source(%dma_start3A_585 : memref<128x32xf32, #tpu.memory_space<vmem>>) target(%dma_start3A_591 : memref<10240x32xf32, #tpu.memory_space<vmem_shared>>) offsets(%dma_start3A_588 : memref<128xi32, #tpu.memory_space<vmem>>) semaphore(%dma_start3A_593 : memref<!tpu.dma_semaphore, #tpu.memory_space<semaphore_mem>>) {add = true}
      %dma_wait3A_594 = arith.constant 3 : i32
      %dma_wait3A_595 = arith.constant 3 : i32
      %dma_wait3A_596 = arith.constant 0 : i32
      %dma_wait3A_597 = arith.constant 0 : i32
      %dma_wait3A_598 = tpu.memref_slice %arg8[%dma_wait3A_594, %dma_wait3A_596, %dma_wait3A_597] : memref<10x128x32xf32, #tpu.memory_space<vmem>> -> memref<1x128x32xf32, #tpu.memory_space<vmem>>
      %dma_wait3A_599 = tpu.memref_squeeze %dma_wait3A_598 : memref<1x128x32xf32, #tpu.memory_space<vmem>> -> memref<128x32xf32, #tpu.memory_space<vmem>>
      %dma_wait3A_600 = arith.constant 0 : i32
      %dma_wait3A_601 = arith.constant 0 : i32
      %dma_wait3A_602 = tpu.memref_slice %arg4[%arg0, %dma_wait3A_600, %dma_wait3A_601] : memref<2x10240x32xf32, #tpu.memory_space<hbm>> -> memref<1x10240x32xf32, #tpu.memory_space<hbm>>
      %dma_wait3A_603 = tpu.memref_squeeze %dma_wait3A_602 : memref<1x10240x32xf32, #tpu.memory_space<hbm>> -> memref<10240x32xf32, #tpu.memory_space<hbm>>
      %dma_wait3A_604 = arith.constant 0 : i32
      %dma_wait3A_605 = arith.constant 0 : i32
      %dma_wait3A_606 = tpu.memref_slice %dma_wait3A_603[%dma_wait3A_604, %dma_wait3A_605] : memref<10240x32xf32, #tpu.memory_space<hbm>> -> memref<128x32xf32, #tpu.memory_space<hbm>>
      %dma_wait3A_607 = tpu.memref_slice %arg12[%dma_wait3A_595] : memref<5x!tpu.dma_semaphore, #tpu.memory_space<semaphore_mem>> -> memref<1x!tpu.dma_semaphore, #tpu.memory_space<semaphore_mem>>
      %dma_wait3A_608 = tpu.memref_squeeze %dma_wait3A_607 : memref<1x!tpu.dma_semaphore, #tpu.memory_space<semaphore_mem>> -> memref<!tpu.dma_semaphore, #tpu.memory_space<semaphore_mem>>
      %dma_wait3A_609 = arith.constant 0 : i32
      %dma_wait3A_610 = arith.constant 0 : i32
      %dma_wait3A_611 = tpu.memref_slice %arg8[%dma_wait3A_594, %dma_wait3A_609, %dma_wait3A_610] : memref<10x128x32xf32, #tpu.memory_space<vmem>> -> memref<1x128x32xf32, #tpu.memory_space<vmem>>
      %dma_wait3A_612 = tpu.memref_squeeze %dma_wait3A_611 : memref<1x128x32xf32, #tpu.memory_space<vmem>> -> memref<128x32xf32, #tpu.memory_space<vmem>>
      %dma_wait3A_613 = arith.constant 0 : i32
      %dma_wait3A_614 = arith.constant 0 : i32
      %dma_wait3A_615 = tpu.memref_slice %arg4[%arg0, %dma_wait3A_613, %dma_wait3A_614] : memref<2x10240x32xf32, #tpu.memory_space<hbm>> -> memref<1x10240x32xf32, #tpu.memory_space<hbm>>
      %dma_wait3A_616 = tpu.memref_squeeze %dma_wait3A_615 : memref<1x10240x32xf32, #tpu.memory_space<hbm>> -> memref<10240x32xf32, #tpu.memory_space<hbm>>
      %dma_wait3A_617 = arith.constant 0 : i32
      %dma_wait3A_618 = arith.constant 0 : i32
      %dma_wait3A_619 = tpu.memref_slice %dma_wait3A_616[%dma_wait3A_617, %dma_wait3A_618] : memref<10240x32xf32, #tpu.memory_space<hbm>> -> memref<128x32xf32, #tpu.memory_space<hbm>>
      tpu.wait_dma2 semaphore(%dma_wait3A_608 : memref<!tpu.dma_semaphore, #tpu.memory_space<semaphore_mem>>) src(%dma_wait3A_619 : memref<128x32xf32, #tpu.memory_space<hbm>>) dst(%dma_wait3A_612 : memref<128x32xf32, #tpu.memory_space<vmem>>)
      %add3A_620 = arith.constant 3 : i32
      %add3A_621 = arith.addi %mul3A_467, %add3A_620 : i32
      %dma_start3A_622 = arith.constant 3 : i32
      %dma_start3A_623 = arith.constant 3 : i32
      %dma_start3A_624 = arith.constant 0 : i32
      %dma_start3A_625 = arith.constant 0 : i32
      %dma_start3A_626 = tpu.memref_slice %arg8[%dma_start3A_622, %dma_start3A_624, %dma_start3A_625] : memref<10x128x32xf32, #tpu.memory_space<vmem>> -> memref<1x128x32xf32, #tpu.memory_space<vmem>>
      %dma_start3A_627 = tpu.memref_squeeze %dma_start3A_626 : memref<1x128x32xf32, #tpu.memory_space<vmem>> -> memref<128x32xf32, #tpu.memory_space<vmem>>
      %dma_start3A_628 = arith.constant 0 : i32
      %dma_start3A_629 = tpu.memref_slice %arg7[%add3A_621, %dma_start3A_628] : memref<160x128xi32, #tpu.memory_space<vmem>> -> memref<1x128xi32, #tpu.memory_space<vmem>>
      %dma_start3A_630 = tpu.memref_squeeze %dma_start3A_629 : memref<1x128xi32, #tpu.memory_space<vmem>> -> memref<128xi32, #tpu.memory_space<vmem>>
      %dma_start3A_631 = arith.constant 0 : i32
      %dma_start3A_632 = arith.constant 0 : i32
      %dma_start3A_633 = tpu.memref_slice %arg11[%dma_start3A_631, %dma_start3A_632] : memref<10240x32xf32, #tpu.memory_space<vmem_shared>> -> memref<10240x32xf32, #tpu.memory_space<vmem_shared>>
      %dma_start3A_634 = tpu.memref_slice %arg14[%dma_start3A_623] : memref<5x!tpu.dma_semaphore, #tpu.memory_space<semaphore_mem>> -> memref<1x!tpu.dma_semaphore, #tpu.memory_space<semaphore_mem>>
      %dma_start3A_635 = tpu.memref_squeeze %dma_start3A_634 : memref<1x!tpu.dma_semaphore, #tpu.memory_space<semaphore_mem>> -> memref<!tpu.dma_semaphore, #tpu.memory_space<semaphore_mem>>
      tpu.enqueue_indirect_dma source(%dma_start3A_627 : memref<128x32xf32, #tpu.memory_space<vmem>>) target(%dma_start3A_633 : memref<10240x32xf32, #tpu.memory_space<vmem_shared>>) offsets(%dma_start3A_630 : memref<128xi32, #tpu.memory_space<vmem>>) semaphore(%dma_start3A_635 : memref<!tpu.dma_semaphore, #tpu.memory_space<semaphore_mem>>) {add = true}
      %dma_wait3A_636 = arith.constant 4 : i32
      %dma_wait3A_637 = arith.constant 4 : i32
      %dma_wait3A_638 = arith.constant 0 : i32
      %dma_wait3A_639 = arith.constant 0 : i32
      %dma_wait3A_640 = tpu.memref_slice %arg8[%dma_wait3A_636, %dma_wait3A_638, %dma_wait3A_639] : memref<10x128x32xf32, #tpu.memory_space<vmem>> -> memref<1x128x32xf32, #tpu.memory_space<vmem>>
      %dma_wait3A_641 = tpu.memref_squeeze %dma_wait3A_640 : memref<1x128x32xf32, #tpu.memory_space<vmem>> -> memref<128x32xf32, #tpu.memory_space<vmem>>
      %dma_wait3A_642 = arith.constant 0 : i32
      %dma_wait3A_643 = arith.constant 0 : i32
      %dma_wait3A_644 = tpu.memref_slice %arg4[%arg0, %dma_wait3A_642, %dma_wait3A_643] : memref<2x10240x32xf32, #tpu.memory_space<hbm>> -> memref<1x10240x32xf32, #tpu.memory_space<hbm>>
      %dma_wait3A_645 = tpu.memref_squeeze %dma_wait3A_644 : memref<1x10240x32xf32, #tpu.memory_space<hbm>> -> memref<10240x32xf32, #tpu.memory_space<hbm>>
      %dma_wait3A_646 = arith.constant 0 : i32
      %dma_wait3A_647 = arith.constant 0 : i32
      %dma_wait3A_648 = tpu.memref_slice %dma_wait3A_645[%dma_wait3A_646, %dma_wait3A_647] : memref<10240x32xf32, #tpu.memory_space<hbm>> -> memref<128x32xf32, #tpu.memory_space<hbm>>
      %dma_wait3A_649 = tpu.memref_slice %arg12[%dma_wait3A_637] : memref<5x!tpu.dma_semaphore, #tpu.memory_space<semaphore_mem>> -> memref<1x!tpu.dma_semaphore, #tpu.memory_space<semaphore_mem>>
      %dma_wait3A_650 = tpu.memref_squeeze %dma_wait3A_649 : memref<1x!tpu.dma_semaphore, #tpu.memory_space<semaphore_mem>> -> memref<!tpu.dma_semaphore, #tpu.memory_space<semaphore_mem>>
      %dma_wait3A_651 = arith.constant 0 : i32
      %dma_wait3A_652 = arith.constant 0 : i32
      %dma_wait3A_653 = tpu.memref_slice %arg8[%dma_wait3A_636, %dma_wait3A_651, %dma_wait3A_652] : memref<10x128x32xf32, #tpu.memory_space<vmem>> -> memref<1x128x32xf32, #tpu.memory_space<vmem>>
      %dma_wait3A_654 = tpu.memref_squeeze %dma_wait3A_653 : memref<1x128x32xf32, #tpu.memory_space<vmem>> -> memref<128x32xf32, #tpu.memory_space<vmem>>
      %dma_wait3A_655 = arith.constant 0 : i32
      %dma_wait3A_656 = arith.constant 0 : i32
      %dma_wait3A_657 = tpu.memref_slice %arg4[%arg0, %dma_wait3A_655, %dma_wait3A_656] : memref<2x10240x32xf32, #tpu.memory_space<hbm>> -> memref<1x10240x32xf32, #tpu.memory_space<hbm>>
      %dma_wait3A_658 = tpu.memref_squeeze %dma_wait3A_657 : memref<1x10240x32xf32, #tpu.memory_space<hbm>> -> memref<10240x32xf32, #tpu.memory_space<hbm>>
      %dma_wait3A_659 = arith.constant 0 : i32
      %dma_wait3A_660 = arith.constant 0 : i32
      %dma_wait3A_661 = tpu.memref_slice %dma_wait3A_658[%dma_wait3A_659, %dma_wait3A_660] : memref<10240x32xf32, #tpu.memory_space<hbm>> -> memref<128x32xf32, #tpu.memory_space<hbm>>
      tpu.wait_dma2 semaphore(%dma_wait3A_650 : memref<!tpu.dma_semaphore, #tpu.memory_space<semaphore_mem>>) src(%dma_wait3A_661 : memref<128x32xf32, #tpu.memory_space<hbm>>) dst(%dma_wait3A_654 : memref<128x32xf32, #tpu.memory_space<vmem>>)
      %add3A_662 = arith.constant 4 : i32
      %add3A_663 = arith.addi %mul3A_467, %add3A_662 : i32
      %dma_start3A_664 = arith.constant 4 : i32
      %dma_start3A_665 = arith.constant 4 : i32
      %dma_start3A_666 = arith.constant 0 : i32
      %dma_start3A_667 = arith.constant 0 : i32
      %dma_start3A_668 = tpu.memref_slice %arg8[%dma_start3A_664, %dma_start3A_666, %dma_start3A_667] : memref<10x128x32xf32, #tpu.memory_space<vmem>> -> memref<1x128x32xf32, #tpu.memory_space<vmem>>
      %dma_start3A_669 = tpu.memref_squeeze %dma_start3A_668 : memref<1x128x32xf32, #tpu.memory_space<vmem>> -> memref<128x32xf32, #tpu.memory_space<vmem>>
      %dma_start3A_670 = arith.constant 0 : i32
      %dma_start3A_671 = tpu.memref_slice %arg7[%add3A_663, %dma_start3A_670] : memref<160x128xi32, #tpu.memory_space<vmem>> -> memref<1x128xi32, #tpu.memory_space<vmem>>
      %dma_start3A_672 = tpu.memref_squeeze %dma_start3A_671 : memref<1x128xi32, #tpu.memory_space<vmem>> -> memref<128xi32, #tpu.memory_space<vmem>>
      %dma_start3A_673 = arith.constant 0 : i32
      %dma_start3A_674 = arith.constant 0 : i32
      %dma_start3A_675 = tpu.memref_slice %arg11[%dma_start3A_673, %dma_start3A_674] : memref<10240x32xf32, #tpu.memory_space<vmem_shared>> -> memref<10240x32xf32, #tpu.memory_space<vmem_shared>>
      %dma_start3A_676 = tpu.memref_slice %arg14[%dma_start3A_665] : memref<5x!tpu.dma_semaphore, #tpu.memory_space<semaphore_mem>> -> memref<1x!tpu.dma_semaphore, #tpu.memory_space<semaphore_mem>>
      %dma_start3A_677 = tpu.memref_squeeze %dma_start3A_676 : memref<1x!tpu.dma_semaphore, #tpu.memory_space<semaphore_mem>> -> memref<!tpu.dma_semaphore, #tpu.memory_space<semaphore_mem>>
      tpu.enqueue_indirect_dma source(%dma_start3A_669 : memref<128x32xf32, #tpu.memory_space<vmem>>) target(%dma_start3A_675 : memref<10240x32xf32, #tpu.memory_space<vmem_shared>>) offsets(%dma_start3A_672 : memref<128xi32, #tpu.memory_space<vmem>>) semaphore(%dma_start3A_677 : memref<!tpu.dma_semaphore, #tpu.memory_space<semaphore_mem>>) {add = true}
      %gt3A = arith.constant 0 : i32
      %gt3A_678 = arith.cmpi sgt, %add3A_463, %gt3A : i32
      %convert_element_type3A = arith.extui %gt3A_678 : i1 to i32
      %cond3A = arith.constant 0 : i32
      %cond3A_679 = arith.cmpi ne, %convert_element_type3A, %cond3A : i32
      scf.if %cond3A_679 {
        %dma_wait3A_1132 = arith.constant 5 : i32
        %dma_wait3A_1133 = arith.constant 0 : i32
        %dma_wait3A_1134 = arith.constant 0 : i32
        %dma_wait3A_1135 = arith.constant 0 : i32
        %dma_wait3A_1136 = tpu.memref_slice %arg8[%dma_wait3A_1132, %dma_wait3A_1134, %dma_wait3A_1135] : memref<10x128x32xf32, #tpu.memory_space<vmem>> -> memref<1x128x32xf32, #tpu.memory_space<vmem>>
        %dma_wait3A_1137 = tpu.memref_squeeze %dma_wait3A_1136 : memref<1x128x32xf32, #tpu.memory_space<vmem>> -> memref<128x32xf32, #tpu.memory_space<vmem>>
        %dma_wait3A_1138 = arith.constant 0 : i32
        %dma_wait3A_1139 = arith.constant 0 : i32
        %dma_wait3A_1140 = tpu.memref_slice %arg4[%arg0, %dma_wait3A_1138, %dma_wait3A_1139] : memref<2x10240x32xf32, #tpu.memory_space<hbm>> -> memref<1x10240x32xf32, #tpu.memory_space<hbm>>
        %dma_wait3A_1141 = tpu.memref_squeeze %dma_wait3A_1140 : memref<1x10240x32xf32, #tpu.memory_space<hbm>> -> memref<10240x32xf32, #tpu.memory_space<hbm>>
        %dma_wait3A_1142 = arith.constant 0 : i32
        %dma_wait3A_1143 = arith.constant 0 : i32
        %dma_wait3A_1144 = tpu.memref_slice %dma_wait3A_1141[%dma_wait3A_1142, %dma_wait3A_1143] : memref<10240x32xf32, #tpu.memory_space<hbm>> -> memref<128x32xf32, #tpu.memory_space<hbm>>
        %dma_wait3A_1145 = tpu.memref_slice %arg15[%dma_wait3A_1133] : memref<5x!tpu.dma_semaphore, #tpu.memory_space<semaphore_mem>> -> memref<1x!tpu.dma_semaphore, #tpu.memory_space<semaphore_mem>>
        %dma_wait3A_1146 = tpu.memref_squeeze %dma_wait3A_1145 : memref<1x!tpu.dma_semaphore, #tpu.memory_space<semaphore_mem>> -> memref<!tpu.dma_semaphore, #tpu.memory_space<semaphore_mem>>
        %dma_wait3A_1147 = arith.constant 0 : i32
        %dma_wait3A_1148 = arith.constant 0 : i32
        %dma_wait3A_1149 = tpu.memref_slice %arg8[%dma_wait3A_1132, %dma_wait3A_1147, %dma_wait3A_1148] : memref<10x128x32xf32, #tpu.memory_space<vmem>> -> memref<1x128x32xf32, #tpu.memory_space<vmem>>
        %dma_wait3A_1150 = tpu.memref_squeeze %dma_wait3A_1149 : memref<1x128x32xf32, #tpu.memory_space<vmem>> -> memref<128x32xf32, #tpu.memory_space<vmem>>
        %dma_wait3A_1151 = arith.constant 0 : i32
        %dma_wait3A_1152 = arith.constant 0 : i32
        %dma_wait3A_1153 = tpu.memref_slice %arg4[%arg0, %dma_wait3A_1151, %dma_wait3A_1152] : memref<2x10240x32xf32, #tpu.memory_space<hbm>> -> memref<1x10240x32xf32, #tpu.memory_space<hbm>>
        %dma_wait3A_1154 = tpu.memref_squeeze %dma_wait3A_1153 : memref<1x10240x32xf32, #tpu.memory_space<hbm>> -> memref<10240x32xf32, #tpu.memory_space<hbm>>
        %dma_wait3A_1155 = arith.constant 0 : i32
        %dma_wait3A_1156 = arith.constant 0 : i32
        %dma_wait3A_1157 = tpu.memref_slice %dma_wait3A_1154[%dma_wait3A_1155, %dma_wait3A_1156] : memref<10240x32xf32, #tpu.memory_space<hbm>> -> memref<128x32xf32, #tpu.memory_space<hbm>>
        tpu.wait_dma2 semaphore(%dma_wait3A_1146 : memref<!tpu.dma_semaphore, #tpu.memory_space<semaphore_mem>>) src(%dma_wait3A_1157 : memref<128x32xf32, #tpu.memory_space<hbm>>) dst(%dma_wait3A_1150 : memref<128x32xf32, #tpu.memory_space<vmem>>)
        %dma_wait3A_1158 = arith.constant 6 : i32
        %dma_wait3A_1159 = arith.constant 1 : i32
        %dma_wait3A_1160 = arith.constant 0 : i32
        %dma_wait3A_1161 = arith.constant 0 : i32
        %dma_wait3A_1162 = tpu.memref_slice %arg8[%dma_wait3A_1158, %dma_wait3A_1160, %dma_wait3A_1161] : memref<10x128x32xf32, #tpu.memory_space<vmem>> -> memref<1x128x32xf32, #tpu.memory_space<vmem>>
        %dma_wait3A_1163 = tpu.memref_squeeze %dma_wait3A_1162 : memref<1x128x32xf32, #tpu.memory_space<vmem>> -> memref<128x32xf32, #tpu.memory_space<vmem>>
        %dma_wait3A_1164 = arith.constant 0 : i32
        %dma_wait3A_1165 = arith.constant 0 : i32
        %dma_wait3A_1166 = tpu.memref_slice %arg4[%arg0, %dma_wait3A_1164, %dma_wait3A_1165] : memref<2x10240x32xf32, #tpu.memory_space<hbm>> -> memref<1x10240x32xf32, #tpu.memory_space<hbm>>
        %dma_wait3A_1167 = tpu.memref_squeeze %dma_wait3A_1166 : memref<1x10240x32xf32, #tpu.memory_space<hbm>> -> memref<10240x32xf32, #tpu.memory_space<hbm>>
        %dma_wait3A_1168 = arith.constant 0 : i32
        %dma_wait3A_1169 = arith.constant 0 : i32
        %dma_wait3A_1170 = tpu.memref_slice %dma_wait3A_1167[%dma_wait3A_1168, %dma_wait3A_1169] : memref<10240x32xf32, #tpu.memory_space<hbm>> -> memref<128x32xf32, #tpu.memory_space<hbm>>
        %dma_wait3A_1171 = tpu.memref_slice %arg15[%dma_wait3A_1159] : memref<5x!tpu.dma_semaphore, #tpu.memory_space<semaphore_mem>> -> memref<1x!tpu.dma_semaphore, #tpu.memory_space<semaphore_mem>>
        %dma_wait3A_1172 = tpu.memref_squeeze %dma_wait3A_1171 : memref<1x!tpu.dma_semaphore, #tpu.memory_space<semaphore_mem>> -> memref<!tpu.dma_semaphore, #tpu.memory_space<semaphore_mem>>
        %dma_wait3A_1173 = arith.constant 0 : i32
        %dma_wait3A_1174 = arith.constant 0 : i32
        %dma_wait3A_1175 = tpu.memref_slice %arg8[%dma_wait3A_1158, %dma_wait3A_1173, %dma_wait3A_1174] : memref<10x128x32xf32, #tpu.memory_space<vmem>> -> memref<1x128x32xf32, #tpu.memory_space<vmem>>
        %dma_wait3A_1176 = tpu.memref_squeeze %dma_wait3A_1175 : memref<1x128x32xf32, #tpu.memory_space<vmem>> -> memref<128x32xf32, #tpu.memory_space<vmem>>
        %dma_wait3A_1177 = arith.constant 0 : i32
        %dma_wait3A_1178 = arith.constant 0 : i32
        %dma_wait3A_1179 = tpu.memref_slice %arg4[%arg0, %dma_wait3A_1177, %dma_wait3A_1178] : memref<2x10240x32xf32, #tpu.memory_space<hbm>> -> memref<1x10240x32xf32, #tpu.memory_space<hbm>>
        %dma_wait3A_1180 = tpu.memref_squeeze %dma_wait3A_1179 : memref<1x10240x32xf32, #tpu.memory_space<hbm>> -> memref<10240x32xf32, #tpu.memory_space<hbm>>
        %dma_wait3A_1181 = arith.constant 0 : i32
        %dma_wait3A_1182 = arith.constant 0 : i32
        %dma_wait3A_1183 = tpu.memref_slice %dma_wait3A_1180[%dma_wait3A_1181, %dma_wait3A_1182] : memref<10240x32xf32, #tpu.memory_space<hbm>> -> memref<128x32xf32, #tpu.memory_space<hbm>>
        tpu.wait_dma2 semaphore(%dma_wait3A_1172 : memref<!tpu.dma_semaphore, #tpu.memory_space<semaphore_mem>>) src(%dma_wait3A_1183 : memref<128x32xf32, #tpu.memory_space<hbm>>) dst(%dma_wait3A_1176 : memref<128x32xf32, #tpu.memory_space<vmem>>)
        %dma_wait3A_1184 = arith.constant 7 : i32
        %dma_wait3A_1185 = arith.constant 2 : i32
        %dma_wait3A_1186 = arith.constant 0 : i32
        %dma_wait3A_1187 = arith.constant 0 : i32
        %dma_wait3A_1188 = tpu.memref_slice %arg8[%dma_wait3A_1184, %dma_wait3A_1186, %dma_wait3A_1187] : memref<10x128x32xf32, #tpu.memory_space<vmem>> -> memref<1x128x32xf32, #tpu.memory_space<vmem>>
        %dma_wait3A_1189 = tpu.memref_squeeze %dma_wait3A_1188 : memref<1x128x32xf32, #tpu.memory_space<vmem>> -> memref<128x32xf32, #tpu.memory_space<vmem>>
        %dma_wait3A_1190 = arith.constant 0 : i32
        %dma_wait3A_1191 = arith.constant 0 : i32
        %dma_wait3A_1192 = tpu.memref_slice %arg4[%arg0, %dma_wait3A_1190, %dma_wait3A_1191] : memref<2x10240x32xf32, #tpu.memory_space<hbm>> -> memref<1x10240x32xf32, #tpu.memory_space<hbm>>
        %dma_wait3A_1193 = tpu.memref_squeeze %dma_wait3A_1192 : memref<1x10240x32xf32, #tpu.memory_space<hbm>> -> memref<10240x32xf32, #tpu.memory_space<hbm>>
        %dma_wait3A_1194 = arith.constant 0 : i32
        %dma_wait3A_1195 = arith.constant 0 : i32
        %dma_wait3A_1196 = tpu.memref_slice %dma_wait3A_1193[%dma_wait3A_1194, %dma_wait3A_1195] : memref<10240x32xf32, #tpu.memory_space<hbm>> -> memref<128x32xf32, #tpu.memory_space<hbm>>
        %dma_wait3A_1197 = tpu.memref_slice %arg15[%dma_wait3A_1185] : memref<5x!tpu.dma_semaphore, #tpu.memory_space<semaphore_mem>> -> memref<1x!tpu.dma_semaphore, #tpu.memory_space<semaphore_mem>>
        %dma_wait3A_1198 = tpu.memref_squeeze %dma_wait3A_1197 : memref<1x!tpu.dma_semaphore, #tpu.memory_space<semaphore_mem>> -> memref<!tpu.dma_semaphore, #tpu.memory_space<semaphore_mem>>
        %dma_wait3A_1199 = arith.constant 0 : i32
        %dma_wait3A_1200 = arith.constant 0 : i32
        %dma_wait3A_1201 = tpu.memref_slice %arg8[%dma_wait3A_1184, %dma_wait3A_1199, %dma_wait3A_1200] : memref<10x128x32xf32, #tpu.memory_space<vmem>> -> memref<1x128x32xf32, #tpu.memory_space<vmem>>
        %dma_wait3A_1202 = tpu.memref_squeeze %dma_wait3A_1201 : memref<1x128x32xf32, #tpu.memory_space<vmem>> -> memref<128x32xf32, #tpu.memory_space<vmem>>
        %dma_wait3A_1203 = arith.constant 0 : i32
        %dma_wait3A_1204 = arith.constant 0 : i32
        %dma_wait3A_1205 = tpu.memref_slice %arg4[%arg0, %dma_wait3A_1203, %dma_wait3A_1204] : memref<2x10240x32xf32, #tpu.memory_space<hbm>> -> memref<1x10240x32xf32, #tpu.memory_space<hbm>>
        %dma_wait3A_1206 = tpu.memref_squeeze %dma_wait3A_1205 : memref<1x10240x32xf32, #tpu.memory_space<hbm>> -> memref<10240x32xf32, #tpu.memory_space<hbm>>
        %dma_wait3A_1207 = arith.constant 0 : i32
        %dma_wait3A_1208 = arith.constant 0 : i32
        %dma_wait3A_1209 = tpu.memref_slice %dma_wait3A_1206[%dma_wait3A_1207, %dma_wait3A_1208] : memref<10240x32xf32, #tpu.memory_space<hbm>> -> memref<128x32xf32, #tpu.memory_space<hbm>>
        tpu.wait_dma2 semaphore(%dma_wait3A_1198 : memref<!tpu.dma_semaphore, #tpu.memory_space<semaphore_mem>>) src(%dma_wait3A_1209 : memref<128x32xf32, #tpu.memory_space<hbm>>) dst(%dma_wait3A_1202 : memref<128x32xf32, #tpu.memory_space<vmem>>)
        %dma_wait3A_1210 = arith.constant 8 : i32
        %dma_wait3A_1211 = arith.constant 3 : i32
        %dma_wait3A_1212 = arith.constant 0 : i32
        %dma_wait3A_1213 = arith.constant 0 : i32
        %dma_wait3A_1214 = tpu.memref_slice %arg8[%dma_wait3A_1210, %dma_wait3A_1212, %dma_wait3A_1213] : memref<10x128x32xf32, #tpu.memory_space<vmem>> -> memref<1x128x32xf32, #tpu.memory_space<vmem>>
        %dma_wait3A_1215 = tpu.memref_squeeze %dma_wait3A_1214 : memref<1x128x32xf32, #tpu.memory_space<vmem>> -> memref<128x32xf32, #tpu.memory_space<vmem>>
        %dma_wait3A_1216 = arith.constant 0 : i32
        %dma_wait3A_1217 = arith.constant 0 : i32
        %dma_wait3A_1218 = tpu.memref_slice %arg4[%arg0, %dma_wait3A_1216, %dma_wait3A_1217] : memref<2x10240x32xf32, #tpu.memory_space<hbm>> -> memref<1x10240x32xf32, #tpu.memory_space<hbm>>
        %dma_wait3A_1219 = tpu.memref_squeeze %dma_wait3A_1218 : memref<1x10240x32xf32, #tpu.memory_space<hbm>> -> memref<10240x32xf32, #tpu.memory_space<hbm>>
        %dma_wait3A_1220 = arith.constant 0 : i32
        %dma_wait3A_1221 = arith.constant 0 : i32
        %dma_wait3A_1222 = tpu.memref_slice %dma_wait3A_1219[%dma_wait3A_1220, %dma_wait3A_1221] : memref<10240x32xf32, #tpu.memory_space<hbm>> -> memref<128x32xf32, #tpu.memory_space<hbm>>
        %dma_wait3A_1223 = tpu.memref_slice %arg15[%dma_wait3A_1211] : memref<5x!tpu.dma_semaphore, #tpu.memory_space<semaphore_mem>> -> memref<1x!tpu.dma_semaphore, #tpu.memory_space<semaphore_mem>>
        %dma_wait3A_1224 = tpu.memref_squeeze %dma_wait3A_1223 : memref<1x!tpu.dma_semaphore, #tpu.memory_space<semaphore_mem>> -> memref<!tpu.dma_semaphore, #tpu.memory_space<semaphore_mem>>
        %dma_wait3A_1225 = arith.constant 0 : i32
        %dma_wait3A_1226 = arith.constant 0 : i32
        %dma_wait3A_1227 = tpu.memref_slice %arg8[%dma_wait3A_1210, %dma_wait3A_1225, %dma_wait3A_1226] : memref<10x128x32xf32, #tpu.memory_space<vmem>> -> memref<1x128x32xf32, #tpu.memory_space<vmem>>
        %dma_wait3A_1228 = tpu.memref_squeeze %dma_wait3A_1227 : memref<1x128x32xf32, #tpu.memory_space<vmem>> -> memref<128x32xf32, #tpu.memory_space<vmem>>
        %dma_wait3A_1229 = arith.constant 0 : i32
        %dma_wait3A_1230 = arith.constant 0 : i32
        %dma_wait3A_1231 = tpu.memref_slice %arg4[%arg0, %dma_wait3A_1229, %dma_wait3A_1230] : memref<2x10240x32xf32, #tpu.memory_space<hbm>> -> memref<1x10240x32xf32, #tpu.memory_space<hbm>>
        %dma_wait3A_1232 = tpu.memref_squeeze %dma_wait3A_1231 : memref<1x10240x32xf32, #tpu.memory_space<hbm>> -> memref<10240x32xf32, #tpu.memory_space<hbm>>
        %dma_wait3A_1233 = arith.constant 0 : i32
        %dma_wait3A_1234 = arith.constant 0 : i32
        %dma_wait3A_1235 = tpu.memref_slice %dma_wait3A_1232[%dma_wait3A_1233, %dma_wait3A_1234] : memref<10240x32xf32, #tpu.memory_space<hbm>> -> memref<128x32xf32, #tpu.memory_space<hbm>>
        tpu.wait_dma2 semaphore(%dma_wait3A_1224 : memref<!tpu.dma_semaphore, #tpu.memory_space<semaphore_mem>>) src(%dma_wait3A_1235 : memref<128x32xf32, #tpu.memory_space<hbm>>) dst(%dma_wait3A_1228 : memref<128x32xf32, #tpu.memory_space<vmem>>)
        %dma_wait3A_1236 = arith.constant 9 : i32
        %dma_wait3A_1237 = arith.constant 4 : i32
        %dma_wait3A_1238 = arith.constant 0 : i32
        %dma_wait3A_1239 = arith.constant 0 : i32
        %dma_wait3A_1240 = tpu.memref_slice %arg8[%dma_wait3A_1236, %dma_wait3A_1238, %dma_wait3A_1239] : memref<10x128x32xf32, #tpu.memory_space<vmem>> -> memref<1x128x32xf32, #tpu.memory_space<vmem>>
        %dma_wait3A_1241 = tpu.memref_squeeze %dma_wait3A_1240 : memref<1x128x32xf32, #tpu.memory_space<vmem>> -> memref<128x32xf32, #tpu.memory_space<vmem>>
        %dma_wait3A_1242 = arith.constant 0 : i32
        %dma_wait3A_1243 = arith.constant 0 : i32
        %dma_wait3A_1244 = tpu.memref_slice %arg4[%arg0, %dma_wait3A_1242, %dma_wait3A_1243] : memref<2x10240x32xf32, #tpu.memory_space<hbm>> -> memref<1x10240x32xf32, #tpu.memory_space<hbm>>
        %dma_wait3A_1245 = tpu.memref_squeeze %dma_wait3A_1244 : memref<1x10240x32xf32, #tpu.memory_space<hbm>> -> memref<10240x32xf32, #tpu.memory_space<hbm>>
        %dma_wait3A_1246 = arith.constant 0 : i32
        %dma_wait3A_1247 = arith.constant 0 : i32
        %dma_wait3A_1248 = tpu.memref_slice %dma_wait3A_1245[%dma_wait3A_1246, %dma_wait3A_1247] : memref<10240x32xf32, #tpu.memory_space<hbm>> -> memref<128x32xf32, #tpu.memory_space<hbm>>
        %dma_wait3A_1249 = tpu.memref_slice %arg15[%dma_wait3A_1237] : memref<5x!tpu.dma_semaphore, #tpu.memory_space<semaphore_mem>> -> memref<1x!tpu.dma_semaphore, #tpu.memory_space<semaphore_mem>>
        %dma_wait3A_1250 = tpu.memref_squeeze %dma_wait3A_1249 : memref<1x!tpu.dma_semaphore, #tpu.memory_space<semaphore_mem>> -> memref<!tpu.dma_semaphore, #tpu.memory_space<semaphore_mem>>
        %dma_wait3A_1251 = arith.constant 0 : i32
        %dma_wait3A_1252 = arith.constant 0 : i32
        %dma_wait3A_1253 = tpu.memref_slice %arg8[%dma_wait3A_1236, %dma_wait3A_1251, %dma_wait3A_1252] : memref<10x128x32xf32, #tpu.memory_space<vmem>> -> memref<1x128x32xf32, #tpu.memory_space<vmem>>
        %dma_wait3A_1254 = tpu.memref_squeeze %dma_wait3A_1253 : memref<1x128x32xf32, #tpu.memory_space<vmem>> -> memref<128x32xf32, #tpu.memory_space<vmem>>
        %dma_wait3A_1255 = arith.constant 0 : i32
        %dma_wait3A_1256 = arith.constant 0 : i32
        %dma_wait3A_1257 = tpu.memref_slice %arg4[%arg0, %dma_wait3A_1255, %dma_wait3A_1256] : memref<2x10240x32xf32, #tpu.memory_space<hbm>> -> memref<1x10240x32xf32, #tpu.memory_space<hbm>>
        %dma_wait3A_1258 = tpu.memref_squeeze %dma_wait3A_1257 : memref<1x10240x32xf32, #tpu.memory_space<hbm>> -> memref<10240x32xf32, #tpu.memory_space<hbm>>
        %dma_wait3A_1259 = arith.constant 0 : i32
        %dma_wait3A_1260 = arith.constant 0 : i32
        %dma_wait3A_1261 = tpu.memref_slice %dma_wait3A_1258[%dma_wait3A_1259, %dma_wait3A_1260] : memref<10240x32xf32, #tpu.memory_space<hbm>> -> memref<128x32xf32, #tpu.memory_space<hbm>>
        tpu.wait_dma2 semaphore(%dma_wait3A_1250 : memref<!tpu.dma_semaphore, #tpu.memory_space<semaphore_mem>>) src(%dma_wait3A_1261 : memref<128x32xf32, #tpu.memory_space<hbm>>) dst(%dma_wait3A_1254 : memref<128x32xf32, #tpu.memory_space<vmem>>)
      } else {
      }
      %add3A_680 = arith.constant 1 : i32
      %add3A_681 = arith.addi %mul3A_465, %add3A_680 : i32
      %mul3A_682 = arith.constant 5 : i32
      %mul3A_683 = arith.muli %add3A_681, %mul3A_682 : i32
      %add3A_684 = arith.constant 0 : i32
      %add3A_685 = arith.addi %mul3A_683, %add3A_684 : i32
      %dma_start3A_686 = arith.constant 5 : i32
      %dma_start3A_687 = arith.constant 0 : i32
      %dma_start3A_688 = arith.constant 0 : i32
      %dma_start3A_689 = arith.constant 0 : i32
      %dma_start3A_690 = tpu.memref_slice %arg8[%dma_start3A_686, %dma_start3A_688, %dma_start3A_689] : memref<10x128x32xf32, #tpu.memory_space<vmem>> -> memref<1x128x32xf32, #tpu.memory_space<vmem>>
      %dma_start3A_691 = tpu.memref_squeeze %dma_start3A_690 : memref<1x128x32xf32, #tpu.memory_space<vmem>> -> memref<128x32xf32, #tpu.memory_space<vmem>>
      %dma_start3A_692 = arith.constant 0 : i32
      %dma_start3A_693 = tpu.memref_slice %arg6[%add3A_685, %dma_start3A_692] : memref<160x128xi32, #tpu.memory_space<vmem>> -> memref<1x128xi32, #tpu.memory_space<vmem>>
      %dma_start3A_694 = tpu.memref_squeeze %dma_start3A_693 : memref<1x128xi32, #tpu.memory_space<vmem>> -> memref<128xi32, #tpu.memory_space<vmem>>
      %dma_start3A_695 = arith.constant 0 : i32
      %dma_start3A_696 = arith.constant 0 : i32
      %dma_start3A_697 = tpu.memref_slice %arg4[%arg0, %dma_start3A_695, %dma_start3A_696] : memref<2x10240x32xf32, #tpu.memory_space<hbm>> -> memref<1x10240x32xf32, #tpu.memory_space<hbm>>
      %dma_start3A_698 = tpu.memref_squeeze %dma_start3A_697 : memref<1x10240x32xf32, #tpu.memory_space<hbm>> -> memref<10240x32xf32, #tpu.memory_space<hbm>>
      %dma_start3A_699 = arith.constant 0 : i32
      %dma_start3A_700 = arith.constant 0 : i32
      %dma_start3A_701 = tpu.memref_slice %dma_start3A_698[%dma_start3A_699, %dma_start3A_700] : memref<10240x32xf32, #tpu.memory_space<hbm>> -> memref<10240x32xf32, #tpu.memory_space<hbm>>
      %dma_start3A_702 = tpu.memref_slice %arg13[%dma_start3A_687] : memref<5x!tpu.dma_semaphore, #tpu.memory_space<semaphore_mem>> -> memref<1x!tpu.dma_semaphore, #tpu.memory_space<semaphore_mem>>
      %dma_start3A_703 = tpu.memref_squeeze %dma_start3A_702 : memref<1x!tpu.dma_semaphore, #tpu.memory_space<semaphore_mem>> -> memref<!tpu.dma_semaphore, #tpu.memory_space<semaphore_mem>>
      tpu.enqueue_indirect_dma source(%dma_start3A_701 : memref<10240x32xf32, #tpu.memory_space<hbm>>) target(%dma_start3A_691 : memref<128x32xf32, #tpu.memory_space<vmem>>) offsets(%dma_start3A_694 : memref<128xi32, #tpu.memory_space<vmem>>) semaphore(%dma_start3A_703 : memref<!tpu.dma_semaphore, #tpu.memory_space<semaphore_mem>>)
      %add3A_704 = arith.constant 1 : i32
      %add3A_705 = arith.addi %mul3A_683, %add3A_704 : i32
      %dma_start3A_706 = arith.constant 6 : i32
      %dma_start3A_707 = arith.constant 1 : i32
      %dma_start3A_708 = arith.constant 0 : i32
      %dma_start3A_709 = arith.constant 0 : i32
      %dma_start3A_710 = tpu.memref_slice %arg8[%dma_start3A_706, %dma_start3A_708, %dma_start3A_709] : memref<10x128x32xf32, #tpu.memory_space<vmem>> -> memref<1x128x32xf32, #tpu.memory_space<vmem>>
      %dma_start3A_711 = tpu.memref_squeeze %dma_start3A_710 : memref<1x128x32xf32, #tpu.memory_space<vmem>> -> memref<128x32xf32, #tpu.memory_space<vmem>>
      %dma_start3A_712 = arith.constant 0 : i32
      %dma_start3A_713 = tpu.memref_slice %arg6[%add3A_705, %dma_start3A_712] : memref<160x128xi32, #tpu.memory_space<vmem>> -> memref<1x128xi32, #tpu.memory_space<vmem>>
      %dma_start3A_714 = tpu.memref_squeeze %dma_start3A_713 : memref<1x128xi32, #tpu.memory_space<vmem>> -> memref<128xi32, #tpu.memory_space<vmem>>
      %dma_start3A_715 = arith.constant 0 : i32
      %dma_start3A_716 = arith.constant 0 : i32
      %dma_start3A_717 = tpu.memref_slice %arg4[%arg0, %dma_start3A_715, %dma_start3A_716] : memref<2x10240x32xf32, #tpu.memory_space<hbm>> -> memref<1x10240x32xf32, #tpu.memory_space<hbm>>
      %dma_start3A_718 = tpu.memref_squeeze %dma_start3A_717 : memref<1x10240x32xf32, #tpu.memory_space<hbm>> -> memref<10240x32xf32, #tpu.memory_space<hbm>>
      %dma_start3A_719 = arith.constant 0 : i32
      %dma_start3A_720 = arith.constant 0 : i32
      %dma_start3A_721 = tpu.memref_slice %dma_start3A_718[%dma_start3A_719, %dma_start3A_720] : memref<10240x32xf32, #tpu.memory_space<hbm>> -> memref<10240x32xf32, #tpu.memory_space<hbm>>
      %dma_start3A_722 = tpu.memref_slice %arg13[%dma_start3A_707] : memref<5x!tpu.dma_semaphore, #tpu.memory_space<semaphore_mem>> -> memref<1x!tpu.dma_semaphore, #tpu.memory_space<semaphore_mem>>
      %dma_start3A_723 = tpu.memref_squeeze %dma_start3A_722 : memref<1x!tpu.dma_semaphore, #tpu.memory_space<semaphore_mem>> -> memref<!tpu.dma_semaphore, #tpu.memory_space<semaphore_mem>>
      tpu.enqueue_indirect_dma source(%dma_start3A_721 : memref<10240x32xf32, #tpu.memory_space<hbm>>) target(%dma_start3A_711 : memref<128x32xf32, #tpu.memory_space<vmem>>) offsets(%dma_start3A_714 : memref<128xi32, #tpu.memory_space<vmem>>) semaphore(%dma_start3A_723 : memref<!tpu.dma_semaphore, #tpu.memory_space<semaphore_mem>>)
      %add3A_724 = arith.constant 2 : i32
      %add3A_725 = arith.addi %mul3A_683, %add3A_724 : i32
      %dma_start3A_726 = arith.constant 7 : i32
      %dma_start3A_727 = arith.constant 2 : i32
      %dma_start3A_728 = arith.constant 0 : i32
      %dma_start3A_729 = arith.constant 0 : i32
      %dma_start3A_730 = tpu.memref_slice %arg8[%dma_start3A_726, %dma_start3A_728, %dma_start3A_729] : memref<10x128x32xf32, #tpu.memory_space<vmem>> -> memref<1x128x32xf32, #tpu.memory_space<vmem>>
      %dma_start3A_731 = tpu.memref_squeeze %dma_start3A_730 : memref<1x128x32xf32, #tpu.memory_space<vmem>> -> memref<128x32xf32, #tpu.memory_space<vmem>>
      %dma_start3A_732 = arith.constant 0 : i32
      %dma_start3A_733 = tpu.memref_slice %arg6[%add3A_725, %dma_start3A_732] : memref<160x128xi32, #tpu.memory_space<vmem>> -> memref<1x128xi32, #tpu.memory_space<vmem>>
      %dma_start3A_734 = tpu.memref_squeeze %dma_start3A_733 : memref<1x128xi32, #tpu.memory_space<vmem>> -> memref<128xi32, #tpu.memory_space<vmem>>
      %dma_start3A_735 = arith.constant 0 : i32
      %dma_start3A_736 = arith.constant 0 : i32
      %dma_start3A_737 = tpu.memref_slice %arg4[%arg0, %dma_start3A_735, %dma_start3A_736] : memref<2x10240x32xf32, #tpu.memory_space<hbm>> -> memref<1x10240x32xf32, #tpu.memory_space<hbm>>
      %dma_start3A_738 = tpu.memref_squeeze %dma_start3A_737 : memref<1x10240x32xf32, #tpu.memory_space<hbm>> -> memref<10240x32xf32, #tpu.memory_space<hbm>>
      %dma_start3A_739 = arith.constant 0 : i32
      %dma_start3A_740 = arith.constant 0 : i32
      %dma_start3A_741 = tpu.memref_slice %dma_start3A_738[%dma_start3A_739, %dma_start3A_740] : memref<10240x32xf32, #tpu.memory_space<hbm>> -> memref<10240x32xf32, #tpu.memory_space<hbm>>
      %dma_start3A_742 = tpu.memref_slice %arg13[%dma_start3A_727] : memref<5x!tpu.dma_semaphore, #tpu.memory_space<semaphore_mem>> -> memref<1x!tpu.dma_semaphore, #tpu.memory_space<semaphore_mem>>
      %dma_start3A_743 = tpu.memref_squeeze %dma_start3A_742 : memref<1x!tpu.dma_semaphore, #tpu.memory_space<semaphore_mem>> -> memref<!tpu.dma_semaphore, #tpu.memory_space<semaphore_mem>>
      tpu.enqueue_indirect_dma source(%dma_start3A_741 : memref<10240x32xf32, #tpu.memory_space<hbm>>) target(%dma_start3A_731 : memref<128x32xf32, #tpu.memory_space<vmem>>) offsets(%dma_start3A_734 : memref<128xi32, #tpu.memory_space<vmem>>) semaphore(%dma_start3A_743 : memref<!tpu.dma_semaphore, #tpu.memory_space<semaphore_mem>>)
      %add3A_744 = arith.constant 3 : i32
      %add3A_745 = arith.addi %mul3A_683, %add3A_744 : i32
      %dma_start3A_746 = arith.constant 8 : i32
      %dma_start3A_747 = arith.constant 3 : i32
      %dma_start3A_748 = arith.constant 0 : i32
      %dma_start3A_749 = arith.constant 0 : i32
      %dma_start3A_750 = tpu.memref_slice %arg8[%dma_start3A_746, %dma_start3A_748, %dma_start3A_749] : memref<10x128x32xf32, #tpu.memory_space<vmem>> -> memref<1x128x32xf32, #tpu.memory_space<vmem>>
      %dma_start3A_751 = tpu.memref_squeeze %dma_start3A_750 : memref<1x128x32xf32, #tpu.memory_space<vmem>> -> memref<128x32xf32, #tpu.memory_space<vmem>>
      %dma_start3A_752 = arith.constant 0 : i32
      %dma_start3A_753 = tpu.memref_slice %arg6[%add3A_745, %dma_start3A_752] : memref<160x128xi32, #tpu.memory_space<vmem>> -> memref<1x128xi32, #tpu.memory_space<vmem>>
      %dma_start3A_754 = tpu.memref_squeeze %dma_start3A_753 : memref<1x128xi32, #tpu.memory_space<vmem>> -> memref<128xi32, #tpu.memory_space<vmem>>
      %dma_start3A_755 = arith.constant 0 : i32
      %dma_start3A_756 = arith.constant 0 : i32
      %dma_start3A_757 = tpu.memref_slice %arg4[%arg0, %dma_start3A_755, %dma_start3A_756] : memref<2x10240x32xf32, #tpu.memory_space<hbm>> -> memref<1x10240x32xf32, #tpu.memory_space<hbm>>
      %dma_start3A_758 = tpu.memref_squeeze %dma_start3A_757 : memref<1x10240x32xf32, #tpu.memory_space<hbm>> -> memref<10240x32xf32, #tpu.memory_space<hbm>>
      %dma_start3A_759 = arith.constant 0 : i32
      %dma_start3A_760 = arith.constant 0 : i32
      %dma_start3A_761 = tpu.memref_slice %dma_start3A_758[%dma_start3A_759, %dma_start3A_760] : memref<10240x32xf32, #tpu.memory_space<hbm>> -> memref<10240x32xf32, #tpu.memory_space<hbm>>
      %dma_start3A_762 = tpu.memref_slice %arg13[%dma_start3A_747] : memref<5x!tpu.dma_semaphore, #tpu.memory_space<semaphore_mem>> -> memref<1x!tpu.dma_semaphore, #tpu.memory_space<semaphore_mem>>
      %dma_start3A_763 = tpu.memref_squeeze %dma_start3A_762 : memref<1x!tpu.dma_semaphore, #tpu.memory_space<semaphore_mem>> -> memref<!tpu.dma_semaphore, #tpu.memory_space<semaphore_mem>>
      tpu.enqueue_indirect_dma source(%dma_start3A_761 : memref<10240x32xf32, #tpu.memory_space<hbm>>) target(%dma_start3A_751 : memref<128x32xf32, #tpu.memory_space<vmem>>) offsets(%dma_start3A_754 : memref<128xi32, #tpu.memory_space<vmem>>) semaphore(%dma_start3A_763 : memref<!tpu.dma_semaphore, #tpu.memory_space<semaphore_mem>>)
      %add3A_764 = arith.constant 4 : i32
      %add3A_765 = arith.addi %mul3A_683, %add3A_764 : i32
      %dma_start3A_766 = arith.constant 9 : i32
      %dma_start3A_767 = arith.constant 4 : i32
      %dma_start3A_768 = arith.constant 0 : i32
      %dma_start3A_769 = arith.constant 0 : i32
      %dma_start3A_770 = tpu.memref_slice %arg8[%dma_start3A_766, %dma_start3A_768, %dma_start3A_769] : memref<10x128x32xf32, #tpu.memory_space<vmem>> -> memref<1x128x32xf32, #tpu.memory_space<vmem>>
      %dma_start3A_771 = tpu.memref_squeeze %dma_start3A_770 : memref<1x128x32xf32, #tpu.memory_space<vmem>> -> memref<128x32xf32, #tpu.memory_space<vmem>>
      %dma_start3A_772 = arith.constant 0 : i32
      %dma_start3A_773 = tpu.memref_slice %arg6[%add3A_765, %dma_start3A_772] : memref<160x128xi32, #tpu.memory_space<vmem>> -> memref<1x128xi32, #tpu.memory_space<vmem>>
      %dma_start3A_774 = tpu.memref_squeeze %dma_start3A_773 : memref<1x128xi32, #tpu.memory_space<vmem>> -> memref<128xi32, #tpu.memory_space<vmem>>
      %dma_start3A_775 = arith.constant 0 : i32
      %dma_start3A_776 = arith.constant 0 : i32
      %dma_start3A_777 = tpu.memref_slice %arg4[%arg0, %dma_start3A_775, %dma_start3A_776] : memref<2x10240x32xf32, #tpu.memory_space<hbm>> -> memref<1x10240x32xf32, #tpu.memory_space<hbm>>
      %dma_start3A_778 = tpu.memref_squeeze %dma_start3A_777 : memref<1x10240x32xf32, #tpu.memory_space<hbm>> -> memref<10240x32xf32, #tpu.memory_space<hbm>>
      %dma_start3A_779 = arith.constant 0 : i32
      %dma_start3A_780 = arith.constant 0 : i32
      %dma_start3A_781 = tpu.memref_slice %dma_start3A_778[%dma_start3A_779, %dma_start3A_780] : memref<10240x32xf32, #tpu.memory_space<hbm>> -> memref<10240x32xf32, #tpu.memory_space<hbm>>
      %dma_start3A_782 = tpu.memref_slice %arg13[%dma_start3A_767] : memref<5x!tpu.dma_semaphore, #tpu.memory_space<semaphore_mem>> -> memref<1x!tpu.dma_semaphore, #tpu.memory_space<semaphore_mem>>
      %dma_start3A_783 = tpu.memref_squeeze %dma_start3A_782 : memref<1x!tpu.dma_semaphore, #tpu.memory_space<semaphore_mem>> -> memref<!tpu.dma_semaphore, #tpu.memory_space<semaphore_mem>>
      tpu.enqueue_indirect_dma source(%dma_start3A_781 : memref<10240x32xf32, #tpu.memory_space<hbm>>) target(%dma_start3A_771 : memref<128x32xf32, #tpu.memory_space<vmem>>) offsets(%dma_start3A_774 : memref<128xi32, #tpu.memory_space<vmem>>) semaphore(%dma_start3A_783 : memref<!tpu.dma_semaphore, #tpu.memory_space<semaphore_mem>>)
      %add3A_784 = arith.constant 1 : i32
      %add3A_785 = arith.addi %mul3A_465, %add3A_784 : i32
      %mul3A_786 = arith.constant 5 : i32
      %mul3A_787 = arith.muli %add3A_785, %mul3A_786 : i32
      %dma_wait3A_788 = arith.constant 5 : i32
      %dma_wait3A_789 = arith.constant 0 : i32
      %dma_wait3A_790 = arith.constant 0 : i32
      %dma_wait3A_791 = arith.constant 0 : i32
      %dma_wait3A_792 = tpu.memref_slice %arg8[%dma_wait3A_788, %dma_wait3A_790, %dma_wait3A_791] : memref<10x128x32xf32, #tpu.memory_space<vmem>> -> memref<1x128x32xf32, #tpu.memory_space<vmem>>
      %dma_wait3A_793 = tpu.memref_squeeze %dma_wait3A_792 : memref<1x128x32xf32, #tpu.memory_space<vmem>> -> memref<128x32xf32, #tpu.memory_space<vmem>>
      %dma_wait3A_794 = arith.constant 0 : i32
      %dma_wait3A_795 = arith.constant 0 : i32
      %dma_wait3A_796 = tpu.memref_slice %arg4[%arg0, %dma_wait3A_794, %dma_wait3A_795] : memref<2x10240x32xf32, #tpu.memory_space<hbm>> -> memref<1x10240x32xf32, #tpu.memory_space<hbm>>
      %dma_wait3A_797 = tpu.memref_squeeze %dma_wait3A_796 : memref<1x10240x32xf32, #tpu.memory_space<hbm>> -> memref<10240x32xf32, #tpu.memory_space<hbm>>
      %dma_wait3A_798 = arith.constant 0 : i32
      %dma_wait3A_799 = arith.constant 0 : i32
      %dma_wait3A_800 = tpu.memref_slice %dma_wait3A_797[%dma_wait3A_798, %dma_wait3A_799] : memref<10240x32xf32, #tpu.memory_space<hbm>> -> memref<128x32xf32, #tpu.memory_space<hbm>>
      %dma_wait3A_801 = tpu.memref_slice %arg13[%dma_wait3A_789] : memref<5x!tpu.dma_semaphore, #tpu.memory_space<semaphore_mem>> -> memref<1x!tpu.dma_semaphore, #tpu.memory_space<semaphore_mem>>
      %dma_wait3A_802 = tpu.memref_squeeze %dma_wait3A_801 : memref<1x!tpu.dma_semaphore, #tpu.memory_space<semaphore_mem>> -> memref<!tpu.dma_semaphore, #tpu.memory_space<semaphore_mem>>
      %dma_wait3A_803 = arith.constant 0 : i32
      %dma_wait3A_804 = arith.constant 0 : i32
      %dma_wait3A_805 = tpu.memref_slice %arg8[%dma_wait3A_788, %dma_wait3A_803, %dma_wait3A_804] : memref<10x128x32xf32, #tpu.memory_space<vmem>> -> memref<1x128x32xf32, #tpu.memory_space<vmem>>
      %dma_wait3A_806 = tpu.memref_squeeze %dma_wait3A_805 : memref<1x128x32xf32, #tpu.memory_space<vmem>> -> memref<128x32xf32, #tpu.memory_space<vmem>>
      %dma_wait3A_807 = arith.constant 0 : i32
      %dma_wait3A_808 = arith.constant 0 : i32
      %dma_wait3A_809 = tpu.memref_slice %arg4[%arg0, %dma_wait3A_807, %dma_wait3A_808] : memref<2x10240x32xf32, #tpu.memory_space<hbm>> -> memref<1x10240x32xf32, #tpu.memory_space<hbm>>
      %dma_wait3A_810 = tpu.memref_squeeze %dma_wait3A_809 : memref<1x10240x32xf32, #tpu.memory_space<hbm>> -> memref<10240x32xf32, #tpu.memory_space<hbm>>
      %dma_wait3A_811 = arith.constant 0 : i32
      %dma_wait3A_812 = arith.constant 0 : i32
      %dma_wait3A_813 = tpu.memref_slice %dma_wait3A_810[%dma_wait3A_811, %dma_wait3A_812] : memref<10240x32xf32, #tpu.memory_space<hbm>> -> memref<128x32xf32, #tpu.memory_space<hbm>>
      tpu.wait_dma2 semaphore(%dma_wait3A_802 : memref<!tpu.dma_semaphore, #tpu.memory_space<semaphore_mem>>) src(%dma_wait3A_813 : memref<128x32xf32, #tpu.memory_space<hbm>>) dst(%dma_wait3A_806 : memref<128x32xf32, #tpu.memory_space<vmem>>)
      %add3A_814 = arith.constant 0 : i32
      %add3A_815 = arith.addi %mul3A_787, %add3A_814 : i32
      %dma_start3A_816 = arith.constant 5 : i32
      %dma_start3A_817 = arith.constant 0 : i32
      %dma_start3A_818 = arith.constant 0 : i32
      %dma_start3A_819 = arith.constant 0 : i32
      %dma_start3A_820 = tpu.memref_slice %arg8[%dma_start3A_816, %dma_start3A_818, %dma_start3A_819] : memref<10x128x32xf32, #tpu.memory_space<vmem>> -> memref<1x128x32xf32, #tpu.memory_space<vmem>>
      %dma_start3A_821 = tpu.memref_squeeze %dma_start3A_820 : memref<1x128x32xf32, #tpu.memory_space<vmem>> -> memref<128x32xf32, #tpu.memory_space<vmem>>
      %dma_start3A_822 = arith.constant 0 : i32
      %dma_start3A_823 = tpu.memref_slice %arg7[%add3A_815, %dma_start3A_822] : memref<160x128xi32, #tpu.memory_space<vmem>> -> memref<1x128xi32, #tpu.memory_space<vmem>>
      %dma_start3A_824 = tpu.memref_squeeze %dma_start3A_823 : memref<1x128xi32, #tpu.memory_space<vmem>> -> memref<128xi32, #tpu.memory_space<vmem>>
      %dma_start3A_825 = arith.constant 0 : i32
      %dma_start3A_826 = arith.constant 0 : i32
      %dma_start3A_827 = tpu.memref_slice %arg11[%dma_start3A_825, %dma_start3A_826] : memref<10240x32xf32, #tpu.memory_space<vmem_shared>> -> memref<10240x32xf32, #tpu.memory_space<vmem_shared>>
      %dma_start3A_828 = tpu.memref_slice %arg15[%dma_start3A_817] : memref<5x!tpu.dma_semaphore, #tpu.memory_space<semaphore_mem>> -> memref<1x!tpu.dma_semaphore, #tpu.memory_space<semaphore_mem>>
      %dma_start3A_829 = tpu.memref_squeeze %dma_start3A_828 : memref<1x!tpu.dma_semaphore, #tpu.memory_space<semaphore_mem>> -> memref<!tpu.dma_semaphore, #tpu.memory_space<semaphore_mem>>
      tpu.enqueue_indirect_dma source(%dma_start3A_821 : memref<128x32xf32, #tpu.memory_space<vmem>>) target(%dma_start3A_827 : memref<10240x32xf32, #tpu.memory_space<vmem_shared>>) offsets(%dma_start3A_824 : memref<128xi32, #tpu.memory_space<vmem>>) semaphore(%dma_start3A_829 : memref<!tpu.dma_semaphore, #tpu.memory_space<semaphore_mem>>) {add = true}
      %dma_wait3A_830 = arith.constant 6 : i32
      %dma_wait3A_831 = arith.constant 1 : i32
      %dma_wait3A_832 = arith.constant 0 : i32
      %dma_wait3A_833 = arith.constant 0 : i32
      %dma_wait3A_834 = tpu.memref_slice %arg8[%dma_wait3A_830, %dma_wait3A_832, %dma_wait3A_833] : memref<10x128x32xf32, #tpu.memory_space<vmem>> -> memref<1x128x32xf32, #tpu.memory_space<vmem>>
      %dma_wait3A_835 = tpu.memref_squeeze %dma_wait3A_834 : memref<1x128x32xf32, #tpu.memory_space<vmem>> -> memref<128x32xf32, #tpu.memory_space<vmem>>
      %dma_wait3A_836 = arith.constant 0 : i32
      %dma_wait3A_837 = arith.constant 0 : i32
      %dma_wait3A_838 = tpu.memref_slice %arg4[%arg0, %dma_wait3A_836, %dma_wait3A_837] : memref<2x10240x32xf32, #tpu.memory_space<hbm>> -> memref<1x10240x32xf32, #tpu.memory_space<hbm>>
      %dma_wait3A_839 = tpu.memref_squeeze %dma_wait3A_838 : memref<1x10240x32xf32, #tpu.memory_space<hbm>> -> memref<10240x32xf32, #tpu.memory_space<hbm>>
      %dma_wait3A_840 = arith.constant 0 : i32
      %dma_wait3A_841 = arith.constant 0 : i32
      %dma_wait3A_842 = tpu.memref_slice %dma_wait3A_839[%dma_wait3A_840, %dma_wait3A_841] : memref<10240x32xf32, #tpu.memory_space<hbm>> -> memref<128x32xf32, #tpu.memory_space<hbm>>
      %dma_wait3A_843 = tpu.memref_slice %arg13[%dma_wait3A_831] : memref<5x!tpu.dma_semaphore, #tpu.memory_space<semaphore_mem>> -> memref<1x!tpu.dma_semaphore, #tpu.memory_space<semaphore_mem>>
      %dma_wait3A_844 = tpu.memref_squeeze %dma_wait3A_843 : memref<1x!tpu.dma_semaphore, #tpu.memory_space<semaphore_mem>> -> memref<!tpu.dma_semaphore, #tpu.memory_space<semaphore_mem>>
      %dma_wait3A_845 = arith.constant 0 : i32
      %dma_wait3A_846 = arith.constant 0 : i32
      %dma_wait3A_847 = tpu.memref_slice %arg8[%dma_wait3A_830, %dma_wait3A_845, %dma_wait3A_846] : memref<10x128x32xf32, #tpu.memory_space<vmem>> -> memref<1x128x32xf32, #tpu.memory_space<vmem>>
      %dma_wait3A_848 = tpu.memref_squeeze %dma_wait3A_847 : memref<1x128x32xf32, #tpu.memory_space<vmem>> -> memref<128x32xf32, #tpu.memory_space<vmem>>
      %dma_wait3A_849 = arith.constant 0 : i32
      %dma_wait3A_850 = arith.constant 0 : i32
      %dma_wait3A_851 = tpu.memref_slice %arg4[%arg0, %dma_wait3A_849, %dma_wait3A_850] : memref<2x10240x32xf32, #tpu.memory_space<hbm>> -> memref<1x10240x32xf32, #tpu.memory_space<hbm>>
      %dma_wait3A_852 = tpu.memref_squeeze %dma_wait3A_851 : memref<1x10240x32xf32, #tpu.memory_space<hbm>> -> memref<10240x32xf32, #tpu.memory_space<hbm>>
      %dma_wait3A_853 = arith.constant 0 : i32
      %dma_wait3A_854 = arith.constant 0 : i32
      %dma_wait3A_855 = tpu.memref_slice %dma_wait3A_852[%dma_wait3A_853, %dma_wait3A_854] : memref<10240x32xf32, #tpu.memory_space<hbm>> -> memref<128x32xf32, #tpu.memory_space<hbm>>
      tpu.wait_dma2 semaphore(%dma_wait3A_844 : memref<!tpu.dma_semaphore, #tpu.memory_space<semaphore_mem>>) src(%dma_wait3A_855 : memref<128x32xf32, #tpu.memory_space<hbm>>) dst(%dma_wait3A_848 : memref<128x32xf32, #tpu.memory_space<vmem>>)
      %add3A_856 = arith.constant 1 : i32
      %add3A_857 = arith.addi %mul3A_787, %add3A_856 : i32
      %dma_start3A_858 = arith.constant 6 : i32
      %dma_start3A_859 = arith.constant 1 : i32
      %dma_start3A_860 = arith.constant 0 : i32
      %dma_start3A_861 = arith.constant 0 : i32
      %dma_start3A_862 = tpu.memref_slice %arg8[%dma_start3A_858, %dma_start3A_860, %dma_start3A_861] : memref<10x128x32xf32, #tpu.memory_space<vmem>> -> memref<1x128x32xf32, #tpu.memory_space<vmem>>
      %dma_start3A_863 = tpu.memref_squeeze %dma_start3A_862 : memref<1x128x32xf32, #tpu.memory_space<vmem>> -> memref<128x32xf32, #tpu.memory_space<vmem>>
      %dma_start3A_864 = arith.constant 0 : i32
      %dma_start3A_865 = tpu.memref_slice %arg7[%add3A_857, %dma_start3A_864] : memref<160x128xi32, #tpu.memory_space<vmem>> -> memref<1x128xi32, #tpu.memory_space<vmem>>
      %dma_start3A_866 = tpu.memref_squeeze %dma_start3A_865 : memref<1x128xi32, #tpu.memory_space<vmem>> -> memref<128xi32, #tpu.memory_space<vmem>>
      %dma_start3A_867 = arith.constant 0 : i32
      %dma_start3A_868 = arith.constant 0 : i32
      %dma_start3A_869 = tpu.memref_slice %arg11[%dma_start3A_867, %dma_start3A_868] : memref<10240x32xf32, #tpu.memory_space<vmem_shared>> -> memref<10240x32xf32, #tpu.memory_space<vmem_shared>>
      %dma_start3A_870 = tpu.memref_slice %arg15[%dma_start3A_859] : memref<5x!tpu.dma_semaphore, #tpu.memory_space<semaphore_mem>> -> memref<1x!tpu.dma_semaphore, #tpu.memory_space<semaphore_mem>>
      %dma_start3A_871 = tpu.memref_squeeze %dma_start3A_870 : memref<1x!tpu.dma_semaphore, #tpu.memory_space<semaphore_mem>> -> memref<!tpu.dma_semaphore, #tpu.memory_space<semaphore_mem>>
      tpu.enqueue_indirect_dma source(%dma_start3A_863 : memref<128x32xf32, #tpu.memory_space<vmem>>) target(%dma_start3A_869 : memref<10240x32xf32, #tpu.memory_space<vmem_shared>>) offsets(%dma_start3A_866 : memref<128xi32, #tpu.memory_space<vmem>>) semaphore(%dma_start3A_871 : memref<!tpu.dma_semaphore, #tpu.memory_space<semaphore_mem>>) {add = true}
      %dma_wait3A_872 = arith.constant 7 : i32
      %dma_wait3A_873 = arith.constant 2 : i32
      %dma_wait3A_874 = arith.constant 0 : i32
      %dma_wait3A_875 = arith.constant 0 : i32
      %dma_wait3A_876 = tpu.memref_slice %arg8[%dma_wait3A_872, %dma_wait3A_874, %dma_wait3A_875] : memref<10x128x32xf32, #tpu.memory_space<vmem>> -> memref<1x128x32xf32, #tpu.memory_space<vmem>>
      %dma_wait3A_877 = tpu.memref_squeeze %dma_wait3A_876 : memref<1x128x32xf32, #tpu.memory_space<vmem>> -> memref<128x32xf32, #tpu.memory_space<vmem>>
      %dma_wait3A_878 = arith.constant 0 : i32
      %dma_wait3A_879 = arith.constant 0 : i32
      %dma_wait3A_880 = tpu.memref_slice %arg4[%arg0, %dma_wait3A_878, %dma_wait3A_879] : memref<2x10240x32xf32, #tpu.memory_space<hbm>> -> memref<1x10240x32xf32, #tpu.memory_space<hbm>>
      %dma_wait3A_881 = tpu.memref_squeeze %dma_wait3A_880 : memref<1x10240x32xf32, #tpu.memory_space<hbm>> -> memref<10240x32xf32, #tpu.memory_space<hbm>>
      %dma_wait3A_882 = arith.constant 0 : i32
      %dma_wait3A_883 = arith.constant 0 : i32
      %dma_wait3A_884 = tpu.memref_slice %dma_wait3A_881[%dma_wait3A_882, %dma_wait3A_883] : memref<10240x32xf32, #tpu.memory_space<hbm>> -> memref<128x32xf32, #tpu.memory_space<hbm>>
      %dma_wait3A_885 = tpu.memref_slice %arg13[%dma_wait3A_873] : memref<5x!tpu.dma_semaphore, #tpu.memory_space<semaphore_mem>> -> memref<1x!tpu.dma_semaphore, #tpu.memory_space<semaphore_mem>>
      %dma_wait3A_886 = tpu.memref_squeeze %dma_wait3A_885 : memref<1x!tpu.dma_semaphore, #tpu.memory_space<semaphore_mem>> -> memref<!tpu.dma_semaphore, #tpu.memory_space<semaphore_mem>>
      %dma_wait3A_887 = arith.constant 0 : i32
      %dma_wait3A_888 = arith.constant 0 : i32
      %dma_wait3A_889 = tpu.memref_slice %arg8[%dma_wait3A_872, %dma_wait3A_887, %dma_wait3A_888] : memref<10x128x32xf32, #tpu.memory_space<vmem>> -> memref<1x128x32xf32, #tpu.memory_space<vmem>>
      %dma_wait3A_890 = tpu.memref_squeeze %dma_wait3A_889 : memref<1x128x32xf32, #tpu.memory_space<vmem>> -> memref<128x32xf32, #tpu.memory_space<vmem>>
      %dma_wait3A_891 = arith.constant 0 : i32
      %dma_wait3A_892 = arith.constant 0 : i32
      %dma_wait3A_893 = tpu.memref_slice %arg4[%arg0, %dma_wait3A_891, %dma_wait3A_892] : memref<2x10240x32xf32, #tpu.memory_space<hbm>> -> memref<1x10240x32xf32, #tpu.memory_space<hbm>>
      %dma_wait3A_894 = tpu.memref_squeeze %dma_wait3A_893 : memref<1x10240x32xf32, #tpu.memory_space<hbm>> -> memref<10240x32xf32, #tpu.memory_space<hbm>>
      %dma_wait3A_895 = arith.constant 0 : i32
      %dma_wait3A_896 = arith.constant 0 : i32
      %dma_wait3A_897 = tpu.memref_slice %dma_wait3A_894[%dma_wait3A_895, %dma_wait3A_896] : memref<10240x32xf32, #tpu.memory_space<hbm>> -> memref<128x32xf32, #tpu.memory_space<hbm>>
      tpu.wait_dma2 semaphore(%dma_wait3A_886 : memref<!tpu.dma_semaphore, #tpu.memory_space<semaphore_mem>>) src(%dma_wait3A_897 : memref<128x32xf32, #tpu.memory_space<hbm>>) dst(%dma_wait3A_890 : memref<128x32xf32, #tpu.memory_space<vmem>>)
      %add3A_898 = arith.constant 2 : i32
      %add3A_899 = arith.addi %mul3A_787, %add3A_898 : i32
      %dma_start3A_900 = arith.constant 7 : i32
      %dma_start3A_901 = arith.constant 2 : i32
      %dma_start3A_902 = arith.constant 0 : i32
      %dma_start3A_903 = arith.constant 0 : i32
      %dma_start3A_904 = tpu.memref_slice %arg8[%dma_start3A_900, %dma_start3A_902, %dma_start3A_903] : memref<10x128x32xf32, #tpu.memory_space<vmem>> -> memref<1x128x32xf32, #tpu.memory_space<vmem>>
      %dma_start3A_905 = tpu.memref_squeeze %dma_start3A_904 : memref<1x128x32xf32, #tpu.memory_space<vmem>> -> memref<128x32xf32, #tpu.memory_space<vmem>>
      %dma_start3A_906 = arith.constant 0 : i32
      %dma_start3A_907 = tpu.memref_slice %arg7[%add3A_899, %dma_start3A_906] : memref<160x128xi32, #tpu.memory_space<vmem>> -> memref<1x128xi32, #tpu.memory_space<vmem>>
      %dma_start3A_908 = tpu.memref_squeeze %dma_start3A_907 : memref<1x128xi32, #tpu.memory_space<vmem>> -> memref<128xi32, #tpu.memory_space<vmem>>
      %dma_start3A_909 = arith.constant 0 : i32
      %dma_start3A_910 = arith.constant 0 : i32
      %dma_start3A_911 = tpu.memref_slice %arg11[%dma_start3A_909, %dma_start3A_910] : memref<10240x32xf32, #tpu.memory_space<vmem_shared>> -> memref<10240x32xf32, #tpu.memory_space<vmem_shared>>
      %dma_start3A_912 = tpu.memref_slice %arg15[%dma_start3A_901] : memref<5x!tpu.dma_semaphore, #tpu.memory_space<semaphore_mem>> -> memref<1x!tpu.dma_semaphore, #tpu.memory_space<semaphore_mem>>
      %dma_start3A_913 = tpu.memref_squeeze %dma_start3A_912 : memref<1x!tpu.dma_semaphore, #tpu.memory_space<semaphore_mem>> -> memref<!tpu.dma_semaphore, #tpu.memory_space<semaphore_mem>>
      tpu.enqueue_indirect_dma source(%dma_start3A_905 : memref<128x32xf32, #tpu.memory_space<vmem>>) target(%dma_start3A_911 : memref<10240x32xf32, #tpu.memory_space<vmem_shared>>) offsets(%dma_start3A_908 : memref<128xi32, #tpu.memory_space<vmem>>) semaphore(%dma_start3A_913 : memref<!tpu.dma_semaphore, #tpu.memory_space<semaphore_mem>>) {add = true}
      %dma_wait3A_914 = arith.constant 8 : i32
      %dma_wait3A_915 = arith.constant 3 : i32
      %dma_wait3A_916 = arith.constant 0 : i32
      %dma_wait3A_917 = arith.constant 0 : i32
      %dma_wait3A_918 = tpu.memref_slice %arg8[%dma_wait3A_914, %dma_wait3A_916, %dma_wait3A_917] : memref<10x128x32xf32, #tpu.memory_space<vmem>> -> memref<1x128x32xf32, #tpu.memory_space<vmem>>
      %dma_wait3A_919 = tpu.memref_squeeze %dma_wait3A_918 : memref<1x128x32xf32, #tpu.memory_space<vmem>> -> memref<128x32xf32, #tpu.memory_space<vmem>>
      %dma_wait3A_920 = arith.constant 0 : i32
      %dma_wait3A_921 = arith.constant 0 : i32
      %dma_wait3A_922 = tpu.memref_slice %arg4[%arg0, %dma_wait3A_920, %dma_wait3A_921] : memref<2x10240x32xf32, #tpu.memory_space<hbm>> -> memref<1x10240x32xf32, #tpu.memory_space<hbm>>
      %dma_wait3A_923 = tpu.memref_squeeze %dma_wait3A_922 : memref<1x10240x32xf32, #tpu.memory_space<hbm>> -> memref<10240x32xf32, #tpu.memory_space<hbm>>
      %dma_wait3A_924 = arith.constant 0 : i32
      %dma_wait3A_925 = arith.constant 0 : i32
      %dma_wait3A_926 = tpu.memref_slice %dma_wait3A_923[%dma_wait3A_924, %dma_wait3A_925] : memref<10240x32xf32, #tpu.memory_space<hbm>> -> memref<128x32xf32, #tpu.memory_space<hbm>>
      %dma_wait3A_927 = tpu.memref_slice %arg13[%dma_wait3A_915] : memref<5x!tpu.dma_semaphore, #tpu.memory_space<semaphore_mem>> -> memref<1x!tpu.dma_semaphore, #tpu.memory_space<semaphore_mem>>
      %dma_wait3A_928 = tpu.memref_squeeze %dma_wait3A_927 : memref<1x!tpu.dma_semaphore, #tpu.memory_space<semaphore_mem>> -> memref<!tpu.dma_semaphore, #tpu.memory_space<semaphore_mem>>
      %dma_wait3A_929 = arith.constant 0 : i32
      %dma_wait3A_930 = arith.constant 0 : i32
      %dma_wait3A_931 = tpu.memref_slice %arg8[%dma_wait3A_914, %dma_wait3A_929, %dma_wait3A_930] : memref<10x128x32xf32, #tpu.memory_space<vmem>> -> memref<1x128x32xf32, #tpu.memory_space<vmem>>
      %dma_wait3A_932 = tpu.memref_squeeze %dma_wait3A_931 : memref<1x128x32xf32, #tpu.memory_space<vmem>> -> memref<128x32xf32, #tpu.memory_space<vmem>>
      %dma_wait3A_933 = arith.constant 0 : i32
      %dma_wait3A_934 = arith.constant 0 : i32
      %dma_wait3A_935 = tpu.memref_slice %arg4[%arg0, %dma_wait3A_933, %dma_wait3A_934] : memref<2x10240x32xf32, #tpu.memory_space<hbm>> -> memref<1x10240x32xf32, #tpu.memory_space<hbm>>
      %dma_wait3A_936 = tpu.memref_squeeze %dma_wait3A_935 : memref<1x10240x32xf32, #tpu.memory_space<hbm>> -> memref<10240x32xf32, #tpu.memory_space<hbm>>
      %dma_wait3A_937 = arith.constant 0 : i32
      %dma_wait3A_938 = arith.constant 0 : i32
      %dma_wait3A_939 = tpu.memref_slice %dma_wait3A_936[%dma_wait3A_937, %dma_wait3A_938] : memref<10240x32xf32, #tpu.memory_space<hbm>> -> memref<128x32xf32, #tpu.memory_space<hbm>>
      tpu.wait_dma2 semaphore(%dma_wait3A_928 : memref<!tpu.dma_semaphore, #tpu.memory_space<semaphore_mem>>) src(%dma_wait3A_939 : memref<128x32xf32, #tpu.memory_space<hbm>>) dst(%dma_wait3A_932 : memref<128x32xf32, #tpu.memory_space<vmem>>)
      %add3A_940 = arith.constant 3 : i32
      %add3A_941 = arith.addi %mul3A_787, %add3A_940 : i32
      %dma_start3A_942 = arith.constant 8 : i32
      %dma_start3A_943 = arith.constant 3 : i32
      %dma_start3A_944 = arith.constant 0 : i32
      %dma_start3A_945 = arith.constant 0 : i32
      %dma_start3A_946 = tpu.memref_slice %arg8[%dma_start3A_942, %dma_start3A_944, %dma_start3A_945] : memref<10x128x32xf32, #tpu.memory_space<vmem>> -> memref<1x128x32xf32, #tpu.memory_space<vmem>>
      %dma_start3A_947 = tpu.memref_squeeze %dma_start3A_946 : memref<1x128x32xf32, #tpu.memory_space<vmem>> -> memref<128x32xf32, #tpu.memory_space<vmem>>
      %dma_start3A_948 = arith.constant 0 : i32
      %dma_start3A_949 = tpu.memref_slice %arg7[%add3A_941, %dma_start3A_948] : memref<160x128xi32, #tpu.memory_space<vmem>> -> memref<1x128xi32, #tpu.memory_space<vmem>>
      %dma_start3A_950 = tpu.memref_squeeze %dma_start3A_949 : memref<1x128xi32, #tpu.memory_space<vmem>> -> memref<128xi32, #tpu.memory_space<vmem>>
      %dma_start3A_951 = arith.constant 0 : i32
      %dma_start3A_952 = arith.constant 0 : i32
      %dma_start3A_953 = tpu.memref_slice %arg11[%dma_start3A_951, %dma_start3A_952] : memref<10240x32xf32, #tpu.memory_space<vmem_shared>> -> memref<10240x32xf32, #tpu.memory_space<vmem_shared>>
      %dma_start3A_954 = tpu.memref_slice %arg15[%dma_start3A_943] : memref<5x!tpu.dma_semaphore, #tpu.memory_space<semaphore_mem>> -> memref<1x!tpu.dma_semaphore, #tpu.memory_space<semaphore_mem>>
      %dma_start3A_955 = tpu.memref_squeeze %dma_start3A_954 : memref<1x!tpu.dma_semaphore, #tpu.memory_space<semaphore_mem>> -> memref<!tpu.dma_semaphore, #tpu.memory_space<semaphore_mem>>
      tpu.enqueue_indirect_dma source(%dma_start3A_947 : memref<128x32xf32, #tpu.memory_space<vmem>>) target(%dma_start3A_953 : memref<10240x32xf32, #tpu.memory_space<vmem_shared>>) offsets(%dma_start3A_950 : memref<128xi32, #tpu.memory_space<vmem>>) semaphore(%dma_start3A_955 : memref<!tpu.dma_semaphore, #tpu.memory_space<semaphore_mem>>) {add = true}
      %dma_wait3A_956 = arith.constant 9 : i32
      %dma_wait3A_957 = arith.constant 4 : i32
      %dma_wait3A_958 = arith.constant 0 : i32
      %dma_wait3A_959 = arith.constant 0 : i32
      %dma_wait3A_960 = tpu.memref_slice %arg8[%dma_wait3A_956, %dma_wait3A_958, %dma_wait3A_959] : memref<10x128x32xf32, #tpu.memory_space<vmem>> -> memref<1x128x32xf32, #tpu.memory_space<vmem>>
      %dma_wait3A_961 = tpu.memref_squeeze %dma_wait3A_960 : memref<1x128x32xf32, #tpu.memory_space<vmem>> -> memref<128x32xf32, #tpu.memory_space<vmem>>
      %dma_wait3A_962 = arith.constant 0 : i32
      %dma_wait3A_963 = arith.constant 0 : i32
      %dma_wait3A_964 = tpu.memref_slice %arg4[%arg0, %dma_wait3A_962, %dma_wait3A_963] : memref<2x10240x32xf32, #tpu.memory_space<hbm>> -> memref<1x10240x32xf32, #tpu.memory_space<hbm>>
      %dma_wait3A_965 = tpu.memref_squeeze %dma_wait3A_964 : memref<1x10240x32xf32, #tpu.memory_space<hbm>> -> memref<10240x32xf32, #tpu.memory_space<hbm>>
      %dma_wait3A_966 = arith.constant 0 : i32
      %dma_wait3A_967 = arith.constant 0 : i32
      %dma_wait3A_968 = tpu.memref_slice %dma_wait3A_965[%dma_wait3A_966, %dma_wait3A_967] : memref<10240x32xf32, #tpu.memory_space<hbm>> -> memref<128x32xf32, #tpu.memory_space<hbm>>
      %dma_wait3A_969 = tpu.memref_slice %arg13[%dma_wait3A_957] : memref<5x!tpu.dma_semaphore, #tpu.memory_space<semaphore_mem>> -> memref<1x!tpu.dma_semaphore, #tpu.memory_space<semaphore_mem>>
      %dma_wait3A_970 = tpu.memref_squeeze %dma_wait3A_969 : memref<1x!tpu.dma_semaphore, #tpu.memory_space<semaphore_mem>> -> memref<!tpu.dma_semaphore, #tpu.memory_space<semaphore_mem>>
      %dma_wait3A_971 = arith.constant 0 : i32
      %dma_wait3A_972 = arith.constant 0 : i32
      %dma_wait3A_973 = tpu.memref_slice %arg8[%dma_wait3A_956, %dma_wait3A_971, %dma_wait3A_972] : memref<10x128x32xf32, #tpu.memory_space<vmem>> -> memref<1x128x32xf32, #tpu.memory_space<vmem>>
      %dma_wait3A_974 = tpu.memref_squeeze %dma_wait3A_973 : memref<1x128x32xf32, #tpu.memory_space<vmem>> -> memref<128x32xf32, #tpu.memory_space<vmem>>
      %dma_wait3A_975 = arith.constant 0 : i32
      %dma_wait3A_976 = arith.constant 0 : i32
      %dma_wait3A_977 = tpu.memref_slice %arg4[%arg0, %dma_wait3A_975, %dma_wait3A_976] : memref<2x10240x32xf32, #tpu.memory_space<hbm>> -> memref<1x10240x32xf32, #tpu.memory_space<hbm>>
      %dma_wait3A_978 = tpu.memref_squeeze %dma_wait3A_977 : memref<1x10240x32xf32, #tpu.memory_space<hbm>> -> memref<10240x32xf32, #tpu.memory_space<hbm>>
      %dma_wait3A_979 = arith.constant 0 : i32
      %dma_wait3A_980 = arith.constant 0 : i32
      %dma_wait3A_981 = tpu.memref_slice %dma_wait3A_978[%dma_wait3A_979, %dma_wait3A_980] : memref<10240x32xf32, #tpu.memory_space<hbm>> -> memref<128x32xf32, #tpu.memory_space<hbm>>
      tpu.wait_dma2 semaphore(%dma_wait3A_970 : memref<!tpu.dma_semaphore, #tpu.memory_space<semaphore_mem>>) src(%dma_wait3A_981 : memref<128x32xf32, #tpu.memory_space<hbm>>) dst(%dma_wait3A_974 : memref<128x32xf32, #tpu.memory_space<vmem>>)
      %add3A_982 = arith.constant 4 : i32
      %add3A_983 = arith.addi %mul3A_787, %add3A_982 : i32
      %dma_start3A_984 = arith.constant 9 : i32
      %dma_start3A_985 = arith.constant 4 : i32
      %dma_start3A_986 = arith.constant 0 : i32
      %dma_start3A_987 = arith.constant 0 : i32
      %dma_start3A_988 = tpu.memref_slice %arg8[%dma_start3A_984, %dma_start3A_986, %dma_start3A_987] : memref<10x128x32xf32, #tpu.memory_space<vmem>> -> memref<1x128x32xf32, #tpu.memory_space<vmem>>
      %dma_start3A_989 = tpu.memref_squeeze %dma_start3A_988 : memref<1x128x32xf32, #tpu.memory_space<vmem>> -> memref<128x32xf32, #tpu.memory_space<vmem>>
      %dma_start3A_990 = arith.constant 0 : i32
      %dma_start3A_991 = tpu.memref_slice %arg7[%add3A_983, %dma_start3A_990] : memref<160x128xi32, #tpu.memory_space<vmem>> -> memref<1x128xi32, #tpu.memory_space<vmem>>
      %dma_start3A_992 = tpu.memref_squeeze %dma_start3A_991 : memref<1x128xi32, #tpu.memory_space<vmem>> -> memref<128xi32, #tpu.memory_space<vmem>>
      %dma_start3A_993 = arith.constant 0 : i32
      %dma_start3A_994 = arith.constant 0 : i32
      %dma_start3A_995 = tpu.memref_slice %arg11[%dma_start3A_993, %dma_start3A_994] : memref<10240x32xf32, #tpu.memory_space<vmem_shared>> -> memref<10240x32xf32, #tpu.memory_space<vmem_shared>>
      %dma_start3A_996 = tpu.memref_slice %arg15[%dma_start3A_985] : memref<5x!tpu.dma_semaphore, #tpu.memory_space<semaphore_mem>> -> memref<1x!tpu.dma_semaphore, #tpu.memory_space<semaphore_mem>>
      %dma_start3A_997 = tpu.memref_squeeze %dma_start3A_996 : memref<1x!tpu.dma_semaphore, #tpu.memory_space<semaphore_mem>> -> memref<!tpu.dma_semaphore, #tpu.memory_space<semaphore_mem>>
      tpu.enqueue_indirect_dma source(%dma_start3A_989 : memref<128x32xf32, #tpu.memory_space<vmem>>) target(%dma_start3A_995 : memref<10240x32xf32, #tpu.memory_space<vmem_shared>>) offsets(%dma_start3A_992 : memref<128xi32, #tpu.memory_space<vmem>>) semaphore(%dma_start3A_997 : memref<!tpu.dma_semaphore, #tpu.memory_space<semaphore_mem>>) {add = true}
      %dma_wait3A_998 = arith.constant 0 : i32
      %dma_wait3A_999 = arith.constant 0 : i32
      %dma_wait3A_1000 = arith.constant 0 : i32
      %dma_wait3A_1001 = arith.constant 0 : i32
      %dma_wait3A_1002 = tpu.memref_slice %arg8[%dma_wait3A_998, %dma_wait3A_1000, %dma_wait3A_1001] : memref<10x128x32xf32, #tpu.memory_space<vmem>> -> memref<1x128x32xf32, #tpu.memory_space<vmem>>
      %dma_wait3A_1003 = tpu.memref_squeeze %dma_wait3A_1002 : memref<1x128x32xf32, #tpu.memory_space<vmem>> -> memref<128x32xf32, #tpu.memory_space<vmem>>
      %dma_wait3A_1004 = arith.constant 0 : i32
      %dma_wait3A_1005 = arith.constant 0 : i32
      %dma_wait3A_1006 = tpu.memref_slice %arg4[%arg0, %dma_wait3A_1004, %dma_wait3A_1005] : memref<2x10240x32xf32, #tpu.memory_space<hbm>> -> memref<1x10240x32xf32, #tpu.memory_space<hbm>>
      %dma_wait3A_1007 = tpu.memref_squeeze %dma_wait3A_1006 : memref<1x10240x32xf32, #tpu.memory_space<hbm>> -> memref<10240x32xf32, #tpu.memory_space<hbm>>
      %dma_wait3A_1008 = arith.constant 0 : i32
      %dma_wait3A_1009 = arith.constant 0 : i32
      %dma_wait3A_1010 = tpu.memref_slice %dma_wait3A_1007[%dma_wait3A_1008, %dma_wait3A_1009] : memref<10240x32xf32, #tpu.memory_space<hbm>> -> memref<128x32xf32, #tpu.memory_space<hbm>>
      %dma_wait3A_1011 = tpu.memref_slice %arg14[%dma_wait3A_999] : memref<5x!tpu.dma_semaphore, #tpu.memory_space<semaphore_mem>> -> memref<1x!tpu.dma_semaphore, #tpu.memory_space<semaphore_mem>>
      %dma_wait3A_1012 = tpu.memref_squeeze %dma_wait3A_1011 : memref<1x!tpu.dma_semaphore, #tpu.memory_space<semaphore_mem>> -> memref<!tpu.dma_semaphore, #tpu.memory_space<semaphore_mem>>
      %dma_wait3A_1013 = arith.constant 0 : i32
      %dma_wait3A_1014 = arith.constant 0 : i32
      %dma_wait3A_1015 = tpu.memref_slice %arg8[%dma_wait3A_998, %dma_wait3A_1013, %dma_wait3A_1014] : memref<10x128x32xf32, #tpu.memory_space<vmem>> -> memref<1x128x32xf32, #tpu.memory_space<vmem>>
      %dma_wait3A_1016 = tpu.memref_squeeze %dma_wait3A_1015 : memref<1x128x32xf32, #tpu.memory_space<vmem>> -> memref<128x32xf32, #tpu.memory_space<vmem>>
      %dma_wait3A_1017 = arith.constant 0 : i32
      %dma_wait3A_1018 = arith.constant 0 : i32
      %dma_wait3A_1019 = tpu.memref_slice %arg4[%arg0, %dma_wait3A_1017, %dma_wait3A_1018] : memref<2x10240x32xf32, #tpu.memory_space<hbm>> -> memref<1x10240x32xf32, #tpu.memory_space<hbm>>
      %dma_wait3A_1020 = tpu.memref_squeeze %dma_wait3A_1019 : memref<1x10240x32xf32, #tpu.memory_space<hbm>> -> memref<10240x32xf32, #tpu.memory_space<hbm>>
      %dma_wait3A_1021 = arith.constant 0 : i32
      %dma_wait3A_1022 = arith.constant 0 : i32
      %dma_wait3A_1023 = tpu.memref_slice %dma_wait3A_1020[%dma_wait3A_1021, %dma_wait3A_1022] : memref<10240x32xf32, #tpu.memory_space<hbm>> -> memref<128x32xf32, #tpu.memory_space<hbm>>
      tpu.wait_dma2 semaphore(%dma_wait3A_1012 : memref<!tpu.dma_semaphore, #tpu.memory_space<semaphore_mem>>) src(%dma_wait3A_1023 : memref<128x32xf32, #tpu.memory_space<hbm>>) dst(%dma_wait3A_1016 : memref<128x32xf32, #tpu.memory_space<vmem>>)
      %dma_wait3A_1024 = arith.constant 1 : i32
      %dma_wait3A_1025 = arith.constant 1 : i32
      %dma_wait3A_1026 = arith.constant 0 : i32
      %dma_wait3A_1027 = arith.constant 0 : i32
      %dma_wait3A_1028 = tpu.memref_slice %arg8[%dma_wait3A_1024, %dma_wait3A_1026, %dma_wait3A_1027] : memref<10x128x32xf32, #tpu.memory_space<vmem>> -> memref<1x128x32xf32, #tpu.memory_space<vmem>>
      %dma_wait3A_1029 = tpu.memref_squeeze %dma_wait3A_1028 : memref<1x128x32xf32, #tpu.memory_space<vmem>> -> memref<128x32xf32, #tpu.memory_space<vmem>>
      %dma_wait3A_1030 = arith.constant 0 : i32
      %dma_wait3A_1031 = arith.constant 0 : i32
      %dma_wait3A_1032 = tpu.memref_slice %arg4[%arg0, %dma_wait3A_1030, %dma_wait3A_1031] : memref<2x10240x32xf32, #tpu.memory_space<hbm>> -> memref<1x10240x32xf32, #tpu.memory_space<hbm>>
      %dma_wait3A_1033 = tpu.memref_squeeze %dma_wait3A_1032 : memref<1x10240x32xf32, #tpu.memory_space<hbm>> -> memref<10240x32xf32, #tpu.memory_space<hbm>>
      %dma_wait3A_1034 = arith.constant 0 : i32
      %dma_wait3A_1035 = arith.constant 0 : i32
      %dma_wait3A_1036 = tpu.memref_slice %dma_wait3A_1033[%dma_wait3A_1034, %dma_wait3A_1035] : memref<10240x32xf32, #tpu.memory_space<hbm>> -> memref<128x32xf32, #tpu.memory_space<hbm>>
      %dma_wait3A_1037 = tpu.memref_slice %arg14[%dma_wait3A_1025] : memref<5x!tpu.dma_semaphore, #tpu.memory_space<semaphore_mem>> -> memref<1x!tpu.dma_semaphore, #tpu.memory_space<semaphore_mem>>
      %dma_wait3A_1038 = tpu.memref_squeeze %dma_wait3A_1037 : memref<1x!tpu.dma_semaphore, #tpu.memory_space<semaphore_mem>> -> memref<!tpu.dma_semaphore, #tpu.memory_space<semaphore_mem>>
      %dma_wait3A_1039 = arith.constant 0 : i32
      %dma_wait3A_1040 = arith.constant 0 : i32
      %dma_wait3A_1041 = tpu.memref_slice %arg8[%dma_wait3A_1024, %dma_wait3A_1039, %dma_wait3A_1040] : memref<10x128x32xf32, #tpu.memory_space<vmem>> -> memref<1x128x32xf32, #tpu.memory_space<vmem>>
      %dma_wait3A_1042 = tpu.memref_squeeze %dma_wait3A_1041 : memref<1x128x32xf32, #tpu.memory_space<vmem>> -> memref<128x32xf32, #tpu.memory_space<vmem>>
      %dma_wait3A_1043 = arith.constant 0 : i32
      %dma_wait3A_1044 = arith.constant 0 : i32
      %dma_wait3A_1045 = tpu.memref_slice %arg4[%arg0, %dma_wait3A_1043, %dma_wait3A_1044] : memref<2x10240x32xf32, #tpu.memory_space<hbm>> -> memref<1x10240x32xf32, #tpu.memory_space<hbm>>
      %dma_wait3A_1046 = tpu.memref_squeeze %dma_wait3A_1045 : memref<1x10240x32xf32, #tpu.memory_space<hbm>> -> memref<10240x32xf32, #tpu.memory_space<hbm>>
      %dma_wait3A_1047 = arith.constant 0 : i32
      %dma_wait3A_1048 = arith.constant 0 : i32
      %dma_wait3A_1049 = tpu.memref_slice %dma_wait3A_1046[%dma_wait3A_1047, %dma_wait3A_1048] : memref<10240x32xf32, #tpu.memory_space<hbm>> -> memref<128x32xf32, #tpu.memory_space<hbm>>
      tpu.wait_dma2 semaphore(%dma_wait3A_1038 : memref<!tpu.dma_semaphore, #tpu.memory_space<semaphore_mem>>) src(%dma_wait3A_1049 : memref<128x32xf32, #tpu.memory_space<hbm>>) dst(%dma_wait3A_1042 : memref<128x32xf32, #tpu.memory_space<vmem>>)
      %dma_wait3A_1050 = arith.constant 2 : i32
      %dma_wait3A_1051 = arith.constant 2 : i32
      %dma_wait3A_1052 = arith.constant 0 : i32
      %dma_wait3A_1053 = arith.constant 0 : i32
      %dma_wait3A_1054 = tpu.memref_slice %arg8[%dma_wait3A_1050, %dma_wait3A_1052, %dma_wait3A_1053] : memref<10x128x32xf32, #tpu.memory_space<vmem>> -> memref<1x128x32xf32, #tpu.memory_space<vmem>>
      %dma_wait3A_1055 = tpu.memref_squeeze %dma_wait3A_1054 : memref<1x128x32xf32, #tpu.memory_space<vmem>> -> memref<128x32xf32, #tpu.memory_space<vmem>>
      %dma_wait3A_1056 = arith.constant 0 : i32
      %dma_wait3A_1057 = arith.constant 0 : i32
      %dma_wait3A_1058 = tpu.memref_slice %arg4[%arg0, %dma_wait3A_1056, %dma_wait3A_1057] : memref<2x10240x32xf32, #tpu.memory_space<hbm>> -> memref<1x10240x32xf32, #tpu.memory_space<hbm>>
      %dma_wait3A_1059 = tpu.memref_squeeze %dma_wait3A_1058 : memref<1x10240x32xf32, #tpu.memory_space<hbm>> -> memref<10240x32xf32, #tpu.memory_space<hbm>>
      %dma_wait3A_1060 = arith.constant 0 : i32
      %dma_wait3A_1061 = arith.constant 0 : i32
      %dma_wait3A_1062 = tpu.memref_slice %dma_wait3A_1059[%dma_wait3A_1060, %dma_wait3A_1061] : memref<10240x32xf32, #tpu.memory_space<hbm>> -> memref<128x32xf32, #tpu.memory_space<hbm>>
      %dma_wait3A_1063 = tpu.memref_slice %arg14[%dma_wait3A_1051] : memref<5x!tpu.dma_semaphore, #tpu.memory_space<semaphore_mem>> -> memref<1x!tpu.dma_semaphore, #tpu.memory_space<semaphore_mem>>
      %dma_wait3A_1064 = tpu.memref_squeeze %dma_wait3A_1063 : memref<1x!tpu.dma_semaphore, #tpu.memory_space<semaphore_mem>> -> memref<!tpu.dma_semaphore, #tpu.memory_space<semaphore_mem>>
      %dma_wait3A_1065 = arith.constant 0 : i32
      %dma_wait3A_1066 = arith.constant 0 : i32
      %dma_wait3A_1067 = tpu.memref_slice %arg8[%dma_wait3A_1050, %dma_wait3A_1065, %dma_wait3A_1066] : memref<10x128x32xf32, #tpu.memory_space<vmem>> -> memref<1x128x32xf32, #tpu.memory_space<vmem>>
      %dma_wait3A_1068 = tpu.memref_squeeze %dma_wait3A_1067 : memref<1x128x32xf32, #tpu.memory_space<vmem>> -> memref<128x32xf32, #tpu.memory_space<vmem>>
      %dma_wait3A_1069 = arith.constant 0 : i32
      %dma_wait3A_1070 = arith.constant 0 : i32
      %dma_wait3A_1071 = tpu.memref_slice %arg4[%arg0, %dma_wait3A_1069, %dma_wait3A_1070] : memref<2x10240x32xf32, #tpu.memory_space<hbm>> -> memref<1x10240x32xf32, #tpu.memory_space<hbm>>
      %dma_wait3A_1072 = tpu.memref_squeeze %dma_wait3A_1071 : memref<1x10240x32xf32, #tpu.memory_space<hbm>> -> memref<10240x32xf32, #tpu.memory_space<hbm>>
      %dma_wait3A_1073 = arith.constant 0 : i32
      %dma_wait3A_1074 = arith.constant 0 : i32
      %dma_wait3A_1075 = tpu.memref_slice %dma_wait3A_1072[%dma_wait3A_1073, %dma_wait3A_1074] : memref<10240x32xf32, #tpu.memory_space<hbm>> -> memref<128x32xf32, #tpu.memory_space<hbm>>
      tpu.wait_dma2 semaphore(%dma_wait3A_1064 : memref<!tpu.dma_semaphore, #tpu.memory_space<semaphore_mem>>) src(%dma_wait3A_1075 : memref<128x32xf32, #tpu.memory_space<hbm>>) dst(%dma_wait3A_1068 : memref<128x32xf32, #tpu.memory_space<vmem>>)
      %dma_wait3A_1076 = arith.constant 3 : i32
      %dma_wait3A_1077 = arith.constant 3 : i32
      %dma_wait3A_1078 = arith.constant 0 : i32
      %dma_wait3A_1079 = arith.constant 0 : i32
      %dma_wait3A_1080 = tpu.memref_slice %arg8[%dma_wait3A_1076, %dma_wait3A_1078, %dma_wait3A_1079] : memref<10x128x32xf32, #tpu.memory_space<vmem>> -> memref<1x128x32xf32, #tpu.memory_space<vmem>>
      %dma_wait3A_1081 = tpu.memref_squeeze %dma_wait3A_1080 : memref<1x128x32xf32, #tpu.memory_space<vmem>> -> memref<128x32xf32, #tpu.memory_space<vmem>>
      %dma_wait3A_1082 = arith.constant 0 : i32
      %dma_wait3A_1083 = arith.constant 0 : i32
      %dma_wait3A_1084 = tpu.memref_slice %arg4[%arg0, %dma_wait3A_1082, %dma_wait3A_1083] : memref<2x10240x32xf32, #tpu.memory_space<hbm>> -> memref<1x10240x32xf32, #tpu.memory_space<hbm>>
      %dma_wait3A_1085 = tpu.memref_squeeze %dma_wait3A_1084 : memref<1x10240x32xf32, #tpu.memory_space<hbm>> -> memref<10240x32xf32, #tpu.memory_space<hbm>>
      %dma_wait3A_1086 = arith.constant 0 : i32
      %dma_wait3A_1087 = arith.constant 0 : i32
      %dma_wait3A_1088 = tpu.memref_slice %dma_wait3A_1085[%dma_wait3A_1086, %dma_wait3A_1087] : memref<10240x32xf32, #tpu.memory_space<hbm>> -> memref<128x32xf32, #tpu.memory_space<hbm>>
      %dma_wait3A_1089 = tpu.memref_slice %arg14[%dma_wait3A_1077] : memref<5x!tpu.dma_semaphore, #tpu.memory_space<semaphore_mem>> -> memref<1x!tpu.dma_semaphore, #tpu.memory_space<semaphore_mem>>
      %dma_wait3A_1090 = tpu.memref_squeeze %dma_wait3A_1089 : memref<1x!tpu.dma_semaphore, #tpu.memory_space<semaphore_mem>> -> memref<!tpu.dma_semaphore, #tpu.memory_space<semaphore_mem>>
      %dma_wait3A_1091 = arith.constant 0 : i32
      %dma_wait3A_1092 = arith.constant 0 : i32
      %dma_wait3A_1093 = tpu.memref_slice %arg8[%dma_wait3A_1076, %dma_wait3A_1091, %dma_wait3A_1092] : memref<10x128x32xf32, #tpu.memory_space<vmem>> -> memref<1x128x32xf32, #tpu.memory_space<vmem>>
      %dma_wait3A_1094 = tpu.memref_squeeze %dma_wait3A_1093 : memref<1x128x32xf32, #tpu.memory_space<vmem>> -> memref<128x32xf32, #tpu.memory_space<vmem>>
      %dma_wait3A_1095 = arith.constant 0 : i32
      %dma_wait3A_1096 = arith.constant 0 : i32
      %dma_wait3A_1097 = tpu.memref_slice %arg4[%arg0, %dma_wait3A_1095, %dma_wait3A_1096] : memref<2x10240x32xf32, #tpu.memory_space<hbm>> -> memref<1x10240x32xf32, #tpu.memory_space<hbm>>
      %dma_wait3A_1098 = tpu.memref_squeeze %dma_wait3A_1097 : memref<1x10240x32xf32, #tpu.memory_space<hbm>> -> memref<10240x32xf32, #tpu.memory_space<hbm>>
      %dma_wait3A_1099 = arith.constant 0 : i32
      %dma_wait3A_1100 = arith.constant 0 : i32
      %dma_wait3A_1101 = tpu.memref_slice %dma_wait3A_1098[%dma_wait3A_1099, %dma_wait3A_1100] : memref<10240x32xf32, #tpu.memory_space<hbm>> -> memref<128x32xf32, #tpu.memory_space<hbm>>
      tpu.wait_dma2 semaphore(%dma_wait3A_1090 : memref<!tpu.dma_semaphore, #tpu.memory_space<semaphore_mem>>) src(%dma_wait3A_1101 : memref<128x32xf32, #tpu.memory_space<hbm>>) dst(%dma_wait3A_1094 : memref<128x32xf32, #tpu.memory_space<vmem>>)
      %dma_wait3A_1102 = arith.constant 4 : i32
      %dma_wait3A_1103 = arith.constant 4 : i32
      %dma_wait3A_1104 = arith.constant 0 : i32
      %dma_wait3A_1105 = arith.constant 0 : i32
      %dma_wait3A_1106 = tpu.memref_slice %arg8[%dma_wait3A_1102, %dma_wait3A_1104, %dma_wait3A_1105] : memref<10x128x32xf32, #tpu.memory_space<vmem>> -> memref<1x128x32xf32, #tpu.memory_space<vmem>>
      %dma_wait3A_1107 = tpu.memref_squeeze %dma_wait3A_1106 : memref<1x128x32xf32, #tpu.memory_space<vmem>> -> memref<128x32xf32, #tpu.memory_space<vmem>>
      %dma_wait3A_1108 = arith.constant 0 : i32
      %dma_wait3A_1109 = arith.constant 0 : i32
      %dma_wait3A_1110 = tpu.memref_slice %arg4[%arg0, %dma_wait3A_1108, %dma_wait3A_1109] : memref<2x10240x32xf32, #tpu.memory_space<hbm>> -> memref<1x10240x32xf32, #tpu.memory_space<hbm>>
      %dma_wait3A_1111 = tpu.memref_squeeze %dma_wait3A_1110 : memref<1x10240x32xf32, #tpu.memory_space<hbm>> -> memref<10240x32xf32, #tpu.memory_space<hbm>>
      %dma_wait3A_1112 = arith.constant 0 : i32
      %dma_wait3A_1113 = arith.constant 0 : i32
      %dma_wait3A_1114 = tpu.memref_slice %dma_wait3A_1111[%dma_wait3A_1112, %dma_wait3A_1113] : memref<10240x32xf32, #tpu.memory_space<hbm>> -> memref<128x32xf32, #tpu.memory_space<hbm>>
      %dma_wait3A_1115 = tpu.memref_slice %arg14[%dma_wait3A_1103] : memref<5x!tpu.dma_semaphore, #tpu.memory_space<semaphore_mem>> -> memref<1x!tpu.dma_semaphore, #tpu.memory_space<semaphore_mem>>
      %dma_wait3A_1116 = tpu.memref_squeeze %dma_wait3A_1115 : memref<1x!tpu.dma_semaphore, #tpu.memory_space<semaphore_mem>> -> memref<!tpu.dma_semaphore, #tpu.memory_space<semaphore_mem>>
      %dma_wait3A_1117 = arith.constant 0 : i32
      %dma_wait3A_1118 = arith.constant 0 : i32
      %dma_wait3A_1119 = tpu.memref_slice %arg8[%dma_wait3A_1102, %dma_wait3A_1117, %dma_wait3A_1118] : memref<10x128x32xf32, #tpu.memory_space<vmem>> -> memref<1x128x32xf32, #tpu.memory_space<vmem>>
      %dma_wait3A_1120 = tpu.memref_squeeze %dma_wait3A_1119 : memref<1x128x32xf32, #tpu.memory_space<vmem>> -> memref<128x32xf32, #tpu.memory_space<vmem>>
      %dma_wait3A_1121 = arith.constant 0 : i32
      %dma_wait3A_1122 = arith.constant 0 : i32
      %dma_wait3A_1123 = tpu.memref_slice %arg4[%arg0, %dma_wait3A_1121, %dma_wait3A_1122] : memref<2x10240x32xf32, #tpu.memory_space<hbm>> -> memref<1x10240x32xf32, #tpu.memory_space<hbm>>
      %dma_wait3A_1124 = tpu.memref_squeeze %dma_wait3A_1123 : memref<1x10240x32xf32, #tpu.memory_space<hbm>> -> memref<10240x32xf32, #tpu.memory_space<hbm>>
      %dma_wait3A_1125 = arith.constant 0 : i32
      %dma_wait3A_1126 = arith.constant 0 : i32
      %dma_wait3A_1127 = tpu.memref_slice %dma_wait3A_1124[%dma_wait3A_1125, %dma_wait3A_1126] : memref<10240x32xf32, #tpu.memory_space<hbm>> -> memref<128x32xf32, #tpu.memory_space<hbm>>
      tpu.wait_dma2 semaphore(%dma_wait3A_1116 : memref<!tpu.dma_semaphore, #tpu.memory_space<semaphore_mem>>) src(%dma_wait3A_1127 : memref<128x32xf32, #tpu.memory_space<hbm>>) dst(%dma_wait3A_1120 : memref<128x32xf32, #tpu.memory_space<vmem>>)
      %lt3A = arith.constant 15 : i32
      %lt3A_1128 = arith.cmpi slt, %add3A_463, %lt3A : i32
      %convert_element_type3A_1129 = arith.extui %lt3A_1128 : i1 to i32
      %cond3A_1130 = arith.constant 0 : i32
      %cond3A_1131 = arith.cmpi ne, %convert_element_type3A_1129, %cond3A_1130 : i32
      scf.if %cond3A_1131 {
        %add3A_1132 = arith.constant 2 : i32
        %add3A_1133 = arith.addi %mul3A_465, %add3A_1132 : i32
        %mul3A_1134 = arith.constant 5 : i32
        %mul3A_1135 = arith.muli %add3A_1133, %mul3A_1134 : i32
        %add3A_1136 = arith.constant 0 : i32
        %add3A_1137 = arith.addi %mul3A_1135, %add3A_1136 : i32
        %dma_start3A_1138 = arith.constant 0 : i32
        %dma_start3A_1139 = arith.constant 0 : i32
        %dma_start3A_1140 = arith.constant 0 : i32
        %dma_start3A_1141 = arith.constant 0 : i32
        %dma_start3A_1142 = tpu.memref_slice %arg8[%dma_start3A_1138, %dma_start3A_1140, %dma_start3A_1141] : memref<10x128x32xf32, #tpu.memory_space<vmem>> -> memref<1x128x32xf32, #tpu.memory_space<vmem>>
        %dma_start3A_1143 = tpu.memref_squeeze %dma_start3A_1142 : memref<1x128x32xf32, #tpu.memory_space<vmem>> -> memref<128x32xf32, #tpu.memory_space<vmem>>
        %dma_start3A_1144 = arith.constant 0 : i32
        %dma_start3A_1145 = tpu.memref_slice %arg6[%add3A_1137, %dma_start3A_1144] : memref<160x128xi32, #tpu.memory_space<vmem>> -> memref<1x128xi32, #tpu.memory_space<vmem>>
        %dma_start3A_1146 = tpu.memref_squeeze %dma_start3A_1145 : memref<1x128xi32, #tpu.memory_space<vmem>> -> memref<128xi32, #tpu.memory_space<vmem>>
        %dma_start3A_1147 = arith.constant 0 : i32
        %dma_start3A_1148 = arith.constant 0 : i32
        %dma_start3A_1149 = tpu.memref_slice %arg4[%arg0, %dma_start3A_1147, %dma_start3A_1148] : memref<2x10240x32xf32, #tpu.memory_space<hbm>> -> memref<1x10240x32xf32, #tpu.memory_space<hbm>>
        %dma_start3A_1150 = tpu.memref_squeeze %dma_start3A_1149 : memref<1x10240x32xf32, #tpu.memory_space<hbm>> -> memref<10240x32xf32, #tpu.memory_space<hbm>>
        %dma_start3A_1151 = arith.constant 0 : i32
        %dma_start3A_1152 = arith.constant 0 : i32
        %dma_start3A_1153 = tpu.memref_slice %dma_start3A_1150[%dma_start3A_1151, %dma_start3A_1152] : memref<10240x32xf32, #tpu.memory_space<hbm>> -> memref<10240x32xf32, #tpu.memory_space<hbm>>
        %dma_start3A_1154 = tpu.memref_slice %arg12[%dma_start3A_1139] : memref<5x!tpu.dma_semaphore, #tpu.memory_space<semaphore_mem>> -> memref<1x!tpu.dma_semaphore, #tpu.memory_space<semaphore_mem>>
        %dma_start3A_1155 = tpu.memref_squeeze %dma_start3A_1154 : memref<1x!tpu.dma_semaphore, #tpu.memory_space<semaphore_mem>> -> memref<!tpu.dma_semaphore, #tpu.memory_space<semaphore_mem>>
        tpu.enqueue_indirect_dma source(%dma_start3A_1153 : memref<10240x32xf32, #tpu.memory_space<hbm>>) target(%dma_start3A_1143 : memref<128x32xf32, #tpu.memory_space<vmem>>) offsets(%dma_start3A_1146 : memref<128xi32, #tpu.memory_space<vmem>>) semaphore(%dma_start3A_1155 : memref<!tpu.dma_semaphore, #tpu.memory_space<semaphore_mem>>)
        %add3A_1156 = arith.constant 1 : i32
        %add3A_1157 = arith.addi %mul3A_1135, %add3A_1156 : i32
        %dma_start3A_1158 = arith.constant 1 : i32
        %dma_start3A_1159 = arith.constant 1 : i32
        %dma_start3A_1160 = arith.constant 0 : i32
        %dma_start3A_1161 = arith.constant 0 : i32
        %dma_start3A_1162 = tpu.memref_slice %arg8[%dma_start3A_1158, %dma_start3A_1160, %dma_start3A_1161] : memref<10x128x32xf32, #tpu.memory_space<vmem>> -> memref<1x128x32xf32, #tpu.memory_space<vmem>>
        %dma_start3A_1163 = tpu.memref_squeeze %dma_start3A_1162 : memref<1x128x32xf32, #tpu.memory_space<vmem>> -> memref<128x32xf32, #tpu.memory_space<vmem>>
        %dma_start3A_1164 = arith.constant 0 : i32
        %dma_start3A_1165 = tpu.memref_slice %arg6[%add3A_1157, %dma_start3A_1164] : memref<160x128xi32, #tpu.memory_space<vmem>> -> memref<1x128xi32, #tpu.memory_space<vmem>>
        %dma_start3A_1166 = tpu.memref_squeeze %dma_start3A_1165 : memref<1x128xi32, #tpu.memory_space<vmem>> -> memref<128xi32, #tpu.memory_space<vmem>>
        %dma_start3A_1167 = arith.constant 0 : i32
        %dma_start3A_1168 = arith.constant 0 : i32
        %dma_start3A_1169 = tpu.memref_slice %arg4[%arg0, %dma_start3A_1167, %dma_start3A_1168] : memref<2x10240x32xf32, #tpu.memory_space<hbm>> -> memref<1x10240x32xf32, #tpu.memory_space<hbm>>
        %dma_start3A_1170 = tpu.memref_squeeze %dma_start3A_1169 : memref<1x10240x32xf32, #tpu.memory_space<hbm>> -> memref<10240x32xf32, #tpu.memory_space<hbm>>
        %dma_start3A_1171 = arith.constant 0 : i32
        %dma_start3A_1172 = arith.constant 0 : i32
        %dma_start3A_1173 = tpu.memref_slice %dma_start3A_1170[%dma_start3A_1171, %dma_start3A_1172] : memref<10240x32xf32, #tpu.memory_space<hbm>> -> memref<10240x32xf32, #tpu.memory_space<hbm>>
        %dma_start3A_1174 = tpu.memref_slice %arg12[%dma_start3A_1159] : memref<5x!tpu.dma_semaphore, #tpu.memory_space<semaphore_mem>> -> memref<1x!tpu.dma_semaphore, #tpu.memory_space<semaphore_mem>>
        %dma_start3A_1175 = tpu.memref_squeeze %dma_start3A_1174 : memref<1x!tpu.dma_semaphore, #tpu.memory_space<semaphore_mem>> -> memref<!tpu.dma_semaphore, #tpu.memory_space<semaphore_mem>>
        tpu.enqueue_indirect_dma source(%dma_start3A_1173 : memref<10240x32xf32, #tpu.memory_space<hbm>>) target(%dma_start3A_1163 : memref<128x32xf32, #tpu.memory_space<vmem>>) offsets(%dma_start3A_1166 : memref<128xi32, #tpu.memory_space<vmem>>) semaphore(%dma_start3A_1175 : memref<!tpu.dma_semaphore, #tpu.memory_space<semaphore_mem>>)
        %add3A_1176 = arith.constant 2 : i32
        %add3A_1177 = arith.addi %mul3A_1135, %add3A_1176 : i32
        %dma_start3A_1178 = arith.constant 2 : i32
        %dma_start3A_1179 = arith.constant 2 : i32
        %dma_start3A_1180 = arith.constant 0 : i32
        %dma_start3A_1181 = arith.constant 0 : i32
        %dma_start3A_1182 = tpu.memref_slice %arg8[%dma_start3A_1178, %dma_start3A_1180, %dma_start3A_1181] : memref<10x128x32xf32, #tpu.memory_space<vmem>> -> memref<1x128x32xf32, #tpu.memory_space<vmem>>
        %dma_start3A_1183 = tpu.memref_squeeze %dma_start3A_1182 : memref<1x128x32xf32, #tpu.memory_space<vmem>> -> memref<128x32xf32, #tpu.memory_space<vmem>>
        %dma_start3A_1184 = arith.constant 0 : i32
        %dma_start3A_1185 = tpu.memref_slice %arg6[%add3A_1177, %dma_start3A_1184] : memref<160x128xi32, #tpu.memory_space<vmem>> -> memref<1x128xi32, #tpu.memory_space<vmem>>
        %dma_start3A_1186 = tpu.memref_squeeze %dma_start3A_1185 : memref<1x128xi32, #tpu.memory_space<vmem>> -> memref<128xi32, #tpu.memory_space<vmem>>
        %dma_start3A_1187 = arith.constant 0 : i32
        %dma_start3A_1188 = arith.constant 0 : i32
        %dma_start3A_1189 = tpu.memref_slice %arg4[%arg0, %dma_start3A_1187, %dma_start3A_1188] : memref<2x10240x32xf32, #tpu.memory_space<hbm>> -> memref<1x10240x32xf32, #tpu.memory_space<hbm>>
        %dma_start3A_1190 = tpu.memref_squeeze %dma_start3A_1189 : memref<1x10240x32xf32, #tpu.memory_space<hbm>> -> memref<10240x32xf32, #tpu.memory_space<hbm>>
        %dma_start3A_1191 = arith.constant 0 : i32
        %dma_start3A_1192 = arith.constant 0 : i32
        %dma_start3A_1193 = tpu.memref_slice %dma_start3A_1190[%dma_start3A_1191, %dma_start3A_1192] : memref<10240x32xf32, #tpu.memory_space<hbm>> -> memref<10240x32xf32, #tpu.memory_space<hbm>>
        %dma_start3A_1194 = tpu.memref_slice %arg12[%dma_start3A_1179] : memref<5x!tpu.dma_semaphore, #tpu.memory_space<semaphore_mem>> -> memref<1x!tpu.dma_semaphore, #tpu.memory_space<semaphore_mem>>
        %dma_start3A_1195 = tpu.memref_squeeze %dma_start3A_1194 : memref<1x!tpu.dma_semaphore, #tpu.memory_space<semaphore_mem>> -> memref<!tpu.dma_semaphore, #tpu.memory_space<semaphore_mem>>
        tpu.enqueue_indirect_dma source(%dma_start3A_1193 : memref<10240x32xf32, #tpu.memory_space<hbm>>) target(%dma_start3A_1183 : memref<128x32xf32, #tpu.memory_space<vmem>>) offsets(%dma_start3A_1186 : memref<128xi32, #tpu.memory_space<vmem>>) semaphore(%dma_start3A_1195 : memref<!tpu.dma_semaphore, #tpu.memory_space<semaphore_mem>>)
        %add3A_1196 = arith.constant 3 : i32
        %add3A_1197 = arith.addi %mul3A_1135, %add3A_1196 : i32
        %dma_start3A_1198 = arith.constant 3 : i32
        %dma_start3A_1199 = arith.constant 3 : i32
        %dma_start3A_1200 = arith.constant 0 : i32
        %dma_start3A_1201 = arith.constant 0 : i32
        %dma_start3A_1202 = tpu.memref_slice %arg8[%dma_start3A_1198, %dma_start3A_1200, %dma_start3A_1201] : memref<10x128x32xf32, #tpu.memory_space<vmem>> -> memref<1x128x32xf32, #tpu.memory_space<vmem>>
        %dma_start3A_1203 = tpu.memref_squeeze %dma_start3A_1202 : memref<1x128x32xf32, #tpu.memory_space<vmem>> -> memref<128x32xf32, #tpu.memory_space<vmem>>
        %dma_start3A_1204 = arith.constant 0 : i32
        %dma_start3A_1205 = tpu.memref_slice %arg6[%add3A_1197, %dma_start3A_1204] : memref<160x128xi32, #tpu.memory_space<vmem>> -> memref<1x128xi32, #tpu.memory_space<vmem>>
        %dma_start3A_1206 = tpu.memref_squeeze %dma_start3A_1205 : memref<1x128xi32, #tpu.memory_space<vmem>> -> memref<128xi32, #tpu.memory_space<vmem>>
        %dma_start3A_1207 = arith.constant 0 : i32
        %dma_start3A_1208 = arith.constant 0 : i32
        %dma_start3A_1209 = tpu.memref_slice %arg4[%arg0, %dma_start3A_1207, %dma_start3A_1208] : memref<2x10240x32xf32, #tpu.memory_space<hbm>> -> memref<1x10240x32xf32, #tpu.memory_space<hbm>>
        %dma_start3A_1210 = tpu.memref_squeeze %dma_start3A_1209 : memref<1x10240x32xf32, #tpu.memory_space<hbm>> -> memref<10240x32xf32, #tpu.memory_space<hbm>>
        %dma_start3A_1211 = arith.constant 0 : i32
        %dma_start3A_1212 = arith.constant 0 : i32
        %dma_start3A_1213 = tpu.memref_slice %dma_start3A_1210[%dma_start3A_1211, %dma_start3A_1212] : memref<10240x32xf32, #tpu.memory_space<hbm>> -> memref<10240x32xf32, #tpu.memory_space<hbm>>
        %dma_start3A_1214 = tpu.memref_slice %arg12[%dma_start3A_1199] : memref<5x!tpu.dma_semaphore, #tpu.memory_space<semaphore_mem>> -> memref<1x!tpu.dma_semaphore, #tpu.memory_space<semaphore_mem>>
        %dma_start3A_1215 = tpu.memref_squeeze %dma_start3A_1214 : memref<1x!tpu.dma_semaphore, #tpu.memory_space<semaphore_mem>> -> memref<!tpu.dma_semaphore, #tpu.memory_space<semaphore_mem>>
        tpu.enqueue_indirect_dma source(%dma_start3A_1213 : memref<10240x32xf32, #tpu.memory_space<hbm>>) target(%dma_start3A_1203 : memref<128x32xf32, #tpu.memory_space<vmem>>) offsets(%dma_start3A_1206 : memref<128xi32, #tpu.memory_space<vmem>>) semaphore(%dma_start3A_1215 : memref<!tpu.dma_semaphore, #tpu.memory_space<semaphore_mem>>)
        %add3A_1216 = arith.constant 4 : i32
        %add3A_1217 = arith.addi %mul3A_1135, %add3A_1216 : i32
        %dma_start3A_1218 = arith.constant 4 : i32
        %dma_start3A_1219 = arith.constant 4 : i32
        %dma_start3A_1220 = arith.constant 0 : i32
        %dma_start3A_1221 = arith.constant 0 : i32
        %dma_start3A_1222 = tpu.memref_slice %arg8[%dma_start3A_1218, %dma_start3A_1220, %dma_start3A_1221] : memref<10x128x32xf32, #tpu.memory_space<vmem>> -> memref<1x128x32xf32, #tpu.memory_space<vmem>>
        %dma_start3A_1223 = tpu.memref_squeeze %dma_start3A_1222 : memref<1x128x32xf32, #tpu.memory_space<vmem>> -> memref<128x32xf32, #tpu.memory_space<vmem>>
        %dma_start3A_1224 = arith.constant 0 : i32
        %dma_start3A_1225 = tpu.memref_slice %arg6[%add3A_1217, %dma_start3A_1224] : memref<160x128xi32, #tpu.memory_space<vmem>> -> memref<1x128xi32, #tpu.memory_space<vmem>>
        %dma_start3A_1226 = tpu.memref_squeeze %dma_start3A_1225 : memref<1x128xi32, #tpu.memory_space<vmem>> -> memref<128xi32, #tpu.memory_space<vmem>>
        %dma_start3A_1227 = arith.constant 0 : i32
        %dma_start3A_1228 = arith.constant 0 : i32
        %dma_start3A_1229 = tpu.memref_slice %arg4[%arg0, %dma_start3A_1227, %dma_start3A_1228] : memref<2x10240x32xf32, #tpu.memory_space<hbm>> -> memref<1x10240x32xf32, #tpu.memory_space<hbm>>
        %dma_start3A_1230 = tpu.memref_squeeze %dma_start3A_1229 : memref<1x10240x32xf32, #tpu.memory_space<hbm>> -> memref<10240x32xf32, #tpu.memory_space<hbm>>
        %dma_start3A_1231 = arith.constant 0 : i32
        %dma_start3A_1232 = arith.constant 0 : i32
        %dma_start3A_1233 = tpu.memref_slice %dma_start3A_1230[%dma_start3A_1231, %dma_start3A_1232] : memref<10240x32xf32, #tpu.memory_space<hbm>> -> memref<10240x32xf32, #tpu.memory_space<hbm>>
        %dma_start3A_1234 = tpu.memref_slice %arg12[%dma_start3A_1219] : memref<5x!tpu.dma_semaphore, #tpu.memory_space<semaphore_mem>> -> memref<1x!tpu.dma_semaphore, #tpu.memory_space<semaphore_mem>>
        %dma_start3A_1235 = tpu.memref_squeeze %dma_start3A_1234 : memref<1x!tpu.dma_semaphore, #tpu.memory_space<semaphore_mem>> -> memref<!tpu.dma_semaphore, #tpu.memory_space<semaphore_mem>>
        tpu.enqueue_indirect_dma source(%dma_start3A_1233 : memref<10240x32xf32, #tpu.memory_space<hbm>>) target(%dma_start3A_1223 : memref<128x32xf32, #tpu.memory_space<vmem>>) offsets(%dma_start3A_1226 : memref<128xi32, #tpu.memory_space<vmem>>) semaphore(%dma_start3A_1235 : memref<!tpu.dma_semaphore, #tpu.memory_space<semaphore_mem>>)
      } else {
      }
    }
    %scan3A_325 = arith.constant 16 : i32
    %dma_wait3A_326 = arith.constant 5 : i32
    %dma_wait3A_327 = arith.constant 0 : i32
    %dma_wait3A_328 = arith.constant 0 : i32
    %dma_wait3A_329 = arith.constant 0 : i32
    %dma_wait3A_330 = tpu.memref_slice %arg8[%dma_wait3A_326, %dma_wait3A_328, %dma_wait3A_329] : memref<10x128x32xf32, #tpu.memory_space<vmem>> -> memref<1x128x32xf32, #tpu.memory_space<vmem>>
    %dma_wait3A_331 = tpu.memref_squeeze %dma_wait3A_330 : memref<1x128x32xf32, #tpu.memory_space<vmem>> -> memref<128x32xf32, #tpu.memory_space<vmem>>
    %dma_wait3A_332 = arith.constant 0 : i32
    %dma_wait3A_333 = arith.constant 0 : i32
    %dma_wait3A_334 = tpu.memref_slice %arg4[%arg0, %dma_wait3A_332, %dma_wait3A_333] : memref<2x10240x32xf32, #tpu.memory_space<hbm>> -> memref<1x10240x32xf32, #tpu.memory_space<hbm>>
    %dma_wait3A_335 = tpu.memref_squeeze %dma_wait3A_334 : memref<1x10240x32xf32, #tpu.memory_space<hbm>> -> memref<10240x32xf32, #tpu.memory_space<hbm>>
    %dma_wait3A_336 = arith.constant 0 : i32
    %dma_wait3A_337 = arith.constant 0 : i32
    %dma_wait3A_338 = tpu.memref_slice %dma_wait3A_335[%dma_wait3A_336, %dma_wait3A_337] : memref<10240x32xf32, #tpu.memory_space<hbm>> -> memref<128x32xf32, #tpu.memory_space<hbm>>
    %dma_wait3A_339 = tpu.memref_slice %arg15[%dma_wait3A_327] : memref<5x!tpu.dma_semaphore, #tpu.memory_space<semaphore_mem>> -> memref<1x!tpu.dma_semaphore, #tpu.memory_space<semaphore_mem>>
    %dma_wait3A_340 = tpu.memref_squeeze %dma_wait3A_339 : memref<1x!tpu.dma_semaphore, #tpu.memory_space<semaphore_mem>> -> memref<!tpu.dma_semaphore, #tpu.memory_space<semaphore_mem>>
    %dma_wait3A_341 = arith.constant 0 : i32
    %dma_wait3A_342 = arith.constant 0 : i32
    %dma_wait3A_343 = tpu.memref_slice %arg8[%dma_wait3A_326, %dma_wait3A_341, %dma_wait3A_342] : memref<10x128x32xf32, #tpu.memory_space<vmem>> -> memref<1x128x32xf32, #tpu.memory_space<vmem>>
    %dma_wait3A_344 = tpu.memref_squeeze %dma_wait3A_343 : memref<1x128x32xf32, #tpu.memory_space<vmem>> -> memref<128x32xf32, #tpu.memory_space<vmem>>
    %dma_wait3A_345 = arith.constant 0 : i32
    %dma_wait3A_346 = arith.constant 0 : i32
    %dma_wait3A_347 = tpu.memref_slice %arg4[%arg0, %dma_wait3A_345, %dma_wait3A_346] : memref<2x10240x32xf32, #tpu.memory_space<hbm>> -> memref<1x10240x32xf32, #tpu.memory_space<hbm>>
    %dma_wait3A_348 = tpu.memref_squeeze %dma_wait3A_347 : memref<1x10240x32xf32, #tpu.memory_space<hbm>> -> memref<10240x32xf32, #tpu.memory_space<hbm>>
    %dma_wait3A_349 = arith.constant 0 : i32
    %dma_wait3A_350 = arith.constant 0 : i32
    %dma_wait3A_351 = tpu.memref_slice %dma_wait3A_348[%dma_wait3A_349, %dma_wait3A_350] : memref<10240x32xf32, #tpu.memory_space<hbm>> -> memref<128x32xf32, #tpu.memory_space<hbm>>
    tpu.wait_dma2 semaphore(%dma_wait3A_340 : memref<!tpu.dma_semaphore, #tpu.memory_space<semaphore_mem>>) src(%dma_wait3A_351 : memref<128x32xf32, #tpu.memory_space<hbm>>) dst(%dma_wait3A_344 : memref<128x32xf32, #tpu.memory_space<vmem>>)
    %dma_wait3A_352 = arith.constant 6 : i32
    %dma_wait3A_353 = arith.constant 1 : i32
    %dma_wait3A_354 = arith.constant 0 : i32
    %dma_wait3A_355 = arith.constant 0 : i32
    %dma_wait3A_356 = tpu.memref_slice %arg8[%dma_wait3A_352, %dma_wait3A_354, %dma_wait3A_355] : memref<10x128x32xf32, #tpu.memory_space<vmem>> -> memref<1x128x32xf32, #tpu.memory_space<vmem>>
    %dma_wait3A_357 = tpu.memref_squeeze %dma_wait3A_356 : memref<1x128x32xf32, #tpu.memory_space<vmem>> -> memref<128x32xf32, #tpu.memory_space<vmem>>
    %dma_wait3A_358 = arith.constant 0 : i32
    %dma_wait3A_359 = arith.constant 0 : i32
    %dma_wait3A_360 = tpu.memref_slice %arg4[%arg0, %dma_wait3A_358, %dma_wait3A_359] : memref<2x10240x32xf32, #tpu.memory_space<hbm>> -> memref<1x10240x32xf32, #tpu.memory_space<hbm>>
    %dma_wait3A_361 = tpu.memref_squeeze %dma_wait3A_360 : memref<1x10240x32xf32, #tpu.memory_space<hbm>> -> memref<10240x32xf32, #tpu.memory_space<hbm>>
    %dma_wait3A_362 = arith.constant 0 : i32
    %dma_wait3A_363 = arith.constant 0 : i32
    %dma_wait3A_364 = tpu.memref_slice %dma_wait3A_361[%dma_wait3A_362, %dma_wait3A_363] : memref<10240x32xf32, #tpu.memory_space<hbm>> -> memref<128x32xf32, #tpu.memory_space<hbm>>
    %dma_wait3A_365 = tpu.memref_slice %arg15[%dma_wait3A_353] : memref<5x!tpu.dma_semaphore, #tpu.memory_space<semaphore_mem>> -> memref<1x!tpu.dma_semaphore, #tpu.memory_space<semaphore_mem>>
    %dma_wait3A_366 = tpu.memref_squeeze %dma_wait3A_365 : memref<1x!tpu.dma_semaphore, #tpu.memory_space<semaphore_mem>> -> memref<!tpu.dma_semaphore, #tpu.memory_space<semaphore_mem>>
    %dma_wait3A_367 = arith.constant 0 : i32
    %dma_wait3A_368 = arith.constant 0 : i32
    %dma_wait3A_369 = tpu.memref_slice %arg8[%dma_wait3A_352, %dma_wait3A_367, %dma_wait3A_368] : memref<10x128x32xf32, #tpu.memory_space<vmem>> -> memref<1x128x32xf32, #tpu.memory_space<vmem>>
    %dma_wait3A_370 = tpu.memref_squeeze %dma_wait3A_369 : memref<1x128x32xf32, #tpu.memory_space<vmem>> -> memref<128x32xf32, #tpu.memory_space<vmem>>
    %dma_wait3A_371 = arith.constant 0 : i32
    %dma_wait3A_372 = arith.constant 0 : i32
    %dma_wait3A_373 = tpu.memref_slice %arg4[%arg0, %dma_wait3A_371, %dma_wait3A_372] : memref<2x10240x32xf32, #tpu.memory_space<hbm>> -> memref<1x10240x32xf32, #tpu.memory_space<hbm>>
    %dma_wait3A_374 = tpu.memref_squeeze %dma_wait3A_373 : memref<1x10240x32xf32, #tpu.memory_space<hbm>> -> memref<10240x32xf32, #tpu.memory_space<hbm>>
    %dma_wait3A_375 = arith.constant 0 : i32
    %dma_wait3A_376 = arith.constant 0 : i32
    %dma_wait3A_377 = tpu.memref_slice %dma_wait3A_374[%dma_wait3A_375, %dma_wait3A_376] : memref<10240x32xf32, #tpu.memory_space<hbm>> -> memref<128x32xf32, #tpu.memory_space<hbm>>
    tpu.wait_dma2 semaphore(%dma_wait3A_366 : memref<!tpu.dma_semaphore, #tpu.memory_space<semaphore_mem>>) src(%dma_wait3A_377 : memref<128x32xf32, #tpu.memory_space<hbm>>) dst(%dma_wait3A_370 : memref<128x32xf32, #tpu.memory_space<vmem>>)
    %dma_wait3A_378 = arith.constant 7 : i32
    %dma_wait3A_379 = arith.constant 2 : i32
    %dma_wait3A_380 = arith.constant 0 : i32
    %dma_wait3A_381 = arith.constant 0 : i32
    %dma_wait3A_382 = tpu.memref_slice %arg8[%dma_wait3A_378, %dma_wait3A_380, %dma_wait3A_381] : memref<10x128x32xf32, #tpu.memory_space<vmem>> -> memref<1x128x32xf32, #tpu.memory_space<vmem>>
    %dma_wait3A_383 = tpu.memref_squeeze %dma_wait3A_382 : memref<1x128x32xf32, #tpu.memory_space<vmem>> -> memref<128x32xf32, #tpu.memory_space<vmem>>
    %dma_wait3A_384 = arith.constant 0 : i32
    %dma_wait3A_385 = arith.constant 0 : i32
    %dma_wait3A_386 = tpu.memref_slice %arg4[%arg0, %dma_wait3A_384, %dma_wait3A_385] : memref<2x10240x32xf32, #tpu.memory_space<hbm>> -> memref<1x10240x32xf32, #tpu.memory_space<hbm>>
    %dma_wait3A_387 = tpu.memref_squeeze %dma_wait3A_386 : memref<1x10240x32xf32, #tpu.memory_space<hbm>> -> memref<10240x32xf32, #tpu.memory_space<hbm>>
    %dma_wait3A_388 = arith.constant 0 : i32
    %dma_wait3A_389 = arith.constant 0 : i32
    %dma_wait3A_390 = tpu.memref_slice %dma_wait3A_387[%dma_wait3A_388, %dma_wait3A_389] : memref<10240x32xf32, #tpu.memory_space<hbm>> -> memref<128x32xf32, #tpu.memory_space<hbm>>
    %dma_wait3A_391 = tpu.memref_slice %arg15[%dma_wait3A_379] : memref<5x!tpu.dma_semaphore, #tpu.memory_space<semaphore_mem>> -> memref<1x!tpu.dma_semaphore, #tpu.memory_space<semaphore_mem>>
    %dma_wait3A_392 = tpu.memref_squeeze %dma_wait3A_391 : memref<1x!tpu.dma_semaphore, #tpu.memory_space<semaphore_mem>> -> memref<!tpu.dma_semaphore, #tpu.memory_space<semaphore_mem>>
    %dma_wait3A_393 = arith.constant 0 : i32
    %dma_wait3A_394 = arith.constant 0 : i32
    %dma_wait3A_395 = tpu.memref_slice %arg8[%dma_wait3A_378, %dma_wait3A_393, %dma_wait3A_394] : memref<10x128x32xf32, #tpu.memory_space<vmem>> -> memref<1x128x32xf32, #tpu.memory_space<vmem>>
    %dma_wait3A_396 = tpu.memref_squeeze %dma_wait3A_395 : memref<1x128x32xf32, #tpu.memory_space<vmem>> -> memref<128x32xf32, #tpu.memory_space<vmem>>
    %dma_wait3A_397 = arith.constant 0 : i32
    %dma_wait3A_398 = arith.constant 0 : i32
    %dma_wait3A_399 = tpu.memref_slice %arg4[%arg0, %dma_wait3A_397, %dma_wait3A_398] : memref<2x10240x32xf32, #tpu.memory_space<hbm>> -> memref<1x10240x32xf32, #tpu.memory_space<hbm>>
    %dma_wait3A_400 = tpu.memref_squeeze %dma_wait3A_399 : memref<1x10240x32xf32, #tpu.memory_space<hbm>> -> memref<10240x32xf32, #tpu.memory_space<hbm>>
    %dma_wait3A_401 = arith.constant 0 : i32
    %dma_wait3A_402 = arith.constant 0 : i32
    %dma_wait3A_403 = tpu.memref_slice %dma_wait3A_400[%dma_wait3A_401, %dma_wait3A_402] : memref<10240x32xf32, #tpu.memory_space<hbm>> -> memref<128x32xf32, #tpu.memory_space<hbm>>
    tpu.wait_dma2 semaphore(%dma_wait3A_392 : memref<!tpu.dma_semaphore, #tpu.memory_space<semaphore_mem>>) src(%dma_wait3A_403 : memref<128x32xf32, #tpu.memory_space<hbm>>) dst(%dma_wait3A_396 : memref<128x32xf32, #tpu.memory_space<vmem>>)
    %dma_wait3A_404 = arith.constant 8 : i32
    %dma_wait3A_405 = arith.constant 3 : i32
    %dma_wait3A_406 = arith.constant 0 : i32
    %dma_wait3A_407 = arith.constant 0 : i32
    %dma_wait3A_408 = tpu.memref_slice %arg8[%dma_wait3A_404, %dma_wait3A_406, %dma_wait3A_407] : memref<10x128x32xf32, #tpu.memory_space<vmem>> -> memref<1x128x32xf32, #tpu.memory_space<vmem>>
    %dma_wait3A_409 = tpu.memref_squeeze %dma_wait3A_408 : memref<1x128x32xf32, #tpu.memory_space<vmem>> -> memref<128x32xf32, #tpu.memory_space<vmem>>
    %dma_wait3A_410 = arith.constant 0 : i32
    %dma_wait3A_411 = arith.constant 0 : i32
    %dma_wait3A_412 = tpu.memref_slice %arg4[%arg0, %dma_wait3A_410, %dma_wait3A_411] : memref<2x10240x32xf32, #tpu.memory_space<hbm>> -> memref<1x10240x32xf32, #tpu.memory_space<hbm>>
    %dma_wait3A_413 = tpu.memref_squeeze %dma_wait3A_412 : memref<1x10240x32xf32, #tpu.memory_space<hbm>> -> memref<10240x32xf32, #tpu.memory_space<hbm>>
    %dma_wait3A_414 = arith.constant 0 : i32
    %dma_wait3A_415 = arith.constant 0 : i32
    %dma_wait3A_416 = tpu.memref_slice %dma_wait3A_413[%dma_wait3A_414, %dma_wait3A_415] : memref<10240x32xf32, #tpu.memory_space<hbm>> -> memref<128x32xf32, #tpu.memory_space<hbm>>
    %dma_wait3A_417 = tpu.memref_slice %arg15[%dma_wait3A_405] : memref<5x!tpu.dma_semaphore, #tpu.memory_space<semaphore_mem>> -> memref<1x!tpu.dma_semaphore, #tpu.memory_space<semaphore_mem>>
    %dma_wait3A_418 = tpu.memref_squeeze %dma_wait3A_417 : memref<1x!tpu.dma_semaphore, #tpu.memory_space<semaphore_mem>> -> memref<!tpu.dma_semaphore, #tpu.memory_space<semaphore_mem>>
    %dma_wait3A_419 = arith.constant 0 : i32
    %dma_wait3A_420 = arith.constant 0 : i32
    %dma_wait3A_421 = tpu.memref_slice %arg8[%dma_wait3A_404, %dma_wait3A_419, %dma_wait3A_420] : memref<10x128x32xf32, #tpu.memory_space<vmem>> -> memref<1x128x32xf32, #tpu.memory_space<vmem>>
    %dma_wait3A_422 = tpu.memref_squeeze %dma_wait3A_421 : memref<1x128x32xf32, #tpu.memory_space<vmem>> -> memref<128x32xf32, #tpu.memory_space<vmem>>
    %dma_wait3A_423 = arith.constant 0 : i32
    %dma_wait3A_424 = arith.constant 0 : i32
    %dma_wait3A_425 = tpu.memref_slice %arg4[%arg0, %dma_wait3A_423, %dma_wait3A_424] : memref<2x10240x32xf32, #tpu.memory_space<hbm>> -> memref<1x10240x32xf32, #tpu.memory_space<hbm>>
    %dma_wait3A_426 = tpu.memref_squeeze %dma_wait3A_425 : memref<1x10240x32xf32, #tpu.memory_space<hbm>> -> memref<10240x32xf32, #tpu.memory_space<hbm>>
    %dma_wait3A_427 = arith.constant 0 : i32
    %dma_wait3A_428 = arith.constant 0 : i32
    %dma_wait3A_429 = tpu.memref_slice %dma_wait3A_426[%dma_wait3A_427, %dma_wait3A_428] : memref<10240x32xf32, #tpu.memory_space<hbm>> -> memref<128x32xf32, #tpu.memory_space<hbm>>
    tpu.wait_dma2 semaphore(%dma_wait3A_418 : memref<!tpu.dma_semaphore, #tpu.memory_space<semaphore_mem>>) src(%dma_wait3A_429 : memref<128x32xf32, #tpu.memory_space<hbm>>) dst(%dma_wait3A_422 : memref<128x32xf32, #tpu.memory_space<vmem>>)
    %dma_wait3A_430 = arith.constant 9 : i32
    %dma_wait3A_431 = arith.constant 4 : i32
    %dma_wait3A_432 = arith.constant 0 : i32
    %dma_wait3A_433 = arith.constant 0 : i32
    %dma_wait3A_434 = tpu.memref_slice %arg8[%dma_wait3A_430, %dma_wait3A_432, %dma_wait3A_433] : memref<10x128x32xf32, #tpu.memory_space<vmem>> -> memref<1x128x32xf32, #tpu.memory_space<vmem>>
    %dma_wait3A_435 = tpu.memref_squeeze %dma_wait3A_434 : memref<1x128x32xf32, #tpu.memory_space<vmem>> -> memref<128x32xf32, #tpu.memory_space<vmem>>
    %dma_wait3A_436 = arith.constant 0 : i32
    %dma_wait3A_437 = arith.constant 0 : i32
    %dma_wait3A_438 = tpu.memref_slice %arg4[%arg0, %dma_wait3A_436, %dma_wait3A_437] : memref<2x10240x32xf32, #tpu.memory_space<hbm>> -> memref<1x10240x32xf32, #tpu.memory_space<hbm>>
    %dma_wait3A_439 = tpu.memref_squeeze %dma_wait3A_438 : memref<1x10240x32xf32, #tpu.memory_space<hbm>> -> memref<10240x32xf32, #tpu.memory_space<hbm>>
    %dma_wait3A_440 = arith.constant 0 : i32
    %dma_wait3A_441 = arith.constant 0 : i32
    %dma_wait3A_442 = tpu.memref_slice %dma_wait3A_439[%dma_wait3A_440, %dma_wait3A_441] : memref<10240x32xf32, #tpu.memory_space<hbm>> -> memref<128x32xf32, #tpu.memory_space<hbm>>
    %dma_wait3A_443 = tpu.memref_slice %arg15[%dma_wait3A_431] : memref<5x!tpu.dma_semaphore, #tpu.memory_space<semaphore_mem>> -> memref<1x!tpu.dma_semaphore, #tpu.memory_space<semaphore_mem>>
    %dma_wait3A_444 = tpu.memref_squeeze %dma_wait3A_443 : memref<1x!tpu.dma_semaphore, #tpu.memory_space<semaphore_mem>> -> memref<!tpu.dma_semaphore, #tpu.memory_space<semaphore_mem>>
    %dma_wait3A_445 = arith.constant 0 : i32
    %dma_wait3A_446 = arith.constant 0 : i32
    %dma_wait3A_447 = tpu.memref_slice %arg8[%dma_wait3A_430, %dma_wait3A_445, %dma_wait3A_446] : memref<10x128x32xf32, #tpu.memory_space<vmem>> -> memref<1x128x32xf32, #tpu.memory_space<vmem>>
    %dma_wait3A_448 = tpu.memref_squeeze %dma_wait3A_447 : memref<1x128x32xf32, #tpu.memory_space<vmem>> -> memref<128x32xf32, #tpu.memory_space<vmem>>
    %dma_wait3A_449 = arith.constant 0 : i32
    %dma_wait3A_450 = arith.constant 0 : i32
    %dma_wait3A_451 = tpu.memref_slice %arg4[%arg0, %dma_wait3A_449, %dma_wait3A_450] : memref<2x10240x32xf32, #tpu.memory_space<hbm>> -> memref<1x10240x32xf32, #tpu.memory_space<hbm>>
    %dma_wait3A_452 = tpu.memref_squeeze %dma_wait3A_451 : memref<1x10240x32xf32, #tpu.memory_space<hbm>> -> memref<10240x32xf32, #tpu.memory_space<hbm>>
    %dma_wait3A_453 = arith.constant 0 : i32
    %dma_wait3A_454 = arith.constant 0 : i32
    %dma_wait3A_455 = tpu.memref_slice %dma_wait3A_452[%dma_wait3A_453, %dma_wait3A_454] : memref<10240x32xf32, #tpu.memory_space<hbm>> -> memref<128x32xf32, #tpu.memory_space<hbm>>
    tpu.wait_dma2 semaphore(%dma_wait3A_444 : memref<!tpu.dma_semaphore, #tpu.memory_space<semaphore_mem>>) src(%dma_wait3A_455 : memref<128x32xf32, #tpu.memory_space<hbm>>) dst(%dma_wait3A_448 : memref<128x32xf32, #tpu.memory_space<vmem>>)
    %barrier3A_456 = arith.constant 0 : index
    tpu.barrier barrier_id(%barrier3A_456)
    %mul3A = arith.constant 640 : i32
    %mul3A_457 = arith.muli %arg1, %mul3A : i32
    "tpu.region"() ({
      %run_scoped3A = tpu.sem_alloc : memref<!tpu.dma_semaphore, #tpu.memory_space<semaphore_mem>>
      %dma_start3A_460 = arith.constant 0 : i32
      %dma_start3A_461 = tpu.memref_slice %arg11[%mul3A_457, %dma_start3A_460] : memref<10240x32xf32, #tpu.memory_space<vmem_shared>> -> memref<640x32xf32, #tpu.memory_space<vmem_shared>>
      %dma_start3A_462 = arith.constant 0 : i32
      %dma_start3A_463 = tpu.memref_slice %arg11[%mul3A_457, %dma_start3A_462] : memref<10240x32xf32, #tpu.memory_space<vmem_shared>> -> memref<640x32xf32, #tpu.memory_space<vmem_shared>>
      tpu.enqueue_dma source(%dma_start3A_463 : memref<640x32xf32, #tpu.memory_space<vmem_shared>>) target(%arg10 : memref<640x32xf32, #tpu.memory_space<vmem>>) target_semaphore(%run_scoped3A : memref<!tpu.dma_semaphore, #tpu.memory_space<semaphore_mem>>)
      %dma_wait3A_464 = arith.constant 0 : i32
      %dma_wait3A_465 = tpu.memref_slice %arg11[%mul3A_457, %dma_wait3A_464] : memref<10240x32xf32, #tpu.memory_space<vmem_shared>> -> memref<640x32xf32, #tpu.memory_space<vmem_shared>>
      %dma_wait3A_466 = arith.constant 0 : i32
      %dma_wait3A_467 = tpu.memref_slice %arg11[%mul3A_457, %dma_wait3A_466] : memref<10240x32xf32, #tpu.memory_space<vmem_shared>> -> memref<640x32xf32, #tpu.memory_space<vmem_shared>>
      tpu.wait_dma2 semaphore(%run_scoped3A : memref<!tpu.dma_semaphore, #tpu.memory_space<semaphore_mem>>) src(%dma_wait3A_467 : memref<640x32xf32, #tpu.memory_space<vmem_shared>>) dst(%arg10 : memref<640x32xf32, #tpu.memory_space<vmem>>)
      tpu.yield
    }) : () -> ()
    %mul3A_458 = arith.constant 640 : i32
    %mul3A_459 = arith.muli %arg1, %mul3A_458 : i32
    "tpu.region"() ({
      %run_scoped3A = tpu.sem_alloc : memref<!tpu.dma_semaphore, #tpu.memory_space<semaphore_mem>>
      %dma_start3A_460 = arith.constant 0 : i32
      %dma_start3A_461 = tpu.memref_slice %arg5[%arg0, %mul3A_459, %dma_start3A_460] : memref<2x10240x32xf32, #tpu.memory_space<hbm>> -> memref<1x640x32xf32, #tpu.memory_space<hbm>>
      %dma_start3A_462 = tpu.memref_squeeze %dma_start3A_461 : memref<1x640x32xf32, #tpu.memory_space<hbm>> -> memref<640x32xf32, #tpu.memory_space<hbm>>
      %dma_start3A_463 = arith.constant 0 : i32
      %dma_start3A_464 = tpu.memref_slice %arg5[%arg0, %mul3A_459, %dma_start3A_463] : memref<2x10240x32xf32, #tpu.memory_space<hbm>> -> memref<1x640x32xf32, #tpu.memory_space<hbm>>
      %dma_start3A_465 = tpu.memref_squeeze %dma_start3A_464 : memref<1x640x32xf32, #tpu.memory_space<hbm>> -> memref<640x32xf32, #tpu.memory_space<hbm>>
      tpu.enqueue_dma source(%arg10 : memref<640x32xf32, #tpu.memory_space<vmem>>) target(%dma_start3A_465 : memref<640x32xf32, #tpu.memory_space<hbm>>) target_semaphore(%run_scoped3A : memref<!tpu.dma_semaphore, #tpu.memory_space<semaphore_mem>>)
      %dma_wait3A_466 = arith.constant 0 : i32
      %dma_wait3A_467 = tpu.memref_slice %arg5[%arg0, %mul3A_459, %dma_wait3A_466] : memref<2x10240x32xf32, #tpu.memory_space<hbm>> -> memref<1x640x32xf32, #tpu.memory_space<hbm>>
      %dma_wait3A_468 = tpu.memref_squeeze %dma_wait3A_467 : memref<1x640x32xf32, #tpu.memory_space<hbm>> -> memref<640x32xf32, #tpu.memory_space<hbm>>
      %dma_wait3A_469 = arith.constant 0 : i32
      %dma_wait3A_470 = tpu.memref_slice %arg5[%arg0, %mul3A_459, %dma_wait3A_469] : memref<2x10240x32xf32, #tpu.memory_space<hbm>> -> memref<1x640x32xf32, #tpu.memory_space<hbm>>
      %dma_wait3A_471 = tpu.memref_squeeze %dma_wait3A_470 : memref<1x640x32xf32, #tpu.memory_space<hbm>> -> memref<640x32xf32, #tpu.memory_space<hbm>>
      tpu.wait_dma2 semaphore(%run_scoped3A : memref<!tpu.dma_semaphore, #tpu.memory_space<semaphore_mem>>) src(%arg10 : memref<640x32xf32, #tpu.memory_space<vmem>>) dst(%dma_wait3A_471 : memref<640x32xf32, #tpu.memory_space<hbm>>)
      tpu.yield
    }) : () -> ()
    return
  }
}

#map = affine_map<(d0, d1) -> (0, 0, 0)>
#map1 = affine_map<(d0, d1) -> (0, 0)>
module attributes {stable_mosaic.version = 14 : i64} {
  func.func @_sc_degree(%arg0: i32, %arg1: i32, %arg2: memref<32x80x128xi32, #tpu.memory_space<hbm>>, %arg3: memref<2x10240xf32, #tpu.memory_space<hbm>>, %arg4: memref<128xf32, #tpu.memory_space<vmem>>, %arg5: memref<80x128xi32, #tpu.memory_space<vmem>>, %arg6: memref<640xf32, #tpu.memory_space<vmem>>, %arg7: memref<10240xf32, #tpu.memory_space<vmem_shared>>, %arg8: memref<8x!tpu.dma_semaphore, #tpu.memory_space<semaphore_mem>>) attributes {dimension_semantics = [#tpu.dimension_semantics<core_parallel>, #tpu.dimension_semantics<subcore_parallel>], iteration_bounds = array<i64: 2, 16>, scalar_prefetch = 0 : i64, scratch_operands = 5 : i64, tpu.core_type = #tpu.core_type<sc_vector_subcore>, window_params = [{transform_indices = #map}, {transform_indices = #map1}]} {
    %mul3A = arith.constant 2 : i32
    %mul3A_0 = arith.muli %arg1, %mul3A : i32
    %add3A = arith.addi %mul3A_0, %arg0 : i32
    %broadcast_in_dim3A = arith.constant 1.000000e+00 : f32
    %broadcast_in_dim3A_1 = vector.broadcast %broadcast_in_dim3A : f32 to vector<16xf32>
    %broadcast_in_dim3A_2 = arith.constant 0.000000e+00 : f32
    %broadcast_in_dim3A_3 = vector.broadcast %broadcast_in_dim3A_2 : f32 to vector<16xf32>
    %swap3A = arith.constant 0 : index
    %swap3A_4 = tpu.vector_load %arg4[%swap3A] {strides = array<i32>} : memref<128xf32, #tpu.memory_space<vmem>>, vector<16xf32>,
    %swap3A_5 = vector.shape_cast %swap3A_4 : vector<16xf32> to vector<16xf32>
    %swap3A_6 = vector.shape_cast %broadcast_in_dim3A_1 : vector<16xf32> to vector<16xf32>
    tpu.vector_store %arg4[%swap3A], %swap3A_6 {strides = array<i32>} : memref<128xf32, #tpu.memory_space<vmem>>, vector<16xf32>,
    %swap3A_7 = arith.constant 16 : index
    %swap3A_8 = tpu.vector_load %arg4[%swap3A_7] {strides = array<i32>} : memref<128xf32, #tpu.memory_space<vmem>>, vector<16xf32>,
    %swap3A_9 = vector.shape_cast %swap3A_8 : vector<16xf32> to vector<16xf32>
    %swap3A_10 = vector.shape_cast %broadcast_in_dim3A_1 : vector<16xf32> to vector<16xf32>
    tpu.vector_store %arg4[%swap3A_7], %swap3A_10 {strides = array<i32>} : memref<128xf32, #tpu.memory_space<vmem>>, vector<16xf32>,
    %swap3A_11 = arith.constant 32 : index
    %swap3A_12 = tpu.vector_load %arg4[%swap3A_11] {strides = array<i32>} : memref<128xf32, #tpu.memory_space<vmem>>, vector<16xf32>,
    %swap3A_13 = vector.shape_cast %swap3A_12 : vector<16xf32> to vector<16xf32>
    %swap3A_14 = vector.shape_cast %broadcast_in_dim3A_1 : vector<16xf32> to vector<16xf32>
    tpu.vector_store %arg4[%swap3A_11], %swap3A_14 {strides = array<i32>} : memref<128xf32, #tpu.memory_space<vmem>>, vector<16xf32>,
    %swap3A_15 = arith.constant 48 : index
    %swap3A_16 = tpu.vector_load %arg4[%swap3A_15] {strides = array<i32>} : memref<128xf32, #tpu.memory_space<vmem>>, vector<16xf32>,
    %swap3A_17 = vector.shape_cast %swap3A_16 : vector<16xf32> to vector<16xf32>
    %swap3A_18 = vector.shape_cast %broadcast_in_dim3A_1 : vector<16xf32> to vector<16xf32>
    tpu.vector_store %arg4[%swap3A_15], %swap3A_18 {strides = array<i32>} : memref<128xf32, #tpu.memory_space<vmem>>, vector<16xf32>,
    %swap3A_19 = arith.constant 64 : index
    %swap3A_20 = tpu.vector_load %arg4[%swap3A_19] {strides = array<i32>} : memref<128xf32, #tpu.memory_space<vmem>>, vector<16xf32>,
    %swap3A_21 = vector.shape_cast %swap3A_20 : vector<16xf32> to vector<16xf32>
    %swap3A_22 = vector.shape_cast %broadcast_in_dim3A_1 : vector<16xf32> to vector<16xf32>
    tpu.vector_store %arg4[%swap3A_19], %swap3A_22 {strides = array<i32>} : memref<128xf32, #tpu.memory_space<vmem>>, vector<16xf32>,
    %swap3A_23 = arith.constant 80 : index
    %swap3A_24 = tpu.vector_load %arg4[%swap3A_23] {strides = array<i32>} : memref<128xf32, #tpu.memory_space<vmem>>, vector<16xf32>,
    %swap3A_25 = vector.shape_cast %swap3A_24 : vector<16xf32> to vector<16xf32>
    %swap3A_26 = vector.shape_cast %broadcast_in_dim3A_1 : vector<16xf32> to vector<16xf32>
    tpu.vector_store %arg4[%swap3A_23], %swap3A_26 {strides = array<i32>} : memref<128xf32, #tpu.memory_space<vmem>>, vector<16xf32>,
    %swap3A_27 = arith.constant 96 : index
    %swap3A_28 = tpu.vector_load %arg4[%swap3A_27] {strides = array<i32>} : memref<128xf32, #tpu.memory_space<vmem>>, vector<16xf32>,
    %swap3A_29 = vector.shape_cast %swap3A_28 : vector<16xf32> to vector<16xf32>
    %swap3A_30 = vector.shape_cast %broadcast_in_dim3A_1 : vector<16xf32> to vector<16xf32>
    tpu.vector_store %arg4[%swap3A_27], %swap3A_30 {strides = array<i32>} : memref<128xf32, #tpu.memory_space<vmem>>, vector<16xf32>,
    %swap3A_31 = arith.constant 112 : index
    %swap3A_32 = tpu.vector_load %arg4[%swap3A_31] {strides = array<i32>} : memref<128xf32, #tpu.memory_space<vmem>>, vector<16xf32>,
    %swap3A_33 = vector.shape_cast %swap3A_32 : vector<16xf32> to vector<16xf32>
    %swap3A_34 = vector.shape_cast %broadcast_in_dim3A_1 : vector<16xf32> to vector<16xf32>
    tpu.vector_store %arg4[%swap3A_31], %swap3A_34 {strides = array<i32>} : memref<128xf32, #tpu.memory_space<vmem>>, vector<16xf32>,
    %swap3A_35 = arith.constant 0 : index
    %swap3A_36 = tpu.vector_load %arg6[%swap3A_35] {strides = array<i32>} : memref<640xf32, #tpu.memory_space<vmem>>, vector<16xf32>,
    %swap3A_37 = vector.shape_cast %swap3A_36 : vector<16xf32> to vector<16xf32>
    %swap3A_38 = vector.shape_cast %broadcast_in_dim3A_3 : vector<16xf32> to vector<16xf32>
    tpu.vector_store %arg6[%swap3A_35], %swap3A_38 {strides = array<i32>} : memref<640xf32, #tpu.memory_space<vmem>>, vector<16xf32>,
    %swap3A_39 = arith.constant 16 : index
    %swap3A_40 = tpu.vector_load %arg6[%swap3A_39] {strides = array<i32>} : memref<640xf32, #tpu.memory_space<vmem>>, vector<16xf32>,
    %swap3A_41 = vector.shape_cast %swap3A_40 : vector<16xf32> to vector<16xf32>
    %swap3A_42 = vector.shape_cast %broadcast_in_dim3A_3 : vector<16xf32> to vector<16xf32>
    tpu.vector_store %arg6[%swap3A_39], %swap3A_42 {strides = array<i32>} : memref<640xf32, #tpu.memory_space<vmem>>, vector<16xf32>,
    %swap3A_43 = arith.constant 32 : index
    %swap3A_44 = tpu.vector_load %arg6[%swap3A_43] {strides = array<i32>} : memref<640xf32, #tpu.memory_space<vmem>>, vector<16xf32>,
    %swap3A_45 = vector.shape_cast %swap3A_44 : vector<16xf32> to vector<16xf32>
    %swap3A_46 = vector.shape_cast %broadcast_in_dim3A_3 : vector<16xf32> to vector<16xf32>
    tpu.vector_store %arg6[%swap3A_43], %swap3A_46 {strides = array<i32>} : memref<640xf32, #tpu.memory_space<vmem>>, vector<16xf32>,
    %swap3A_47 = arith.constant 48 : index
    %swap3A_48 = tpu.vector_load %arg6[%swap3A_47] {strides = array<i32>} : memref<640xf32, #tpu.memory_space<vmem>>, vector<16xf32>,
    %swap3A_49 = vector.shape_cast %swap3A_48 : vector<16xf32> to vector<16xf32>
    %swap3A_50 = vector.shape_cast %broadcast_in_dim3A_3 : vector<16xf32> to vector<16xf32>
    tpu.vector_store %arg6[%swap3A_47], %swap3A_50 {strides = array<i32>} : memref<640xf32, #tpu.memory_space<vmem>>, vector<16xf32>,
    %swap3A_51 = arith.constant 64 : index
    %swap3A_52 = tpu.vector_load %arg6[%swap3A_51] {strides = array<i32>} : memref<640xf32, #tpu.memory_space<vmem>>, vector<16xf32>,
    %swap3A_53 = vector.shape_cast %swap3A_52 : vector<16xf32> to vector<16xf32>
    %swap3A_54 = vector.shape_cast %broadcast_in_dim3A_3 : vector<16xf32> to vector<16xf32>
    tpu.vector_store %arg6[%swap3A_51], %swap3A_54 {strides = array<i32>} : memref<640xf32, #tpu.memory_space<vmem>>, vector<16xf32>,
    %swap3A_55 = arith.constant 80 : index
    %swap3A_56 = tpu.vector_load %arg6[%swap3A_55] {strides = array<i32>} : memref<640xf32, #tpu.memory_space<vmem>>, vector<16xf32>,
    %swap3A_57 = vector.shape_cast %swap3A_56 : vector<16xf32> to vector<16xf32>
    %swap3A_58 = vector.shape_cast %broadcast_in_dim3A_3 : vector<16xf32> to vector<16xf32>
    tpu.vector_store %arg6[%swap3A_55], %swap3A_58 {strides = array<i32>} : memref<640xf32, #tpu.memory_space<vmem>>, vector<16xf32>,
    %swap3A_59 = arith.constant 96 : index
    %swap3A_60 = tpu.vector_load %arg6[%swap3A_59] {strides = array<i32>} : memref<640xf32, #tpu.memory_space<vmem>>, vector<16xf32>,
    %swap3A_61 = vector.shape_cast %swap3A_60 : vector<16xf32> to vector<16xf32>
    %swap3A_62 = vector.shape_cast %broadcast_in_dim3A_3 : vector<16xf32> to vector<16xf32>
    tpu.vector_store %arg6[%swap3A_59], %swap3A_62 {strides = array<i32>} : memref<640xf32, #tpu.memory_space<vmem>>, vector<16xf32>,
    %swap3A_63 = arith.constant 112 : index
    %swap3A_64 = tpu.vector_load %arg6[%swap3A_63] {strides = array<i32>} : memref<640xf32, #tpu.memory_space<vmem>>, vector<16xf32>,
    %swap3A_65 = vector.shape_cast %swap3A_64 : vector<16xf32> to vector<16xf32>
    %swap3A_66 = vector.shape_cast %broadcast_in_dim3A_3 : vector<16xf32> to vector<16xf32>
    tpu.vector_store %arg6[%swap3A_63], %swap3A_66 {strides = array<i32>} : memref<640xf32, #tpu.memory_space<vmem>>, vector<16xf32>,
    %swap3A_67 = arith.constant 128 : index
    %swap3A_68 = tpu.vector_load %arg6[%swap3A_67] {strides = array<i32>} : memref<640xf32, #tpu.memory_space<vmem>>, vector<16xf32>,
    %swap3A_69 = vector.shape_cast %swap3A_68 : vector<16xf32> to vector<16xf32>
    %swap3A_70 = vector.shape_cast %broadcast_in_dim3A_3 : vector<16xf32> to vector<16xf32>
    tpu.vector_store %arg6[%swap3A_67], %swap3A_70 {strides = array<i32>} : memref<640xf32, #tpu.memory_space<vmem>>, vector<16xf32>,
    %swap3A_71 = arith.constant 144 : index
    %swap3A_72 = tpu.vector_load %arg6[%swap3A_71] {strides = array<i32>} : memref<640xf32, #tpu.memory_space<vmem>>, vector<16xf32>,
    %swap3A_73 = vector.shape_cast %swap3A_72 : vector<16xf32> to vector<16xf32>
    %swap3A_74 = vector.shape_cast %broadcast_in_dim3A_3 : vector<16xf32> to vector<16xf32>
    tpu.vector_store %arg6[%swap3A_71], %swap3A_74 {strides = array<i32>} : memref<640xf32, #tpu.memory_space<vmem>>, vector<16xf32>,
    %swap3A_75 = arith.constant 160 : index
    %swap3A_76 = tpu.vector_load %arg6[%swap3A_75] {strides = array<i32>} : memref<640xf32, #tpu.memory_space<vmem>>, vector<16xf32>,
    %swap3A_77 = vector.shape_cast %swap3A_76 : vector<16xf32> to vector<16xf32>
    %swap3A_78 = vector.shape_cast %broadcast_in_dim3A_3 : vector<16xf32> to vector<16xf32>
    tpu.vector_store %arg6[%swap3A_75], %swap3A_78 {strides = array<i32>} : memref<640xf32, #tpu.memory_space<vmem>>, vector<16xf32>,
    %swap3A_79 = arith.constant 176 : index
    %swap3A_80 = tpu.vector_load %arg6[%swap3A_79] {strides = array<i32>} : memref<640xf32, #tpu.memory_space<vmem>>, vector<16xf32>,
    %swap3A_81 = vector.shape_cast %swap3A_80 : vector<16xf32> to vector<16xf32>
    %swap3A_82 = vector.shape_cast %broadcast_in_dim3A_3 : vector<16xf32> to vector<16xf32>
    tpu.vector_store %arg6[%swap3A_79], %swap3A_82 {strides = array<i32>} : memref<640xf32, #tpu.memory_space<vmem>>, vector<16xf32>,
    %swap3A_83 = arith.constant 192 : index
    %swap3A_84 = tpu.vector_load %arg6[%swap3A_83] {strides = array<i32>} : memref<640xf32, #tpu.memory_space<vmem>>, vector<16xf32>,
    %swap3A_85 = vector.shape_cast %swap3A_84 : vector<16xf32> to vector<16xf32>
    %swap3A_86 = vector.shape_cast %broadcast_in_dim3A_3 : vector<16xf32> to vector<16xf32>
    tpu.vector_store %arg6[%swap3A_83], %swap3A_86 {strides = array<i32>} : memref<640xf32, #tpu.memory_space<vmem>>, vector<16xf32>,
    %swap3A_87 = arith.constant 208 : index
    %swap3A_88 = tpu.vector_load %arg6[%swap3A_87] {strides = array<i32>} : memref<640xf32, #tpu.memory_space<vmem>>, vector<16xf32>,
    %swap3A_89 = vector.shape_cast %swap3A_88 : vector<16xf32> to vector<16xf32>
    %swap3A_90 = vector.shape_cast %broadcast_in_dim3A_3 : vector<16xf32> to vector<16xf32>
    tpu.vector_store %arg6[%swap3A_87], %swap3A_90 {strides = array<i32>} : memref<640xf32, #tpu.memory_space<vmem>>, vector<16xf32>,
    %swap3A_91 = arith.constant 224 : index
    %swap3A_92 = tpu.vector_load %arg6[%swap3A_91] {strides = array<i32>} : memref<640xf32, #tpu.memory_space<vmem>>, vector<16xf32>,
    %swap3A_93 = vector.shape_cast %swap3A_92 : vector<16xf32> to vector<16xf32>
    %swap3A_94 = vector.shape_cast %broadcast_in_dim3A_3 : vector<16xf32> to vector<16xf32>
    tpu.vector_store %arg6[%swap3A_91], %swap3A_94 {strides = array<i32>} : memref<640xf32, #tpu.memory_space<vmem>>, vector<16xf32>,
    %swap3A_95 = arith.constant 240 : index
    %swap3A_96 = tpu.vector_load %arg6[%swap3A_95] {strides = array<i32>} : memref<640xf32, #tpu.memory_space<vmem>>, vector<16xf32>,
    %swap3A_97 = vector.shape_cast %swap3A_96 : vector<16xf32> to vector<16xf32>
    %swap3A_98 = vector.shape_cast %broadcast_in_dim3A_3 : vector<16xf32> to vector<16xf32>
    tpu.vector_store %arg6[%swap3A_95], %swap3A_98 {strides = array<i32>} : memref<640xf32, #tpu.memory_space<vmem>>, vector<16xf32>,
    %swap3A_99 = arith.constant 256 : index
    %swap3A_100 = tpu.vector_load %arg6[%swap3A_99] {strides = array<i32>} : memref<640xf32, #tpu.memory_space<vmem>>, vector<16xf32>,
    %swap3A_101 = vector.shape_cast %swap3A_100 : vector<16xf32> to vector<16xf32>
    %swap3A_102 = vector.shape_cast %broadcast_in_dim3A_3 : vector<16xf32> to vector<16xf32>
    tpu.vector_store %arg6[%swap3A_99], %swap3A_102 {strides = array<i32>} : memref<640xf32, #tpu.memory_space<vmem>>, vector<16xf32>,
    %swap3A_103 = arith.constant 272 : index
    %swap3A_104 = tpu.vector_load %arg6[%swap3A_103] {strides = array<i32>} : memref<640xf32, #tpu.memory_space<vmem>>, vector<16xf32>,
    %swap3A_105 = vector.shape_cast %swap3A_104 : vector<16xf32> to vector<16xf32>
    %swap3A_106 = vector.shape_cast %broadcast_in_dim3A_3 : vector<16xf32> to vector<16xf32>
    tpu.vector_store %arg6[%swap3A_103], %swap3A_106 {strides = array<i32>} : memref<640xf32, #tpu.memory_space<vmem>>, vector<16xf32>,
    %swap3A_107 = arith.constant 288 : index
    %swap3A_108 = tpu.vector_load %arg6[%swap3A_107] {strides = array<i32>} : memref<640xf32, #tpu.memory_space<vmem>>, vector<16xf32>,
    %swap3A_109 = vector.shape_cast %swap3A_108 : vector<16xf32> to vector<16xf32>
    %swap3A_110 = vector.shape_cast %broadcast_in_dim3A_3 : vector<16xf32> to vector<16xf32>
    tpu.vector_store %arg6[%swap3A_107], %swap3A_110 {strides = array<i32>} : memref<640xf32, #tpu.memory_space<vmem>>, vector<16xf32>,
    %swap3A_111 = arith.constant 304 : index
    %swap3A_112 = tpu.vector_load %arg6[%swap3A_111] {strides = array<i32>} : memref<640xf32, #tpu.memory_space<vmem>>, vector<16xf32>,
    %swap3A_113 = vector.shape_cast %swap3A_112 : vector<16xf32> to vector<16xf32>
    %swap3A_114 = vector.shape_cast %broadcast_in_dim3A_3 : vector<16xf32> to vector<16xf32>
    tpu.vector_store %arg6[%swap3A_111], %swap3A_114 {strides = array<i32>} : memref<640xf32, #tpu.memory_space<vmem>>, vector<16xf32>,
    %swap3A_115 = arith.constant 320 : index
    %swap3A_116 = tpu.vector_load %arg6[%swap3A_115] {strides = array<i32>} : memref<640xf32, #tpu.memory_space<vmem>>, vector<16xf32>,
    %swap3A_117 = vector.shape_cast %swap3A_116 : vector<16xf32> to vector<16xf32>
    %swap3A_118 = vector.shape_cast %broadcast_in_dim3A_3 : vector<16xf32> to vector<16xf32>
    tpu.vector_store %arg6[%swap3A_115], %swap3A_118 {strides = array<i32>} : memref<640xf32, #tpu.memory_space<vmem>>, vector<16xf32>,
    %swap3A_119 = arith.constant 336 : index
    %swap3A_120 = tpu.vector_load %arg6[%swap3A_119] {strides = array<i32>} : memref<640xf32, #tpu.memory_space<vmem>>, vector<16xf32>,
    %swap3A_121 = vector.shape_cast %swap3A_120 : vector<16xf32> to vector<16xf32>
    %swap3A_122 = vector.shape_cast %broadcast_in_dim3A_3 : vector<16xf32> to vector<16xf32>
    tpu.vector_store %arg6[%swap3A_119], %swap3A_122 {strides = array<i32>} : memref<640xf32, #tpu.memory_space<vmem>>, vector<16xf32>,
    %swap3A_123 = arith.constant 352 : index
    %swap3A_124 = tpu.vector_load %arg6[%swap3A_123] {strides = array<i32>} : memref<640xf32, #tpu.memory_space<vmem>>, vector<16xf32>,
    %swap3A_125 = vector.shape_cast %swap3A_124 : vector<16xf32> to vector<16xf32>
    %swap3A_126 = vector.shape_cast %broadcast_in_dim3A_3 : vector<16xf32> to vector<16xf32>
    tpu.vector_store %arg6[%swap3A_123], %swap3A_126 {strides = array<i32>} : memref<640xf32, #tpu.memory_space<vmem>>, vector<16xf32>,
    %swap3A_127 = arith.constant 368 : index
    %swap3A_128 = tpu.vector_load %arg6[%swap3A_127] {strides = array<i32>} : memref<640xf32, #tpu.memory_space<vmem>>, vector<16xf32>,
    %swap3A_129 = vector.shape_cast %swap3A_128 : vector<16xf32> to vector<16xf32>
    %swap3A_130 = vector.shape_cast %broadcast_in_dim3A_3 : vector<16xf32> to vector<16xf32>
    tpu.vector_store %arg6[%swap3A_127], %swap3A_130 {strides = array<i32>} : memref<640xf32, #tpu.memory_space<vmem>>, vector<16xf32>,
    %swap3A_131 = arith.constant 384 : index
    %swap3A_132 = tpu.vector_load %arg6[%swap3A_131] {strides = array<i32>} : memref<640xf32, #tpu.memory_space<vmem>>, vector<16xf32>,
    %swap3A_133 = vector.shape_cast %swap3A_132 : vector<16xf32> to vector<16xf32>
    %swap3A_134 = vector.shape_cast %broadcast_in_dim3A_3 : vector<16xf32> to vector<16xf32>
    tpu.vector_store %arg6[%swap3A_131], %swap3A_134 {strides = array<i32>} : memref<640xf32, #tpu.memory_space<vmem>>, vector<16xf32>,
    %swap3A_135 = arith.constant 400 : index
    %swap3A_136 = tpu.vector_load %arg6[%swap3A_135] {strides = array<i32>} : memref<640xf32, #tpu.memory_space<vmem>>, vector<16xf32>,
    %swap3A_137 = vector.shape_cast %swap3A_136 : vector<16xf32> to vector<16xf32>
    %swap3A_138 = vector.shape_cast %broadcast_in_dim3A_3 : vector<16xf32> to vector<16xf32>
    tpu.vector_store %arg6[%swap3A_135], %swap3A_138 {strides = array<i32>} : memref<640xf32, #tpu.memory_space<vmem>>, vector<16xf32>,
    %swap3A_139 = arith.constant 416 : index
    %swap3A_140 = tpu.vector_load %arg6[%swap3A_139] {strides = array<i32>} : memref<640xf32, #tpu.memory_space<vmem>>, vector<16xf32>,
    %swap3A_141 = vector.shape_cast %swap3A_140 : vector<16xf32> to vector<16xf32>
    %swap3A_142 = vector.shape_cast %broadcast_in_dim3A_3 : vector<16xf32> to vector<16xf32>
    tpu.vector_store %arg6[%swap3A_139], %swap3A_142 {strides = array<i32>} : memref<640xf32, #tpu.memory_space<vmem>>, vector<16xf32>,
    %swap3A_143 = arith.constant 432 : index
    %swap3A_144 = tpu.vector_load %arg6[%swap3A_143] {strides = array<i32>} : memref<640xf32, #tpu.memory_space<vmem>>, vector<16xf32>,
    %swap3A_145 = vector.shape_cast %swap3A_144 : vector<16xf32> to vector<16xf32>
    %swap3A_146 = vector.shape_cast %broadcast_in_dim3A_3 : vector<16xf32> to vector<16xf32>
    tpu.vector_store %arg6[%swap3A_143], %swap3A_146 {strides = array<i32>} : memref<640xf32, #tpu.memory_space<vmem>>, vector<16xf32>,
    %swap3A_147 = arith.constant 448 : index
    %swap3A_148 = tpu.vector_load %arg6[%swap3A_147] {strides = array<i32>} : memref<640xf32, #tpu.memory_space<vmem>>, vector<16xf32>,
    %swap3A_149 = vector.shape_cast %swap3A_148 : vector<16xf32> to vector<16xf32>
    %swap3A_150 = vector.shape_cast %broadcast_in_dim3A_3 : vector<16xf32> to vector<16xf32>
    tpu.vector_store %arg6[%swap3A_147], %swap3A_150 {strides = array<i32>} : memref<640xf32, #tpu.memory_space<vmem>>, vector<16xf32>,
    %swap3A_151 = arith.constant 464 : index
    %swap3A_152 = tpu.vector_load %arg6[%swap3A_151] {strides = array<i32>} : memref<640xf32, #tpu.memory_space<vmem>>, vector<16xf32>,
    %swap3A_153 = vector.shape_cast %swap3A_152 : vector<16xf32> to vector<16xf32>
    %swap3A_154 = vector.shape_cast %broadcast_in_dim3A_3 : vector<16xf32> to vector<16xf32>
    tpu.vector_store %arg6[%swap3A_151], %swap3A_154 {strides = array<i32>} : memref<640xf32, #tpu.memory_space<vmem>>, vector<16xf32>,
    %swap3A_155 = arith.constant 480 : index
    %swap3A_156 = tpu.vector_load %arg6[%swap3A_155] {strides = array<i32>} : memref<640xf32, #tpu.memory_space<vmem>>, vector<16xf32>,
    %swap3A_157 = vector.shape_cast %swap3A_156 : vector<16xf32> to vector<16xf32>
    %swap3A_158 = vector.shape_cast %broadcast_in_dim3A_3 : vector<16xf32> to vector<16xf32>
    tpu.vector_store %arg6[%swap3A_155], %swap3A_158 {strides = array<i32>} : memref<640xf32, #tpu.memory_space<vmem>>, vector<16xf32>,
    %swap3A_159 = arith.constant 496 : index
    %swap3A_160 = tpu.vector_load %arg6[%swap3A_159] {strides = array<i32>} : memref<640xf32, #tpu.memory_space<vmem>>, vector<16xf32>,
    %swap3A_161 = vector.shape_cast %swap3A_160 : vector<16xf32> to vector<16xf32>
    %swap3A_162 = vector.shape_cast %broadcast_in_dim3A_3 : vector<16xf32> to vector<16xf32>
    tpu.vector_store %arg6[%swap3A_159], %swap3A_162 {strides = array<i32>} : memref<640xf32, #tpu.memory_space<vmem>>, vector<16xf32>,
    %swap3A_163 = arith.constant 512 : index
    %swap3A_164 = tpu.vector_load %arg6[%swap3A_163] {strides = array<i32>} : memref<640xf32, #tpu.memory_space<vmem>>, vector<16xf32>,
    %swap3A_165 = vector.shape_cast %swap3A_164 : vector<16xf32> to vector<16xf32>
    %swap3A_166 = vector.shape_cast %broadcast_in_dim3A_3 : vector<16xf32> to vector<16xf32>
    tpu.vector_store %arg6[%swap3A_163], %swap3A_166 {strides = array<i32>} : memref<640xf32, #tpu.memory_space<vmem>>, vector<16xf32>,
    %swap3A_167 = arith.constant 528 : index
    %swap3A_168 = tpu.vector_load %arg6[%swap3A_167] {strides = array<i32>} : memref<640xf32, #tpu.memory_space<vmem>>, vector<16xf32>,
    %swap3A_169 = vector.shape_cast %swap3A_168 : vector<16xf32> to vector<16xf32>
    %swap3A_170 = vector.shape_cast %broadcast_in_dim3A_3 : vector<16xf32> to vector<16xf32>
    tpu.vector_store %arg6[%swap3A_167], %swap3A_170 {strides = array<i32>} : memref<640xf32, #tpu.memory_space<vmem>>, vector<16xf32>,
    %swap3A_171 = arith.constant 544 : index
    %swap3A_172 = tpu.vector_load %arg6[%swap3A_171] {strides = array<i32>} : memref<640xf32, #tpu.memory_space<vmem>>, vector<16xf32>,
    %swap3A_173 = vector.shape_cast %swap3A_172 : vector<16xf32> to vector<16xf32>
    %swap3A_174 = vector.shape_cast %broadcast_in_dim3A_3 : vector<16xf32> to vector<16xf32>
    tpu.vector_store %arg6[%swap3A_171], %swap3A_174 {strides = array<i32>} : memref<640xf32, #tpu.memory_space<vmem>>, vector<16xf32>,
    %swap3A_175 = arith.constant 560 : index
    %swap3A_176 = tpu.vector_load %arg6[%swap3A_175] {strides = array<i32>} : memref<640xf32, #tpu.memory_space<vmem>>, vector<16xf32>,
    %swap3A_177 = vector.shape_cast %swap3A_176 : vector<16xf32> to vector<16xf32>
    %swap3A_178 = vector.shape_cast %broadcast_in_dim3A_3 : vector<16xf32> to vector<16xf32>
    tpu.vector_store %arg6[%swap3A_175], %swap3A_178 {strides = array<i32>} : memref<640xf32, #tpu.memory_space<vmem>>, vector<16xf32>,
    %swap3A_179 = arith.constant 576 : index
    %swap3A_180 = tpu.vector_load %arg6[%swap3A_179] {strides = array<i32>} : memref<640xf32, #tpu.memory_space<vmem>>, vector<16xf32>,
    %swap3A_181 = vector.shape_cast %swap3A_180 : vector<16xf32> to vector<16xf32>
    %swap3A_182 = vector.shape_cast %broadcast_in_dim3A_3 : vector<16xf32> to vector<16xf32>
    tpu.vector_store %arg6[%swap3A_179], %swap3A_182 {strides = array<i32>} : memref<640xf32, #tpu.memory_space<vmem>>, vector<16xf32>,
    %swap3A_183 = arith.constant 592 : index
    %swap3A_184 = tpu.vector_load %arg6[%swap3A_183] {strides = array<i32>} : memref<640xf32, #tpu.memory_space<vmem>>, vector<16xf32>,
    %swap3A_185 = vector.shape_cast %swap3A_184 : vector<16xf32> to vector<16xf32>
    %swap3A_186 = vector.shape_cast %broadcast_in_dim3A_3 : vector<16xf32> to vector<16xf32>
    tpu.vector_store %arg6[%swap3A_183], %swap3A_186 {strides = array<i32>} : memref<640xf32, #tpu.memory_space<vmem>>, vector<16xf32>,
    %swap3A_187 = arith.constant 608 : index
    %swap3A_188 = tpu.vector_load %arg6[%swap3A_187] {strides = array<i32>} : memref<640xf32, #tpu.memory_space<vmem>>, vector<16xf32>,
    %swap3A_189 = vector.shape_cast %swap3A_188 : vector<16xf32> to vector<16xf32>
    %swap3A_190 = vector.shape_cast %broadcast_in_dim3A_3 : vector<16xf32> to vector<16xf32>
    tpu.vector_store %arg6[%swap3A_187], %swap3A_190 {strides = array<i32>} : memref<640xf32, #tpu.memory_space<vmem>>, vector<16xf32>,
    %swap3A_191 = arith.constant 624 : index
    %swap3A_192 = tpu.vector_load %arg6[%swap3A_191] {strides = array<i32>} : memref<640xf32, #tpu.memory_space<vmem>>, vector<16xf32>,
    %swap3A_193 = vector.shape_cast %swap3A_192 : vector<16xf32> to vector<16xf32>
    %swap3A_194 = vector.shape_cast %broadcast_in_dim3A_3 : vector<16xf32> to vector<16xf32>
    tpu.vector_store %arg6[%swap3A_191], %swap3A_194 {strides = array<i32>} : memref<640xf32, #tpu.memory_space<vmem>>, vector<16xf32>,
    "tpu.region"() ({
      %run_scoped3A = tpu.sem_alloc : memref<!tpu.dma_semaphore, #tpu.memory_space<semaphore_mem>>
      %dma_start3A = arith.constant 0 : i32
      %dma_start3A_206 = arith.constant 0 : i32
      %dma_start3A_207 = tpu.memref_slice %arg2[%add3A, %dma_start3A, %dma_start3A_206] : memref<32x80x128xi32, #tpu.memory_space<hbm>> -> memref<1x80x128xi32, #tpu.memory_space<hbm>>
      %dma_start3A_208 = tpu.memref_squeeze %dma_start3A_207 : memref<1x80x128xi32, #tpu.memory_space<hbm>> -> memref<80x128xi32, #tpu.memory_space<hbm>>
      %dma_start3A_209 = arith.constant 0 : i32
      %dma_start3A_210 = arith.constant 0 : i32
      %dma_start3A_211 = tpu.memref_slice %arg2[%add3A, %dma_start3A_209, %dma_start3A_210] : memref<32x80x128xi32, #tpu.memory_space<hbm>> -> memref<1x80x128xi32, #tpu.memory_space<hbm>>
      %dma_start3A_212 = tpu.memref_squeeze %dma_start3A_211 : memref<1x80x128xi32, #tpu.memory_space<hbm>> -> memref<80x128xi32, #tpu.memory_space<hbm>>
      tpu.enqueue_dma source(%dma_start3A_212 : memref<80x128xi32, #tpu.memory_space<hbm>>) target(%arg5 : memref<80x128xi32, #tpu.memory_space<vmem>>) target_semaphore(%run_scoped3A : memref<!tpu.dma_semaphore, #tpu.memory_space<semaphore_mem>>)
      %dma_wait3A = arith.constant 0 : i32
      %dma_wait3A_213 = arith.constant 0 : i32
      %dma_wait3A_214 = tpu.memref_slice %arg2[%add3A, %dma_wait3A, %dma_wait3A_213] : memref<32x80x128xi32, #tpu.memory_space<hbm>> -> memref<1x80x128xi32, #tpu.memory_space<hbm>>
      %dma_wait3A_215 = tpu.memref_squeeze %dma_wait3A_214 : memref<1x80x128xi32, #tpu.memory_space<hbm>> -> memref<80x128xi32, #tpu.memory_space<hbm>>
      %dma_wait3A_216 = arith.constant 0 : i32
      %dma_wait3A_217 = arith.constant 0 : i32
      %dma_wait3A_218 = tpu.memref_slice %arg2[%add3A, %dma_wait3A_216, %dma_wait3A_217] : memref<32x80x128xi32, #tpu.memory_space<hbm>> -> memref<1x80x128xi32, #tpu.memory_space<hbm>>
      %dma_wait3A_219 = tpu.memref_squeeze %dma_wait3A_218 : memref<1x80x128xi32, #tpu.memory_space<hbm>> -> memref<80x128xi32, #tpu.memory_space<hbm>>
      tpu.wait_dma2 semaphore(%run_scoped3A : memref<!tpu.dma_semaphore, #tpu.memory_space<semaphore_mem>>) src(%dma_wait3A_219 : memref<80x128xi32, #tpu.memory_space<hbm>>) dst(%arg5 : memref<80x128xi32, #tpu.memory_space<vmem>>)
      tpu.yield
    }) : () -> ()
    %mul3A_195 = arith.constant 640 : i32
    %mul3A_196 = arith.muli %arg1, %mul3A_195 : i32
    "tpu.region"() ({
      %run_scoped3A = tpu.sem_alloc : memref<!tpu.dma_semaphore, #tpu.memory_space<semaphore_mem>>
      %dma_start3A = tpu.memref_slice %arg7[%mul3A_196] : memref<10240xf32, #tpu.memory_space<vmem_shared>> -> memref<640xf32, #tpu.memory_space<vmem_shared>>
      %dma_start3A_206 = tpu.memref_slice %arg7[%mul3A_196] : memref<10240xf32, #tpu.memory_space<vmem_shared>> -> memref<640xf32, #tpu.memory_space<vmem_shared>>
      tpu.enqueue_dma source(%arg6 : memref<640xf32, #tpu.memory_space<vmem>>) target(%dma_start3A_206 : memref<640xf32, #tpu.memory_space<vmem_shared>>) target_semaphore(%run_scoped3A : memref<!tpu.dma_semaphore, #tpu.memory_space<semaphore_mem>>)
      %dma_wait3A = tpu.memref_slice %arg7[%mul3A_196] : memref<10240xf32, #tpu.memory_space<vmem_shared>> -> memref<640xf32, #tpu.memory_space<vmem_shared>>
      %dma_wait3A_207 = tpu.memref_slice %arg7[%mul3A_196] : memref<10240xf32, #tpu.memory_space<vmem_shared>> -> memref<640xf32, #tpu.memory_space<vmem_shared>>
      tpu.wait_dma2 semaphore(%run_scoped3A : memref<!tpu.dma_semaphore, #tpu.memory_space<semaphore_mem>>) src(%arg6 : memref<640xf32, #tpu.memory_space<vmem>>) dst(%dma_wait3A_207 : memref<640xf32, #tpu.memory_space<vmem_shared>>)
      tpu.yield
    }) : () -> ()
    %barrier3A = arith.constant 0 : index
    tpu.barrier barrier_id(%barrier3A)
    %scan3A = arith.constant 0 : i32
    %scan3A_197 = arith.constant 10 : i32
    %scan3A_198 = arith.addi %scan3A, %scan3A_197 : i32
    %scan3A_199 = arith.constant 1 : i32
    scf.for %scan3A_206 = %scan3A to %scan3A_198 step %scan3A_199  : i32 {
      %mul3A_207 = arith.constant 1 : i32
      %mul3A_208 = arith.muli %scan3A_206, %mul3A_207 : i32
      %add3A_209 = arith.constant 0 : i32
      %add3A_210 = arith.addi %add3A_209, %mul3A_208 : i32
      %mul3A_211 = arith.constant 8 : i32
      %mul3A_212 = arith.muli %add3A_210, %mul3A_211 : i32
      %add3A_213 = arith.constant 0 : i32
      %add3A_214 = arith.addi %mul3A_212, %add3A_213 : i32
      %dma_start3A = arith.constant 0 : i32
      %dma_start3A_215 = arith.constant 0 : i32
      %dma_start3A_216 = tpu.memref_slice %arg5[%add3A_214, %dma_start3A_215] : memref<80x128xi32, #tpu.memory_space<vmem>> -> memref<1x128xi32, #tpu.memory_space<vmem>>
      %dma_start3A_217 = tpu.memref_squeeze %dma_start3A_216 : memref<1x128xi32, #tpu.memory_space<vmem>> -> memref<128xi32, #tpu.memory_space<vmem>>
      %dma_start3A_218 = arith.constant 0 : i32
      %dma_start3A_219 = tpu.memref_slice %arg7[%dma_start3A_218] : memref<10240xf32, #tpu.memory_space<vmem_shared>> -> memref<10240xf32, #tpu.memory_space<vmem_shared>>
      %dma_start3A_220 = tpu.memref_slice %arg8[%dma_start3A] : memref<8x!tpu.dma_semaphore, #tpu.memory_space<semaphore_mem>> -> memref<1x!tpu.dma_semaphore, #tpu.memory_space<semaphore_mem>>
      %dma_start3A_221 = tpu.memref_squeeze %dma_start3A_220 : memref<1x!tpu.dma_semaphore, #tpu.memory_space<semaphore_mem>> -> memref<!tpu.dma_semaphore, #tpu.memory_space<semaphore_mem>>
      tpu.enqueue_indirect_dma source(%arg4 : memref<128xf32, #tpu.memory_space<vmem>>) target(%dma_start3A_219 : memref<10240xf32, #tpu.memory_space<vmem_shared>>) offsets(%dma_start3A_217 : memref<128xi32, #tpu.memory_space<vmem>>) semaphore(%dma_start3A_221 : memref<!tpu.dma_semaphore, #tpu.memory_space<semaphore_mem>>) {add = true}
      %add3A_222 = arith.constant 1 : i32
      %add3A_223 = arith.addi %mul3A_212, %add3A_222 : i32
      %dma_start3A_224 = arith.constant 1 : i32
      %dma_start3A_225 = arith.constant 0 : i32
      %dma_start3A_226 = tpu.memref_slice %arg5[%add3A_223, %dma_start3A_225] : memref<80x128xi32, #tpu.memory_space<vmem>> -> memref<1x128xi32, #tpu.memory_space<vmem>>
      %dma_start3A_227 = tpu.memref_squeeze %dma_start3A_226 : memref<1x128xi32, #tpu.memory_space<vmem>> -> memref<128xi32, #tpu.memory_space<vmem>>
      %dma_start3A_228 = arith.constant 0 : i32
      %dma_start3A_229 = tpu.memref_slice %arg7[%dma_start3A_228] : memref<10240xf32, #tpu.memory_space<vmem_shared>> -> memref<10240xf32, #tpu.memory_space<vmem_shared>>
      %dma_start3A_230 = tpu.memref_slice %arg8[%dma_start3A_224] : memref<8x!tpu.dma_semaphore, #tpu.memory_space<semaphore_mem>> -> memref<1x!tpu.dma_semaphore, #tpu.memory_space<semaphore_mem>>
      %dma_start3A_231 = tpu.memref_squeeze %dma_start3A_230 : memref<1x!tpu.dma_semaphore, #tpu.memory_space<semaphore_mem>> -> memref<!tpu.dma_semaphore, #tpu.memory_space<semaphore_mem>>
      tpu.enqueue_indirect_dma source(%arg4 : memref<128xf32, #tpu.memory_space<vmem>>) target(%dma_start3A_229 : memref<10240xf32, #tpu.memory_space<vmem_shared>>) offsets(%dma_start3A_227 : memref<128xi32, #tpu.memory_space<vmem>>) semaphore(%dma_start3A_231 : memref<!tpu.dma_semaphore, #tpu.memory_space<semaphore_mem>>) {add = true}
      %add3A_232 = arith.constant 2 : i32
      %add3A_233 = arith.addi %mul3A_212, %add3A_232 : i32
      %dma_start3A_234 = arith.constant 2 : i32
      %dma_start3A_235 = arith.constant 0 : i32
      %dma_start3A_236 = tpu.memref_slice %arg5[%add3A_233, %dma_start3A_235] : memref<80x128xi32, #tpu.memory_space<vmem>> -> memref<1x128xi32, #tpu.memory_space<vmem>>
      %dma_start3A_237 = tpu.memref_squeeze %dma_start3A_236 : memref<1x128xi32, #tpu.memory_space<vmem>> -> memref<128xi32, #tpu.memory_space<vmem>>
      %dma_start3A_238 = arith.constant 0 : i32
      %dma_start3A_239 = tpu.memref_slice %arg7[%dma_start3A_238] : memref<10240xf32, #tpu.memory_space<vmem_shared>> -> memref<10240xf32, #tpu.memory_space<vmem_shared>>
      %dma_start3A_240 = tpu.memref_slice %arg8[%dma_start3A_234] : memref<8x!tpu.dma_semaphore, #tpu.memory_space<semaphore_mem>> -> memref<1x!tpu.dma_semaphore, #tpu.memory_space<semaphore_mem>>
      %dma_start3A_241 = tpu.memref_squeeze %dma_start3A_240 : memref<1x!tpu.dma_semaphore, #tpu.memory_space<semaphore_mem>> -> memref<!tpu.dma_semaphore, #tpu.memory_space<semaphore_mem>>
      tpu.enqueue_indirect_dma source(%arg4 : memref<128xf32, #tpu.memory_space<vmem>>) target(%dma_start3A_239 : memref<10240xf32, #tpu.memory_space<vmem_shared>>) offsets(%dma_start3A_237 : memref<128xi32, #tpu.memory_space<vmem>>) semaphore(%dma_start3A_241 : memref<!tpu.dma_semaphore, #tpu.memory_space<semaphore_mem>>) {add = true}
      %add3A_242 = arith.constant 3 : i32
      %add3A_243 = arith.addi %mul3A_212, %add3A_242 : i32
      %dma_start3A_244 = arith.constant 3 : i32
      %dma_start3A_245 = arith.constant 0 : i32
      %dma_start3A_246 = tpu.memref_slice %arg5[%add3A_243, %dma_start3A_245] : memref<80x128xi32, #tpu.memory_space<vmem>> -> memref<1x128xi32, #tpu.memory_space<vmem>>
      %dma_start3A_247 = tpu.memref_squeeze %dma_start3A_246 : memref<1x128xi32, #tpu.memory_space<vmem>> -> memref<128xi32, #tpu.memory_space<vmem>>
      %dma_start3A_248 = arith.constant 0 : i32
      %dma_start3A_249 = tpu.memref_slice %arg7[%dma_start3A_248] : memref<10240xf32, #tpu.memory_space<vmem_shared>> -> memref<10240xf32, #tpu.memory_space<vmem_shared>>
      %dma_start3A_250 = tpu.memref_slice %arg8[%dma_start3A_244] : memref<8x!tpu.dma_semaphore, #tpu.memory_space<semaphore_mem>> -> memref<1x!tpu.dma_semaphore, #tpu.memory_space<semaphore_mem>>
      %dma_start3A_251 = tpu.memref_squeeze %dma_start3A_250 : memref<1x!tpu.dma_semaphore, #tpu.memory_space<semaphore_mem>> -> memref<!tpu.dma_semaphore, #tpu.memory_space<semaphore_mem>>
      tpu.enqueue_indirect_dma source(%arg4 : memref<128xf32, #tpu.memory_space<vmem>>) target(%dma_start3A_249 : memref<10240xf32, #tpu.memory_space<vmem_shared>>) offsets(%dma_start3A_247 : memref<128xi32, #tpu.memory_space<vmem>>) semaphore(%dma_start3A_251 : memref<!tpu.dma_semaphore, #tpu.memory_space<semaphore_mem>>) {add = true}
      %add3A_252 = arith.constant 4 : i32
      %add3A_253 = arith.addi %mul3A_212, %add3A_252 : i32
      %dma_start3A_254 = arith.constant 4 : i32
      %dma_start3A_255 = arith.constant 0 : i32
      %dma_start3A_256 = tpu.memref_slice %arg5[%add3A_253, %dma_start3A_255] : memref<80x128xi32, #tpu.memory_space<vmem>> -> memref<1x128xi32, #tpu.memory_space<vmem>>
      %dma_start3A_257 = tpu.memref_squeeze %dma_start3A_256 : memref<1x128xi32, #tpu.memory_space<vmem>> -> memref<128xi32, #tpu.memory_space<vmem>>
      %dma_start3A_258 = arith.constant 0 : i32
      %dma_start3A_259 = tpu.memref_slice %arg7[%dma_start3A_258] : memref<10240xf32, #tpu.memory_space<vmem_shared>> -> memref<10240xf32, #tpu.memory_space<vmem_shared>>
      %dma_start3A_260 = tpu.memref_slice %arg8[%dma_start3A_254] : memref<8x!tpu.dma_semaphore, #tpu.memory_space<semaphore_mem>> -> memref<1x!tpu.dma_semaphore, #tpu.memory_space<semaphore_mem>>
      %dma_start3A_261 = tpu.memref_squeeze %dma_start3A_260 : memref<1x!tpu.dma_semaphore, #tpu.memory_space<semaphore_mem>> -> memref<!tpu.dma_semaphore, #tpu.memory_space<semaphore_mem>>
      tpu.enqueue_indirect_dma source(%arg4 : memref<128xf32, #tpu.memory_space<vmem>>) target(%dma_start3A_259 : memref<10240xf32, #tpu.memory_space<vmem_shared>>) offsets(%dma_start3A_257 : memref<128xi32, #tpu.memory_space<vmem>>) semaphore(%dma_start3A_261 : memref<!tpu.dma_semaphore, #tpu.memory_space<semaphore_mem>>) {add = true}
      %add3A_262 = arith.constant 5 : i32
      %add3A_263 = arith.addi %mul3A_212, %add3A_262 : i32
      %dma_start3A_264 = arith.constant 5 : i32
      %dma_start3A_265 = arith.constant 0 : i32
      %dma_start3A_266 = tpu.memref_slice %arg5[%add3A_263, %dma_start3A_265] : memref<80x128xi32, #tpu.memory_space<vmem>> -> memref<1x128xi32, #tpu.memory_space<vmem>>
      %dma_start3A_267 = tpu.memref_squeeze %dma_start3A_266 : memref<1x128xi32, #tpu.memory_space<vmem>> -> memref<128xi32, #tpu.memory_space<vmem>>
      %dma_start3A_268 = arith.constant 0 : i32
      %dma_start3A_269 = tpu.memref_slice %arg7[%dma_start3A_268] : memref<10240xf32, #tpu.memory_space<vmem_shared>> -> memref<10240xf32, #tpu.memory_space<vmem_shared>>
      %dma_start3A_270 = tpu.memref_slice %arg8[%dma_start3A_264] : memref<8x!tpu.dma_semaphore, #tpu.memory_space<semaphore_mem>> -> memref<1x!tpu.dma_semaphore, #tpu.memory_space<semaphore_mem>>
      %dma_start3A_271 = tpu.memref_squeeze %dma_start3A_270 : memref<1x!tpu.dma_semaphore, #tpu.memory_space<semaphore_mem>> -> memref<!tpu.dma_semaphore, #tpu.memory_space<semaphore_mem>>
      tpu.enqueue_indirect_dma source(%arg4 : memref<128xf32, #tpu.memory_space<vmem>>) target(%dma_start3A_269 : memref<10240xf32, #tpu.memory_space<vmem_shared>>) offsets(%dma_start3A_267 : memref<128xi32, #tpu.memory_space<vmem>>) semaphore(%dma_start3A_271 : memref<!tpu.dma_semaphore, #tpu.memory_space<semaphore_mem>>) {add = true}
      %add3A_272 = arith.constant 6 : i32
      %add3A_273 = arith.addi %mul3A_212, %add3A_272 : i32
      %dma_start3A_274 = arith.constant 6 : i32
      %dma_start3A_275 = arith.constant 0 : i32
      %dma_start3A_276 = tpu.memref_slice %arg5[%add3A_273, %dma_start3A_275] : memref<80x128xi32, #tpu.memory_space<vmem>> -> memref<1x128xi32, #tpu.memory_space<vmem>>
      %dma_start3A_277 = tpu.memref_squeeze %dma_start3A_276 : memref<1x128xi32, #tpu.memory_space<vmem>> -> memref<128xi32, #tpu.memory_space<vmem>>
      %dma_start3A_278 = arith.constant 0 : i32
      %dma_start3A_279 = tpu.memref_slice %arg7[%dma_start3A_278] : memref<10240xf32, #tpu.memory_space<vmem_shared>> -> memref<10240xf32, #tpu.memory_space<vmem_shared>>
      %dma_start3A_280 = tpu.memref_slice %arg8[%dma_start3A_274] : memref<8x!tpu.dma_semaphore, #tpu.memory_space<semaphore_mem>> -> memref<1x!tpu.dma_semaphore, #tpu.memory_space<semaphore_mem>>
      %dma_start3A_281 = tpu.memref_squeeze %dma_start3A_280 : memref<1x!tpu.dma_semaphore, #tpu.memory_space<semaphore_mem>> -> memref<!tpu.dma_semaphore, #tpu.memory_space<semaphore_mem>>
      tpu.enqueue_indirect_dma source(%arg4 : memref<128xf32, #tpu.memory_space<vmem>>) target(%dma_start3A_279 : memref<10240xf32, #tpu.memory_space<vmem_shared>>) offsets(%dma_start3A_277 : memref<128xi32, #tpu.memory_space<vmem>>) semaphore(%dma_start3A_281 : memref<!tpu.dma_semaphore, #tpu.memory_space<semaphore_mem>>) {add = true}
      %add3A_282 = arith.constant 7 : i32
      %add3A_283 = arith.addi %mul3A_212, %add3A_282 : i32
      %dma_start3A_284 = arith.constant 7 : i32
      %dma_start3A_285 = arith.constant 0 : i32
      %dma_start3A_286 = tpu.memref_slice %arg5[%add3A_283, %dma_start3A_285] : memref<80x128xi32, #tpu.memory_space<vmem>> -> memref<1x128xi32, #tpu.memory_space<vmem>>
      %dma_start3A_287 = tpu.memref_squeeze %dma_start3A_286 : memref<1x128xi32, #tpu.memory_space<vmem>> -> memref<128xi32, #tpu.memory_space<vmem>>
      %dma_start3A_288 = arith.constant 0 : i32
      %dma_start3A_289 = tpu.memref_slice %arg7[%dma_start3A_288] : memref<10240xf32, #tpu.memory_space<vmem_shared>> -> memref<10240xf32, #tpu.memory_space<vmem_shared>>
      %dma_start3A_290 = tpu.memref_slice %arg8[%dma_start3A_284] : memref<8x!tpu.dma_semaphore, #tpu.memory_space<semaphore_mem>> -> memref<1x!tpu.dma_semaphore, #tpu.memory_space<semaphore_mem>>
      %dma_start3A_291 = tpu.memref_squeeze %dma_start3A_290 : memref<1x!tpu.dma_semaphore, #tpu.memory_space<semaphore_mem>> -> memref<!tpu.dma_semaphore, #tpu.memory_space<semaphore_mem>>
      tpu.enqueue_indirect_dma source(%arg4 : memref<128xf32, #tpu.memory_space<vmem>>) target(%dma_start3A_289 : memref<10240xf32, #tpu.memory_space<vmem_shared>>) offsets(%dma_start3A_287 : memref<128xi32, #tpu.memory_space<vmem>>) semaphore(%dma_start3A_291 : memref<!tpu.dma_semaphore, #tpu.memory_space<semaphore_mem>>) {add = true}
      %dma_wait3A = arith.constant 0 : i32
      %dma_wait3A_292 = arith.constant 0 : i32
      %dma_wait3A_293 = tpu.memref_slice %arg5[%add3A_214, %dma_wait3A_292] : memref<80x128xi32, #tpu.memory_space<vmem>> -> memref<1x128xi32, #tpu.memory_space<vmem>>
      %dma_wait3A_294 = tpu.memref_squeeze %dma_wait3A_293 : memref<1x128xi32, #tpu.memory_space<vmem>> -> memref<128xi32, #tpu.memory_space<vmem>>
      %dma_wait3A_295 = arith.constant 0 : i32
      %dma_wait3A_296 = tpu.memref_slice %arg7[%dma_wait3A_295] : memref<10240xf32, #tpu.memory_space<vmem_shared>> -> memref<10240xf32, #tpu.memory_space<vmem_shared>>
      %dma_wait3A_297 = tpu.memref_slice %arg8[%dma_wait3A] : memref<8x!tpu.dma_semaphore, #tpu.memory_space<semaphore_mem>> -> memref<1x!tpu.dma_semaphore, #tpu.memory_space<semaphore_mem>>
      %dma_wait3A_298 = tpu.memref_squeeze %dma_wait3A_297 : memref<1x!tpu.dma_semaphore, #tpu.memory_space<semaphore_mem>> -> memref<!tpu.dma_semaphore, #tpu.memory_space<semaphore_mem>>
      tpu.wait_indirect_dma semaphore(%dma_wait3A_298 : memref<!tpu.dma_semaphore, #tpu.memory_space<semaphore_mem>>) src(%arg4 : memref<128xf32, #tpu.memory_space<vmem>>) dst(%dma_wait3A_296 : memref<10240xf32, #tpu.memory_space<vmem_shared>>)
      %dma_wait3A_299 = arith.constant 1 : i32
      %dma_wait3A_300 = arith.constant 0 : i32
      %dma_wait3A_301 = tpu.memref_slice %arg5[%add3A_223, %dma_wait3A_300] : memref<80x128xi32, #tpu.memory_space<vmem>> -> memref<1x128xi32, #tpu.memory_space<vmem>>
      %dma_wait3A_302 = tpu.memref_squeeze %dma_wait3A_301 : memref<1x128xi32, #tpu.memory_space<vmem>> -> memref<128xi32, #tpu.memory_space<vmem>>
      %dma_wait3A_303 = arith.constant 0 : i32
      %dma_wait3A_304 = tpu.memref_slice %arg7[%dma_wait3A_303] : memref<10240xf32, #tpu.memory_space<vmem_shared>> -> memref<10240xf32, #tpu.memory_space<vmem_shared>>
      %dma_wait3A_305 = tpu.memref_slice %arg8[%dma_wait3A_299] : memref<8x!tpu.dma_semaphore, #tpu.memory_space<semaphore_mem>> -> memref<1x!tpu.dma_semaphore, #tpu.memory_space<semaphore_mem>>
      %dma_wait3A_306 = tpu.memref_squeeze %dma_wait3A_305 : memref<1x!tpu.dma_semaphore, #tpu.memory_space<semaphore_mem>> -> memref<!tpu.dma_semaphore, #tpu.memory_space<semaphore_mem>>
      tpu.wait_indirect_dma semaphore(%dma_wait3A_306 : memref<!tpu.dma_semaphore, #tpu.memory_space<semaphore_mem>>) src(%arg4 : memref<128xf32, #tpu.memory_space<vmem>>) dst(%dma_wait3A_304 : memref<10240xf32, #tpu.memory_space<vmem_shared>>)
      %dma_wait3A_307 = arith.constant 2 : i32
      %dma_wait3A_308 = arith.constant 0 : i32
      %dma_wait3A_309 = tpu.memref_slice %arg5[%add3A_233, %dma_wait3A_308] : memref<80x128xi32, #tpu.memory_space<vmem>> -> memref<1x128xi32, #tpu.memory_space<vmem>>
      %dma_wait3A_310 = tpu.memref_squeeze %dma_wait3A_309 : memref<1x128xi32, #tpu.memory_space<vmem>> -> memref<128xi32, #tpu.memory_space<vmem>>
      %dma_wait3A_311 = arith.constant 0 : i32
      %dma_wait3A_312 = tpu.memref_slice %arg7[%dma_wait3A_311] : memref<10240xf32, #tpu.memory_space<vmem_shared>> -> memref<10240xf32, #tpu.memory_space<vmem_shared>>
      %dma_wait3A_313 = tpu.memref_slice %arg8[%dma_wait3A_307] : memref<8x!tpu.dma_semaphore, #tpu.memory_space<semaphore_mem>> -> memref<1x!tpu.dma_semaphore, #tpu.memory_space<semaphore_mem>>
      %dma_wait3A_314 = tpu.memref_squeeze %dma_wait3A_313 : memref<1x!tpu.dma_semaphore, #tpu.memory_space<semaphore_mem>> -> memref<!tpu.dma_semaphore, #tpu.memory_space<semaphore_mem>>
      tpu.wait_indirect_dma semaphore(%dma_wait3A_314 : memref<!tpu.dma_semaphore, #tpu.memory_space<semaphore_mem>>) src(%arg4 : memref<128xf32, #tpu.memory_space<vmem>>) dst(%dma_wait3A_312 : memref<10240xf32, #tpu.memory_space<vmem_shared>>)
      %dma_wait3A_315 = arith.constant 3 : i32
      %dma_wait3A_316 = arith.constant 0 : i32
      %dma_wait3A_317 = tpu.memref_slice %arg5[%add3A_243, %dma_wait3A_316] : memref<80x128xi32, #tpu.memory_space<vmem>> -> memref<1x128xi32, #tpu.memory_space<vmem>>
      %dma_wait3A_318 = tpu.memref_squeeze %dma_wait3A_317 : memref<1x128xi32, #tpu.memory_space<vmem>> -> memref<128xi32, #tpu.memory_space<vmem>>
      %dma_wait3A_319 = arith.constant 0 : i32
      %dma_wait3A_320 = tpu.memref_slice %arg7[%dma_wait3A_319] : memref<10240xf32, #tpu.memory_space<vmem_shared>> -> memref<10240xf32, #tpu.memory_space<vmem_shared>>
      %dma_wait3A_321 = tpu.memref_slice %arg8[%dma_wait3A_315] : memref<8x!tpu.dma_semaphore, #tpu.memory_space<semaphore_mem>> -> memref<1x!tpu.dma_semaphore, #tpu.memory_space<semaphore_mem>>
      %dma_wait3A_322 = tpu.memref_squeeze %dma_wait3A_321 : memref<1x!tpu.dma_semaphore, #tpu.memory_space<semaphore_mem>> -> memref<!tpu.dma_semaphore, #tpu.memory_space<semaphore_mem>>
      tpu.wait_indirect_dma semaphore(%dma_wait3A_322 : memref<!tpu.dma_semaphore, #tpu.memory_space<semaphore_mem>>) src(%arg4 : memref<128xf32, #tpu.memory_space<vmem>>) dst(%dma_wait3A_320 : memref<10240xf32, #tpu.memory_space<vmem_shared>>)
      %dma_wait3A_323 = arith.constant 4 : i32
      %dma_wait3A_324 = arith.constant 0 : i32
      %dma_wait3A_325 = tpu.memref_slice %arg5[%add3A_253, %dma_wait3A_324] : memref<80x128xi32, #tpu.memory_space<vmem>> -> memref<1x128xi32, #tpu.memory_space<vmem>>
      %dma_wait3A_326 = tpu.memref_squeeze %dma_wait3A_325 : memref<1x128xi32, #tpu.memory_space<vmem>> -> memref<128xi32, #tpu.memory_space<vmem>>
      %dma_wait3A_327 = arith.constant 0 : i32
      %dma_wait3A_328 = tpu.memref_slice %arg7[%dma_wait3A_327] : memref<10240xf32, #tpu.memory_space<vmem_shared>> -> memref<10240xf32, #tpu.memory_space<vmem_shared>>
      %dma_wait3A_329 = tpu.memref_slice %arg8[%dma_wait3A_323] : memref<8x!tpu.dma_semaphore, #tpu.memory_space<semaphore_mem>> -> memref<1x!tpu.dma_semaphore, #tpu.memory_space<semaphore_mem>>
      %dma_wait3A_330 = tpu.memref_squeeze %dma_wait3A_329 : memref<1x!tpu.dma_semaphore, #tpu.memory_space<semaphore_mem>> -> memref<!tpu.dma_semaphore, #tpu.memory_space<semaphore_mem>>
      tpu.wait_indirect_dma semaphore(%dma_wait3A_330 : memref<!tpu.dma_semaphore, #tpu.memory_space<semaphore_mem>>) src(%arg4 : memref<128xf32, #tpu.memory_space<vmem>>) dst(%dma_wait3A_328 : memref<10240xf32, #tpu.memory_space<vmem_shared>>)
      %dma_wait3A_331 = arith.constant 5 : i32
      %dma_wait3A_332 = arith.constant 0 : i32
      %dma_wait3A_333 = tpu.memref_slice %arg5[%add3A_263, %dma_wait3A_332] : memref<80x128xi32, #tpu.memory_space<vmem>> -> memref<1x128xi32, #tpu.memory_space<vmem>>
      %dma_wait3A_334 = tpu.memref_squeeze %dma_wait3A_333 : memref<1x128xi32, #tpu.memory_space<vmem>> -> memref<128xi32, #tpu.memory_space<vmem>>
      %dma_wait3A_335 = arith.constant 0 : i32
      %dma_wait3A_336 = tpu.memref_slice %arg7[%dma_wait3A_335] : memref<10240xf32, #tpu.memory_space<vmem_shared>> -> memref<10240xf32, #tpu.memory_space<vmem_shared>>
      %dma_wait3A_337 = tpu.memref_slice %arg8[%dma_wait3A_331] : memref<8x!tpu.dma_semaphore, #tpu.memory_space<semaphore_mem>> -> memref<1x!tpu.dma_semaphore, #tpu.memory_space<semaphore_mem>>
      %dma_wait3A_338 = tpu.memref_squeeze %dma_wait3A_337 : memref<1x!tpu.dma_semaphore, #tpu.memory_space<semaphore_mem>> -> memref<!tpu.dma_semaphore, #tpu.memory_space<semaphore_mem>>
      tpu.wait_indirect_dma semaphore(%dma_wait3A_338 : memref<!tpu.dma_semaphore, #tpu.memory_space<semaphore_mem>>) src(%arg4 : memref<128xf32, #tpu.memory_space<vmem>>) dst(%dma_wait3A_336 : memref<10240xf32, #tpu.memory_space<vmem_shared>>)
      %dma_wait3A_339 = arith.constant 6 : i32
      %dma_wait3A_340 = arith.constant 0 : i32
      %dma_wait3A_341 = tpu.memref_slice %arg5[%add3A_273, %dma_wait3A_340] : memref<80x128xi32, #tpu.memory_space<vmem>> -> memref<1x128xi32, #tpu.memory_space<vmem>>
      %dma_wait3A_342 = tpu.memref_squeeze %dma_wait3A_341 : memref<1x128xi32, #tpu.memory_space<vmem>> -> memref<128xi32, #tpu.memory_space<vmem>>
      %dma_wait3A_343 = arith.constant 0 : i32
      %dma_wait3A_344 = tpu.memref_slice %arg7[%dma_wait3A_343] : memref<10240xf32, #tpu.memory_space<vmem_shared>> -> memref<10240xf32, #tpu.memory_space<vmem_shared>>
      %dma_wait3A_345 = tpu.memref_slice %arg8[%dma_wait3A_339] : memref<8x!tpu.dma_semaphore, #tpu.memory_space<semaphore_mem>> -> memref<1x!tpu.dma_semaphore, #tpu.memory_space<semaphore_mem>>
      %dma_wait3A_346 = tpu.memref_squeeze %dma_wait3A_345 : memref<1x!tpu.dma_semaphore, #tpu.memory_space<semaphore_mem>> -> memref<!tpu.dma_semaphore, #tpu.memory_space<semaphore_mem>>
      tpu.wait_indirect_dma semaphore(%dma_wait3A_346 : memref<!tpu.dma_semaphore, #tpu.memory_space<semaphore_mem>>) src(%arg4 : memref<128xf32, #tpu.memory_space<vmem>>) dst(%dma_wait3A_344 : memref<10240xf32, #tpu.memory_space<vmem_shared>>)
      %dma_wait3A_347 = arith.constant 7 : i32
      %dma_wait3A_348 = arith.constant 0 : i32
      %dma_wait3A_349 = tpu.memref_slice %arg5[%add3A_283, %dma_wait3A_348] : memref<80x128xi32, #tpu.memory_space<vmem>> -> memref<1x128xi32, #tpu.memory_space<vmem>>
      %dma_wait3A_350 = tpu.memref_squeeze %dma_wait3A_349 : memref<1x128xi32, #tpu.memory_space<vmem>> -> memref<128xi32, #tpu.memory_space<vmem>>
      %dma_wait3A_351 = arith.constant 0 : i32
      %dma_wait3A_352 = tpu.memref_slice %arg7[%dma_wait3A_351] : memref<10240xf32, #tpu.memory_space<vmem_shared>> -> memref<10240xf32, #tpu.memory_space<vmem_shared>>
      %dma_wait3A_353 = tpu.memref_slice %arg8[%dma_wait3A_347] : memref<8x!tpu.dma_semaphore, #tpu.memory_space<semaphore_mem>> -> memref<1x!tpu.dma_semaphore, #tpu.memory_space<semaphore_mem>>
      %dma_wait3A_354 = tpu.memref_squeeze %dma_wait3A_353 : memref<1x!tpu.dma_semaphore, #tpu.memory_space<semaphore_mem>> -> memref<!tpu.dma_semaphore, #tpu.memory_space<semaphore_mem>>
      tpu.wait_indirect_dma semaphore(%dma_wait3A_354 : memref<!tpu.dma_semaphore, #tpu.memory_space<semaphore_mem>>) src(%arg4 : memref<128xf32, #tpu.memory_space<vmem>>) dst(%dma_wait3A_352 : memref<10240xf32, #tpu.memory_space<vmem_shared>>)
    }
    %scan3A_200 = arith.constant 10 : i32
    %barrier3A_201 = arith.constant 0 : index
    tpu.barrier barrier_id(%barrier3A_201)
    %mul3A_202 = arith.constant 640 : i32
    %mul3A_203 = arith.muli %arg1, %mul3A_202 : i32
    "tpu.region"() ({
      %run_scoped3A = tpu.sem_alloc : memref<!tpu.dma_semaphore, #tpu.memory_space<semaphore_mem>>
      %dma_start3A = tpu.memref_slice %arg7[%mul3A_203] : memref<10240xf32, #tpu.memory_space<vmem_shared>> -> memref<640xf32, #tpu.memory_space<vmem_shared>>
      %dma_start3A_206 = tpu.memref_slice %arg7[%mul3A_203] : memref<10240xf32, #tpu.memory_space<vmem_shared>> -> memref<640xf32, #tpu.memory_space<vmem_shared>>
      tpu.enqueue_dma source(%dma_start3A_206 : memref<640xf32, #tpu.memory_space<vmem_shared>>) target(%arg6 : memref<640xf32, #tpu.memory_space<vmem>>) target_semaphore(%run_scoped3A : memref<!tpu.dma_semaphore, #tpu.memory_space<semaphore_mem>>)
      %dma_wait3A = tpu.memref_slice %arg7[%mul3A_203] : memref<10240xf32, #tpu.memory_space<vmem_shared>> -> memref<640xf32, #tpu.memory_space<vmem_shared>>
      %dma_wait3A_207 = tpu.memref_slice %arg7[%mul3A_203] : memref<10240xf32, #tpu.memory_space<vmem_shared>> -> memref<640xf32, #tpu.memory_space<vmem_shared>>
      tpu.wait_dma2 semaphore(%run_scoped3A : memref<!tpu.dma_semaphore, #tpu.memory_space<semaphore_mem>>) src(%dma_wait3A_207 : memref<640xf32, #tpu.memory_space<vmem_shared>>) dst(%arg6 : memref<640xf32, #tpu.memory_space<vmem>>)
      tpu.yield
    }) : () -> ()
    %mul3A_204 = arith.constant 640 : i32
    %mul3A_205 = arith.muli %arg1, %mul3A_204 : i32
    "tpu.region"() ({
      %run_scoped3A = tpu.sem_alloc : memref<!tpu.dma_semaphore, #tpu.memory_space<semaphore_mem>>
      %dma_start3A = tpu.memref_slice %arg3[%arg0, %mul3A_205] : memref<2x10240xf32, #tpu.memory_space<hbm>> -> memref<1x640xf32, #tpu.memory_space<hbm>>
      %dma_start3A_206 = tpu.memref_squeeze %dma_start3A : memref<1x640xf32, #tpu.memory_space<hbm>> -> memref<640xf32, #tpu.memory_space<hbm>>
      %dma_start3A_207 = tpu.memref_slice %arg3[%arg0, %mul3A_205] : memref<2x10240xf32, #tpu.memory_space<hbm>> -> memref<1x640xf32, #tpu.memory_space<hbm>>
      %dma_start3A_208 = tpu.memref_squeeze %dma_start3A_207 : memref<1x640xf32, #tpu.memory_space<hbm>> -> memref<640xf32, #tpu.memory_space<hbm>>
      tpu.enqueue_dma source(%arg6 : memref<640xf32, #tpu.memory_space<vmem>>) target(%dma_start3A_208 : memref<640xf32, #tpu.memory_space<hbm>>) target_semaphore(%run_scoped3A : memref<!tpu.dma_semaphore, #tpu.memory_space<semaphore_mem>>)
      %dma_wait3A = tpu.memref_slice %arg3[%arg0, %mul3A_205] : memref<2x10240xf32, #tpu.memory_space<hbm>> -> memref<1x640xf32, #tpu.memory_space<hbm>>
      %dma_wait3A_209 = tpu.memref_squeeze %dma_wait3A : memref<1x640xf32, #tpu.memory_space<hbm>> -> memref<640xf32, #tpu.memory_space<hbm>>
      %dma_wait3A_210 = tpu.memref_slice %arg3[%arg0, %mul3A_205] : memref<2x10240xf32, #tpu.memory_space<hbm>> -> memref<1x640xf32, #tpu.memory_space<hbm>>
      %dma_wait3A_211 = tpu.memref_squeeze %dma_wait3A_210 : memref<1x640xf32, #tpu.memory_space<hbm>> -> memref<640xf32, #tpu.memory_space<hbm>>
      tpu.wait_dma2 semaphore(%run_scoped3A : memref<!tpu.dma_semaphore, #tpu.memory_space<semaphore_mem>>) src(%arg6 : memref<640xf32, #tpu.memory_space<vmem>>) dst(%dma_wait3A_211 : memref<640xf32, #tpu.memory_space<hbm>>)
      tpu.yield
    }) : () -> ()
    return
  }
}

module attributes {stable_mosaic.version = 14 : i64} {
  func.func @_tc1_body(%arg0: memref<10240x1xf32, #tpu.memory_space<vmem>>, %arg1: memref<10240x1xf32, #tpu.memory_space<vmem>>, %arg2: memref<10000x128xf32, #tpu.memory_space<vmem>>, %arg3: memref<128x64xf32, #tpu.memory_space<vmem>>, %arg4: memref<2x10240x32xf32, #tpu.memory_space<vmem>>, %arg5: memref<10240x1xf32, #tpu.memory_space<vmem>>) attributes {dimension_semantics = [], scalar_prefetch = 0 : i64, scratch_operands = 0 : i64, tpu.core_type = #tpu.core_type<tc>} {
    %get3A = arith.constant 0 : index
    %get3A_0 = arith.constant 0 : index
    %get3A_1 = vector.load %arg0[%get3A, %get3A_0] : memref<10240x1xf32, #tpu.memory_space<vmem>>, vector<10240x1xf32>
    %get3A_2 = arith.constant 0 : index
    %get3A_3 = arith.constant 0 : index
    %get3A_4 = vector.load %arg1[%get3A_2, %get3A_3] : memref<10240x1xf32, #tpu.memory_space<vmem>>, vector<10240x1xf32>
    %add3A = arith.addf %get3A_1, %get3A_4 : vector<10240x1xf32>
    %add3A_5 = arith.constant 1.000000e+00 : f32
    %add3A_6 = vector.broadcast %add3A_5 : f32 to vector<10240x1xf32>
    %add3A_7 = arith.addf %add3A, %add3A_6 : vector<10240x1xf32>
    %rsqrt3A = math.rsqrt %add3A_7 : vector<10240x1xf32>
    %get3A_8 = arith.constant 0 : index
    %get3A_9 = arith.constant 0 : index
    %get3A_10 = vector.load %arg2[%get3A_8, %get3A_9] : memref<10000x128xf32, #tpu.memory_space<vmem>>, vector<10000x128xf32>
    %get3A_11 = arith.constant 0 : index
    %get3A_12 = arith.constant 0 : index
    %get3A_13 = vector.load %arg3[%get3A_11, %get3A_12] : memref<128x64xf32, #tpu.memory_space<vmem>>, vector<128x64xf32>
    %dot_general3A = arith.constant dense<0.000000e+00> : vector<10000x64xf32>
    %dot_general3A_14 = tpu.matmul %get3A_10, %get3A_13, %dot_general3A {dimension_numbers = #tpu.dot_dimension_numbers<[1], [0], [0], [1], [0, 0, 1, 1], [], []>, transpose_lhs_hint = false} : vector<10000x128xf32>, vector<128x64xf32>, vector<10000x64xf32> -> vector<10000x64xf32>
    %broadcast_in_dim3A = arith.constant 0.000000e+00 : f32
    %broadcast_in_dim3A_15 = vector.broadcast %broadcast_in_dim3A : f32 to vector<240x64xf32>
    %concatenate3A = tpu.concatenate %dot_general3A_14, %broadcast_in_dim3A_15 in 0 : vector<10000x64xf32>, vector<240x64xf32> -> vector<10240x64xf32>
    %mul3A = vector.broadcast %rsqrt3A : vector<10240x1xf32> to vector<10240x64xf32>
    %mul3A_16 = arith.mulf %concatenate3A, %mul3A : vector<10240x64xf32>
    %swap3A = arith.constant 0 : index
    %swap3A_17 = arith.constant 0 : index
    %swap3A_18 = vector.load %arg5[%swap3A, %swap3A_17] : memref<10240x1xf32, #tpu.memory_space<vmem>>, vector<10240x1xf32>
    tpu.vector_store %arg5[%swap3A, %swap3A_17], %rsqrt3A {strides = array<i32>} : memref<10240x1xf32, #tpu.memory_space<vmem>>, vector<10240x1xf32>,
    %slice3A = vector.extract_strided_slice %mul3A_16 {offsets = [0, 0], sizes = [10240, 32], strides = [1, 1]} : vector<10240x64xf32> to vector<10240x32xf32>
    %swap3A_19 = arith.constant 0 : index
    %swap3A_20 = arith.constant 0 : index
    %swap3A_21 = arith.constant 0 : index
    %swap3A_22 = vector.load %arg4[%swap3A_19, %swap3A_20, %swap3A_21] : memref<2x10240x32xf32, #tpu.memory_space<vmem>>, vector<1x10240x32xf32>
    %swap3A_23 = vector.shape_cast %swap3A_22 : vector<1x10240x32xf32> to vector<10240x32xf32>
    %swap3A_24 = vector.shape_cast %slice3A : vector<10240x32xf32> to vector<1x10240x32xf32>
    tpu.vector_store %arg4[%swap3A_19, %swap3A_20, %swap3A_21], %swap3A_24 {strides = array<i32>} : memref<2x10240x32xf32, #tpu.memory_space<vmem>>, vector<1x10240x32xf32>,
    %slice3A_25 = vector.extract_strided_slice %mul3A_16 {offsets = [0, 32], sizes = [10240, 32], strides = [1, 1]} : vector<10240x64xf32> to vector<10240x32xf32>
    %swap3A_26 = arith.constant 1 : index
    %swap3A_27 = arith.constant 0 : index
    %swap3A_28 = arith.constant 0 : index
    %swap3A_29 = vector.load %arg4[%swap3A_26, %swap3A_27, %swap3A_28] : memref<2x10240x32xf32, #tpu.memory_space<vmem>>, vector<1x10240x32xf32>
    %swap3A_30 = vector.shape_cast %swap3A_29 : vector<1x10240x32xf32> to vector<10240x32xf32>
    %swap3A_31 = vector.shape_cast %slice3A_25 : vector<10240x32xf32> to vector<1x10240x32xf32>
    tpu.vector_store %arg4[%swap3A_26, %swap3A_27, %swap3A_28], %swap3A_31 {strides = array<i32>} : memref<2x10240x32xf32, #tpu.memory_space<vmem>>, vector<1x10240x32xf32>,
    return
  }
}

module attributes {stable_mosaic.version = 14 : i64} {
  func.func @_tc2_body(%arg0: memref<2x10240x32xf32, #tpu.memory_space<vmem>>, %arg1: memref<2x10240x32xf32, #tpu.memory_space<vmem>>, %arg2: memref<10240x1xf32, #tpu.memory_space<vmem>>, %arg3: memref<1x64xf32, #tpu.memory_space<vmem>>, %arg4: memref<64x32xf32, #tpu.memory_space<vmem>>, %arg5: memref<2x10240x16xf32, #tpu.memory_space<vmem>>) attributes {dimension_semantics = [], scalar_prefetch = 0 : i64, scratch_operands = 0 : i64, tpu.core_type = #tpu.core_type<tc>} {
    %get3A = arith.constant 0 : index
    %get3A_0 = arith.constant 0 : index
    %get3A_1 = vector.load %arg2[%get3A, %get3A_0] : memref<10240x1xf32, #tpu.memory_space<vmem>>, vector<10240x1xf32>
    %get3A_2 = arith.constant 0 : index
    %get3A_3 = arith.constant 0 : index
    %get3A_4 = arith.constant 0 : index
    %get3A_5 = vector.load %arg0[%get3A_2, %get3A_3, %get3A_4] : memref<2x10240x32xf32, #tpu.memory_space<vmem>>, vector<1x10240x32xf32>
    %get3A_6 = vector.shape_cast %get3A_5 : vector<1x10240x32xf32> to vector<10240x32xf32>
    %get3A_7 = arith.constant 0 : index
    %get3A_8 = arith.constant 0 : index
    %get3A_9 = arith.constant 0 : index
    %get3A_10 = vector.load %arg1[%get3A_7, %get3A_8, %get3A_9] : memref<2x10240x32xf32, #tpu.memory_space<vmem>>, vector<1x10240x32xf32>
    %get3A_11 = vector.shape_cast %get3A_10 : vector<1x10240x32xf32> to vector<10240x32xf32>
    %add3A = arith.addf %get3A_6, %get3A_11 : vector<10240x32xf32>
    %get3A_12 = arith.constant 1 : index
    %get3A_13 = arith.constant 0 : index
    %get3A_14 = arith.constant 0 : index
    %get3A_15 = vector.load %arg0[%get3A_12, %get3A_13, %get3A_14] : memref<2x10240x32xf32, #tpu.memory_space<vmem>>, vector<1x10240x32xf32>
    %get3A_16 = vector.shape_cast %get3A_15 : vector<1x10240x32xf32> to vector<10240x32xf32>
    %get3A_17 = arith.constant 1 : index
    %get3A_18 = arith.constant 0 : index
    %get3A_19 = arith.constant 0 : index
    %get3A_20 = vector.load %arg1[%get3A_17, %get3A_18, %get3A_19] : memref<2x10240x32xf32, #tpu.memory_space<vmem>>, vector<1x10240x32xf32>
    %get3A_21 = vector.shape_cast %get3A_20 : vector<1x10240x32xf32> to vector<10240x32xf32>
    %add3A_22 = arith.addf %get3A_16, %get3A_21 : vector<10240x32xf32>
    %concatenate3A = tpu.concatenate %add3A, %add3A_22 in 1 : vector<10240x32xf32>, vector<10240x32xf32> -> vector<10240x64xf32>
    %mul3A = vector.broadcast %get3A_1 : vector<10240x1xf32> to vector<10240x64xf32>
    %mul3A_23 = arith.mulf %mul3A, %concatenate3A : vector<10240x64xf32>
    %get3A_24 = arith.constant 0 : index
    %get3A_25 = arith.constant 0 : index
    %get3A_26 = vector.load %arg3[%get3A_24, %get3A_25] : memref<1x64xf32, #tpu.memory_space<vmem>>, vector<1x64xf32>
    %add3A_27 = vector.broadcast %get3A_26 : vector<1x64xf32> to vector<10240x64xf32>
    %add3A_28 = arith.addf %mul3A_23, %add3A_27 : vector<10240x64xf32>
    %max3A = arith.constant 0.000000e+00 : f32
    %max3A_29 = vector.broadcast %max3A : f32 to vector<10240x64xf32>
    %max3A_30 = arith.maximumf %add3A_28, %max3A_29 : vector<10240x64xf32>
    %get3A_31 = arith.constant 0 : index
    %get3A_32 = arith.constant 0 : index
    %get3A_33 = vector.load %arg4[%get3A_31, %get3A_32] : memref<64x32xf32, #tpu.memory_space<vmem>>, vector<64x32xf32>
    %dot_general3A = arith.constant dense<0.000000e+00> : vector<10240x32xf32>
    %dot_general3A_34 = tpu.matmul %max3A_30, %get3A_33, %dot_general3A {dimension_numbers = #tpu.dot_dimension_numbers<[1], [0], [0], [1], [0, 0, 1, 1], [], []>, transpose_lhs_hint = false} : vector<10240x64xf32>, vector<64x32xf32>, vector<10240x32xf32> -> vector<10240x32xf32>
    %mul3A_35 = vector.broadcast %get3A_1 : vector<10240x1xf32> to vector<10240x32xf32>
    %mul3A_36 = arith.mulf %dot_general3A_34, %mul3A_35 : vector<10240x32xf32>
    %slice3A = vector.extract_strided_slice %mul3A_36 {offsets = [0, 0], sizes = [10240, 16], strides = [1, 1]} : vector<10240x32xf32> to vector<10240x16xf32>
    %swap3A = arith.constant 0 : index
    %swap3A_37 = arith.constant 0 : index
    %swap3A_38 = arith.constant 0 : index
    %swap3A_39 = vector.load %arg5[%swap3A, %swap3A_37, %swap3A_38] : memref<2x10240x16xf32, #tpu.memory_space<vmem>>, vector<1x10240x16xf32>
    %swap3A_40 = vector.shape_cast %swap3A_39 : vector<1x10240x16xf32> to vector<10240x16xf32>
    %swap3A_41 = vector.shape_cast %slice3A : vector<10240x16xf32> to vector<1x10240x16xf32>
    tpu.vector_store %arg5[%swap3A, %swap3A_37, %swap3A_38], %swap3A_41 {strides = array<i32>} : memref<2x10240x16xf32, #tpu.memory_space<vmem>>, vector<1x10240x16xf32>,
    %slice3A_42 = vector.extract_strided_slice %mul3A_36 {offsets = [0, 16], sizes = [10240, 16], strides = [1, 1]} : vector<10240x32xf32> to vector<10240x16xf32>
    %swap3A_43 = arith.constant 1 : index
    %swap3A_44 = arith.constant 0 : index
    %swap3A_45 = arith.constant 0 : index
    %swap3A_46 = vector.load %arg5[%swap3A_43, %swap3A_44, %swap3A_45] : memref<2x10240x16xf32, #tpu.memory_space<vmem>>, vector<1x10240x16xf32>
    %swap3A_47 = vector.shape_cast %swap3A_46 : vector<1x10240x16xf32> to vector<10240x16xf32>
    %swap3A_48 = vector.shape_cast %slice3A_42 : vector<10240x16xf32> to vector<1x10240x16xf32>
    tpu.vector_store %arg5[%swap3A_43, %swap3A_44, %swap3A_45], %swap3A_48 {strides = array<i32>} : memref<2x10240x16xf32, #tpu.memory_space<vmem>>, vector<1x10240x16xf32>,
    return
  }
}

module attributes {stable_mosaic.version = 14 : i64} {
  func.func @_tc3_body(%arg0: memref<2x10240x16xf32, #tpu.memory_space<vmem>>, %arg1: memref<2x10240x16xf32, #tpu.memory_space<vmem>>, %arg2: memref<10240x1xf32, #tpu.memory_space<vmem>>, %arg3: memref<1x32xf32, #tpu.memory_space<vmem>>, %arg4: memref<1x32xf32, #tpu.memory_space<vmem>>, %arg5: memref<1x1xf32, #tpu.memory_space<vmem>>, %arg6: memref<10240x1xf32, #tpu.memory_space<vmem>>) attributes {dimension_semantics = [], scalar_prefetch = 0 : i64, scratch_operands = 0 : i64, tpu.core_type = #tpu.core_type<tc>} {
    %get3A = arith.constant 0 : index
    %get3A_0 = arith.constant 0 : index
    %get3A_1 = vector.load %arg2[%get3A, %get3A_0] : memref<10240x1xf32, #tpu.memory_space<vmem>>, vector<10240x1xf32>
    %get3A_2 = arith.constant 0 : index
    %get3A_3 = arith.constant 0 : index
    %get3A_4 = arith.constant 0 : index
    %get3A_5 = vector.load %arg0[%get3A_2, %get3A_3, %get3A_4] : memref<2x10240x16xf32, #tpu.memory_space<vmem>>, vector<1x10240x16xf32>
    %get3A_6 = vector.shape_cast %get3A_5 : vector<1x10240x16xf32> to vector<10240x16xf32>
    %get3A_7 = arith.constant 0 : index
    %get3A_8 = arith.constant 0 : index
    %get3A_9 = arith.constant 0 : index
    %get3A_10 = vector.load %arg1[%get3A_7, %get3A_8, %get3A_9] : memref<2x10240x16xf32, #tpu.memory_space<vmem>>, vector<1x10240x16xf32>
    %get3A_11 = vector.shape_cast %get3A_10 : vector<1x10240x16xf32> to vector<10240x16xf32>
    %add3A = arith.addf %get3A_6, %get3A_11 : vector<10240x16xf32>
    %get3A_12 = arith.constant 1 : index
    %get3A_13 = arith.constant 0 : index
    %get3A_14 = arith.constant 0 : index
    %get3A_15 = vector.load %arg0[%get3A_12, %get3A_13, %get3A_14] : memref<2x10240x16xf32, #tpu.memory_space<vmem>>, vector<1x10240x16xf32>
    %get3A_16 = vector.shape_cast %get3A_15 : vector<1x10240x16xf32> to vector<10240x16xf32>
    %get3A_17 = arith.constant 1 : index
    %get3A_18 = arith.constant 0 : index
    %get3A_19 = arith.constant 0 : index
    %get3A_20 = vector.load %arg1[%get3A_17, %get3A_18, %get3A_19] : memref<2x10240x16xf32, #tpu.memory_space<vmem>>, vector<1x10240x16xf32>
    %get3A_21 = vector.shape_cast %get3A_20 : vector<1x10240x16xf32> to vector<10240x16xf32>
    %add3A_22 = arith.addf %get3A_16, %get3A_21 : vector<10240x16xf32>
    %concatenate3A = tpu.concatenate %add3A, %add3A_22 in 1 : vector<10240x16xf32>, vector<10240x16xf32> -> vector<10240x32xf32>
    %mul3A = vector.broadcast %get3A_1 : vector<10240x1xf32> to vector<10240x32xf32>
    %mul3A_23 = arith.mulf %mul3A, %concatenate3A : vector<10240x32xf32>
    %get3A_24 = arith.constant 0 : index
    %get3A_25 = arith.constant 0 : index
    %get3A_26 = vector.load %arg3[%get3A_24, %get3A_25] : memref<1x32xf32, #tpu.memory_space<vmem>>, vector<1x32xf32>
    %add3A_27 = vector.broadcast %get3A_26 : vector<1x32xf32> to vector<10240x32xf32>
    %add3A_28 = arith.addf %mul3A_23, %add3A_27 : vector<10240x32xf32>
    %get3A_29 = arith.constant 0 : index
    %get3A_30 = arith.constant 0 : index
    %get3A_31 = vector.load %arg4[%get3A_29, %get3A_30] : memref<1x32xf32, #tpu.memory_space<vmem>>, vector<1x32xf32>
    %mul3A_32 = vector.broadcast %get3A_31 : vector<1x32xf32> to vector<10240x32xf32>
    %mul3A_33 = arith.mulf %add3A_28, %mul3A_32 : vector<10240x32xf32>
    %reduce_sum3A = arith.constant dense<0.000000e+00> : vector<10240xf32>
    %reduce_sum3A_34 = vector.multi_reduction <add>, %mul3A_33, %reduce_sum3A [1] : vector<10240x32xf32> to vector<10240xf32>
    %broadcast_in_dim3A = vector.shape_cast %reduce_sum3A_34 : vector<10240xf32> to vector<10240x1xf32>
    %get3A_35 = arith.constant 0 : index
    %get3A_36 = arith.constant 0 : index
    %get3A_37 = vector.load %arg5[%get3A_35, %get3A_36] : memref<1x1xf32, #tpu.memory_space<vmem>>, vector<1x1xf32>
    %add3A_38 = vector.broadcast %get3A_37 : vector<1x1xf32> to vector<10240x1xf32>
    %add3A_39 = arith.addf %broadcast_in_dim3A, %add3A_38 : vector<10240x1xf32>
    %logistic3A = arith.negf %add3A_39 : vector<10240x1xf32>
    %logistic3A_40 = math.exp %logistic3A : vector<10240x1xf32>
    %logistic3A_41 = arith.constant 1.000000e+00 : f32
    %logistic3A_42 = vector.broadcast %logistic3A_41 : f32 to vector<10240x1xf32>
    %logistic3A_43 = arith.addf %logistic3A_42, %logistic3A_40 : vector<10240x1xf32>
    %logistic3A_44 = arith.divf %logistic3A_42, %logistic3A_43 : vector<10240x1xf32>
    %swap3A = arith.constant 0 : index
    %swap3A_45 = arith.constant 0 : index
    %swap3A_46 = vector.load %arg6[%swap3A, %swap3A_45] : memref<10240x1xf32, #tpu.memory_space<vmem>>, vector<10240x1xf32>
    tpu.vector_store %arg6[%swap3A, %swap3A_45], %logistic3A_44 {strides = array<i32>} : memref<10240x1xf32, #tpu.memory_space<vmem>>, vector<10240x1xf32>,
    return
  }
}

</mosaic_0001>

<sc_bundles>
// kernel: _run.11.cloned.1.call-start
scs
__scs_entry_jumppad:
0x0: {  	(pc) =	sbr.rel $0x88, $3  }
0x1: {  	(tag) =	ssettag $0x0;
	lr =	simm.s32 $0x1  }
0x2: {  	[smem:$0x3F99] =	sst lr;
	_ =	strace $0xD0000000  }
0x3: {  	_ = 	snop  }
0x4: {  	_ = 	snop  }
0x5: {  	_ = 	snop  }
0x6: {  	_ = 	snop  }
0x7: {  	_ = 	snop  }
__scs_overlays_trampoline_lowered:
0x8: {  	[smem:$0x3FA8] =	sst s0  }
0x9: {  	[smem:$0x3FA9] =	sst s1  }
0xa: {  	[smem:$0x3FAA] =	sst s2  }
0xb: {  	[smem:$0x3FAB] =	sst s3  }
0xc: {  	[smem:$0x3FAC] =	sst s4  }
0xd: {  	[smem:$0x3FAD] =	sst s5  }
0xe: {  	[smem:$0x3FAE] =	sst s6  }
0xf: {  	[smem:$0x3FAF] =	sst s7  }
0x10: {  	[smem:$0x3FB0] =	sst s8  }
0x11: {  	[smem:$0x3FB1] =	sst s9;
	s0 =	simm.s32 @!p0 $0x0  }
0x12: {  	s1 =	sld [smem:$0x3F97];
	s0 =	simm.s32 @p0 $0x1  }
0x13: {  	[smem:$0x3FB2] =	sst s0;
	s0 =	simm.s32 @!p1 $0x0  }
0x14: {  	s2 =	sld [smem:$0x3F96];
	s0 =	simm.s32 @p1 $0x1  }
0x15: {  	[smem:$0x3FB3] =	sst s0;
	s0 =	simm.s32 @!p2 $0x0  }
0x16: {  	s3 =	sld [smem:$0x3FDB];
	s0 =	simm.s32 @p2 $0x1  }
0x17: {  	s4 =	simm.s32 $0x1BF5;
	[smem:$0x3FB5] =	sst s0  }
0x18: {  	s0 =	sld [smem:$0x3F98];
	_ =	swait.ge [sflag:s4], $0x0  }
0x19: {  	s7 =	sld [smem:$0x3F99]  }
0x1a: {  	s8 =	sadd.s32 $0xFFFFE003, lr  }
0x1b: {  	s9 =	sadd.s32 $0xFFFFFEF7, lr;
	s5 =	simm.s32 $0xFFFFFFFF;
	p2 =	slt.u32 s8, $0xFFFFF086  }
0x1c: {  	p1 =	slt.u32 s9, $0xF7A;
	s5 =	simm.s32 @!p2 $0x0  }
0x1d: {  	s5 =	simm.s32 @p1 $0x1;
	p0 =	seq.s32 s7, s2  }
0x1e: {  	s7 =	smul.u32 @!p0 $0xF7A, s2;
	p2 =	seq.s32 @!p0 s5, $0x0  }
0x1f: {  	s9 =	smul.u32 $0xF7A, s1;
	s8 =	simm.s32 @!p0 $0x1BF5;
	p2 =	por !p2, p0  }
0x20: {  	[sflag:s8] =	ssyncset.s32 @!p0 $0xFFFFF086;
	s6 =	sadd.s32 @!p0 s3, s7;
	s7 =	simm.s32 @!p0 $0x108  }
0x21: {  	s3 =	sadd.s32 s3, s9;
	s6 =	sadd.s32 @!p0 $0x88, s6;
	s7 =	simm.s32 @p2 $0x1082  }
0x22: {  	[simem:s7], [sflag:s8] =	dma.local @!p0 [hbm:s6], $0xF7A  }
0x23: {  	s9 =	sor.u32 $0xD0000000, s2;
	s6 =	simm.s32 $0x108;
	_ =	swait.ge @!p0 [sflag:s8], $0x0  }
0x24: {  	s3 =	sadd.s32 $0x88, s3;
	s6 =	simm.s32 @!p1 $0x1082;
	[sflag:s4] =	ssyncset.s32 $0xFFFFF086  }
0x25: {  	[simem:s6], [sflag:s4] =	dma.local [hbm:s3], $0xF7A  }
0x26: {  	[smem:$0x3F99] =	sst s1;
	(tag) =	ssettag s2;
	_ =	strace s9  }
0x27: {  	s1 =	sld [smem:$0x3FA9]  }
0x28: {  	s2 =	sld [smem:$0x3FAA]  }
0x29: {  	s4 =	sld [smem:$0x3FAC]  }
0x2a: {  	p0 =	seq.s32 s5, $0x0;
	s5 =	sld [smem:$0x3FAD]  }
0x2b: {  	s6 =	sld [smem:$0x3FAE]  }
0x2c: {  	s7 =	sld [smem:$0x3FAF]  }
0x2d: {  	s3 =	simm.s32 $0x108;
	s8 =	sld [smem:$0x3FB0]  }
0x2e: {  	s3 =	simm.s32 @!p0 $0x1082;
	s9 =	sld [smem:$0x3FB1]  }
0x2f: {  	lr =	sadd.s32 s0, s3;
	s0 =	sld [smem:$0x3FA8]  }
0x30: {  	s3 =	sld [smem:$0x3FAB]  }
0x31: {  	[smem:$0x3FB4] =	sst s10  }
0x32: {  	s10 =	sld [smem:$0x3FB2];
	_ =	sdelay $0x3  }
0x33: {  	p0 =	seq.s32 s10, $0x1;
	s10 =	sld [smem:$0x3FB4];
	_ =	sdelay $0x3  }
0x34: {  	[smem:$0x3FB4] =	sst s10  }
0x35: {  	s10 =	sld [smem:$0x3FB3];
	_ =	sdelay $0x3  }
0x36: {  	p1 =	seq.s32 s10, $0x1;
	s10 =	sld [smem:$0x3FB4];
	_ =	sdelay $0x3  }
0x37: {  	[smem:$0x3FB4] =	sst s10  }
0x38: {  	s10 =	sld [smem:$0x3FB5]  }
0x39: {  	_ = 	snop;
	(pc) =	sbr.ind lr, $3  }
0x3a: {  	_ = 	snop  }
0x3b: {  	_ = 	snop  }
0x3c: {  	p2 =	seq.s32 s10, $0x1;
	s10 =	sld [smem:$0x3FB4]  }
0x3d: {  	_ =	shalt  }
0x3e: {  	_ =	shalt  }
0x3f: {  	_ =	shalt  }
0x40: {  	_ =	shalt  }
0x41: {  	_ =	shalt  }
0x42: {  	_ =	shalt  }
0x43: {  	_ =	shalt  }
0x44: {  	_ =	shalt  }
0x45: {  	_ =	shalt  }
0x46: {  	_ =	shalt  }
0x47: {  	_ =	shalt  }
0x48: {  	_ =	shalt  }
0x49: {  	_ =	shalt  }
0x4a: {  	_ =	shalt  }
0x4b: {  	_ =	shalt  }
0x4c: {  	_ =	shalt  }
0x4d: {  	_ =	shalt  }
0x4e: {  	_ =	shalt  }
0x4f: {  	_ =	shalt  }
0x50: {  	_ =	shalt  }
0x51: {  	_ =	shalt  }
0x52: {  	_ =	shalt  }
0x53: {  	_ =	shalt  }
0x54: {  	_ =	shalt  }
0x55: {  	_ =	shalt  }
0x56: {  	_ =	shalt  }
0x57: {  	_ =	shalt  }
0x58: {  	_ =	shalt  }
0x59: {  	_ =	shalt  }
0x5a: {  	_ =	shalt  }
0x5b: {  	_ =	shalt  }
0x5c: {  	_ =	shalt  }
0x5d: {  	_ =	shalt  }
0x5e: {  	_ =	shalt  }
0x5f: {  	_ =	shalt  }
0x60: {  	_ =	shalt  }
0x61: {  	_ =	shalt  }
0x62: {  	_ =	shalt  }
0x63: {  	_ =	shalt  }
0x64: {  	_ =	shalt  }
0x65: {  	_ =	shalt  }
0x66: {  	_ =	shalt  }
0x67: {  	_ =	shalt  }
0x68: {  	_ =	shalt  }
0x69: {  	_ =	shalt  }
0x6a: {  	_ =	shalt  }
0x6b: {  	_ =	shalt  }
0x6c: {  	_ =	shalt  }
0x6d: {  	_ =	shalt  }
0x6e: {  	_ =	shalt  }
0x6f: {  	_ =	shalt  }
0x70: {  	_ =	shalt  }
0x71: {  	_ =	shalt  }
0x72: {  	_ =	shalt  }
0x73: {  	_ =	shalt  }
0x74: {  	_ =	shalt  }
0x75: {  	_ =	shalt  }
0x76: {  	_ =	shalt  }
0x77: {  	_ =	shalt  }
0x78: {  	_ =	shalt  }
0x79: {  	_ =	shalt  }
0x7a: {  	_ =	shalt  }
0x7b: {  	_ =	shalt  }
0x7c: {  	_ =	shalt  }
0x7d: {  	_ =	shalt  }
0x7e: {  	_ =	shalt  }
0x7f: {  	_ =	shalt  }
0x80: {  	_ =	shalt  }
0x81: {  	_ =	shalt  }
0x82: {  	_ =	shalt  }
0x83: {  	_ =	shalt  }
0x84: {  	_ =	shalt  }
0x85: {  	_ =	shalt  }
0x86: {  	_ =	shalt  }
0x87: {  	_ =	shalt  }
.Lfunc_end0:
.L_simem_size_0:
called_computation.1_lowered:
.L_overlay_start_0:
0x88: {  	s2 =	sld [smem:$0x3FD9]  }
0x89: {  	s3 =	sld [smem:$0x3FFE];
	_ =	sdelay $0x1  }
0x8a: {  	s1 =	srdreg.scid  }
0x8b: {  	s0 =	sand.u32 $0x1, s1  }
0x8c: {  	s16 =	sshll.u32 s0, $0xA;
	s2 =	sadd.s32 s3, s2  }
0x8d: {  	s2 =	sadd.s32 s2, s16  }
0x8e: {  	[smem:$0x3FC0] =	sst s2  }
0x8f: {  	_ = 	snop  }
0x90: {  	(tm) =	ssettm $0x1  }
0x91: {  	s17 =	sld [smem:$0x3FFB];
	_ =	sdelay $0x3  }
0x92: {  	_ =	strace s17  }
0x93: {  	s2 =	sld [smem:$0x3FFC];
	_ =	sdelay $0x3  }
0x94: {  	_ =	strace s2  }
0x95: {  	s2 =	sld [smem:$0x3FFD];
	_ =	sdelay $0x3  }
0x96: {  	_ =	strace s2  }
0x97: {  	_ =	strace $0x8FFFFFFF  }
0x98: {  	s18 =	sld [smem:$0x3FDB];
	_ =	sdelay $0x1  }
0x99: {  	s19 =	simm.s32 $_scs_section_size  }
0x9a: {  	s4 =	simm.s32 $_size__tile_overlayer_lowered;
	s5 =	simm.s32 $_tile_overlayer_lowered  }
0x9b: {  	s22 =	simm.s32 $0x1BFF;
	s21 =	sshll.u32 s5, $0x1;
	s2 =	sadd.s32 s19, s18  }
0x9c: {  	s6 =	simm.s32 $0x0;
	s20 =	sshll.u32 s4, $0x1;
	s4 =	sadd.s32 s21, s2  }
0x9d: {  	[timem:s6], [sflag:s22] =	dma.local [hbm:s4], s20  }
0x9e: {  	_ =	swait.ge [sflag:s22], s20  }
0x9f: {  	s3 =	ssub.s32 $0x0, s20;
	[sflag:s22] =	ssyncset.done $0x0  }
0xa0: {  	[sflag:s22] =	ssyncadd.s32 s3;
	_ =	sdelay $0x1  }
0xa1: {  	s23 =	simm.s32 $0x1B8B  }
0xa2: {  	_ =	swait.ge [sflag:s23], $0x1  }
0xa3: {  	[sflag:s23] =	ssyncset.done $0x0  }
0xa4: {  	s25 =	simm.s32 $0x1B8E;
	s24 =	sld [smem:$0x3FFE];
	[sflag:s23] =	ssyncadd.s32 $0xFFFFFFFF  }
0xa5: {  	s26 =	simm.s32 $execute0_lowered;
	[smem:$0x3FD2] =	sst s25  }
0xa6: {  	s4 =	sshll.u32 s26, $0x1;
	_ =	strace $0x80000049;
	[dreg:$0x1] =	wrdreg $0xFFFFFFFF  }
0xa7: {  	s28 =	simm.s32 $_size_execute0_lowered;
	s2 =	sadd.s32 s2, s4;
	[dreg:$0x0] =	wrdreg $0x0  }
0xa8: {  	s4 =	sshll.u32 s28, $0x1;
	[dreg:$0x2] =	wrdreg s2  }
0xa9: {  	[dreg:$0x3] =	wrdreg s4  }
0xaa: {  	[dreg:$0x4] =	wrdreg $0xC0  }
0xab: {  	_ =	task [dreg:s6], $0x5FFFF  }
0xac: {  	[dreg:$0x1] =	wrdreg $0xFFFFFFFF  }
0xad: {  	[dreg:$0x0] =	wrdreg $0x60  }
0xae: {  	[dreg:$0x2] =	wrdreg s24  }
0xaf: {  	[dreg:$0x3] =	wrdreg $0x192000  }
0xb0: {  	[dreg:$0x4] =	wrdreg $0x9  }
0xb1: {  	_ =	task.clear_ibuf [dreg:s6], $0x5FFFF;
	_ =	strace $0x90000049  }
0xb2: {  	s29 =	simm.s32 $0x9;
	_ =	strace $0x8000004B  }
0xb3: {  	_ =	swait.ge [sflag:s29], $0x1  }
0xb4: {  	[sflag:s29] =	ssyncadd.s32 $0xFFFFFFFF  }
0xb5: {  	_ =	strace $0x9000004B  }
0xb6: {  	_ =	sfence  }
0xb7: {  	s30 =	sld [smem:$0x0];
	_ =	sdelay $0x2  }
0xb8: {  	s31 =	sshll.u32 s1, $0xD;
	s1 =	sshrl.u32 s1, $0x2  }
0xb9: {  	s3 =	sand.u32 $0x4000, s31;
	s1 =	sadd.s32 s1, s30  }
0xba: {  	s0 =	sor.u32 s3, s0;
	s1 =	sshll.u32 s1, $0x11  }
0xbb: {  	s0 =	sor.u32 s1, s0  }
0xbc: {  	s0 =	sadd.s32 $0x8F2B, s0  }
0xbd: {  	[sflag:s0] =	ssyncadd.remote.s32 $0x1  }
0xbe: {  	_ =	sfence.sel $0xFFFF  }
0xbf: {  	[dreg:$0x0] =	wrdreg $0xFFFFFFFF;
	(pc) =	sbr.abs _section_cstart, $3  }
0xc0: {  	[dreg:$0x1] =	wrdreg $0xFFFFFFFF  }
0xc1: {  	_ =	task.clear_ibuf [dreg:s6], $0x2FFFF;
	_ =	strace $0x9FFFFFFF  }
0xc2: {  	(tm) =	ssettm $0x7FFFFFFF  }
0xc3: {  	_ =	shalt  }
tec
execute0_lowered:
.L_overlay_start_1:
0x0: {  	(tag) =	ssettag $0x1  }
0x1: {  	s0 =	rddreg [dreg:$0x0]  }
0x2: {  	s8 =	stileid.u32;
	s1 =	srdreg.scid  }
0x3: {  	s2 =	rddreg [dreg:$0x1];
	s16 =	simm.s32 $0x0;
	s12 =	simm.s32 $0x14000  }
0x4: {  	s13 =	simm.s32 $0x16;
	s15 =	simm.s32 $0x80;
	s28 =	simm.s32 $0x4  }
0x5: {  	s29 =	simm.s32 $0x5;
	s18 =	simm.s32 $0x6;
	s20 =	simm.s32 $0x7  }
0x6: {  	s22 =	simm.s32 $0x8;
	s10 =	simm.s32 $0xD;
	s14 =	simm.s32 $0xF  }
0x7: {  	s21 =	simm.s32 $0xA000;
	s30 =	simm.s32 $0xC000;
	s3 =	smul.u32 $0xA00, s8  }
0x8: {  	s31 =	simm.s32 $0xD000;
	s11 =	simm.s32 $0x10000;
	s5 =	smul.u32 $0x5000, s8  }
0x9: {  	s1 =	sand.u32 $0x1, s1;
	[smem:$0x7FF] =	sst s16;
	s8 =	smul.u32 $0x14000, s8  }
0xa: {  	s4 =	smul.u32 $0x50000, s1;
	_ =	strace $0x8000004A;
	s1 =	ssub.s32 $0x2, s1  }
0xb: {  	s3 =	sadd.s32 s3, s0;
	s7 =	sshrl.u32 s1, $0x1;
	s24 =	sshrl.u32 s8, $0x2  }
0xc: {  	s25 =	sadd.s32 s5, s2;
	s8 =	simm.s32 $0xB;
	s6 =	sshrl.u32 s4, $0x3  }
0xd: {  	s4 =	sadd.s32 s5, s4;
	s1 =	ssub.s32 s1, s7;
	s23 =	sadd.s32 $0xD000, s3  }
0xe: {  	s3 =	sadd.s32 $0x2600, s3;
	[dreg:$0x5] =	wrdreg s25;
	s5 =	simm.s32 $0xA  }
0xf: {  	s25 =	simm.s32 $0x12000;
	s4 =	sshrl.u32 s4, $0x3;
	[dreg:$0x3] =	wrdreg s23  }
0x10: {  	s9 =	sadd.s32 s6, s0;
	[dreg:$0x4] =	wrdreg s3;
	s6 =	sadd.s32 s24, s2  }
.Ltmp0:
0x11: {  	s26 =	smax.u32 s1, $0x1;
	s3 =	simm.s32 $0xE;
	(pc) =	sbr.rel .LBB2_1-.Ltmp0, $4  }
0x12: {  	s23 =	simm.s32 $0xB000;
	s1 =	simm.s32 $0xE000;
	s24 =	simm.s32 $0x11000  }
0x13: {  	s0 =	sadd.s32 s4, s0;
	s7 =	sadd.s32 $0x8F000, s9;
	[dreg:$0x7] =	wrdreg s26  }
0x14: {  	s4 =	simm.s32 $0x9;
	s9 =	simm.s32 $0xC;
	s0 =	sadd.s32 $0xA3000, s0  }
0x15: {  	v0 =	vimm.f32 $0.0e+00;
	s26 =	simm.s32 $0x13000;
	[dreg:$0x6] =	wrdreg s0;
	s0 =	simm.s32 $0x0  }
.LBB2_6:
0x16: {  	s0 =	simm.s32 $0x10  }
0x17: {  	_ =	swait.ge [sflag:s0], $0x1000  }
0x18: {  	[sflag:s0] =	ssyncset.done $0x0  }
0x19: {  	s17 =	simm.s32 $0x11;
	[sflag:s0] =	ssyncadd.s32 $0xFFFFF000  }
0x1a: {  	_ =	swait.ge [sflag:s17], $0x1000  }
0x1b: {  	[sflag:s17] =	ssyncset.done $0x0  }
0x1c: {  	s19 =	simm.s32 $0x12;
	[sflag:s17] =	ssyncadd.s32 $0xFFFFF000  }
0x1d: {  	_ =	swait.ge [sflag:s19], $0x1000  }
0x1e: {  	[sflag:s19] =	ssyncset.done $0x0  }
0x1f: {  	s16 =	simm.s32 $0x13;
	[sflag:s19] =	ssyncadd.s32 $0xFFFFF000  }
0x20: {  	_ =	swait.ge [sflag:s16], $0x1000  }
0x21: {  	[sflag:s16] =	ssyncset.done $0x0  }
0x22: {  	s17 =	simm.s32 $0x14;
	[sflag:s16] =	ssyncadd.s32 $0xFFFFF000  }
0x23: {  	_ =	swait.ge [sflag:s17], $0x1000  }
0x24: {  	[sflag:s17] =	ssyncset.done $0x0  }
0x25: {  	[sflag:s17] =	ssyncadd.s32 $0xFFFFF000  }
0x26: {  	[bflag:$0x0] =	sbarrier.arrive $0xFFFF  }
0x27: {  	s19 =	simm.s32 $0x14200;
	s16 =	rddreg [dreg:$0x5]  }
0x28: {  	[tilespmem:s19], [sflag:$0x16] =	stream.linear.gather [spmem:s16], $0x5000, $0x38;
	[tilespmem:$0x1E200] =	vst v63  }
0x29: {  	_ =	swait.ge [sflag:s13], $0x5000  }
0x2a: {  	[sflag:s13] =	ssyncset.done $0x0  }
0x2b: {  	s16 =	simm.s32 $0x0;
	s17 =	rddreg [dreg:$0x6];
	[sflag:s13] =	ssyncadd.s32 $0xFFFFB000  }
0x2c: {  	[hbm4b:s17+s16] =	stream.linear.scatter [tilespmem:s19], [sflag:$0x16], $0x5000, $0x38;
	[tilespmem:$0x1E200] =	vst v63  }
0x2d: {  	_ =	swait.ge [sflag:s13], $0x5000  }
0x2e: {  	s17 =	rddreg [dreg:$0x8]  }
0x2f: {  	s19 =	rddreg [dreg:$0x7];
	s0 =	sadd.s32 $0x1, s17  }
0x30: {  	p0 =	sne.s32 s0, s19  }
.Ltmp1:
0x31: {  	_ = 	snop;
	(pc) =	sbr.rel @!p0 .LBB2_7-.Ltmp1, $3  }
0x32: {  	_ =	sdelay $0x1  }
0x33: {  	[sflag:s13] =	ssyncset.done $0x0  }
0x34: {  	[sflag:s13] =	ssyncadd.s32 $0xFFFFB000  }
.LBB2_1:
0x35: {  	[dreg:$0x8] =	wrdreg s0  }
0x36: {  	s17 =	rddreg [dreg:$0x3]  }
0x37: {  	[tilespmem:s16], [sflag:$0x15] =	stream.linear.gather [hbm4b:s17+s16], $0x5000, $0x38;
	[tilespmem:$0x1E200] =	vst v63  }
0x38: {  	s0 =	rddreg [dreg:$0x4];
	s19 =	simm.s32 $0x5000  }
0x39: {  	[tilespmem:s19], [sflag:$0x15] =	stream.linear.gather [hbm4b:s0+s16], $0x5000, $0x38;
	[tilespmem:$0x1E200] =	vst v63  }
0x3a: {  	[tilespmem:$0x14000] =	vst v0  }
0x3b: {  	[tilespmem:$0x14010] =	vst v0  }
0x3c: {  	[tilespmem:$0x14020] =	vst v0  }
0x3d: {  	[tilespmem:$0x14030] =	vst v0  }
0x3e: {  	[tilespmem:$0x14040] =	vst v0  }
0x3f: {  	[tilespmem:$0x14050] =	vst v0  }
0x40: {  	[tilespmem:$0x14060] =	vst v0  }
0x41: {  	[tilespmem:$0x14070] =	vst v0  }
0x42: {  	[tilespmem:$0x14080] =	vst v0  }
0x43: {  	[tilespmem:$0x14090] =	vst v0  }
0x44: {  	[tilespmem:$0x140A0] =	vst v0  }
0x45: {  	[tilespmem:$0x140B0] =	vst v0  }
0x46: {  	[tilespmem:$0x140C0] =	vst v0  }
0x47: {  	[tilespmem:$0x140D0] =	vst v0  }
0x48: {  	[tilespmem:$0x140E0] =	vst v0  }
0x49: {  	[tilespmem:$0x140F0] =	vst v0  }
0x4a: {  	[tilespmem:$0x14100] =	vst v0  }
0x4b: {  	[tilespmem:$0x14110] =	vst v0  }
0x4c: {  	[tilespmem:$0x14120] =	vst v0  }
0x4d: {  	[tilespmem:$0x14130] =	vst v0  }
0x4e: {  	[tilespmem:$0x14140] =	vst v0  }
0x4f: {  	[tilespmem:$0x14150] =	vst v0  }
0x50: {  	[tilespmem:$0x14160] =	vst v0  }
0x51: {  	[tilespmem:$0x14170] =	vst v0  }
0x52: {  	[tilespmem:$0x14180] =	vst v0  }
0x53: {  	[tilespmem:$0x14190] =	vst v0  }
0x54: {  	[tilespmem:$0x141A0] =	vst v0  }
0x55: {  	[tilespmem:$0x141B0] =	vst v0  }
0x56: {  	[tilespmem:$0x141C0] =	vst v0  }
0x57: {  	[tilespmem:$0x141D0] =	vst v0  }
0x58: {  	[tilespmem:$0x141E0] =	vst v0  }
0x59: {  	s19 =	sadd.s32 $0x0, s6;
	[tilespmem:$0x141F0] =	vst v0  }
0x5a: {  	[spmem:s19] =	stream.linear.scatter [tilespmem:s12], [sflag:$0x16], $0x200, $0x38;
	[tilespmem:$0x1E200] =	vst v63  }
0x5b: {  	s16 =	simm.s32 $0x800;
	_ =	swait.ge [sflag:s13], $0x200  }
.LBB2_2:
0x5c: {  	s17 =	sshra.s32 s16, $0x2;
	[sflag:s13] =	ssyncset.done $0x0;
	p0 =	sne.s32 s16, $0x13800  }
.Ltmp2:
0x5d: {  	s17 =	sadd.s32 s17, s6;
	[sflag:s13] =	ssyncadd.s32 $0xFFFFFE00;
	(pc) =	sbr.rel @p0 .LBB2_2-.Ltmp2, $3  }
0x5e: {  	[spmem:s17] =	stream.linear.scatter [tilespmem:s12], [sflag:$0x16], $0x200, $0x38;
	[tilespmem:$0x1E200] =	vst v63  }
0x5f: {  	s16 =	sadd.s32 $0x800, s16;
	_ =	sdelay $0x1  }
0x60: {  	_ =	swait.ge [sflag:s13], $0x200  }
0x61: {  	[sflag:s13] =	ssyncset.done $0x0  }
0x62: {  	s16 =	simm.s32 $0x15;
	[sflag:s13] =	ssyncadd.s32 $0xFFFFFE00  }
0x63: {  	_ =	swait.ge [sflag:s16], $0x5000  }
0x64: {  	[sflag:s16] =	ssyncset.done $0x0  }
0x65: {  	[sflag:s16] =	ssyncadd.s32 $0xFFFFB000  }
0x66: {  	_ =	swait.ge [sflag:s16], $0x5000  }
0x67: {  	[sflag:s16] =	ssyncset.done $0x0  }
0x68: {  	[sflag:s16] =	ssyncadd.s32 $0xFFFFB000  }
0x69: {  	s16 =	simm.s32 $0x0;
	[bflag:$0x0] =	sbarrier.arrive $0xFFFF  }
0x6a: {  	[tilespmem:s21], [sflag:$0x1] =	stream.indirect.gather [hbm4b:s7+s15], $0x20, s16, s15, $0xb8;
	[tilespmem:$0x1E200] =	vst v63  }
0x6b: {  	_ = 	snop  }
0x6c: {  	[tilespmem:s23], [sflag:$0x2] =	stream.indirect.gather [hbm4b:s7+s15], $0x20, s15, s15, $0xb8;
	[tilespmem:$0x1E200] =	vst v63  }
0x6d: {  	s17 =	simm.s32 $0x100  }
0x6e: {  	[tilespmem:s30], [sflag:$0x3] =	stream.indirect.gather [hbm4b:s7+s15], $0x20, s17, s15, $0xb8;
	[tilespmem:$0x1E200] =	vst v63  }
0x6f: {  	s0 =	simm.s32 $0x180  }
0x70: {  	[tilespmem:s31], [sflag:$0x4] =	stream.indirect.gather [hbm4b:s7+s15], $0x20, s0, s15, $0xb8;
	[tilespmem:$0x1E200] =	vst v63  }
0x71: {  	s19 =	simm.s32 $0x200  }
0x72: {  	[tilespmem:s1], [sflag:$0x5] =	stream.indirect.gather [hbm4b:s7+s15], $0x20, s19, s15, $0xb8;
	[tilespmem:$0x1E200] =	vst v63  }
.LBB2_4:
0x73: {  	s0 =	simm.s32 $0x1  }
0x74: {  	_ =	swait.ge [sflag:s0], $0x1000  }
0x75: {  	s17 =	sshra.s32 s16, $0x2;
	[sflag:s0] =	ssyncset.done $0x0  }
0x76: {  	s19 =	sadd.s32 $0x5000, s17;
	[sflag:s0] =	ssyncadd.s32 $0xFFFFF000  }
0x77: {  	[spmem:s2] =	stream.indirect.scatter.add.f32 [tilespmem:s21], [sflag:$0xB], $0x20, s19, s15, $0xb8;
	[tilespmem:$0x1E200] =	vst v63  }
0x78: {  	s19 =	simm.s32 $0x2  }
0x79: {  	_ =	swait.ge [sflag:s19], $0x1000  }
0x7a: {  	[sflag:s19] =	ssyncset.done $0x0  }
0x7b: {  	s0 =	sadd.s32 $0x5080, s17;
	[sflag:s19] =	ssyncadd.s32 $0xFFFFF000;
	s19 =	simm.s32 $0x3  }
0x7c: {  	[spmem:s2] =	stream.indirect.scatter.add.f32 [tilespmem:s23], [sflag:$0xC], $0x20, s0, s15, $0xb8;
	[tilespmem:$0x1E200] =	vst v63  }
0x7d: {  	_ =	swait.ge [sflag:s19], $0x1000  }
0x7e: {  	[sflag:s19] =	ssyncset.done $0x0  }
0x7f: {  	s0 =	sadd.s32 $0x5100, s17;
	[sflag:s19] =	ssyncadd.s32 $0xFFFFF000  }
0x80: {  	[spmem:s2] =	stream.indirect.scatter.add.f32 [tilespmem:s30], [sflag:$0xD], $0x20, s0, s15, $0xb8;
	[tilespmem:$0x1E200] =	vst v63  }
0x81: {  	_ =	swait.ge [sflag:s28], $0x1000  }
0x82: {  	[sflag:s28] =	ssyncset.done $0x0  }
0x83: {  	s0 =	sadd.s32 $0x5180, s17;
	[sflag:s28] =	ssyncadd.s32 $0xFFFFF000  }
0x84: {  	[spmem:s2] =	stream.indirect.scatter.add.f32 [tilespmem:s31], [sflag:$0xE], $0x20, s0, s15, $0xb8;
	[tilespmem:$0x1E200] =	vst v63  }
0x85: {  	_ =	swait.ge [sflag:s29], $0x1000  }
0x86: {  	p0 =	seq.s32 s16, $0x0;
	[sflag:s29] =	ssyncset.done $0x0  }
0x87: {  	s19 =	simm.s32 @!p0 $0x10;
	s0 =	sadd.s32 $0x5200, s17;
	[sflag:s29] =	ssyncadd.s32 $0xFFFFF000  }
0x88: {  	[spmem:s2] =	stream.indirect.scatter.add.f32 [tilespmem:s1], [sflag:$0xF], $0x20, s0, s15, $0xb8;
	[tilespmem:$0x1E200] =	vst v63  }
0x89: {  	_ =	swait.ge @!p0 [sflag:s19], $0x1000  }
0x8a: {  	[sflag:s19] =	ssyncset.done @!p0 $0x0  }
0x8b: {  	[sflag:s19] =	ssyncadd.s32 @!p0 $0xFFFFF000;
	s19 =	simm.s32 @!p0 $0x11  }
0x8c: {  	_ =	swait.ge @!p0 [sflag:s19], $0x1000  }
0x8d: {  	[sflag:s19] =	ssyncset.done @!p0 $0x0  }
0x8e: {  	[sflag:s19] =	ssyncadd.s32 @!p0 $0xFFFFF000;
	s19 =	simm.s32 @!p0 $0x12  }
0x8f: {  	_ =	swait.ge @!p0 [sflag:s19], $0x1000  }
0x90: {  	[sflag:s19] =	ssyncset.done @!p0 $0x0  }
0x91: {  	[sflag:s19] =	ssyncadd.s32 @!p0 $0xFFFFF000;
	s19 =	simm.s32 @!p0 $0x13  }
0x92: {  	_ =	swait.ge @!p0 [sflag:s19], $0x1000  }
0x93: {  	[sflag:s19] =	ssyncset.done @!p0 $0x0  }
0x94: {  	[sflag:s19] =	ssyncadd.s32 @!p0 $0xFFFFF000;
	s19 =	simm.s32 @!p0 $0x14  }
0x95: {  	_ =	swait.ge @!p0 [sflag:s19], $0x1000  }
0x96: {  	[sflag:s19] =	ssyncset.done @!p0 $0x0  }
0x97: {  	s0 =	simm.s32 $0xF000;
	[sflag:s19] =	ssyncadd.s32 @!p0 $0xFFFFF000;
	s19 =	sadd.s32 $0x280, s17  }
0x98: {  	[tilespmem:s0], [sflag:$0x6] =	stream.indirect.gather [hbm4b:s7+s15], $0x20, s19, s15, $0xb8;
	[tilespmem:$0x1E200] =	vst v63  }
0x99: {  	s19 =	sadd.s32 $0x300, s17  }
0x9a: {  	[tilespmem:s11], [sflag:$0x7] =	stream.indirect.gather [hbm4b:s7+s15], $0x20, s19, s15, $0xb8;
	[tilespmem:$0x1E200] =	vst v63  }
0x9b: {  	s19 =	sadd.s32 $0x380, s17  }
0x9c: {  	[tilespmem:s24], [sflag:$0x8] =	stream.indirect.gather [hbm4b:s7+s15], $0x20, s19, s15, $0xb8;
	[tilespmem:$0x1E200] =	vst v63  }
0x9d: {  	s19 =	sadd.s32 $0x400, s17  }
0x9e: {  	[tilespmem:s25], [sflag:$0x9] =	stream.indirect.gather [hbm4b:s7+s15], $0x20, s19, s15, $0xb8;
	[tilespmem:$0x1E200] =	vst v63  }
0x9f: {  	s19 =	sadd.s32 $0x480, s17  }
0xa0: {  	[tilespmem:s26], [sflag:$0xA] =	stream.indirect.gather [hbm4b:s7+s15], $0x20, s19, s15, $0xb8;
	[tilespmem:$0x1E200] =	vst v63  }
0xa1: {  	_ =	swait.ge [sflag:s18], $0x1000  }
0xa2: {  	[sflag:s18] =	ssyncset.done $0x0  }
0xa3: {  	s19 =	sadd.s32 $0x5280, s17;
	[sflag:s18] =	ssyncadd.s32 $0xFFFFF000  }
0xa4: {  	[spmem:s2] =	stream.indirect.scatter.add.f32 [tilespmem:s0], [sflag:$0x10], $0x20, s19, s15, $0xb8;
	[tilespmem:$0x1E200] =	vst v63  }
0xa5: {  	_ =	swait.ge [sflag:s20], $0x1000  }
0xa6: {  	[sflag:s20] =	ssyncset.done $0x0  }
0xa7: {  	s0 =	sadd.s32 $0x5300, s17;
	[sflag:s20] =	ssyncadd.s32 $0xFFFFF000  }
0xa8: {  	[spmem:s2] =	stream.indirect.scatter.add.f32 [tilespmem:s11], [sflag:$0x11], $0x20, s0, s15, $0xb8;
	[tilespmem:$0x1E200] =	vst v63  }
0xa9: {  	_ =	swait.ge [sflag:s22], $0x1000  }
0xaa: {  	[sflag:s22] =	ssyncset.done $0x0  }
0xab: {  	s0 =	sadd.s32 $0x5380, s17;
	[sflag:s22] =	ssyncadd.s32 $0xFFFFF000  }
0xac: {  	[spmem:s2] =	stream.indirect.scatter.add.f32 [tilespmem:s24], [sflag:$0x12], $0x20, s0, s15, $0xb8;
	[tilespmem:$0x1E200] =	vst v63  }
0xad: {  	_ =	swait.ge [sflag:s4], $0x1000  }
0xae: {  	[sflag:s4] =	ssyncset.done $0x0  }
0xaf: {  	s0 =	sadd.s32 $0x5400, s17;
	[sflag:s4] =	ssyncadd.s32 $0xFFFFF000  }
0xb0: {  	[spmem:s2] =	stream.indirect.scatter.add.f32 [tilespmem:s25], [sflag:$0x13], $0x20, s0, s15, $0xb8;
	[tilespmem:$0x1E200] =	vst v63  }
0xb1: {  	_ =	swait.ge [sflag:s5], $0x1000  }
0xb2: {  	[sflag:s5] =	ssyncset.done $0x0  }
0xb3: {  	s0 =	sadd.s32 $0x5480, s17;
	[sflag:s5] =	ssyncadd.s32 $0xFFFFF000  }
0xb4: {  	[spmem:s2] =	stream.indirect.scatter.add.f32 [tilespmem:s26], [sflag:$0x14], $0x20, s0, s15, $0xb8;
	[tilespmem:$0x1E200] =	vst v63  }
0xb5: {  	_ =	swait.ge [sflag:s8], $0x1000  }
0xb6: {  	[sflag:s8] =	ssyncset.done $0x0  }
0xb7: {  	[sflag:s8] =	ssyncadd.s32 $0xFFFFF000  }
0xb8: {  	_ =	swait.ge [sflag:s9], $0x1000  }
0xb9: {  	[sflag:s9] =	ssyncset.done $0x0  }
0xba: {  	[sflag:s9] =	ssyncadd.s32 $0xFFFFF000  }
0xbb: {  	_ =	swait.ge [sflag:s10], $0x1000  }
0xbc: {  	[sflag:s10] =	ssyncset.done $0x0  }
0xbd: {  	[sflag:s10] =	ssyncadd.s32 $0xFFFFF000  }
0xbe: {  	p0 =	seq.s32 s16, $0x12C00;
	_ =	swait.ge [sflag:s3], $0x1000  }
.Ltmp3:
0xbf: {  	[sflag:s3] =	ssyncset.done $0x0;
	(pc) =	sbr.rel @p0 .LBB2_6-.Ltmp3, $4  }
0xc0: {  	[sflag:s3] =	ssyncadd.s32 $0xFFFFF000  }
0xc1: {  	_ =	swait.ge [sflag:s14], $0x1000  }
0xc2: {  	[sflag:s14] =	ssyncset.done $0x0  }
0xc3: {  	[sflag:s14] =	ssyncadd.s32 $0xFFFFF000  }
0xc4: {  	s19 =	sadd.s32 $0x500, s17  }
0xc5: {  	[tilespmem:s21], [sflag:$0x1] =	stream.indirect.gather [hbm4b:s7+s15], $0x20, s19, s15, $0xb8;
	[tilespmem:$0x1E200] =	vst v63  }
0xc6: {  	s0 =	sadd.s32 $0x580, s17  }
0xc7: {  	[tilespmem:s23], [sflag:$0x2] =	stream.indirect.gather [hbm4b:s7+s15], $0x20, s0, s15, $0xb8;
	[tilespmem:$0x1E200] =	vst v63  }
0xc8: {  	s0 =	sadd.s32 $0x600, s17  }
0xc9: {  	[tilespmem:s30], [sflag:$0x3] =	stream.indirect.gather [hbm4b:s7+s15], $0x20, s0, s15, $0xb8;
	[tilespmem:$0x1E200] =	vst v63  }
.Ltmp4:
0xca: {  	_ = 	snop;
	(pc) =	sbr.rel .LBB2_4-.Ltmp4, $4  }
0xcb: {  	s0 =	sadd.s32 $0x680, s17  }
0xcc: {  	[tilespmem:s31], [sflag:$0x4] =	stream.indirect.gather [hbm4b:s7+s15], $0x20, s0, s15, $0xb8;
	[tilespmem:$0x1E200] =	vst v63  }
0xcd: {  	s16 =	sadd.s32 $0x1400, s16;
	s19 =	sadd.s32 $0x700, s17  }
0xce: {  	[tilespmem:s1], [sflag:$0x5] =	stream.indirect.gather [hbm4b:s7+s15], $0x20, s19, s15, $0xb8;
	[tilespmem:$0x1E200] =	vst v63  }
.LBB2_7:
0xcf: {  	_ =	sfence.sel $0x180000  }
0xd0: {  	[bflag:$0x0] =	sbarrier.arrive $0xFFFF  }
0xd1: {  	_ =	strace $0x9000004A  }
0xd2: {  	s0 =	stileid.u32;
	[bflag:$0x2] =	sbarrier.arrive $0xFFFF  }
0xd3: {  	p0 =	sne.s32 s0, $0x0;
	s0 =	rddreg [dreg:$0x2]  }
0xd4: {  	s0 =	sadd.s32 @!p0 $0x100000, s0  }
0xd5: {  	[sflag:s0] =	ssyncadd.tile.s32 @!p0 $0x1;
	_ =	shalt  }
.Lfunc_end2:
_tile_overlayer_lowered:
.L_overlay_start_2:
0xd6: {  	(tag) =	ssettag $0x2  }
0xd7: {  	s0 =	rddreg [dreg:$0x0];
	s2 =	stileid.u32  }
0xd8: {  	s1 =	rddreg [dreg:$0x1];
	p0 =	sne.s32 s2, $0x0  }
0xd9: {  	s3 =	rddreg [dreg:$0x2];
	[bflag:$0x3] =	sbarrier.arrive $0xFFFF;
	s2 =	simm.s32 @!p0 $0x1C16  }
0xda: {  	[timem:s3], [sflag:s2] =	dma.local @!p0 [hbm:s0], s1  }
0xdb: {  	s0 =	simm.s32 @!p0 $0x16  }
0xdc: {  	_ =	swait.ge @!p0 [sflag:s0], s1  }
0xdd: {  	s1 =	ssub.s32 @!p0 $0x0, s1;
	[sflag:s0] =	ssyncset.done @!p0 $0x0  }
0xde: {  	[sflag:s0] =	ssyncadd.s32 @!p0 s1  }
0xdf: {  	[bflag:$0x3] =	sbarrier.arrive $0xFFFF  }
0xe0: {  	_ =	shalt  }

// kernel: _run.14.cloned.1.call-start
scs
__scs_entry_jumppad:
0x0: {  	(pc) =	sbr.rel $0x88, $3  }
0x1: {  	(tag) =	ssettag $0x0;
	lr =	simm.s32 $0x1  }
0x2: {  	[smem:$0x3F99] =	sst lr;
	_ =	strace $0xD0000000  }
0x3: {  	_ = 	snop  }
0x4: {  	_ = 	snop  }
0x5: {  	_ = 	snop  }
0x6: {  	_ = 	snop  }
0x7: {  	_ = 	snop  }
__scs_overlays_trampoline_lowered:
0x8: {  	[smem:$0x3FA8] =	sst s0  }
0x9: {  	[smem:$0x3FA9] =	sst s1  }
0xa: {  	[smem:$0x3FAA] =	sst s2  }
0xb: {  	[smem:$0x3FAB] =	sst s3  }
0xc: {  	[smem:$0x3FAC] =	sst s4  }
0xd: {  	[smem:$0x3FAD] =	sst s5  }
0xe: {  	[smem:$0x3FAE] =	sst s6  }
0xf: {  	[smem:$0x3FAF] =	sst s7  }
0x10: {  	[smem:$0x3FB0] =	sst s8  }
0x11: {  	[smem:$0x3FB1] =	sst s9;
	s0 =	simm.s32 @!p0 $0x0  }
0x12: {  	s1 =	sld [smem:$0x3F97];
	s0 =	simm.s32 @p0 $0x1  }
0x13: {  	[smem:$0x3FB2] =	sst s0;
	s0 =	simm.s32 @!p1 $0x0  }
0x14: {  	s2 =	sld [smem:$0x3F96];
	s0 =	simm.s32 @p1 $0x1  }
0x15: {  	[smem:$0x3FB3] =	sst s0;
	s0 =	simm.s32 @!p2 $0x0  }
0x16: {  	s3 =	sld [smem:$0x3FDB];
	s0 =	simm.s32 @p2 $0x1  }
0x17: {  	s4 =	simm.s32 $0x1BF5;
	[smem:$0x3FB5] =	sst s0  }
0x18: {  	s0 =	sld [smem:$0x3F98];
	_ =	swait.ge [sflag:s4], $0x0  }
0x19: {  	s7 =	sld [smem:$0x3F99]  }
0x1a: {  	s8 =	sadd.s32 $0xFFFFE003, lr  }
0x1b: {  	s9 =	sadd.s32 $0xFFFFFEF7, lr;
	s5 =	simm.s32 $0xFFFFFFFF;
	p2 =	slt.u32 s8, $0xFFFFF086  }
0x1c: {  	p1 =	slt.u32 s9, $0xF7A;
	s5 =	simm.s32 @!p2 $0x0  }
0x1d: {  	s5 =	simm.s32 @p1 $0x1;
	p0 =	seq.s32 s7, s2  }
0x1e: {  	s7 =	smul.u32 @!p0 $0xF7A, s2;
	p2 =	seq.s32 @!p0 s5, $0x0  }
0x1f: {  	s9 =	smul.u32 $0xF7A, s1;
	s8 =	simm.s32 @!p0 $0x1BF5;
	p2 =	por !p2, p0  }
0x20: {  	[sflag:s8] =	ssyncset.s32 @!p0 $0xFFFFF086;
	s6 =	sadd.s32 @!p0 s3, s7;
	s7 =	simm.s32 @!p0 $0x108  }
0x21: {  	s3 =	sadd.s32 s3, s9;
	s6 =	sadd.s32 @!p0 $0x88, s6;
	s7 =	simm.s32 @p2 $0x1082  }
0x22: {  	[simem:s7], [sflag:s8] =	dma.local @!p0 [hbm:s6], $0xF7A  }
0x23: {  	s9 =	sor.u32 $0xD0000000, s2;
	s6 =	simm.s32 $0x108;
	_ =	swait.ge @!p0 [sflag:s8], $0x0  }
0x24: {  	s3 =	sadd.s32 $0x88, s3;
	s6 =	simm.s32 @!p1 $0x1082;
	[sflag:s4] =	ssyncset.s32 $0xFFFFF086  }
0x25: {  	[simem:s6], [sflag:s4] =	dma.local [hbm:s3], $0xF7A  }
0x26: {  	[smem:$0x3F99] =	sst s1;
	(tag) =	ssettag s2;
	_ =	strace s9  }
0x27: {  	s1 =	sld [smem:$0x3FA9]  }
0x28: {  	s2 =	sld [smem:$0x3FAA]  }
0x29: {  	s4 =	sld [smem:$0x3FAC]  }
0x2a: {  	p0 =	seq.s32 s5, $0x0;
	s5 =	sld [smem:$0x3FAD]  }
0x2b: {  	s6 =	sld [smem:$0x3FAE]  }
0x2c: {  	s7 =	sld [smem:$0x3FAF]  }
0x2d: {  	s3 =	simm.s32 $0x108;
	s8 =	sld [smem:$0x3FB0]  }
0x2e: {  	s3 =	simm.s32 @!p0 $0x1082;
	s9 =	sld [smem:$0x3FB1]  }
0x2f: {  	lr =	sadd.s32 s0, s3;
	s0 =	sld [smem:$0x3FA8]  }
0x30: {  	s3 =	sld [smem:$0x3FAB]  }
0x31: {  	[smem:$0x3FB4] =	sst s10  }
0x32: {  	s10 =	sld [smem:$0x3FB2];
	_ =	sdelay $0x3  }
0x33: {  	p0 =	seq.s32 s10, $0x1;
	s10 =	sld [smem:$0x3FB4];
	_ =	sdelay $0x3  }
0x34: {  	[smem:$0x3FB4] =	sst s10  }
0x35: {  	s10 =	sld [smem:$0x3FB3];
	_ =	sdelay $0x3  }
0x36: {  	p1 =	seq.s32 s10, $0x1;
	s10 =	sld [smem:$0x3FB4];
	_ =	sdelay $0x3  }
0x37: {  	[smem:$0x3FB4] =	sst s10  }
0x38: {  	s10 =	sld [smem:$0x3FB5]  }
0x39: {  	_ = 	snop;
	(pc) =	sbr.ind lr, $3  }
0x3a: {  	_ = 	snop  }
0x3b: {  	_ = 	snop  }
0x3c: {  	p2 =	seq.s32 s10, $0x1;
	s10 =	sld [smem:$0x3FB4]  }
0x3d: {  	_ =	shalt  }
0x3e: {  	_ =	shalt  }
0x3f: {  	_ =	shalt  }
0x40: {  	_ =	shalt  }
0x41: {  	_ =	shalt  }
0x42: {  	_ =	shalt  }
0x43: {  	_ =	shalt  }
0x44: {  	_ =	shalt  }
0x45: {  	_ =	shalt  }
0x46: {  	_ =	shalt  }
0x47: {  	_ =	shalt  }
0x48: {  	_ =	shalt  }
0x49: {  	_ =	shalt  }
0x4a: {  	_ =	shalt  }
0x4b: {  	_ =	shalt  }
0x4c: {  	_ =	shalt  }
0x4d: {  	_ =	shalt  }
0x4e: {  	_ =	shalt  }
0x4f: {  	_ =	shalt  }
0x50: {  	_ =	shalt  }
0x51: {  	_ =	shalt  }
0x52: {  	_ =	shalt  }
0x53: {  	_ =	shalt  }
0x54: {  	_ =	shalt  }
0x55: {  	_ =	shalt  }
0x56: {  	_ =	shalt  }
0x57: {  	_ =	shalt  }
0x58: {  	_ =	shalt  }
0x59: {  	_ =	shalt  }
0x5a: {  	_ =	shalt  }
0x5b: {  	_ =	shalt  }
0x5c: {  	_ =	shalt  }
0x5d: {  	_ =	shalt  }
0x5e: {  	_ =	shalt  }
0x5f: {  	_ =	shalt  }
0x60: {  	_ =	shalt  }
0x61: {  	_ =	shalt  }
0x62: {  	_ =	shalt  }
0x63: {  	_ =	shalt  }
0x64: {  	_ =	shalt  }
0x65: {  	_ =	shalt  }
0x66: {  	_ =	shalt  }
0x67: {  	_ =	shalt  }
0x68: {  	_ =	shalt  }
0x69: {  	_ =	shalt  }
0x6a: {  	_ =	shalt  }
0x6b: {  	_ =	shalt  }
0x6c: {  	_ =	shalt  }
0x6d: {  	_ =	shalt  }
0x6e: {  	_ =	shalt  }
0x6f: {  	_ =	shalt  }
0x70: {  	_ =	shalt  }
0x71: {  	_ =	shalt  }
0x72: {  	_ =	shalt  }
0x73: {  	_ =	shalt  }
0x74: {  	_ =	shalt  }
0x75: {  	_ =	shalt  }
0x76: {  	_ =	shalt  }
0x77: {  	_ =	shalt  }
0x78: {  	_ =	shalt  }
0x79: {  	_ =	shalt  }
0x7a: {  	_ =	shalt  }
0x7b: {  	_ =	shalt  }
0x7c: {  	_ =	shalt  }
0x7d: {  	_ =	shalt  }
0x7e: {  	_ =	shalt  }
0x7f: {  	_ =	shalt  }
0x80: {  	_ =	shalt  }
0x81: {  	_ =	shalt  }
0x82: {  	_ =	shalt  }
0x83: {  	_ =	shalt  }
0x84: {  	_ =	shalt  }
0x85: {  	_ =	shalt  }
0x86: {  	_ =	shalt  }
0x87: {  	_ =	shalt  }
.Lfunc_end0:
.L_simem_size_0:
called_computation.2_lowered:
.L_overlay_start_0:
0x88: {  	s2 =	sld [smem:$0x3FD9]  }
0x89: {  	s3 =	sld [smem:$0x3FFE];
	_ =	sdelay $0x1  }
0x8a: {  	s1 =	srdreg.scid  }
0x8b: {  	s0 =	sand.u32 $0x1, s1  }
0x8c: {  	s16 =	sshll.u32 s0, $0xA;
	s2 =	sadd.s32 s3, s2  }
0x8d: {  	s2 =	sadd.s32 s2, s16  }
0x8e: {  	[smem:$0x3FC0] =	sst s2  }
0x8f: {  	_ = 	snop  }
0x90: {  	(tm) =	ssettm $0x1  }
0x91: {  	s17 =	sld [smem:$0x3FFB];
	_ =	sdelay $0x3  }
0x92: {  	_ =	strace s17  }
0x93: {  	s2 =	sld [smem:$0x3FFC];
	_ =	sdelay $0x3  }
0x94: {  	_ =	strace s2  }
0x95: {  	s2 =	sld [smem:$0x3FFD];
	_ =	sdelay $0x3  }
0x96: {  	_ =	strace s2  }
0x97: {  	_ =	strace $0x8FFFFFFF  }
0x98: {  	s18 =	sld [smem:$0x3FDB];
	_ =	sdelay $0x1  }
0x99: {  	s19 =	simm.s32 $_scs_section_size  }
0x9a: {  	s4 =	simm.s32 $_size__tile_overlayer_lowered;
	s5 =	simm.s32 $_tile_overlayer_lowered  }
0x9b: {  	s22 =	simm.s32 $0x1BFF;
	s21 =	sshll.u32 s5, $0x1;
	s2 =	sadd.s32 s19, s18  }
0x9c: {  	s6 =	simm.s32 $0x0;
	s20 =	sshll.u32 s4, $0x1;
	s4 =	sadd.s32 s21, s2  }
0x9d: {  	[timem:s6], [sflag:s22] =	dma.local [hbm:s4], s20  }
0x9e: {  	_ =	swait.ge [sflag:s22], s20  }
0x9f: {  	s3 =	ssub.s32 $0x0, s20;
	[sflag:s22] =	ssyncset.done $0x0  }
0xa0: {  	[sflag:s22] =	ssyncadd.s32 s3;
	_ =	sdelay $0x1  }
0xa1: {  	s23 =	simm.s32 $0x1B8B  }
0xa2: {  	_ =	swait.ge [sflag:s23], $0x1  }
0xa3: {  	[sflag:s23] =	ssyncset.done $0x0  }
0xa4: {  	s25 =	simm.s32 $0x1B8E;
	s24 =	sld [smem:$0x3FFE];
	[sflag:s23] =	ssyncadd.s32 $0xFFFFFFFF  }
0xa5: {  	s26 =	simm.s32 $execute0_lowered;
	[smem:$0x3FD2] =	sst s25  }
0xa6: {  	s4 =	sshll.u32 s26, $0x1;
	_ =	strace $0x8000004C;
	[dreg:$0x1] =	wrdreg $0xFFFFFFFF  }
0xa7: {  	s28 =	simm.s32 $_size_execute0_lowered;
	s2 =	sadd.s32 s2, s4;
	[dreg:$0x0] =	wrdreg $0x0  }
0xa8: {  	s4 =	sshll.u32 s28, $0x1;
	[dreg:$0x2] =	wrdreg s2  }
0xa9: {  	[dreg:$0x3] =	wrdreg s4  }
0xaa: {  	[dreg:$0x4] =	wrdreg $0xC0  }
0xab: {  	_ =	task [dreg:s6], $0x5FFFF  }
0xac: {  	[dreg:$0x1] =	wrdreg $0xFFFFFFFF  }
0xad: {  	[dreg:$0x0] =	wrdreg $0x60  }
0xae: {  	[dreg:$0x2] =	wrdreg s24  }
0xaf: {  	[dreg:$0x3] =	wrdreg $0x119000  }
0xb0: {  	[dreg:$0x4] =	wrdreg $0x9  }
0xb1: {  	_ =	task.clear_ibuf [dreg:s6], $0x5FFFF;
	_ =	strace $0x9000004C  }
0xb2: {  	s29 =	simm.s32 $0x9;
	_ =	strace $0x8000004E  }
0xb3: {  	_ =	swait.ge [sflag:s29], $0x1  }
0xb4: {  	[sflag:s29] =	ssyncadd.s32 $0xFFFFFFFF  }
0xb5: {  	_ =	strace $0x9000004E  }
0xb6: {  	_ =	sfence  }
0xb7: {  	s30 =	sld [smem:$0x0];
	_ =	sdelay $0x2  }
0xb8: {  	s31 =	sshll.u32 s1, $0xD;
	s1 =	sshrl.u32 s1, $0x2  }
0xb9: {  	s3 =	sand.u32 $0x4000, s31;
	s1 =	sadd.s32 s1, s30  }
0xba: {  	s0 =	sor.u32 s3, s0;
	s1 =	sshll.u32 s1, $0x11  }
0xbb: {  	s0 =	sor.u32 s1, s0  }
0xbc: {  	s0 =	sadd.s32 $0x8F2B, s0  }
0xbd: {  	[sflag:s0] =	ssyncadd.remote.s32 $0x1  }
0xbe: {  	_ =	sfence.sel $0xFFFF  }
0xbf: {  	[dreg:$0x0] =	wrdreg $0xFFFFFFFF;
	(pc) =	sbr.abs _section_cstart, $3  }
0xc0: {  	[dreg:$0x1] =	wrdreg $0xFFFFFFFF  }
0xc1: {  	_ =	task.clear_ibuf [dreg:s6], $0x2FFFF;
	_ =	strace $0x9FFFFFFF  }
0xc2: {  	(tm) =	ssettm $0x7FFFFFFF  }
0xc3: {  	_ =	shalt  }
tec
execute0_lowered:
.L_overlay_start_1:
0x0: {  	(tag) =	ssettag $0x1  }
0x1: {  	s0 =	rddreg [dreg:$0x0]  }
0x2: {  	s8 =	stileid.u32;
	s1 =	srdreg.scid  }
0x3: {  	s2 =	rddreg [dreg:$0x1];
	s16 =	simm.s32 $0x0;
	s12 =	simm.s32 $0xF000  }
0x4: {  	s13 =	simm.s32 $0x16;
	s15 =	simm.s32 $0x80;
	s28 =	simm.s32 $0x4  }
0x5: {  	s29 =	simm.s32 $0x5;
	s18 =	simm.s32 $0x6;
	s20 =	simm.s32 $0x7  }
0x6: {  	s22 =	simm.s32 $0x8;
	s10 =	simm.s32 $0xD;
	s14 =	simm.s32 $0xF  }
0x7: {  	s21 =	simm.s32 $0xA000;
	s30 =	simm.s32 $0xB000;
	s3 =	smul.u32 $0xA00, s8  }
0x8: {  	s31 =	simm.s32 $0xB800;
	s11 =	simm.s32 $0xD000;
	s5 =	smul.u32 $0x2800, s8  }
0x9: {  	s1 =	sand.u32 $0x1, s1;
	[smem:$0x7FF] =	sst s16;
	s8 =	smul.u32 $0xA000, s8  }
0xa: {  	s4 =	smul.u32 $0x28000, s1;
	_ =	strace $0x8000004D;
	s1 =	ssub.s32 $0x2, s1  }
0xb: {  	s3 =	sadd.s32 s3, s0;
	s7 =	sshrl.u32 s1, $0x1;
	s24 =	sshrl.u32 s8, $0x2  }
0xc: {  	s25 =	sadd.s32 s5, s2;
	s8 =	simm.s32 $0xB;
	s6 =	sshrl.u32 s4, $0x3  }
0xd: {  	s4 =	sadd.s32 s5, s4;
	s1 =	ssub.s32 s1, s7;
	s23 =	sadd.s32 $0xD000, s3  }
0xe: {  	s3 =	sadd.s32 $0x2600, s3;
	[dreg:$0x5] =	wrdreg s25;
	s5 =	simm.s32 $0xA  }
0xf: {  	s25 =	simm.s32 $0xE000;
	s4 =	sshrl.u32 s4, $0x3;
	[dreg:$0x3] =	wrdreg s23  }
0x10: {  	s9 =	sadd.s32 s6, s0;
	[dreg:$0x4] =	wrdreg s3;
	s6 =	sadd.s32 s24, s2  }
.Ltmp0:
0x11: {  	s26 =	smax.u32 s1, $0x1;
	s3 =	simm.s32 $0xE;
	(pc) =	sbr.rel .LBB2_1-.Ltmp0, $4  }
0x12: {  	s23 =	simm.s32 $0xA800;
	s1 =	simm.s32 $0xC000;
	s24 =	simm.s32 $0xD800  }
0x13: {  	s0 =	sadd.s32 s4, s0;
	s7 =	sadd.s32 $0x8F000, s9;
	[dreg:$0x7] =	wrdreg s26  }
0x14: {  	s4 =	simm.s32 $0x9;
	s9 =	simm.s32 $0xC;
	s0 =	sadd.s32 $0x99000, s0  }
0x15: {  	v0 =	vimm.f32 $0.0e+00;
	s26 =	simm.s32 $0xE800;
	[dreg:$0x6] =	wrdreg s0;
	s0 =	simm.s32 $0x0  }
.LBB2_6:
0x16: {  	s0 =	simm.s32 $0x10  }
0x17: {  	_ =	swait.ge [sflag:s0], $0x800  }
0x18: {  	[sflag:s0] =	ssyncset.done $0x0  }
0x19: {  	s17 =	simm.s32 $0x11;
	[sflag:s0] =	ssyncadd.s32 $0xFFFFF800  }
0x1a: {  	_ =	swait.ge [sflag:s17], $0x800  }
0x1b: {  	[sflag:s17] =	ssyncset.done $0x0  }
0x1c: {  	s19 =	simm.s32 $0x12;
	[sflag:s17] =	ssyncadd.s32 $0xFFFFF800  }
0x1d: {  	_ =	swait.ge [sflag:s19], $0x800  }
0x1e: {  	[sflag:s19] =	ssyncset.done $0x0  }
0x1f: {  	s16 =	simm.s32 $0x13;
	[sflag:s19] =	ssyncadd.s32 $0xFFFFF800  }
0x20: {  	_ =	swait.ge [sflag:s16], $0x800  }
0x21: {  	[sflag:s16] =	ssyncset.done $0x0  }
0x22: {  	s17 =	simm.s32 $0x14;
	[sflag:s16] =	ssyncadd.s32 $0xFFFFF800  }
0x23: {  	_ =	swait.ge [sflag:s17], $0x800  }
0x24: {  	[sflag:s17] =	ssyncset.done $0x0  }
0x25: {  	[sflag:s17] =	ssyncadd.s32 $0xFFFFF800  }
0x26: {  	[bflag:$0x0] =	sbarrier.arrive $0xFFFF  }
0x27: {  	s19 =	simm.s32 $0xF100;
	s16 =	rddreg [dreg:$0x5]  }
0x28: {  	[tilespmem:s19], [sflag:$0x16] =	stream.linear.gather [spmem:s16], $0x2800, $0x38;
	[tilespmem:$0x14100] =	vst v63  }
0x29: {  	_ =	swait.ge [sflag:s13], $0x2800  }
0x2a: {  	[sflag:s13] =	ssyncset.done $0x0  }
0x2b: {  	s16 =	simm.s32 $0x0;
	s17 =	rddreg [dreg:$0x6];
	[sflag:s13] =	ssyncadd.s32 $0xFFFFD800  }
0x2c: {  	[hbm4b:s17+s16] =	stream.linear.scatter [tilespmem:s19], [sflag:$0x16], $0x2800, $0x38;
	[tilespmem:$0x14100] =	vst v63  }
0x2d: {  	_ =	swait.ge [sflag:s13], $0x2800  }
0x2e: {  	s17 =	rddreg [dreg:$0x8]  }
0x2f: {  	s19 =	rddreg [dreg:$0x7];
	s0 =	sadd.s32 $0x1, s17  }
0x30: {  	p0 =	sne.s32 s0, s19  }
.Ltmp1:
0x31: {  	_ = 	snop;
	(pc) =	sbr.rel @!p0 .LBB2_7-.Ltmp1, $3  }
0x32: {  	_ =	sdelay $0x1  }
0x33: {  	[sflag:s13] =	ssyncset.done $0x0  }
0x34: {  	[sflag:s13] =	ssyncadd.s32 $0xFFFFD800  }
.LBB2_1:
0x35: {  	[dreg:$0x8] =	wrdreg s0  }
0x36: {  	s17 =	rddreg [dreg:$0x3]  }
0x37: {  	[tilespmem:s16], [sflag:$0x15] =	stream.linear.gather [hbm4b:s17+s16], $0x5000, $0x38;
	[tilespmem:$0x14100] =	vst v63  }
0x38: {  	s0 =	rddreg [dreg:$0x4];
	s19 =	simm.s32 $0x5000  }
0x39: {  	[tilespmem:s19], [sflag:$0x15] =	stream.linear.gather [hbm4b:s0+s16], $0x5000, $0x38;
	[tilespmem:$0x14100] =	vst v63  }
0x3a: {  	[tilespmem:$0xF000] =	vst v0  }
0x3b: {  	[tilespmem:$0xF010] =	vst v0  }
0x3c: {  	[tilespmem:$0xF020] =	vst v0  }
0x3d: {  	[tilespmem:$0xF030] =	vst v0  }
0x3e: {  	[tilespmem:$0xF040] =	vst v0  }
0x3f: {  	[tilespmem:$0xF050] =	vst v0  }
0x40: {  	[tilespmem:$0xF060] =	vst v0  }
0x41: {  	[tilespmem:$0xF070] =	vst v0  }
0x42: {  	[tilespmem:$0xF080] =	vst v0  }
0x43: {  	[tilespmem:$0xF090] =	vst v0  }
0x44: {  	[tilespmem:$0xF0A0] =	vst v0  }
0x45: {  	[tilespmem:$0xF0B0] =	vst v0  }
0x46: {  	[tilespmem:$0xF0C0] =	vst v0  }
0x47: {  	[tilespmem:$0xF0D0] =	vst v0  }
0x48: {  	[tilespmem:$0xF0E0] =	vst v0  }
0x49: {  	s19 =	sadd.s32 $0x0, s6;
	[tilespmem:$0xF0F0] =	vst v0  }
0x4a: {  	[spmem:s19] =	stream.linear.scatter [tilespmem:s12], [sflag:$0x16], $0x100, $0x38;
	[tilespmem:$0x14100] =	vst v63  }
0x4b: {  	s16 =	simm.s32 $0x400;
	_ =	swait.ge [sflag:s13], $0x100  }
.LBB2_2:
0x4c: {  	s17 =	sshra.s32 s16, $0x2;
	[sflag:s13] =	ssyncset.done $0x0;
	p0 =	sne.s32 s16, $0x9C00  }
.Ltmp2:
0x4d: {  	s17 =	sadd.s32 s17, s6;
	[sflag:s13] =	ssyncadd.s32 $0xFFFFFF00;
	(pc) =	sbr.rel @p0 .LBB2_2-.Ltmp2, $3  }
0x4e: {  	[spmem:s17] =	stream.linear.scatter [tilespmem:s12], [sflag:$0x16], $0x100, $0x38;
	[tilespmem:$0x14100] =	vst v63  }
0x4f: {  	s16 =	sadd.s32 $0x400, s16;
	_ =	sdelay $0x1  }
0x50: {  	_ =	swait.ge [sflag:s13], $0x100  }
0x51: {  	[sflag:s13] =	ssyncset.done $0x0  }
0x52: {  	s16 =	simm.s32 $0x15;
	[sflag:s13] =	ssyncadd.s32 $0xFFFFFF00  }
0x53: {  	_ =	swait.ge [sflag:s16], $0x5000  }
0x54: {  	[sflag:s16] =	ssyncset.done $0x0  }
0x55: {  	[sflag:s16] =	ssyncadd.s32 $0xFFFFB000  }
0x56: {  	_ =	swait.ge [sflag:s16], $0x5000  }
0x57: {  	[sflag:s16] =	ssyncset.done $0x0  }
0x58: {  	[sflag:s16] =	ssyncadd.s32 $0xFFFFB000  }
0x59: {  	s16 =	simm.s32 $0x0;
	[bflag:$0x0] =	sbarrier.arrive $0xFFFF  }
0x5a: {  	[tilespmem:s21], [sflag:$0x1] =	stream.indirect.gather [hbm4b:s7+s15], $0x10, s16, s15, $0xb8;
	[tilespmem:$0x14100] =	vst v63  }
0x5b: {  	_ = 	snop  }
0x5c: {  	[tilespmem:s23], [sflag:$0x2] =	stream.indirect.gather [hbm4b:s7+s15], $0x10, s15, s15, $0xb8;
	[tilespmem:$0x14100] =	vst v63  }
0x5d: {  	s17 =	simm.s32 $0x100  }
0x5e: {  	[tilespmem:s30], [sflag:$0x3] =	stream.indirect.gather [hbm4b:s7+s15], $0x10, s17, s15, $0xb8;
	[tilespmem:$0x14100] =	vst v63  }
0x5f: {  	s0 =	simm.s32 $0x180  }
0x60: {  	[tilespmem:s31], [sflag:$0x4] =	stream.indirect.gather [hbm4b:s7+s15], $0x10, s0, s15, $0xb8;
	[tilespmem:$0x14100] =	vst v63  }
0x61: {  	s19 =	simm.s32 $0x200  }
0x62: {  	[tilespmem:s1], [sflag:$0x5] =	stream.indirect.gather [hbm4b:s7+s15], $0x10, s19, s15, $0xb8;
	[tilespmem:$0x14100] =	vst v63  }
.LBB2_4:
0x63: {  	s0 =	simm.s32 $0x1  }
0x64: {  	_ =	swait.ge [sflag:s0], $0x800  }
0x65: {  	s17 =	sshra.s32 s16, $0x2;
	[sflag:s0] =	ssyncset.done $0x0  }
0x66: {  	s19 =	sadd.s32 $0x5000, s17;
	[sflag:s0] =	ssyncadd.s32 $0xFFFFF800  }
0x67: {  	[spmem:s2] =	stream.indirect.scatter.add.f32 [tilespmem:s21], [sflag:$0xB], $0x10, s19, s15, $0xb8;
	[tilespmem:$0x14100] =	vst v63  }
0x68: {  	s19 =	simm.s32 $0x2  }
0x69: {  	_ =	swait.ge [sflag:s19], $0x800  }
0x6a: {  	[sflag:s19] =	ssyncset.done $0x0  }
0x6b: {  	s0 =	sadd.s32 $0x5080, s17;
	[sflag:s19] =	ssyncadd.s32 $0xFFFFF800;
	s19 =	simm.s32 $0x3  }
0x6c: {  	[spmem:s2] =	stream.indirect.scatter.add.f32 [tilespmem:s23], [sflag:$0xC], $0x10, s0, s15, $0xb8;
	[tilespmem:$0x14100] =	vst v63  }
0x6d: {  	_ =	swait.ge [sflag:s19], $0x800  }
0x6e: {  	[sflag:s19] =	ssyncset.done $0x0  }
0x6f: {  	s0 =	sadd.s32 $0x5100, s17;
	[sflag:s19] =	ssyncadd.s32 $0xFFFFF800  }
0x70: {  	[spmem:s2] =	stream.indirect.scatter.add.f32 [tilespmem:s30], [sflag:$0xD], $0x10, s0, s15, $0xb8;
	[tilespmem:$0x14100] =	vst v63  }
0x71: {  	_ =	swait.ge [sflag:s28], $0x800  }
0x72: {  	[sflag:s28] =	ssyncset.done $0x0  }
0x73: {  	s0 =	sadd.s32 $0x5180, s17;
	[sflag:s28] =	ssyncadd.s32 $0xFFFFF800  }
0x74: {  	[spmem:s2] =	stream.indirect.scatter.add.f32 [tilespmem:s31], [sflag:$0xE], $0x10, s0, s15, $0xb8;
	[tilespmem:$0x14100] =	vst v63  }
0x75: {  	_ =	swait.ge [sflag:s29], $0x800  }
0x76: {  	p0 =	seq.s32 s16, $0x0;
	[sflag:s29] =	ssyncset.done $0x0  }
0x77: {  	s19 =	simm.s32 @!p0 $0x10;
	s0 =	sadd.s32 $0x5200, s17;
	[sflag:s29] =	ssyncadd.s32 $0xFFFFF800  }
0x78: {  	[spmem:s2] =	stream.indirect.scatter.add.f32 [tilespmem:s1], [sflag:$0xF], $0x10, s0, s15, $0xb8;
	[tilespmem:$0x14100] =	vst v63  }
0x79: {  	_ =	swait.ge @!p0 [sflag:s19], $0x800  }
0x7a: {  	[sflag:s19] =	ssyncset.done @!p0 $0x0  }
0x7b: {  	[sflag:s19] =	ssyncadd.s32 @!p0 $0xFFFFF800;
	s19 =	simm.s32 @!p0 $0x11  }
0x7c: {  	_ =	swait.ge @!p0 [sflag:s19], $0x800  }
0x7d: {  	[sflag:s19] =	ssyncset.done @!p0 $0x0  }
0x7e: {  	[sflag:s19] =	ssyncadd.s32 @!p0 $0xFFFFF800;
	s19 =	simm.s32 @!p0 $0x12  }
0x7f: {  	_ =	swait.ge @!p0 [sflag:s19], $0x800  }
0x80: {  	[sflag:s19] =	ssyncset.done @!p0 $0x0  }
0x81: {  	[sflag:s19] =	ssyncadd.s32 @!p0 $0xFFFFF800;
	s19 =	simm.s32 @!p0 $0x13  }
0x82: {  	_ =	swait.ge @!p0 [sflag:s19], $0x800  }
0x83: {  	[sflag:s19] =	ssyncset.done @!p0 $0x0  }
0x84: {  	[sflag:s19] =	ssyncadd.s32 @!p0 $0xFFFFF800;
	s19 =	simm.s32 @!p0 $0x14  }
0x85: {  	_ =	swait.ge @!p0 [sflag:s19], $0x800  }
0x86: {  	[sflag:s19] =	ssyncset.done @!p0 $0x0  }
0x87: {  	s0 =	simm.s32 $0xC800;
	[sflag:s19] =	ssyncadd.s32 @!p0 $0xFFFFF800;
	s19 =	sadd.s32 $0x280, s17  }
0x88: {  	[tilespmem:s0], [sflag:$0x6] =	stream.indirect.gather [hbm4b:s7+s15], $0x10, s19, s15, $0xb8;
	[tilespmem:$0x14100] =	vst v63  }
0x89: {  	s19 =	sadd.s32 $0x300, s17  }
0x8a: {  	[tilespmem:s11], [sflag:$0x7] =	stream.indirect.gather [hbm4b:s7+s15], $0x10, s19, s15, $0xb8;
	[tilespmem:$0x14100] =	vst v63  }
0x8b: {  	s19 =	sadd.s32 $0x380, s17  }
0x8c: {  	[tilespmem:s24], [sflag:$0x8] =	stream.indirect.gather [hbm4b:s7+s15], $0x10, s19, s15, $0xb8;
	[tilespmem:$0x14100] =	vst v63  }
0x8d: {  	s19 =	sadd.s32 $0x400, s17  }
0x8e: {  	[tilespmem:s25], [sflag:$0x9] =	stream.indirect.gather [hbm4b:s7+s15], $0x10, s19, s15, $0xb8;
	[tilespmem:$0x14100] =	vst v63  }
0x8f: {  	s19 =	sadd.s32 $0x480, s17  }
0x90: {  	[tilespmem:s26], [sflag:$0xA] =	stream.indirect.gather [hbm4b:s7+s15], $0x10, s19, s15, $0xb8;
	[tilespmem:$0x14100] =	vst v63  }
0x91: {  	_ =	swait.ge [sflag:s18], $0x800  }
0x92: {  	[sflag:s18] =	ssyncset.done $0x0  }
0x93: {  	s19 =	sadd.s32 $0x5280, s17;
	[sflag:s18] =	ssyncadd.s32 $0xFFFFF800  }
0x94: {  	[spmem:s2] =	stream.indirect.scatter.add.f32 [tilespmem:s0], [sflag:$0x10], $0x10, s19, s15, $0xb8;
	[tilespmem:$0x14100] =	vst v63  }
0x95: {  	_ =	swait.ge [sflag:s20], $0x800  }
0x96: {  	[sflag:s20] =	ssyncset.done $0x0  }
0x97: {  	s0 =	sadd.s32 $0x5300, s17;
	[sflag:s20] =	ssyncadd.s32 $0xFFFFF800  }
0x98: {  	[spmem:s2] =	stream.indirect.scatter.add.f32 [tilespmem:s11], [sflag:$0x11], $0x10, s0, s15, $0xb8;
	[tilespmem:$0x14100] =	vst v63  }
0x99: {  	_ =	swait.ge [sflag:s22], $0x800  }
0x9a: {  	[sflag:s22] =	ssyncset.done $0x0  }
0x9b: {  	s0 =	sadd.s32 $0x5380, s17;
	[sflag:s22] =	ssyncadd.s32 $0xFFFFF800  }
0x9c: {  	[spmem:s2] =	stream.indirect.scatter.add.f32 [tilespmem:s24], [sflag:$0x12], $0x10, s0, s15, $0xb8;
	[tilespmem:$0x14100] =	vst v63  }
0x9d: {  	_ =	swait.ge [sflag:s4], $0x800  }
0x9e: {  	[sflag:s4] =	ssyncset.done $0x0  }
0x9f: {  	s0 =	sadd.s32 $0x5400, s17;
	[sflag:s4] =	ssyncadd.s32 $0xFFFFF800  }
0xa0: {  	[spmem:s2] =	stream.indirect.scatter.add.f32 [tilespmem:s25], [sflag:$0x13], $0x10, s0, s15, $0xb8;
	[tilespmem:$0x14100] =	vst v63  }
0xa1: {  	_ =	swait.ge [sflag:s5], $0x800  }
0xa2: {  	[sflag:s5] =	ssyncset.done $0x0  }
0xa3: {  	s0 =	sadd.s32 $0x5480, s17;
	[sflag:s5] =	ssyncadd.s32 $0xFFFFF800  }
0xa4: {  	[spmem:s2] =	stream.indirect.scatter.add.f32 [tilespmem:s26], [sflag:$0x14], $0x10, s0, s15, $0xb8;
	[tilespmem:$0x14100] =	vst v63  }
0xa5: {  	_ =	swait.ge [sflag:s8], $0x800  }
0xa6: {  	[sflag:s8] =	ssyncset.done $0x0  }
0xa7: {  	[sflag:s8] =	ssyncadd.s32 $0xFFFFF800  }
0xa8: {  	_ =	swait.ge [sflag:s9], $0x800  }
0xa9: {  	[sflag:s9] =	ssyncset.done $0x0  }
0xaa: {  	[sflag:s9] =	ssyncadd.s32 $0xFFFFF800  }
0xab: {  	_ =	swait.ge [sflag:s10], $0x800  }
0xac: {  	[sflag:s10] =	ssyncset.done $0x0  }
0xad: {  	[sflag:s10] =	ssyncadd.s32 $0xFFFFF800  }
0xae: {  	p0 =	seq.s32 s16, $0x12C00;
	_ =	swait.ge [sflag:s3], $0x800  }
.Ltmp3:
0xaf: {  	[sflag:s3] =	ssyncset.done $0x0;
	(pc) =	sbr.rel @p0 .LBB2_6-.Ltmp3, $4  }
0xb0: {  	[sflag:s3] =	ssyncadd.s32 $0xFFFFF800  }
0xb1: {  	_ =	swait.ge [sflag:s14], $0x800  }
0xb2: {  	[sflag:s14] =	ssyncset.done $0x0  }
0xb3: {  	[sflag:s14] =	ssyncadd.s32 $0xFFFFF800  }
0xb4: {  	s19 =	sadd.s32 $0x500, s17  }
0xb5: {  	[tilespmem:s21], [sflag:$0x1] =	stream.indirect.gather [hbm4b:s7+s15], $0x10, s19, s15, $0xb8;
	[tilespmem:$0x14100] =	vst v63  }
0xb6: {  	s0 =	sadd.s32 $0x580, s17  }
0xb7: {  	[tilespmem:s23], [sflag:$0x2] =	stream.indirect.gather [hbm4b:s7+s15], $0x10, s0, s15, $0xb8;
	[tilespmem:$0x14100] =	vst v63  }
0xb8: {  	s0 =	sadd.s32 $0x600, s17  }
0xb9: {  	[tilespmem:s30], [sflag:$0x3] =	stream.indirect.gather [hbm4b:s7+s15], $0x10, s0, s15, $0xb8;
	[tilespmem:$0x14100] =	vst v63  }
.Ltmp4:
0xba: {  	_ = 	snop;
	(pc) =	sbr.rel .LBB2_4-.Ltmp4, $4  }
0xbb: {  	s0 =	sadd.s32 $0x680, s17  }
0xbc: {  	[tilespmem:s31], [sflag:$0x4] =	stream.indirect.gather [hbm4b:s7+s15], $0x10, s0, s15, $0xb8;
	[tilespmem:$0x14100] =	vst v63  }
0xbd: {  	s16 =	sadd.s32 $0x1400, s16;
	s19 =	sadd.s32 $0x700, s17  }
0xbe: {  	[tilespmem:s1], [sflag:$0x5] =	stream.indirect.gather [hbm4b:s7+s15], $0x10, s19, s15, $0xb8;
	[tilespmem:$0x14100] =	vst v63  }
.LBB2_7:
0xbf: {  	_ =	sfence.sel $0x180000  }
0xc0: {  	[bflag:$0x0] =	sbarrier.arrive $0xFFFF  }
0xc1: {  	_ =	strace $0x9000004D  }
0xc2: {  	s0 =	stileid.u32;
	[bflag:$0x2] =	sbarrier.arrive $0xFFFF  }
0xc3: {  	p0 =	sne.s32 s0, $0x0;
	s0 =	rddreg [dreg:$0x2]  }
0xc4: {  	s0 =	sadd.s32 @!p0 $0x100000, s0  }
0xc5: {  	[sflag:s0] =	ssyncadd.tile.s32 @!p0 $0x1;
	_ =	shalt  }
.Lfunc_end2:
_tile_overlayer_lowered:
.L_overlay_start_2:
0xc6: {  	(tag) =	ssettag $0x2  }
0xc7: {  	s0 =	rddreg [dreg:$0x0];
	s2 =	stileid.u32  }
0xc8: {  	s1 =	rddreg [dreg:$0x1];
	p0 =	sne.s32 s2, $0x0  }
0xc9: {  	s3 =	rddreg [dreg:$0x2];
	[bflag:$0x3] =	sbarrier.arrive $0xFFFF;
	s2 =	simm.s32 @!p0 $0x1C16  }
0xca: {  	[timem:s3], [sflag:s2] =	dma.local @!p0 [hbm:s0], s1  }
0xcb: {  	s0 =	simm.s32 @!p0 $0x16  }
0xcc: {  	_ =	swait.ge @!p0 [sflag:s0], s1  }
0xcd: {  	s1 =	ssub.s32 @!p0 $0x0, s1;
	[sflag:s0] =	ssyncset.done @!p0 $0x0  }
0xce: {  	[sflag:s0] =	ssyncadd.s32 @!p0 s1  }
0xcf: {  	[bflag:$0x3] =	sbarrier.arrive $0xFFFF  }
0xd0: {  	_ =	shalt  }

// kernel: _run.8.cloned.1.call-start
scs
__scs_entry_jumppad:
0x0: {  	(pc) =	sbr.rel $0x88, $3  }
0x1: {  	(tag) =	ssettag $0x0;
	lr =	simm.s32 $0x1  }
0x2: {  	[smem:$0x3F99] =	sst lr;
	_ =	strace $0xD0000000  }
0x3: {  	_ = 	snop  }
0x4: {  	_ = 	snop  }
0x5: {  	_ = 	snop  }
0x6: {  	_ = 	snop  }
0x7: {  	_ = 	snop  }
__scs_overlays_trampoline_lowered:
0x8: {  	[smem:$0x3FA8] =	sst s0  }
0x9: {  	[smem:$0x3FA9] =	sst s1  }
0xa: {  	[smem:$0x3FAA] =	sst s2  }
0xb: {  	[smem:$0x3FAB] =	sst s3  }
0xc: {  	[smem:$0x3FAC] =	sst s4  }
0xd: {  	[smem:$0x3FAD] =	sst s5  }
0xe: {  	[smem:$0x3FAE] =	sst s6  }
0xf: {  	[smem:$0x3FAF] =	sst s7  }
0x10: {  	[smem:$0x3FB0] =	sst s8  }
0x11: {  	[smem:$0x3FB1] =	sst s9;
	s0 =	simm.s32 @!p0 $0x0  }
0x12: {  	s1 =	sld [smem:$0x3F97];
	s0 =	simm.s32 @p0 $0x1  }
0x13: {  	[smem:$0x3FB2] =	sst s0;
	s0 =	simm.s32 @!p1 $0x0  }
0x14: {  	s2 =	sld [smem:$0x3F96];
	s0 =	simm.s32 @p1 $0x1  }
0x15: {  	[smem:$0x3FB3] =	sst s0;
	s0 =	simm.s32 @!p2 $0x0  }
0x16: {  	s3 =	sld [smem:$0x3FDB];
	s0 =	simm.s32 @p2 $0x1  }
0x17: {  	s4 =	simm.s32 $0x1BF5;
	[smem:$0x3FB5] =	sst s0  }
0x18: {  	s0 =	sld [smem:$0x3F98];
	_ =	swait.ge [sflag:s4], $0x0  }
0x19: {  	s7 =	sld [smem:$0x3F99]  }
0x1a: {  	s8 =	sadd.s32 $0xFFFFE003, lr  }
0x1b: {  	s9 =	sadd.s32 $0xFFFFFEF7, lr;
	s5 =	simm.s32 $0xFFFFFFFF;
	p2 =	slt.u32 s8, $0xFFFFF086  }
0x1c: {  	p1 =	slt.u32 s9, $0xF7A;
	s5 =	simm.s32 @!p2 $0x0  }
0x1d: {  	s5 =	simm.s32 @p1 $0x1;
	p0 =	seq.s32 s7, s2  }
0x1e: {  	s7 =	smul.u32 @!p0 $0xF7A, s2;
	p2 =	seq.s32 @!p0 s5, $0x0  }
0x1f: {  	s9 =	smul.u32 $0xF7A, s1;
	s8 =	simm.s32 @!p0 $0x1BF5;
	p2 =	por !p2, p0  }
0x20: {  	[sflag:s8] =	ssyncset.s32 @!p0 $0xFFFFF086;
	s6 =	sadd.s32 @!p0 s3, s7;
	s7 =	simm.s32 @!p0 $0x108  }
0x21: {  	s3 =	sadd.s32 s3, s9;
	s6 =	sadd.s32 @!p0 $0x88, s6;
	s7 =	simm.s32 @p2 $0x1082  }
0x22: {  	[simem:s7], [sflag:s8] =	dma.local @!p0 [hbm:s6], $0xF7A  }
0x23: {  	s9 =	sor.u32 $0xD0000000, s2;
	s6 =	simm.s32 $0x108;
	_ =	swait.ge @!p0 [sflag:s8], $0x0  }
0x24: {  	s3 =	sadd.s32 $0x88, s3;
	s6 =	simm.s32 @!p1 $0x1082;
	[sflag:s4] =	ssyncset.s32 $0xFFFFF086  }
0x25: {  	[simem:s6], [sflag:s4] =	dma.local [hbm:s3], $0xF7A  }
0x26: {  	[smem:$0x3F99] =	sst s1;
	(tag) =	ssettag s2;
	_ =	strace s9  }
0x27: {  	s1 =	sld [smem:$0x3FA9]  }
0x28: {  	s2 =	sld [smem:$0x3FAA]  }
0x29: {  	s4 =	sld [smem:$0x3FAC]  }
0x2a: {  	p0 =	seq.s32 s5, $0x0;
	s5 =	sld [smem:$0x3FAD]  }
0x2b: {  	s6 =	sld [smem:$0x3FAE]  }
0x2c: {  	s7 =	sld [smem:$0x3FAF]  }
0x2d: {  	s3 =	simm.s32 $0x108;
	s8 =	sld [smem:$0x3FB0]  }
0x2e: {  	s3 =	simm.s32 @!p0 $0x1082;
	s9 =	sld [smem:$0x3FB1]  }
0x2f: {  	lr =	sadd.s32 s0, s3;
	s0 =	sld [smem:$0x3FA8]  }
0x30: {  	s3 =	sld [smem:$0x3FAB]  }
0x31: {  	[smem:$0x3FB4] =	sst s10  }
0x32: {  	s10 =	sld [smem:$0x3FB2];
	_ =	sdelay $0x3  }
0x33: {  	p0 =	seq.s32 s10, $0x1;
	s10 =	sld [smem:$0x3FB4];
	_ =	sdelay $0x3  }
0x34: {  	[smem:$0x3FB4] =	sst s10  }
0x35: {  	s10 =	sld [smem:$0x3FB3];
	_ =	sdelay $0x3  }
0x36: {  	p1 =	seq.s32 s10, $0x1;
	s10 =	sld [smem:$0x3FB4];
	_ =	sdelay $0x3  }
0x37: {  	[smem:$0x3FB4] =	sst s10  }
0x38: {  	s10 =	sld [smem:$0x3FB5]  }
0x39: {  	_ = 	snop;
	(pc) =	sbr.ind lr, $3  }
0x3a: {  	_ = 	snop  }
0x3b: {  	_ = 	snop  }
0x3c: {  	p2 =	seq.s32 s10, $0x1;
	s10 =	sld [smem:$0x3FB4]  }
0x3d: {  	_ =	shalt  }
0x3e: {  	_ =	shalt  }
0x3f: {  	_ =	shalt  }
0x40: {  	_ =	shalt  }
0x41: {  	_ =	shalt  }
0x42: {  	_ =	shalt  }
0x43: {  	_ =	shalt  }
0x44: {  	_ =	shalt  }
0x45: {  	_ =	shalt  }
0x46: {  	_ =	shalt  }
0x47: {  	_ =	shalt  }
0x48: {  	_ =	shalt  }
0x49: {  	_ =	shalt  }
0x4a: {  	_ =	shalt  }
0x4b: {  	_ =	shalt  }
0x4c: {  	_ =	shalt  }
0x4d: {  	_ =	shalt  }
0x4e: {  	_ =	shalt  }
0x4f: {  	_ =	shalt  }
0x50: {  	_ =	shalt  }
0x51: {  	_ =	shalt  }
0x52: {  	_ =	shalt  }
0x53: {  	_ =	shalt  }
0x54: {  	_ =	shalt  }
0x55: {  	_ =	shalt  }
0x56: {  	_ =	shalt  }
0x57: {  	_ =	shalt  }
0x58: {  	_ =	shalt  }
0x59: {  	_ =	shalt  }
0x5a: {  	_ =	shalt  }
0x5b: {  	_ =	shalt  }
0x5c: {  	_ =	shalt  }
0x5d: {  	_ =	shalt  }
0x5e: {  	_ =	shalt  }
0x5f: {  	_ =	shalt  }
0x60: {  	_ =	shalt  }
0x61: {  	_ =	shalt  }
0x62: {  	_ =	shalt  }
0x63: {  	_ =	shalt  }
0x64: {  	_ =	shalt  }
0x65: {  	_ =	shalt  }
0x66: {  	_ =	shalt  }
0x67: {  	_ =	shalt  }
0x68: {  	_ =	shalt  }
0x69: {  	_ =	shalt  }
0x6a: {  	_ =	shalt  }
0x6b: {  	_ =	shalt  }
0x6c: {  	_ =	shalt  }
0x6d: {  	_ =	shalt  }
0x6e: {  	_ =	shalt  }
0x6f: {  	_ =	shalt  }
0x70: {  	_ =	shalt  }
0x71: {  	_ =	shalt  }
0x72: {  	_ =	shalt  }
0x73: {  	_ =	shalt  }
0x74: {  	_ =	shalt  }
0x75: {  	_ =	shalt  }
0x76: {  	_ =	shalt  }
0x77: {  	_ =	shalt  }
0x78: {  	_ =	shalt  }
0x79: {  	_ =	shalt  }
0x7a: {  	_ =	shalt  }
0x7b: {  	_ =	shalt  }
0x7c: {  	_ =	shalt  }
0x7d: {  	_ =	shalt  }
0x7e: {  	_ =	shalt  }
0x7f: {  	_ =	shalt  }
0x80: {  	_ =	shalt  }
0x81: {  	_ =	shalt  }
0x82: {  	_ =	shalt  }
0x83: {  	_ =	shalt  }
0x84: {  	_ =	shalt  }
0x85: {  	_ =	shalt  }
0x86: {  	_ =	shalt  }
0x87: {  	_ =	shalt  }
.Lfunc_end0:
.L_simem_size_0:
called_computation_lowered:
.L_overlay_start_0:
0x88: {  	s2 =	sld [smem:$0x3FD9]  }
0x89: {  	s3 =	sld [smem:$0x3FFE];
	_ =	sdelay $0x1  }
0x8a: {  	s1 =	srdreg.scid  }
0x8b: {  	s0 =	sand.u32 $0x1, s1  }
0x8c: {  	s16 =	sshll.u32 s0, $0xA;
	s2 =	sadd.s32 s3, s2  }
0x8d: {  	s2 =	sadd.s32 s2, s16  }
0x8e: {  	[smem:$0x3FC0] =	sst s2  }
0x8f: {  	_ = 	snop  }
0x90: {  	(tm) =	ssettm $0x1  }
0x91: {  	s17 =	sld [smem:$0x3FFB];
	_ =	sdelay $0x3  }
0x92: {  	_ =	strace s17  }
0x93: {  	s2 =	sld [smem:$0x3FFC];
	_ =	sdelay $0x3  }
0x94: {  	_ =	strace s2  }
0x95: {  	s2 =	sld [smem:$0x3FFD];
	_ =	sdelay $0x3  }
0x96: {  	_ =	strace s2  }
0x97: {  	_ =	strace $0x8FFFFFFF  }
0x98: {  	s18 =	sld [smem:$0x3FDB];
	_ =	sdelay $0x1  }
0x99: {  	s19 =	simm.s32 $_scs_section_size  }
0x9a: {  	s4 =	simm.s32 $_size__tile_overlayer_lowered;
	s5 =	simm.s32 $_tile_overlayer_lowered  }
0x9b: {  	s22 =	simm.s32 $0x1BFF;
	s21 =	sshll.u32 s5, $0x1;
	s2 =	sadd.s32 s19, s18  }
0x9c: {  	s6 =	simm.s32 $0x0;
	s20 =	sshll.u32 s4, $0x1;
	s4 =	sadd.s32 s21, s2  }
0x9d: {  	[timem:s6], [sflag:s22] =	dma.local [hbm:s4], s20  }
0x9e: {  	_ =	swait.ge [sflag:s22], s20  }
0x9f: {  	s3 =	ssub.s32 $0x0, s20;
	[sflag:s22] =	ssyncset.done $0x0  }
0xa0: {  	[sflag:s22] =	ssyncadd.s32 s3;
	_ =	sdelay $0x1  }
0xa1: {  	s23 =	simm.s32 $0x1B8B  }
0xa2: {  	_ =	swait.ge [sflag:s23], $0x1  }
0xa3: {  	[sflag:s23] =	ssyncset.done $0x0  }
0xa4: {  	s25 =	simm.s32 $0x1B8E;
	s24 =	sld [smem:$0x3FFE];
	[sflag:s23] =	ssyncadd.s32 $0xFFFFFFFF  }
0xa5: {  	s26 =	simm.s32 $execute0_lowered;
	[smem:$0x3FD2] =	sst s25  }
0xa6: {  	s4 =	sshll.u32 s26, $0x1;
	_ =	strace $0x80000046;
	[dreg:$0x1] =	wrdreg $0xFFFFFFFF  }
0xa7: {  	s28 =	simm.s32 $_size_execute0_lowered;
	s2 =	sadd.s32 s2, s4;
	[dreg:$0x0] =	wrdreg $0x0  }
0xa8: {  	s4 =	sshll.u32 s28, $0x1;
	[dreg:$0x2] =	wrdreg s2  }
0xa9: {  	[dreg:$0x3] =	wrdreg s4  }
0xaa: {  	[dreg:$0x4] =	wrdreg $0xC0  }
0xab: {  	_ =	task [dreg:s6], $0x5FFFF  }
0xac: {  	[dreg:$0x1] =	wrdreg $0xFFFFFFFF  }
0xad: {  	[dreg:$0x0] =	wrdreg $0x60  }
0xae: {  	[dreg:$0x2] =	wrdreg s24  }
0xaf: {  	[dreg:$0x3] =	wrdreg $0x2B000  }
0xb0: {  	[dreg:$0x4] =	wrdreg $0x9  }
0xb1: {  	_ =	task.clear_ibuf [dreg:s6], $0x5FFFF;
	_ =	strace $0x90000046  }
0xb2: {  	s29 =	simm.s32 $0x9;
	_ =	strace $0x80000048  }
0xb3: {  	_ =	swait.ge [sflag:s29], $0x1  }
0xb4: {  	[sflag:s29] =	ssyncadd.s32 $0xFFFFFFFF  }
0xb5: {  	_ =	strace $0x90000048  }
0xb6: {  	_ =	sfence  }
0xb7: {  	s30 =	sld [smem:$0x0];
	_ =	sdelay $0x2  }
0xb8: {  	s31 =	sshll.u32 s1, $0xD;
	s1 =	sshrl.u32 s1, $0x2  }
0xb9: {  	s3 =	sand.u32 $0x4000, s31;
	s1 =	sadd.s32 s1, s30  }
0xba: {  	s0 =	sor.u32 s3, s0;
	s1 =	sshll.u32 s1, $0x11  }
0xbb: {  	s0 =	sor.u32 s1, s0  }
0xbc: {  	s0 =	sadd.s32 $0x8F2B, s0  }
0xbd: {  	[sflag:s0] =	ssyncadd.remote.s32 $0x1  }
0xbe: {  	_ =	sfence.sel $0xFFFF  }
0xbf: {  	[dreg:$0x0] =	wrdreg $0xFFFFFFFF;
	(pc) =	sbr.abs _section_cstart, $3  }
0xc0: {  	[dreg:$0x1] =	wrdreg $0xFFFFFFFF  }
0xc1: {  	_ =	task.clear_ibuf [dreg:s6], $0x2FFFF;
	_ =	strace $0x9FFFFFFF  }
0xc2: {  	(tm) =	ssettm $0x7FFFFFFF  }
0xc3: {  	_ =	shalt  }
tec
execute0_lowered:
.L_overlay_start_1:
0x0: {  	(tag) =	ssettag $0x1  }
0x1: {  	s4 =	rddreg [dreg:$0x0]  }
0x2: {  	s2 =	rddreg [dreg:$0x1]  }
0x3: {  	s0 =	rddreg [dreg:$0x2];
	s3 =	srdreg.scid  }
0x4: {  	s1 =	stileid.u32;
	s10 =	simm.s32 $0x2880;
	s11 =	simm.s32 $0x1  }
0x5: {  	s12 =	simm.s32 $0x2;
	s13 =	simm.s32 $0x3;
	s14 =	simm.s32 $0x4  }
0x6: {  	s15 =	simm.s32 $0x5;
	s16 =	simm.s32 $0x6;
	s17 =	simm.s32 $0x7  }
0x7: {  	s18 =	simm.s32 $0x8;
	s19 =	simm.s32 $0x0;
	s5 =	sand.u32 $0x1, s3  }
0x8: {  	s6 =	sshll.u32 s1, $0x1;
	s7 =	smul.u32 $0x280, s1;
	s3 =	simm.s32 $0x0  }
0x9: {  	s6 =	sor.u32 s5, s6;
	s8 =	smul.u32 $0x2800, s5;
	s5 =	ssub.s32 $0x2, s5  }
0xa: {  	[smem:$0x7FF] =	sst s3;
	s6 =	smul.u32 $0x500, s6;
	s9 =	sshrl.u32 s5, $0x1  }
0xb: {  	_ =	strace $0x80000047;
	s8 =	sadd.s32 s7, s8;
	s9 =	ssub.s32 s5, s9  }
0xc: {  	s5 =	sadd.s32 s7, s2;
	s6 =	sadd.s32 s6, s4;
	s8 =	sshrl.u32 s8, $0x3  }
0xd: {  	s7 =	smax.u32 s9, $0x1;
	s9 =	simm.s32 $0x9;
	s8 =	sadd.s32 s8, s4  }
0xe: {  	v0 =	vimm.f32 $1.000000000e+00;
	v1 =	vimm.f32 $0.0e+00;
	s4 =	sadd.s32 $0x2600, s6;
	s6 =	sadd.s32 $0xC600, s8;
	s8 =	simm.s32 $0x80  }
.LBB2_1:
0xf: {  	[tilespmem:$0x0] =	vst v0  }
0x10: {  	[tilespmem:$0x10] =	vst v0  }
0x11: {  	[tilespmem:$0x20] =	vst v0  }
0x12: {  	[tilespmem:$0x30] =	vst v0  }
0x13: {  	[tilespmem:$0x40] =	vst v0  }
0x14: {  	[tilespmem:$0x50] =	vst v0  }
0x15: {  	[tilespmem:$0x60] =	vst v0  }
0x16: {  	[tilespmem:$0x70] =	vst v0  }
0x17: {  	[tilespmem:$0x2880] =	vst v1  }
0x18: {  	[tilespmem:$0x2890] =	vst v1  }
0x19: {  	[tilespmem:$0x28A0] =	vst v1  }
0x1a: {  	[tilespmem:$0x28B0] =	vst v1  }
0x1b: {  	[tilespmem:$0x28C0] =	vst v1  }
0x1c: {  	[tilespmem:$0x28D0] =	vst v1  }
0x1d: {  	[tilespmem:$0x28E0] =	vst v1  }
0x1e: {  	[tilespmem:$0x28F0] =	vst v1  }
0x1f: {  	[tilespmem:$0x2900] =	vst v1  }
0x20: {  	[tilespmem:$0x2910] =	vst v1  }
0x21: {  	[tilespmem:$0x2920] =	vst v1  }
0x22: {  	[tilespmem:$0x2930] =	vst v1  }
0x23: {  	[tilespmem:$0x2940] =	vst v1  }
0x24: {  	[tilespmem:$0x2950] =	vst v1  }
0x25: {  	[tilespmem:$0x2960] =	vst v1  }
0x26: {  	[tilespmem:$0x2970] =	vst v1  }
0x27: {  	[tilespmem:$0x2980] =	vst v1  }
0x28: {  	[tilespmem:$0x2990] =	vst v1  }
0x29: {  	[tilespmem:$0x29A0] =	vst v1  }
0x2a: {  	[tilespmem:$0x29B0] =	vst v1  }
0x2b: {  	[tilespmem:$0x29C0] =	vst v1  }
0x2c: {  	[tilespmem:$0x29D0] =	vst v1  }
0x2d: {  	[tilespmem:$0x29E0] =	vst v1  }
0x2e: {  	[tilespmem:$0x29F0] =	vst v1  }
0x2f: {  	[tilespmem:$0x2A00] =	vst v1  }
0x30: {  	[tilespmem:$0x2A10] =	vst v1  }
0x31: {  	[tilespmem:$0x2A20] =	vst v1  }
0x32: {  	[tilespmem:$0x2A30] =	vst v1  }
0x33: {  	[tilespmem:$0x2A40] =	vst v1  }
0x34: {  	[tilespmem:$0x2A50] =	vst v1  }
0x35: {  	[tilespmem:$0x2A60] =	vst v1  }
0x36: {  	[tilespmem:$0x2A70] =	vst v1  }
0x37: {  	[tilespmem:$0x2A80] =	vst v1  }
0x38: {  	[tilespmem:$0x2A90] =	vst v1  }
0x39: {  	[tilespmem:$0x2AA0] =	vst v1  }
0x3a: {  	[tilespmem:$0x2AB0] =	vst v1  }
0x3b: {  	[tilespmem:$0x2AC0] =	vst v1  }
0x3c: {  	[tilespmem:$0x2AD0] =	vst v1  }
0x3d: {  	[tilespmem:$0x2AE0] =	vst v1  }
0x3e: {  	[tilespmem:$0x2AF0] =	vst v1  }
0x3f: {  	[tilespmem:s8], [sflag:$0x9] =	stream.linear.gather [hbm4b:s4+s3], $0x2800, $0x38;
	[tilespmem:$0x2D80] =	vst v63  }
0x40: {  	_ =	swait.ge [sflag:s9], $0x2800  }
0x41: {  	[sflag:s9] =	ssyncset.done $0x0  }
0x42: {  	[sflag:s9] =	ssyncadd.s32 $0xFFFFD800  }
0x43: {  	[spmem:s5] =	stream.linear.scatter [tilespmem:s10], [sflag:$0x9], $0x280, $0x38;
	[tilespmem:$0x2D80] =	vst v63  }
0x44: {  	_ =	swait.ge [sflag:s9], $0x280  }
0x45: {  	[sflag:s9] =	ssyncset.done $0x0  }
0x46: {  	[sflag:s9] =	ssyncadd.s32 $0xFFFFFD80  }
0x47: {  	s20 =	simm.s32 $0x80;
	[bflag:$0x0] =	sbarrier.arrive $0xFFFF  }
0x48: {  	[spmem:s2] =	stream.indirect.scatter.add.f32 [tilespmem:s3], [sflag:$0x1], $0x1, s20, s8, $0xb8;
	[tilespmem:$0x2D80] =	vst v63  }
0x49: {  	s24 =	simm.s32 $0x100  }
0x4a: {  	[spmem:s2] =	stream.indirect.scatter.add.f32 [tilespmem:s3], [sflag:$0x2], $0x1, s24, s8, $0xb8;
	[tilespmem:$0x2D80] =	vst v63  }
0x4b: {  	s25 =	simm.s32 $0x180  }
0x4c: {  	[spmem:s2] =	stream.indirect.scatter.add.f32 [tilespmem:s3], [sflag:$0x3], $0x1, s25, s8, $0xb8;
	[tilespmem:$0x2D80] =	vst v63  }
0x4d: {  	s26 =	simm.s32 $0x200  }
0x4e: {  	[spmem:s2] =	stream.indirect.scatter.add.f32 [tilespmem:s3], [sflag:$0x4], $0x1, s26, s8, $0xb8;
	[tilespmem:$0x2D80] =	vst v63  }
0x4f: {  	s28 =	simm.s32 $0x280  }
0x50: {  	[spmem:s2] =	stream.indirect.scatter.add.f32 [tilespmem:s3], [sflag:$0x5], $0x1, s28, s8, $0xb8;
	[tilespmem:$0x2D80] =	vst v63  }
0x51: {  	s29 =	simm.s32 $0x300  }
0x52: {  	[spmem:s2] =	stream.indirect.scatter.add.f32 [tilespmem:s3], [sflag:$0x6], $0x1, s29, s8, $0xb8;
	[tilespmem:$0x2D80] =	vst v63  }
0x53: {  	s30 =	simm.s32 $0x380  }
0x54: {  	[spmem:s2] =	stream.indirect.scatter.add.f32 [tilespmem:s3], [sflag:$0x7], $0x1, s30, s8, $0xb8;
	[tilespmem:$0x2D80] =	vst v63  }
0x55: {  	s31 =	simm.s32 $0x400  }
0x56: {  	[spmem:s2] =	stream.indirect.scatter.add.f32 [tilespmem:s3], [sflag:$0x8], $0x1, s31, s8, $0xb8;
	[tilespmem:$0x2D80] =	vst v63  }
0x57: {  	_ =	swait.ge [sflag:s11], $0x80  }
0x58: {  	[sflag:s11] =	ssyncset.done $0x0  }
0x59: {  	[sflag:s11] =	ssyncadd.s32 $0xFFFFFF80  }
0x5a: {  	_ =	swait.ge [sflag:s12], $0x80  }
0x5b: {  	[sflag:s12] =	ssyncset.done $0x0  }
0x5c: {  	[sflag:s12] =	ssyncadd.s32 $0xFFFFFF80  }
0x5d: {  	_ =	swait.ge [sflag:s13], $0x80  }
0x5e: {  	[sflag:s13] =	ssyncset.done $0x0  }
0x5f: {  	[sflag:s13] =	ssyncadd.s32 $0xFFFFFF80  }
0x60: {  	_ =	swait.ge [sflag:s14], $0x80  }
0x61: {  	[sflag:s14] =	ssyncset.done $0x0  }
0x62: {  	[sflag:s14] =	ssyncadd.s32 $0xFFFFFF80  }
0x63: {  	_ =	swait.ge [sflag:s15], $0x80  }
0x64: {  	[sflag:s15] =	ssyncset.done $0x0  }
0x65: {  	[sflag:s15] =	ssyncadd.s32 $0xFFFFFF80  }
0x66: {  	_ =	swait.ge [sflag:s16], $0x80  }
0x67: {  	[sflag:s16] =	ssyncset.done $0x0  }
0x68: {  	[sflag:s16] =	ssyncadd.s32 $0xFFFFFF80  }
0x69: {  	_ =	swait.ge [sflag:s17], $0x80  }
0x6a: {  	[sflag:s17] =	ssyncset.done $0x0  }
0x6b: {  	[sflag:s17] =	ssyncadd.s32 $0xFFFFFF80  }
0x6c: {  	_ =	swait.ge [sflag:s18], $0x80  }
0x6d: {  	s23 =	simm.s32 $0x2000;
	s22 =	simm.s32 $0x400;
	[sflag:s18] =	ssyncset.done $0x0  }
.LBB2_2:
0x6e: {  	s24 =	sadd.s32 $0x80, s22  }
0x6f: {  	[sflag:s18] =	ssyncadd.s32 $0xFFFFFF80;
	s21 =	smov.u32 s23;
	s20 =	sadd.s32 $0x1000, s23  }
0x70: {  	[spmem:s2] =	stream.indirect.scatter.add.f32 [tilespmem:s3], [sflag:$0x1], $0x1, s24, s8, $0xb8;
	[tilespmem:$0x2D80] =	vst v63  }
0x71: {  	p0 =	sne.s32 s23, $0x9000;
	s23 =	sadd.s32 $0x100, s22  }
0x72: {  	[spmem:s2] =	stream.indirect.scatter.add.f32 [tilespmem:s3], [sflag:$0x2], $0x1, s23, s8, $0xb8;
	[tilespmem:$0x2D80] =	vst v63  }
0x73: {  	s23 =	sadd.s32 $0x180, s22  }
0x74: {  	[spmem:s2] =	stream.indirect.scatter.add.f32 [tilespmem:s3], [sflag:$0x3], $0x1, s23, s8, $0xb8;
	[tilespmem:$0x2D80] =	vst v63  }
0x75: {  	s23 =	sadd.s32 $0x200, s22  }
0x76: {  	[spmem:s2] =	stream.indirect.scatter.add.f32 [tilespmem:s3], [sflag:$0x4], $0x1, s23, s8, $0xb8;
	[tilespmem:$0x2D80] =	vst v63  }
0x77: {  	s23 =	sadd.s32 $0x280, s22  }
0x78: {  	[spmem:s2] =	stream.indirect.scatter.add.f32 [tilespmem:s3], [sflag:$0x5], $0x1, s23, s8, $0xb8;
	[tilespmem:$0x2D80] =	vst v63  }
0x79: {  	s23 =	sadd.s32 $0x300, s22  }
0x7a: {  	[spmem:s2] =	stream.indirect.scatter.add.f32 [tilespmem:s3], [sflag:$0x6], $0x1, s23, s8, $0xb8;
	[tilespmem:$0x2D80] =	vst v63  }
0x7b: {  	s23 =	sadd.s32 $0x380, s22  }
0x7c: {  	[spmem:s2] =	stream.indirect.scatter.add.f32 [tilespmem:s3], [sflag:$0x7], $0x1, s23, s8, $0xb8;
	[tilespmem:$0x2D80] =	vst v63  }
0x7d: {  	s22 =	sadd.s32 $0x400, s22  }
0x7e: {  	[spmem:s2] =	stream.indirect.scatter.add.f32 [tilespmem:s3], [sflag:$0x8], $0x1, s22, s8, $0xb8;
	[tilespmem:$0x2D80] =	vst v63  }
0x7f: {  	_ =	swait.ge [sflag:s11], $0x80  }
0x80: {  	[sflag:s11] =	ssyncset.done $0x0  }
0x81: {  	[sflag:s11] =	ssyncadd.s32 $0xFFFFFF80  }
0x82: {  	_ =	swait.ge [sflag:s12], $0x80  }
0x83: {  	[sflag:s12] =	ssyncset.done $0x0  }
0x84: {  	[sflag:s12] =	ssyncadd.s32 $0xFFFFFF80  }
0x85: {  	_ =	swait.ge [sflag:s13], $0x80  }
0x86: {  	[sflag:s13] =	ssyncset.done $0x0  }
0x87: {  	[sflag:s13] =	ssyncadd.s32 $0xFFFFFF80  }
0x88: {  	_ =	swait.ge [sflag:s14], $0x80  }
0x89: {  	[sflag:s14] =	ssyncset.done $0x0  }
0x8a: {  	[sflag:s14] =	ssyncadd.s32 $0xFFFFFF80  }
0x8b: {  	_ =	swait.ge [sflag:s15], $0x80  }
0x8c: {  	[sflag:s15] =	ssyncset.done $0x0  }
0x8d: {  	[sflag:s15] =	ssyncadd.s32 $0xFFFFFF80  }
0x8e: {  	_ =	swait.ge [sflag:s16], $0x80  }
0x8f: {  	[sflag:s16] =	ssyncset.done $0x0  }
0x90: {  	[sflag:s16] =	ssyncadd.s32 $0xFFFFFF80  }
.Ltmp0:
0x91: {  	_ =	swait.ge [sflag:s17], $0x80;
	(pc) =	sbr.rel @p0 .LBB2_2-.Ltmp0, $4  }
0x92: {  	[sflag:s17] =	ssyncset.done $0x0  }
0x93: {  	[sflag:s17] =	ssyncadd.s32 $0xFFFFFF80  }
0x94: {  	_ =	swait.ge [sflag:s18], $0x80  }
0x95: {  	s23 =	smov.u32 s20;
	s22 =	sshra.s32 s21, $0x2;
	[sflag:s18] =	ssyncset.done $0x0  }
0x96: {  	s20 =	sadd.s32 $0x80, s22;
	[sflag:s18] =	ssyncadd.s32 $0xFFFFFF80  }
0x97: {  	[spmem:s2] =	stream.indirect.scatter.add.f32 [tilespmem:s3], [sflag:$0x1], $0x1, s20, s8, $0xb8;
	[tilespmem:$0x2D80] =	vst v63  }
0x98: {  	s24 =	sadd.s32 $0x100, s22  }
0x99: {  	[spmem:s2] =	stream.indirect.scatter.add.f32 [tilespmem:s3], [sflag:$0x2], $0x1, s24, s8, $0xb8;
	[tilespmem:$0x2D80] =	vst v63  }
0x9a: {  	s25 =	sadd.s32 $0x180, s22  }
0x9b: {  	[spmem:s2] =	stream.indirect.scatter.add.f32 [tilespmem:s3], [sflag:$0x3], $0x1, s25, s8, $0xb8;
	[tilespmem:$0x2D80] =	vst v63  }
0x9c: {  	s26 =	sadd.s32 $0x200, s22  }
0x9d: {  	[spmem:s2] =	stream.indirect.scatter.add.f32 [tilespmem:s3], [sflag:$0x4], $0x1, s26, s8, $0xb8;
	[tilespmem:$0x2D80] =	vst v63  }
0x9e: {  	s28 =	sadd.s32 $0x280, s22  }
0x9f: {  	[spmem:s2] =	stream.indirect.scatter.add.f32 [tilespmem:s3], [sflag:$0x5], $0x1, s28, s8, $0xb8;
	[tilespmem:$0x2D80] =	vst v63  }
0xa0: {  	s29 =	sadd.s32 $0x300, s22  }
0xa1: {  	[spmem:s2] =	stream.indirect.scatter.add.f32 [tilespmem:s3], [sflag:$0x6], $0x1, s29, s8, $0xb8;
	[tilespmem:$0x2D80] =	vst v63  }
0xa2: {  	s30 =	sadd.s32 $0x380, s22  }
0xa3: {  	[spmem:s2] =	stream.indirect.scatter.add.f32 [tilespmem:s3], [sflag:$0x7], $0x1, s30, s8, $0xb8;
	[tilespmem:$0x2D80] =	vst v63  }
0xa4: {  	s31 =	sadd.s32 $0x400, s22  }
0xa5: {  	[spmem:s2] =	stream.indirect.scatter.add.f32 [tilespmem:s3], [sflag:$0x8], $0x1, s31, s8, $0xb8;
	[tilespmem:$0x2D80] =	vst v63  }
0xa6: {  	_ =	swait.ge [sflag:s11], $0x80  }
0xa7: {  	[sflag:s11] =	ssyncset.done $0x0  }
0xa8: {  	[sflag:s11] =	ssyncadd.s32 $0xFFFFFF80  }
0xa9: {  	_ =	swait.ge [sflag:s12], $0x80  }
0xaa: {  	[sflag:s12] =	ssyncset.done $0x0  }
0xab: {  	[sflag:s12] =	ssyncadd.s32 $0xFFFFFF80  }
0xac: {  	_ =	swait.ge [sflag:s13], $0x80  }
0xad: {  	[sflag:s13] =	ssyncset.done $0x0  }
0xae: {  	[sflag:s13] =	ssyncadd.s32 $0xFFFFFF80  }
0xaf: {  	_ =	swait.ge [sflag:s14], $0x80  }
0xb0: {  	[sflag:s14] =	ssyncset.done $0x0  }
0xb1: {  	[sflag:s14] =	ssyncadd.s32 $0xFFFFFF80  }
0xb2: {  	_ =	swait.ge [sflag:s15], $0x80  }
0xb3: {  	[sflag:s15] =	ssyncset.done $0x0  }
0xb4: {  	[sflag:s15] =	ssyncadd.s32 $0xFFFFFF80  }
0xb5: {  	_ =	swait.ge [sflag:s16], $0x80  }
0xb6: {  	[sflag:s16] =	ssyncset.done $0x0  }
0xb7: {  	[sflag:s16] =	ssyncadd.s32 $0xFFFFFF80  }
0xb8: {  	_ =	swait.ge [sflag:s17], $0x80  }
0xb9: {  	[sflag:s17] =	ssyncset.done $0x0  }
0xba: {  	[sflag:s17] =	ssyncadd.s32 $0xFFFFFF80  }
0xbb: {  	_ =	swait.ge [sflag:s18], $0x80  }
0xbc: {  	[sflag:s18] =	ssyncset.done $0x0  }
0xbd: {  	[sflag:s18] =	ssyncadd.s32 $0xFFFFFF80  }
0xbe: {  	[bflag:$0x0] =	sbarrier.arrive $0xFFFF  }
0xbf: {  	[tilespmem:s10], [sflag:$0x9] =	stream.linear.gather [spmem:s5], $0x280, $0x38;
	[tilespmem:$0x2D80] =	vst v63  }
0xc0: {  	s19 =	sadd.s32 $0x1, s19;
	_ =	swait.ge [sflag:s9], $0x280  }
0xc1: {  	p0 =	sne.s32 s19, s7;
	[sflag:s9] =	ssyncset.done $0x0  }
.Ltmp1:
0xc2: {  	[sflag:s9] =	ssyncadd.s32 $0xFFFFFD80;
	(pc) =	sbr.rel @p0 .LBB2_1-.Ltmp1, $4  }
0xc3: {  	[hbm4b:s6+s3] =	stream.linear.scatter [tilespmem:s10], [sflag:$0x9], $0x280, $0x38;
	[tilespmem:$0x2D80] =	vst v63  }
0xc4: {  	_ =	swait.ge [sflag:s9], $0x280  }
0xc5: {  	[sflag:s9] =	ssyncset.done $0x0  }
0xc6: {  	[sflag:s9] =	ssyncadd.s32 $0xFFFFFD80  }
0xc7: {  	_ =	sfence.sel $0x180000  }
0xc8: {  	[bflag:$0x0] =	sbarrier.arrive $0xFFFF  }
0xc9: {  	p0 =	sne.s32 s1, $0x0;
	_ =	strace $0x90000047  }
0xca: {  	s0 =	sadd.s32 @!p0 $0x100000, s0;
	[bflag:$0x2] =	sbarrier.arrive $0xFFFF  }
0xcb: {  	[sflag:s0] =	ssyncadd.tile.s32 @!p0 $0x1;
	_ =	shalt  }
.Lfunc_end2:
_tile_overlayer_lowered:
.L_overlay_start_2:
0xcc: {  	(tag) =	ssettag $0x2  }
0xcd: {  	s0 =	rddreg [dreg:$0x0];
	s2 =	stileid.u32  }
0xce: {  	s1 =	rddreg [dreg:$0x1];
	p0 =	sne.s32 s2, $0x0  }
0xcf: {  	s3 =	rddreg [dreg:$0x2];
	[bflag:$0x3] =	sbarrier.arrive $0xFFFF;
	s2 =	simm.s32 @!p0 $0x1C09  }
0xd0: {  	[timem:s3], [sflag:s2] =	dma.local @!p0 [hbm:s0], s1  }
0xd1: {  	s0 =	simm.s32 @!p0 $0x9  }
0xd2: {  	_ =	swait.ge @!p0 [sflag:s0], s1  }
0xd3: {  	s1 =	ssub.s32 @!p0 $0x0, s1;
	[sflag:s0] =	ssyncset.done @!p0 $0x0  }
0xd4: {  	[sflag:s0] =	ssyncadd.s32 @!p0 s1  }
0xd5: {  	[bflag:$0x3] =	sbarrier.arrive $0xFFFF  }
0xd6: {  	_ =	shalt  }

</sc_bundles>
